<compile_context>
chip_gen: v7x
topology: tpu7x:2x2x1
jax: 0.10.2.dev20260603
libtpu: 0.0.44.dev20260713+nightly
codegen_flags: <defaults>
</compile_context>

<pallas_src>
import functools

import jax
import jax.numpy as jnp
from jax import lax
from jax.experimental import pallas as pl
from jax.experimental.pallas import tpu as pltpu
from jax.experimental.pallas import tpu_sc as plsc

L = 2048
D_IN = 1024
D_MDL = 1024
H = 16
DH = D_MDL // H
E = 65536
TEMP = 0.125


_ROWS = 256
_NT = L // _ROWS

def _split3(x):
    hi = x.astype(jnp.bfloat16)
    lo = (x - hi.astype(jnp.float32)).astype(jnp.bfloat16)
    return hi, lo


def _dot3(a, b, dims):
    ah, al = _split3(a)
    bh, bl = _split3(b)
    d = lambda x, y: lax.dot_general(x, y, dims,
                                     preferred_element_type=jnp.float32)
    return d(ah, bh) + d(ah, bl) + d(al, bh)


_MM_DIMS = (((1,), (0,)), ((), ()))
_QK_DIMS = (((1,), (1,)), ((), ()))



def _proj_body(xq, xk, xv, wq, wk, wv, bq, bk, bv, oqh, okh, ov):
    lq = (_dot3(xq[...], wq[...], _MM_DIMS) + bq[...]) * TEMP
    qh = lq.astype(jnp.bfloat16)
    lk = _dot3(xk[...], wk[...], _MM_DIMS) + bk[...]
    kh = lk.astype(jnp.bfloat16)
    vb = (_dot3(xv[...], wv[...], _MM_DIMS) + bv[...]).astype(jnp.bfloat16)
    zcol = jnp.zeros((_ROWS, 128 - DH - 1), jnp.bfloat16)
    onecol = jnp.ones((_ROWS, 1), jnp.bfloat16)
    for h in range(H):
        lo, hi = h * DH, (h + 1) * DH
        oqh[h] = qh[:, lo:hi]
        okh[h] = kh[:, lo:hi]
        ov[h] = jnp.concatenate([vb[:, lo:hi], onecol, zcol], axis=-1)


def _project(q2, k2, v2, Wq, Wk, Wv, bq, bk, bv):
    x_spec = pl.BlockSpec((_ROWS, D_IN), lambda i: (i, 0))
    w_spec = pl.BlockSpec((D_IN, D_MDL), lambda i: (0, 0))
    b_spec = pl.BlockSpec((1, D_MDL), lambda i: (0, 0))
    o_spec = pl.BlockSpec((H, _ROWS, DH), lambda i: (0, i, 0))
    o_sd = jax.ShapeDtypeStruct((H, L, DH), jnp.bfloat16)
    va_spec = pl.BlockSpec((H, _ROWS, 128), lambda i: (0, i, 0))
    va_sd = jax.ShapeDtypeStruct((H, L, 128), jnp.bfloat16)
    return pl.pallas_call(
        _proj_body,
        grid=(_NT,),
        in_specs=[x_spec, x_spec, x_spec, w_spec, w_spec, w_spec,
                  b_spec, b_spec, b_spec],
        out_specs=[o_spec, o_spec, va_spec],
        out_shape=[o_sd, o_sd, va_sd],
    )(q2, k2, v2, Wq, Wk, Wv, bq, bk, bv)



_NS = 16
_EPW = E // _NS
_NCHUNK = _EPW // 128
_QROWS = 512
_QWORDS = _QROWS * L
_DUMP = _QWORDS
_ZW = 8192
_SLICE = _QWORDS // _NS


def _build_w_body(a0_hbm, a1_hbm, epe_hbm, out_hbm,
                  a0_v, a1_v, val_v, idx2_v, dump_v, zeros_v, flush_v,
                  w_sh, sem):
    c = lax.axis_index("c")
    s = lax.axis_index("s")
    base_e = s * _EPW
    cp0 = pltpu.async_copy(a0_hbm.at[pl.ds(base_e, _EPW)], a0_v, sem)
    cp1 = pltpu.async_copy(a1_hbm.at[pl.ds(base_e, _EPW)], a1_v, sem)
    cp2 = pltpu.async_copy(epe_hbm.at[pl.ds(base_e, _EPW)], val_v, sem)
    cp0.wait()
    cp1.wait()
    cp2.wait()

    @plsc.parallel_loop(0, _EPW // 16, unroll=8)
    def _val_step(t):
        x = val_v[pl.ds(t * 16, 16)]
        val_v[pl.ds(t * 16, 16)] = jnp.exp(x * TEMP)

    @plsc.parallel_loop(0, _ZW // 16, unroll=8)
    def _zero_step(t):
        zeros_v[pl.ds(t * 16, 16)] = jnp.zeros((16,), jnp.float32)

    @plsc.parallel_loop(0, 8, unroll=8)
    def _dump_step(t):
        dump_v[pl.ds(t * 16, 16)] = jnp.full((16,), _DUMP, jnp.int32)

    for p in range(2):
        base_row = c * (2 * _QROWS) + p * _QROWS
        zcps = [pltpu.async_copy(
                    zeros_v, w_sh.at[pl.ds(s * _SLICE + z * _ZW, _ZW)], sem)
                for z in range(_SLICE // _ZW)]
        @plsc.parallel_loop(0, _EPW // 16, unroll=8)
        def _idx_step(t):
            a0 = a0_v[pl.ds(t * 16, 16)]
            a1 = a1_v[pl.ds(t * 16, 16)]
            rel = a0 - base_row
            ok = (rel >= 0) & (rel < _QROWS)
            idx2_v[pl.ds(t * 16, 16)] = jnp.where(ok, rel * L + a1, _DUMP)

        for cp in zcps:
            cp.wait()
        plsc.subcore_barrier()
        cps = [pltpu.async_copy(val_v, w_sh.at[idx2_v], sem, add=True)]
        cps += [pltpu.async_copy(zeros_v.at[pl.ds(0, 128)],
                                 w_sh.at[dump_v], sem, add=True)
                for _ in range(2)]
        for cp in cps:
            cp.wait()
        pltpu.sync_copy(zeros_v.at[pl.ds(0, 16)],
                        w_sh.at[pl.ds(_QWORDS, 16)])
        pltpu.sync_copy(w_sh.at[pl.ds(_QWORDS, 16)], flush_v)
        plsc.subcore_barrier()
        row0 = base_row + s * (_SLICE // L)
        ocps = [pltpu.async_copy(
                    w_sh.at[pl.ds(s * _SLICE + r * L, L)],
                    out_hbm.at[row0 + r], sem)
                for r in range(_SLICE // L)]
        for cp in ocps:
            cp.wait()
        plsc.subcore_barrier()


def _build_w(a0, a1, epe):
    mesh = plsc.VectorSubcoreMesh(core_axis_name="c", subcore_axis_name="s")
    return pl.kernel(
        _build_w_body,
        out_type=jax.ShapeDtypeStruct((L, L), jnp.float32),
        mesh=mesh,
        scratch_types=[
            pltpu.VMEM((_EPW,), jnp.int32),
            pltpu.VMEM((_EPW,), jnp.int32),
            pltpu.VMEM((_EPW,), jnp.float32),
            pltpu.VMEM((_EPW,), jnp.int32),
            pltpu.VMEM((128,), jnp.int32),
            pltpu.VMEM((_ZW,), jnp.float32),
            pltpu.VMEM((16,), jnp.float32),
            pltpu.VMEM_SHARED((_QWORDS + 16,), jnp.float32),
            pltpu.SemaphoreType.DMA,
        ],
    )(a0, a1, epe)




def _attn_body(qh, kh, w_ref, vaug, wo3, bo_ref, out_ref):
    h = pl.program_id(1)
    s = lax.dot_general(qh[0], kh[h], _QK_DIMS,
                        preferred_element_type=jnp.float32)
    p = (w_ref[...] * jnp.exp(s)).astype(jnp.bfloat16)
    pv = lax.dot_general(p, vaug[h], _MM_DIMS,
                         preferred_element_type=jnp.float32)
    den = pv[:, DH:DH + 1] + 1e-16
    ho = pv[:, :DH] / den
    contrib = lax.dot_general(ho.astype(jnp.bfloat16), wo3[0], _MM_DIMS,
                              preferred_element_type=jnp.float32)

    @pl.when(h == 0)
    def _():
        out_ref[...] = contrib + bo_ref[...]

    @pl.when(h > 0)
    def _():
        out_ref[...] += contrib


def _attention(qh3, kh3, wmat, vaug, wo3, bo):
    return pl.pallas_call(
        _attn_body,
        grid=(_NT, H),
        in_specs=[
            pl.BlockSpec((1, _ROWS, DH), lambda i, h: (h, i, 0)),
            pl.BlockSpec((H, L, DH), lambda i, h: (0, 0, 0)),
            pl.BlockSpec((_ROWS, L), lambda i, h: (i, 0)),
            pl.BlockSpec((H, L, 128), lambda i, h: (0, 0, 0)),
            pl.BlockSpec((1, DH, D_MDL), lambda i, h: (h, 0, 0)),
            pl.BlockSpec((1, D_MDL), lambda i, h: (0, 0)),
        ],
        out_specs=pl.BlockSpec((_ROWS, D_MDL), lambda i, h: (i, 0)),
        out_shape=jax.ShapeDtypeStruct((L, D_MDL), jnp.float32),
    )(qh3, kh3, wmat, vaug, wo3, bo)




def kernel(queries, keys, values, adj, edge_pos_enc, Wq, bq, Wk, bk, Wv, bv,
           Wo, bo):
    q2 = queries.reshape(L, D_IN)
    k2 = keys.reshape(L, D_IN)
    v2 = values.reshape(L, D_IN)

    qh3, kh3, vaug = _project(q2, k2, v2, Wq, Wk, Wv,
                              bq.reshape(1, D_MDL),
                              bk.reshape(1, D_MDL),
                              bv.reshape(1, D_MDL))

    wmat = _build_w(adj[0], adj[1], edge_pos_enc)
    wo3 = Wo.astype(jnp.bfloat16).reshape(H, DH, D_MDL)

    out = _attention(qh3, kh3, wmat, vaug, wo3, bo.reshape(1, D_MDL))
    return out.reshape(1, L, D_MDL)

# --- scband reference (transcript-rebuilt; emitter-appended) ---
"""Pipeline reference for scband-sparse-attention-46969762349725 (READ-ONLY COPY).

The authoritative reference and input builder live on the scoring server;
editing this copy changes nothing except your own understanding.
"""

import jax, jax.numpy as jnp
import numpy as np

B, L, D_IN, D_MDL, H, E = 1, 2048, 1024, 1024, 16, 65536


def _split_head(x, heads):
    b, l, c = x.shape
    return jnp.transpose(x.reshape(b, l, heads, c // heads), (0, 2, 1, 3))


def _segment_softmax(scores, index, num_segments):
    # scores: (n, h, E); softmax over edges grouped by query index
    s = jnp.transpose(scores, (2, 0, 1))  # (E, n, h)
    smax = jax.ops.segment_max(s, index, num_segments=num_segments)
    smax = jnp.where(jnp.isfinite(smax), smax, 0.0)
    ex = jnp.exp(s - smax[index])
    ssum = jax.ops.segment_sum(ex, index, num_segments=num_segments)
    out = ex / (ssum[index] + 1e-16)
    return jnp.transpose(out, (1, 2, 0))  # (n, h, E)


def setup_inputs(seed: int = 0) -> dict:
    key = jax.random.key(seed)
    ks = jax.random.split(key, 13)
    inp = {}
    inp["queries"] = jax.random.normal(ks[0], (B, L, D_IN), dtype=jnp.float32)
    inp["keys"] = jax.random.normal(ks[1], (B, L, D_IN), dtype=jnp.float32)
    inp["values"] = jax.random.normal(ks[2], (B, L, D_IN), dtype=jnp.float32)
    inp["adj"] = jax.random.randint(ks[3], (2, E), 0, L, dtype=jnp.int32)
    inp["edge_pos_enc"] = jax.random.normal(ks[4], (E,), dtype=jnp.float32)
    sc_in = 1.0 / np.sqrt(D_IN).astype(np.float32)
    sc_md = 1.0 / np.sqrt(D_MDL).astype(np.float32)
    inp["Wq"] = jax.random.normal(ks[5], (D_IN, D_MDL), dtype=jnp.float32) * sc_in
    inp["bq"] = jnp.zeros((D_MDL,), dtype=jnp.float32)
    inp["Wk"] = jax.random.normal(ks[6], (D_IN, D_MDL), dtype=jnp.float32) * sc_in
    inp["bk"] = jnp.zeros((D_MDL,), dtype=jnp.float32)
    inp["Wv"] = jax.random.normal(ks[7], (D_IN, D_MDL), dtype=jnp.float32) * sc_in
    inp["bv"] = jnp.zeros((D_MDL,), dtype=jnp.float32)
    inp["Wo"] = jax.random.normal(ks[8], (D_MDL, D_MDL), dtype=jnp.float32) * sc_md
    inp["bo"] = jnp.zeros((D_MDL,), dtype=jnp.float32)
    return inp


def reference(queries, keys, values, adj, edge_pos_enc, Wq, bq, Wk, bk, Wv, bv, Wo, bo):
    lq = queries @ Wq + bq
    lk = keys @ Wk + bk
    lv = values @ Wv + bv
    q = _split_head(lq, H)
    k = _split_head(lk, H)
    v = _split_head(lv, H)
    n, h, l, e = q.shape
    d = v.shape[-1]
    softmax_temp = 1.0 / np.sqrt(e)
    a0 = adj[0]
    a1 = adj[1]
    qk = jnp.sum(q[:, :, a0, :] * k[:, :, a1, :], axis=-1)  # (n, h, E)
    alpha = _segment_softmax(softmax_temp * (qk + edge_pos_enc), a0, l)
    vg = v[:, :, a1, :]  # (n, h, E, d)
    out = jnp.zeros((n, h, l, d), dtype=v.dtype).at[:, :, a0, :].add(alpha[..., None] * vg)
    out = jnp.transpose(out, (0, 2, 1, 3)).reshape(n, l, h * d)
    return out @ Wo + bo

if __name__ == "__main__":
    import jax
    _d = setup_inputs()
    print(jax.jit(kernel)(*tuple(_d.values())))

</pallas_src>

<mosaic_0001>
#map = affine_map<(d0, d1) -> (0)>
#map1 = affine_map<(d0, d1) -> (0, 0)>
module attributes {stable_mosaic.version = 14 : i64} {
  func.func @_build_w_body(%arg0: i32, %arg1: i32, %arg2: memref<65536xi32, #tpu.memory_space<hbm>>, %arg3: memref<65536xi32, #tpu.memory_space<hbm>>, %arg4: memref<65536xf32, #tpu.memory_space<hbm>>, %arg5: memref<2048x2048xf32, #tpu.memory_space<hbm>>, %arg6: memref<4096xi32, #tpu.memory_space<vmem>>, %arg7: memref<4096xi32, #tpu.memory_space<vmem>>, %arg8: memref<4096xf32, #tpu.memory_space<vmem>>, %arg9: memref<4096xi32, #tpu.memory_space<vmem>>, %arg10: memref<128xi32, #tpu.memory_space<vmem>>, %arg11: memref<8192xf32, #tpu.memory_space<vmem>>, %arg12: memref<16xf32, #tpu.memory_space<vmem>>, %arg13: memref<1048592xf32, #tpu.memory_space<vmem_shared>>, %arg14: memref<!tpu.dma_semaphore, #tpu.memory_space<semaphore_mem>>) attributes {dimension_semantics = [#tpu.dimension_semantics<core_parallel>, #tpu.dimension_semantics<subcore_parallel>], iteration_bounds = array<i64: 2, 16>, scalar_prefetch = 0 : i64, scratch_operands = 9 : i64, tpu.core_type = #tpu.core_type<sc_vector_subcore>, window_params = [{transform_indices = #map}, {transform_indices = #map}, {transform_indices = #map}, {transform_indices = #map1}]} {
    %mul3A = arith.constant 4096 : i32
    %mul3A_0 = arith.muli %arg1, %mul3A : i32
    %dma_start3A = tpu.memref_slice %arg2[%mul3A_0] : memref<65536xi32, #tpu.memory_space<hbm>> -> memref<4096xi32, #tpu.memory_space<hbm>>
    %dma_start3A_1 = tpu.memref_slice %arg2[%mul3A_0] : memref<65536xi32, #tpu.memory_space<hbm>> -> memref<4096xi32, #tpu.memory_space<hbm>>
    tpu.enqueue_dma source(%dma_start3A_1 : memref<4096xi32, #tpu.memory_space<hbm>>) target(%arg6 : memref<4096xi32, #tpu.memory_space<vmem>>) target_semaphore(%arg14 : memref<!tpu.dma_semaphore, #tpu.memory_space<semaphore_mem>>)
    %dma_start3A_2 = tpu.memref_slice %arg3[%mul3A_0] : memref<65536xi32, #tpu.memory_space<hbm>> -> memref<4096xi32, #tpu.memory_space<hbm>>
    %dma_start3A_3 = tpu.memref_slice %arg3[%mul3A_0] : memref<65536xi32, #tpu.memory_space<hbm>> -> memref<4096xi32, #tpu.memory_space<hbm>>
    tpu.enqueue_dma source(%dma_start3A_3 : memref<4096xi32, #tpu.memory_space<hbm>>) target(%arg7 : memref<4096xi32, #tpu.memory_space<vmem>>) target_semaphore(%arg14 : memref<!tpu.dma_semaphore, #tpu.memory_space<semaphore_mem>>)
    %dma_start3A_4 = tpu.memref_slice %arg4[%mul3A_0] : memref<65536xf32, #tpu.memory_space<hbm>> -> memref<4096xf32, #tpu.memory_space<hbm>>
    %dma_start3A_5 = tpu.memref_slice %arg4[%mul3A_0] : memref<65536xf32, #tpu.memory_space<hbm>> -> memref<4096xf32, #tpu.memory_space<hbm>>
    tpu.enqueue_dma source(%dma_start3A_5 : memref<4096xf32, #tpu.memory_space<hbm>>) target(%arg8 : memref<4096xf32, #tpu.memory_space<vmem>>) target_semaphore(%arg14 : memref<!tpu.dma_semaphore, #tpu.memory_space<semaphore_mem>>)
    %dma_wait3A = tpu.memref_slice %arg2[%mul3A_0] : memref<65536xi32, #tpu.memory_space<hbm>> -> memref<4096xi32, #tpu.memory_space<hbm>>
    %dma_wait3A_6 = tpu.memref_slice %arg2[%mul3A_0] : memref<65536xi32, #tpu.memory_space<hbm>> -> memref<4096xi32, #tpu.memory_space<hbm>>
    tpu.wait_dma2 semaphore(%arg14 : memref<!tpu.dma_semaphore, #tpu.memory_space<semaphore_mem>>) src(%dma_wait3A_6 : memref<4096xi32, #tpu.memory_space<hbm>>) dst(%arg6 : memref<4096xi32, #tpu.memory_space<vmem>>)
    %dma_wait3A_7 = tpu.memref_slice %arg3[%mul3A_0] : memref<65536xi32, #tpu.memory_space<hbm>> -> memref<4096xi32, #tpu.memory_space<hbm>>
    %dma_wait3A_8 = tpu.memref_slice %arg3[%mul3A_0] : memref<65536xi32, #tpu.memory_space<hbm>> -> memref<4096xi32, #tpu.memory_space<hbm>>
    tpu.wait_dma2 semaphore(%arg14 : memref<!tpu.dma_semaphore, #tpu.memory_space<semaphore_mem>>) src(%dma_wait3A_8 : memref<4096xi32, #tpu.memory_space<hbm>>) dst(%arg7 : memref<4096xi32, #tpu.memory_space<vmem>>)
    %dma_wait3A_9 = tpu.memref_slice %arg4[%mul3A_0] : memref<65536xf32, #tpu.memory_space<hbm>> -> memref<4096xf32, #tpu.memory_space<hbm>>
    %dma_wait3A_10 = tpu.memref_slice %arg4[%mul3A_0] : memref<65536xf32, #tpu.memory_space<hbm>> -> memref<4096xf32, #tpu.memory_space<hbm>>
    tpu.wait_dma2 semaphore(%arg14 : memref<!tpu.dma_semaphore, #tpu.memory_space<semaphore_mem>>) src(%dma_wait3A_10 : memref<4096xf32, #tpu.memory_space<hbm>>) dst(%arg8 : memref<4096xf32, #tpu.memory_space<vmem>>)
    %parallel_loop3A = arith.constant 0 : i32
    %parallel_loop3A_11 = arith.constant 256 : i32
    %parallel_loop3A_12 = arith.constant 1 : i32
    scf.for %parallel_loop3A_1107 = %parallel_loop3A to %parallel_loop3A_11 step %parallel_loop3A_12  : i32 {
      %parallel_loop3A_1108 = arith.constant 16 : i32
      %parallel_loop3A_1109 = arith.muli %parallel_loop3A_1107, %parallel_loop3A_1108 : i32
      %parallel_loop3A_1110 = arith.index_cast %parallel_loop3A_1109 : i32 to index
      %parallel_loop3A_1111 = tpu.vector_load %arg8[%parallel_loop3A_1110] {strides = array<i32>} : memref<4096xf32, #tpu.memory_space<vmem>>, vector<16xf32>,
      %parallel_loop3A_1112 = vector.shape_cast %parallel_loop3A_1111 : vector<16xf32> to vector<16xf32>
      %parallel_loop3A_1113 = arith.constant 1.250000e-01 : f32
      %parallel_loop3A_1114 = vector.broadcast %parallel_loop3A_1113 : f32 to vector<16xf32>
      %parallel_loop3A_1115 = arith.mulf %parallel_loop3A_1112, %parallel_loop3A_1114 : vector<16xf32>
      %parallel_loop3A_1116 = math.exp %parallel_loop3A_1115 : vector<16xf32>
      %parallel_loop3A_1117 = arith.constant 16 : i32
      %parallel_loop3A_1118 = arith.muli %parallel_loop3A_1107, %parallel_loop3A_1117 : i32
      %parallel_loop3A_1119 = arith.index_cast %parallel_loop3A_1118 : i32 to index
      %parallel_loop3A_1120 = tpu.vector_load %arg8[%parallel_loop3A_1119] {strides = array<i32>} : memref<4096xf32, #tpu.memory_space<vmem>>, vector<16xf32>,
      %parallel_loop3A_1121 = vector.shape_cast %parallel_loop3A_1120 : vector<16xf32> to vector<16xf32>
      %parallel_loop3A_1122 = vector.shape_cast %parallel_loop3A_1116 : vector<16xf32> to vector<16xf32>
      tpu.vector_store %arg8[%parallel_loop3A_1119], %parallel_loop3A_1122 {strides = array<i32>} : memref<4096xf32, #tpu.memory_space<vmem>>, vector<16xf32>,
    } {sc.loop_unroll_factor = 8 : i64, sc.parallel_access}
    %parallel_loop3A_13 = arith.constant 0 : i32
    %parallel_loop3A_14 = arith.constant 512 : i32
    %parallel_loop3A_15 = arith.constant 1 : i32
    scf.for %parallel_loop3A_1107 = %parallel_loop3A_13 to %parallel_loop3A_14 step %parallel_loop3A_15  : i32 {
      %parallel_loop3A_1108 = arith.constant 0.000000e+00 : f32
      %parallel_loop3A_1109 = vector.broadcast %parallel_loop3A_1108 : f32 to vector<16xf32>
      %parallel_loop3A_1110 = arith.constant 16 : i32
      %parallel_loop3A_1111 = arith.muli %parallel_loop3A_1107, %parallel_loop3A_1110 : i32
      %parallel_loop3A_1112 = arith.index_cast %parallel_loop3A_1111 : i32 to index
      %parallel_loop3A_1113 = tpu.vector_load %arg11[%parallel_loop3A_1112] {strides = array<i32>} : memref<8192xf32, #tpu.memory_space<vmem>>, vector<16xf32>,
      %parallel_loop3A_1114 = vector.shape_cast %parallel_loop3A_1113 : vector<16xf32> to vector<16xf32>
      %parallel_loop3A_1115 = vector.shape_cast %parallel_loop3A_1109 : vector<16xf32> to vector<16xf32>
      tpu.vector_store %arg11[%parallel_loop3A_1112], %parallel_loop3A_1115 {strides = array<i32>} : memref<8192xf32, #tpu.memory_space<vmem>>, vector<16xf32>,
    } {sc.loop_unroll_factor = 8 : i64, sc.parallel_access}
    %parallel_loop3A_16 = arith.constant 0 : i32
    %parallel_loop3A_17 = arith.constant 8 : i32
    %parallel_loop3A_18 = arith.constant 1 : i32
    scf.for %parallel_loop3A_1107 = %parallel_loop3A_16 to %parallel_loop3A_17 step %parallel_loop3A_18  : i32 {
      %parallel_loop3A_1108 = arith.constant 1048576 : i32
      %parallel_loop3A_1109 = vector.broadcast %parallel_loop3A_1108 : i32 to vector<16xi32>
      %parallel_loop3A_1110 = arith.constant 16 : i32
      %parallel_loop3A_1111 = arith.muli %parallel_loop3A_1107, %parallel_loop3A_1110 : i32
      %parallel_loop3A_1112 = arith.index_cast %parallel_loop3A_1111 : i32 to index
      %parallel_loop3A_1113 = tpu.vector_load %arg10[%parallel_loop3A_1112] {strides = array<i32>} : memref<128xi32, #tpu.memory_space<vmem>>, vector<16xi32>,
      %parallel_loop3A_1114 = vector.shape_cast %parallel_loop3A_1113 : vector<16xi32> to vector<16xi32>
      %parallel_loop3A_1115 = vector.shape_cast %parallel_loop3A_1109 : vector<16xi32> to vector<16xi32>
      tpu.vector_store %arg10[%parallel_loop3A_1112], %parallel_loop3A_1115 {strides = array<i32>} : memref<128xi32, #tpu.memory_space<vmem>>, vector<16xi32>,
    } {sc.loop_unroll_factor = 8 : i64, sc.parallel_access}
    %mul3A_19 = arith.constant 1024 : i32
    %mul3A_20 = arith.muli %arg0, %mul3A_19 : i32
    %add3A = arith.constant 0 : i32
    %add3A_21 = arith.addi %mul3A_20, %add3A : i32
    %mul3A_22 = arith.constant 65536 : i32
    %mul3A_23 = arith.muli %arg1, %mul3A_22 : i32
    %add3A_24 = arith.constant 0 : i32
    %add3A_25 = arith.addi %mul3A_23, %add3A_24 : i32
    %dma_start3A_26 = tpu.memref_slice %arg13[%add3A_25] : memref<1048592xf32, #tpu.memory_space<vmem_shared>> -> memref<8192xf32, #tpu.memory_space<vmem_shared>>
    %dma_start3A_27 = tpu.memref_slice %arg13[%add3A_25] : memref<1048592xf32, #tpu.memory_space<vmem_shared>> -> memref<8192xf32, #tpu.memory_space<vmem_shared>>
    tpu.enqueue_dma source(%arg11 : memref<8192xf32, #tpu.memory_space<vmem>>) target(%dma_start3A_27 : memref<8192xf32, #tpu.memory_space<vmem_shared>>) target_semaphore(%arg14 : memref<!tpu.dma_semaphore, #tpu.memory_space<semaphore_mem>>)
    %mul3A_28 = arith.constant 65536 : i32
    %mul3A_29 = arith.muli %arg1, %mul3A_28 : i32
    %add3A_30 = arith.constant 8192 : i32
    %add3A_31 = arith.addi %mul3A_29, %add3A_30 : i32
    %dma_start3A_32 = tpu.memref_slice %arg13[%add3A_31] : memref<1048592xf32, #tpu.memory_space<vmem_shared>> -> memref<8192xf32, #tpu.memory_space<vmem_shared>>
    %dma_start3A_33 = tpu.memref_slice %arg13[%add3A_31] : memref<1048592xf32, #tpu.memory_space<vmem_shared>> -> memref<8192xf32, #tpu.memory_space<vmem_shared>>
    tpu.enqueue_dma source(%arg11 : memref<8192xf32, #tpu.memory_space<vmem>>) target(%dma_start3A_33 : memref<8192xf32, #tpu.memory_space<vmem_shared>>) target_semaphore(%arg14 : memref<!tpu.dma_semaphore, #tpu.memory_space<semaphore_mem>>)
    %mul3A_34 = arith.constant 65536 : i32
    %mul3A_35 = arith.muli %arg1, %mul3A_34 : i32
    %add3A_36 = arith.constant 16384 : i32
    %add3A_37 = arith.addi %mul3A_35, %add3A_36 : i32
    %dma_start3A_38 = tpu.memref_slice %arg13[%add3A_37] : memref<1048592xf32, #tpu.memory_space<vmem_shared>> -> memref<8192xf32, #tpu.memory_space<vmem_shared>>
    %dma_start3A_39 = tpu.memref_slice %arg13[%add3A_37] : memref<1048592xf32, #tpu.memory_space<vmem_shared>> -> memref<8192xf32, #tpu.memory_space<vmem_shared>>
    tpu.enqueue_dma source(%arg11 : memref<8192xf32, #tpu.memory_space<vmem>>) target(%dma_start3A_39 : memref<8192xf32, #tpu.memory_space<vmem_shared>>) target_semaphore(%arg14 : memref<!tpu.dma_semaphore, #tpu.memory_space<semaphore_mem>>)
    %mul3A_40 = arith.constant 65536 : i32
    %mul3A_41 = arith.muli %arg1, %mul3A_40 : i32
    %add3A_42 = arith.constant 24576 : i32
    %add3A_43 = arith.addi %mul3A_41, %add3A_42 : i32
    %dma_start3A_44 = tpu.memref_slice %arg13[%add3A_43] : memref<1048592xf32, #tpu.memory_space<vmem_shared>> -> memref<8192xf32, #tpu.memory_space<vmem_shared>>
    %dma_start3A_45 = tpu.memref_slice %arg13[%add3A_43] : memref<1048592xf32, #tpu.memory_space<vmem_shared>> -> memref<8192xf32, #tpu.memory_space<vmem_shared>>
    tpu.enqueue_dma source(%arg11 : memref<8192xf32, #tpu.memory_space<vmem>>) target(%dma_start3A_45 : memref<8192xf32, #tpu.memory_space<vmem_shared>>) target_semaphore(%arg14 : memref<!tpu.dma_semaphore, #tpu.memory_space<semaphore_mem>>)
    %mul3A_46 = arith.constant 65536 : i32
    %mul3A_47 = arith.muli %arg1, %mul3A_46 : i32
    %add3A_48 = arith.constant 32768 : i32
    %add3A_49 = arith.addi %mul3A_47, %add3A_48 : i32
    %dma_start3A_50 = tpu.memref_slice %arg13[%add3A_49] : memref<1048592xf32, #tpu.memory_space<vmem_shared>> -> memref<8192xf32, #tpu.memory_space<vmem_shared>>
    %dma_start3A_51 = tpu.memref_slice %arg13[%add3A_49] : memref<1048592xf32, #tpu.memory_space<vmem_shared>> -> memref<8192xf32, #tpu.memory_space<vmem_shared>>
    tpu.enqueue_dma source(%arg11 : memref<8192xf32, #tpu.memory_space<vmem>>) target(%dma_start3A_51 : memref<8192xf32, #tpu.memory_space<vmem_shared>>) target_semaphore(%arg14 : memref<!tpu.dma_semaphore, #tpu.memory_space<semaphore_mem>>)
    %mul3A_52 = arith.constant 65536 : i32
    %mul3A_53 = arith.muli %arg1, %mul3A_52 : i32
    %add3A_54 = arith.constant 40960 : i32
    %add3A_55 = arith.addi %mul3A_53, %add3A_54 : i32
    %dma_start3A_56 = tpu.memref_slice %arg13[%add3A_55] : memref<1048592xf32, #tpu.memory_space<vmem_shared>> -> memref<8192xf32, #tpu.memory_space<vmem_shared>>
    %dma_start3A_57 = tpu.memref_slice %arg13[%add3A_55] : memref<1048592xf32, #tpu.memory_space<vmem_shared>> -> memref<8192xf32, #tpu.memory_space<vmem_shared>>
    tpu.enqueue_dma source(%arg11 : memref<8192xf32, #tpu.memory_space<vmem>>) target(%dma_start3A_57 : memref<8192xf32, #tpu.memory_space<vmem_shared>>) target_semaphore(%arg14 : memref<!tpu.dma_semaphore, #tpu.memory_space<semaphore_mem>>)
    %mul3A_58 = arith.constant 65536 : i32
    %mul3A_59 = arith.muli %arg1, %mul3A_58 : i32
    %add3A_60 = arith.constant 49152 : i32
    %add3A_61 = arith.addi %mul3A_59, %add3A_60 : i32
    %dma_start3A_62 = tpu.memref_slice %arg13[%add3A_61] : memref<1048592xf32, #tpu.memory_space<vmem_shared>> -> memref<8192xf32, #tpu.memory_space<vmem_shared>>
    %dma_start3A_63 = tpu.memref_slice %arg13[%add3A_61] : memref<1048592xf32, #tpu.memory_space<vmem_shared>> -> memref<8192xf32, #tpu.memory_space<vmem_shared>>
    tpu.enqueue_dma source(%arg11 : memref<8192xf32, #tpu.memory_space<vmem>>) target(%dma_start3A_63 : memref<8192xf32, #tpu.memory_space<vmem_shared>>) target_semaphore(%arg14 : memref<!tpu.dma_semaphore, #tpu.memory_space<semaphore_mem>>)
    %mul3A_64 = arith.constant 65536 : i32
    %mul3A_65 = arith.muli %arg1, %mul3A_64 : i32
    %add3A_66 = arith.constant 57344 : i32
    %add3A_67 = arith.addi %mul3A_65, %add3A_66 : i32
    %dma_start3A_68 = tpu.memref_slice %arg13[%add3A_67] : memref<1048592xf32, #tpu.memory_space<vmem_shared>> -> memref<8192xf32, #tpu.memory_space<vmem_shared>>
    %dma_start3A_69 = tpu.memref_slice %arg13[%add3A_67] : memref<1048592xf32, #tpu.memory_space<vmem_shared>> -> memref<8192xf32, #tpu.memory_space<vmem_shared>>
    tpu.enqueue_dma source(%arg11 : memref<8192xf32, #tpu.memory_space<vmem>>) target(%dma_start3A_69 : memref<8192xf32, #tpu.memory_space<vmem_shared>>) target_semaphore(%arg14 : memref<!tpu.dma_semaphore, #tpu.memory_space<semaphore_mem>>)
    %parallel_loop3A_70 = arith.constant 0 : i32
    %parallel_loop3A_71 = arith.constant 256 : i32
    %parallel_loop3A_72 = arith.constant 1 : i32
    scf.for %parallel_loop3A_1107 = %parallel_loop3A_70 to %parallel_loop3A_71 step %parallel_loop3A_72  : i32 {
      %parallel_loop3A_1108 = arith.constant 16 : i32
      %parallel_loop3A_1109 = arith.muli %parallel_loop3A_1107, %parallel_loop3A_1108 : i32
      %parallel_loop3A_1110 = arith.index_cast %parallel_loop3A_1109 : i32 to index
      %parallel_loop3A_1111 = tpu.vector_load %arg6[%parallel_loop3A_1110] {strides = array<i32>} : memref<4096xi32, #tpu.memory_space<vmem>>, vector<16xi32>,
      %parallel_loop3A_1112 = vector.shape_cast %parallel_loop3A_1111 : vector<16xi32> to vector<16xi32>
      %parallel_loop3A_1113 = arith.constant 16 : i32
      %parallel_loop3A_1114 = arith.muli %parallel_loop3A_1107, %parallel_loop3A_1113 : i32
      %parallel_loop3A_1115 = arith.index_cast %parallel_loop3A_1114 : i32 to index
      %parallel_loop3A_1116 = tpu.vector_load %arg7[%parallel_loop3A_1115] {strides = array<i32>} : memref<4096xi32, #tpu.memory_space<vmem>>, vector<16xi32>,
      %parallel_loop3A_1117 = vector.shape_cast %parallel_loop3A_1116 : vector<16xi32> to vector<16xi32>
      %parallel_loop3A_1118 = vector.broadcast %add3A_21 : i32 to vector<16xi32>
      %parallel_loop3A_1119 = arith.subi %parallel_loop3A_1112, %parallel_loop3A_1118 : vector<16xi32>
      %parallel_loop3A_1120 = arith.constant 0 : i32
      %parallel_loop3A_1121 = vector.broadcast %parallel_loop3A_1120 : i32 to vector<16xi32>
      %parallel_loop3A_1122 = arith.cmpi sge, %parallel_loop3A_1119, %parallel_loop3A_1121 : vector<16xi32>
      %parallel_loop3A_1123 = arith.constant 512 : i32
      %parallel_loop3A_1124 = vector.broadcast %parallel_loop3A_1123 : i32 to vector<16xi32>
      %parallel_loop3A_1125 = arith.cmpi slt, %parallel_loop3A_1119, %parallel_loop3A_1124 : vector<16xi32>
      %parallel_loop3A_1126 = arith.andi %parallel_loop3A_1122, %parallel_loop3A_1125 : vector<16xi1>
      %parallel_loop3A_1127 = arith.constant 2048 : i32
      %parallel_loop3A_1128 = vector.broadcast %parallel_loop3A_1127 : i32 to vector<16xi32>
      %parallel_loop3A_1129 = arith.muli %parallel_loop3A_1119, %parallel_loop3A_1128 : vector<16xi32>
      %parallel_loop3A_1130 = arith.addi %parallel_loop3A_1129, %parallel_loop3A_1117 : vector<16xi32>
      %parallel_loop3A_1131 = arith.constant 1048576 : i32
      %parallel_loop3A_1132 = vector.broadcast %parallel_loop3A_1131 : i32 to vector<16xi32>
      %parallel_loop3A_1133 = arith.select %parallel_loop3A_1126, %parallel_loop3A_1130, %parallel_loop3A_1132 : vector<16xi1>, vector<16xi32>
      %parallel_loop3A_1134 = arith.constant 16 : i32
      %parallel_loop3A_1135 = arith.muli %parallel_loop3A_1107, %parallel_loop3A_1134 : i32
      %parallel_loop3A_1136 = arith.index_cast %parallel_loop3A_1135 : i32 to index
      %parallel_loop3A_1137 = tpu.vector_load %arg9[%parallel_loop3A_1136] {strides = array<i32>} : memref<4096xi32, #tpu.memory_space<vmem>>, vector<16xi32>,
      %parallel_loop3A_1138 = vector.shape_cast %parallel_loop3A_1137 : vector<16xi32> to vector<16xi32>
      %parallel_loop3A_1139 = vector.shape_cast %parallel_loop3A_1133 : vector<16xi32> to vector<16xi32>
      tpu.vector_store %arg9[%parallel_loop3A_1136], %parallel_loop3A_1139 {strides = array<i32>} : memref<4096xi32, #tpu.memory_space<vmem>>, vector<16xi32>,
    } {sc.loop_unroll_factor = 8 : i64, sc.parallel_access}
    %dma_wait3A_73 = tpu.memref_slice %arg13[%add3A_25] : memref<1048592xf32, #tpu.memory_space<vmem_shared>> -> memref<8192xf32, #tpu.memory_space<vmem_shared>>
    %dma_wait3A_74 = tpu.memref_slice %arg13[%add3A_25] : memref<1048592xf32, #tpu.memory_space<vmem_shared>> -> memref<8192xf32, #tpu.memory_space<vmem_shared>>
    tpu.wait_dma2 semaphore(%arg14 : memref<!tpu.dma_semaphore, #tpu.memory_space<semaphore_mem>>) src(%arg11 : memref<8192xf32, #tpu.memory_space<vmem>>) dst(%dma_wait3A_74 : memref<8192xf32, #tpu.memory_space<vmem_shared>>)
    %dma_wait3A_75 = tpu.memref_slice %arg13[%add3A_31] : memref<1048592xf32, #tpu.memory_space<vmem_shared>> -> memref<8192xf32, #tpu.memory_space<vmem_shared>>
    %dma_wait3A_76 = tpu.memref_slice %arg13[%add3A_31] : memref<1048592xf32, #tpu.memory_space<vmem_shared>> -> memref<8192xf32, #tpu.memory_space<vmem_shared>>
    tpu.wait_dma2 semaphore(%arg14 : memref<!tpu.dma_semaphore, #tpu.memory_space<semaphore_mem>>) src(%arg11 : memref<8192xf32, #tpu.memory_space<vmem>>) dst(%dma_wait3A_76 : memref<8192xf32, #tpu.memory_space<vmem_shared>>)
    %dma_wait3A_77 = tpu.memref_slice %arg13[%add3A_37] : memref<1048592xf32, #tpu.memory_space<vmem_shared>> -> memref<8192xf32, #tpu.memory_space<vmem_shared>>
    %dma_wait3A_78 = tpu.memref_slice %arg13[%add3A_37] : memref<1048592xf32, #tpu.memory_space<vmem_shared>> -> memref<8192xf32, #tpu.memory_space<vmem_shared>>
    tpu.wait_dma2 semaphore(%arg14 : memref<!tpu.dma_semaphore, #tpu.memory_space<semaphore_mem>>) src(%arg11 : memref<8192xf32, #tpu.memory_space<vmem>>) dst(%dma_wait3A_78 : memref<8192xf32, #tpu.memory_space<vmem_shared>>)
    %dma_wait3A_79 = tpu.memref_slice %arg13[%add3A_43] : memref<1048592xf32, #tpu.memory_space<vmem_shared>> -> memref<8192xf32, #tpu.memory_space<vmem_shared>>
    %dma_wait3A_80 = tpu.memref_slice %arg13[%add3A_43] : memref<1048592xf32, #tpu.memory_space<vmem_shared>> -> memref<8192xf32, #tpu.memory_space<vmem_shared>>
    tpu.wait_dma2 semaphore(%arg14 : memref<!tpu.dma_semaphore, #tpu.memory_space<semaphore_mem>>) src(%arg11 : memref<8192xf32, #tpu.memory_space<vmem>>) dst(%dma_wait3A_80 : memref<8192xf32, #tpu.memory_space<vmem_shared>>)
    %dma_wait3A_81 = tpu.memref_slice %arg13[%add3A_49] : memref<1048592xf32, #tpu.memory_space<vmem_shared>> -> memref<8192xf32, #tpu.memory_space<vmem_shared>>
    %dma_wait3A_82 = tpu.memref_slice %arg13[%add3A_49] : memref<1048592xf32, #tpu.memory_space<vmem_shared>> -> memref<8192xf32, #tpu.memory_space<vmem_shared>>
    tpu.wait_dma2 semaphore(%arg14 : memref<!tpu.dma_semaphore, #tpu.memory_space<semaphore_mem>>) src(%arg11 : memref<8192xf32, #tpu.memory_space<vmem>>) dst(%dma_wait3A_82 : memref<8192xf32, #tpu.memory_space<vmem_shared>>)
    %dma_wait3A_83 = tpu.memref_slice %arg13[%add3A_55] : memref<1048592xf32, #tpu.memory_space<vmem_shared>> -> memref<8192xf32, #tpu.memory_space<vmem_shared>>
    %dma_wait3A_84 = tpu.memref_slice %arg13[%add3A_55] : memref<1048592xf32, #tpu.memory_space<vmem_shared>> -> memref<8192xf32, #tpu.memory_space<vmem_shared>>
    tpu.wait_dma2 semaphore(%arg14 : memref<!tpu.dma_semaphore, #tpu.memory_space<semaphore_mem>>) src(%arg11 : memref<8192xf32, #tpu.memory_space<vmem>>) dst(%dma_wait3A_84 : memref<8192xf32, #tpu.memory_space<vmem_shared>>)
    %dma_wait3A_85 = tpu.memref_slice %arg13[%add3A_61] : memref<1048592xf32, #tpu.memory_space<vmem_shared>> -> memref<8192xf32, #tpu.memory_space<vmem_shared>>
    %dma_wait3A_86 = tpu.memref_slice %arg13[%add3A_61] : memref<1048592xf32, #tpu.memory_space<vmem_shared>> -> memref<8192xf32, #tpu.memory_space<vmem_shared>>
    tpu.wait_dma2 semaphore(%arg14 : memref<!tpu.dma_semaphore, #tpu.memory_space<semaphore_mem>>) src(%arg11 : memref<8192xf32, #tpu.memory_space<vmem>>) dst(%dma_wait3A_86 : memref<8192xf32, #tpu.memory_space<vmem_shared>>)
    %dma_wait3A_87 = tpu.memref_slice %arg13[%add3A_67] : memref<1048592xf32, #tpu.memory_space<vmem_shared>> -> memref<8192xf32, #tpu.memory_space<vmem_shared>>
    %dma_wait3A_88 = tpu.memref_slice %arg13[%add3A_67] : memref<1048592xf32, #tpu.memory_space<vmem_shared>> -> memref<8192xf32, #tpu.memory_space<vmem_shared>>
    tpu.wait_dma2 semaphore(%arg14 : memref<!tpu.dma_semaphore, #tpu.memory_space<semaphore_mem>>) src(%arg11 : memref<8192xf32, #tpu.memory_space<vmem>>) dst(%dma_wait3A_88 : memref<8192xf32, #tpu.memory_space<vmem_shared>>)
    %barrier3A = arith.constant 0 : index
    tpu.barrier barrier_id(%barrier3A)
    %dma_start3A_89 = arith.constant 0 : i32
    %dma_start3A_90 = tpu.memref_slice %arg13[%dma_start3A_89] : memref<1048592xf32, #tpu.memory_space<vmem_shared>> -> memref<1048592xf32, #tpu.memory_space<vmem_shared>>
    tpu.enqueue_indirect_dma source(%arg8 : memref<4096xf32, #tpu.memory_space<vmem>>) target(%dma_start3A_90 : memref<1048592xf32, #tpu.memory_space<vmem_shared>>) offsets(%arg9 : memref<4096xi32, #tpu.memory_space<vmem>>) semaphore(%arg14 : memref<!tpu.dma_semaphore, #tpu.memory_space<semaphore_mem>>) {add = true}
    %dma_start3A_91 = arith.constant 0 : i32
    %dma_start3A_92 = tpu.memref_slice %arg11[%dma_start3A_91] : memref<8192xf32, #tpu.memory_space<vmem>> -> memref<128xf32, #tpu.memory_space<vmem>>
    %dma_start3A_93 = arith.constant 0 : i32
    %dma_start3A_94 = tpu.memref_slice %arg13[%dma_start3A_93] : memref<1048592xf32, #tpu.memory_space<vmem_shared>> -> memref<1048592xf32, #tpu.memory_space<vmem_shared>>
    tpu.enqueue_indirect_dma source(%dma_start3A_92 : memref<128xf32, #tpu.memory_space<vmem>>) target(%dma_start3A_94 : memref<1048592xf32, #tpu.memory_space<vmem_shared>>) offsets(%arg10 : memref<128xi32, #tpu.memory_space<vmem>>) semaphore(%arg14 : memref<!tpu.dma_semaphore, #tpu.memory_space<semaphore_mem>>) {add = true}
    %dma_start3A_95 = arith.constant 0 : i32
    %dma_start3A_96 = tpu.memref_slice %arg11[%dma_start3A_95] : memref<8192xf32, #tpu.memory_space<vmem>> -> memref<128xf32, #tpu.memory_space<vmem>>
    %dma_start3A_97 = arith.constant 0 : i32
    %dma_start3A_98 = tpu.memref_slice %arg13[%dma_start3A_97] : memref<1048592xf32, #tpu.memory_space<vmem_shared>> -> memref<1048592xf32, #tpu.memory_space<vmem_shared>>
    tpu.enqueue_indirect_dma source(%dma_start3A_96 : memref<128xf32, #tpu.memory_space<vmem>>) target(%dma_start3A_98 : memref<1048592xf32, #tpu.memory_space<vmem_shared>>) offsets(%arg10 : memref<128xi32, #tpu.memory_space<vmem>>) semaphore(%arg14 : memref<!tpu.dma_semaphore, #tpu.memory_space<semaphore_mem>>) {add = true}
    %dma_wait3A_99 = arith.constant 0 : i32
    %dma_wait3A_100 = tpu.memref_slice %arg13[%dma_wait3A_99] : memref<1048592xf32, #tpu.memory_space<vmem_shared>> -> memref<1048592xf32, #tpu.memory_space<vmem_shared>>
    tpu.wait_indirect_dma semaphore(%arg14 : memref<!tpu.dma_semaphore, #tpu.memory_space<semaphore_mem>>) src(%arg8 : memref<4096xf32, #tpu.memory_space<vmem>>) dst(%dma_wait3A_100 : memref<1048592xf32, #tpu.memory_space<vmem_shared>>)
    %dma_wait3A_101 = arith.constant 0 : i32
    %dma_wait3A_102 = tpu.memref_slice %arg11[%dma_wait3A_101] : memref<8192xf32, #tpu.memory_space<vmem>> -> memref<128xf32, #tpu.memory_space<vmem>>
    %dma_wait3A_103 = arith.constant 0 : i32
    %dma_wait3A_104 = tpu.memref_slice %arg13[%dma_wait3A_103] : memref<1048592xf32, #tpu.memory_space<vmem_shared>> -> memref<1048592xf32, #tpu.memory_space<vmem_shared>>
    tpu.wait_indirect_dma semaphore(%arg14 : memref<!tpu.dma_semaphore, #tpu.memory_space<semaphore_mem>>) src(%dma_wait3A_102 : memref<128xf32, #tpu.memory_space<vmem>>) dst(%dma_wait3A_104 : memref<1048592xf32, #tpu.memory_space<vmem_shared>>)
    %dma_wait3A_105 = arith.constant 0 : i32
    %dma_wait3A_106 = tpu.memref_slice %arg11[%dma_wait3A_105] : memref<8192xf32, #tpu.memory_space<vmem>> -> memref<128xf32, #tpu.memory_space<vmem>>
    %dma_wait3A_107 = arith.constant 0 : i32
    %dma_wait3A_108 = tpu.memref_slice %arg13[%dma_wait3A_107] : memref<1048592xf32, #tpu.memory_space<vmem_shared>> -> memref<1048592xf32, #tpu.memory_space<vmem_shared>>
    tpu.wait_indirect_dma semaphore(%arg14 : memref<!tpu.dma_semaphore, #tpu.memory_space<semaphore_mem>>) src(%dma_wait3A_106 : memref<128xf32, #tpu.memory_space<vmem>>) dst(%dma_wait3A_108 : memref<1048592xf32, #tpu.memory_space<vmem_shared>>)
    "tpu.region"() ({
      %run_scoped3A = tpu.sem_alloc : memref<!tpu.dma_semaphore, #tpu.memory_space<semaphore_mem>>
      %dma_start3A_1107 = arith.constant 0 : i32
      %dma_start3A_1108 = tpu.memref_slice %arg11[%dma_start3A_1107] : memref<8192xf32, #tpu.memory_space<vmem>> -> memref<16xf32, #tpu.memory_space<vmem>>
      %dma_start3A_1109 = arith.constant 1048576 : i32
      %dma_start3A_1110 = tpu.memref_slice %arg13[%dma_start3A_1109] : memref<1048592xf32, #tpu.memory_space<vmem_shared>> -> memref<16xf32, #tpu.memory_space<vmem_shared>>
      %dma_start3A_1111 = arith.constant 1048576 : i32
      %dma_start3A_1112 = tpu.memref_slice %arg13[%dma_start3A_1111] : memref<1048592xf32, #tpu.memory_space<vmem_shared>> -> memref<16xf32, #tpu.memory_space<vmem_shared>>
      %dma_start3A_1113 = arith.constant 0 : i32
      %dma_start3A_1114 = tpu.memref_slice %arg11[%dma_start3A_1113] : memref<8192xf32, #tpu.memory_space<vmem>> -> memref<16xf32, #tpu.memory_space<vmem>>
      tpu.enqueue_dma source(%dma_start3A_1114 : memref<16xf32, #tpu.memory_space<vmem>>) target(%dma_start3A_1112 : memref<16xf32, #tpu.memory_space<vmem_shared>>) target_semaphore(%run_scoped3A : memref<!tpu.dma_semaphore, #tpu.memory_space<semaphore_mem>>)
      %dma_wait3A_1115 = arith.constant 0 : i32
      %dma_wait3A_1116 = tpu.memref_slice %arg11[%dma_wait3A_1115] : memref<8192xf32, #tpu.memory_space<vmem>> -> memref<16xf32, #tpu.memory_space<vmem>>
      %dma_wait3A_1117 = arith.constant 1048576 : i32
      %dma_wait3A_1118 = tpu.memref_slice %arg13[%dma_wait3A_1117] : memref<1048592xf32, #tpu.memory_space<vmem_shared>> -> memref<16xf32, #tpu.memory_space<vmem_shared>>
      %dma_wait3A_1119 = arith.constant 1048576 : i32
      %dma_wait3A_1120 = tpu.memref_slice %arg13[%dma_wait3A_1119] : memref<1048592xf32, #tpu.memory_space<vmem_shared>> -> memref<16xf32, #tpu.memory_space<vmem_shared>>
      %dma_wait3A_1121 = arith.constant 0 : i32
      %dma_wait3A_1122 = tpu.memref_slice %arg11[%dma_wait3A_1121] : memref<8192xf32, #tpu.memory_space<vmem>> -> memref<16xf32, #tpu.memory_space<vmem>>
      tpu.wait_dma2 semaphore(%run_scoped3A : memref<!tpu.dma_semaphore, #tpu.memory_space<semaphore_mem>>) src(%dma_wait3A_1122 : memref<16xf32, #tpu.memory_space<vmem>>) dst(%dma_wait3A_1120 : memref<16xf32, #tpu.memory_space<vmem_shared>>)
      tpu.yield
    }) : () -> ()
    "tpu.region"() ({
      %run_scoped3A = tpu.sem_alloc : memref<!tpu.dma_semaphore, #tpu.memory_space<semaphore_mem>>
      %dma_start3A_1107 = arith.constant 1048576 : i32
      %dma_start3A_1108 = tpu.memref_slice %arg13[%dma_start3A_1107] : memref<1048592xf32, #tpu.memory_space<vmem_shared>> -> memref<16xf32, #tpu.memory_space<vmem_shared>>
      %dma_start3A_1109 = arith.constant 1048576 : i32
      %dma_start3A_1110 = tpu.memref_slice %arg13[%dma_start3A_1109] : memref<1048592xf32, #tpu.memory_space<vmem_shared>> -> memref<16xf32, #tpu.memory_space<vmem_shared>>
      tpu.enqueue_dma source(%dma_start3A_1110 : memref<16xf32, #tpu.memory_space<vmem_shared>>) target(%arg12 : memref<16xf32, #tpu.memory_space<vmem>>) target_semaphore(%run_scoped3A : memref<!tpu.dma_semaphore, #tpu.memory_space<semaphore_mem>>)
      %dma_wait3A_1111 = arith.constant 1048576 : i32
      %dma_wait3A_1112 = tpu.memref_slice %arg13[%dma_wait3A_1111] : memref<1048592xf32, #tpu.memory_space<vmem_shared>> -> memref<16xf32, #tpu.memory_space<vmem_shared>>
      %dma_wait3A_1113 = arith.constant 1048576 : i32
      %dma_wait3A_1114 = tpu.memref_slice %arg13[%dma_wait3A_1113] : memref<1048592xf32, #tpu.memory_space<vmem_shared>> -> memref<16xf32, #tpu.memory_space<vmem_shared>>
      tpu.wait_dma2 semaphore(%run_scoped3A : memref<!tpu.dma_semaphore, #tpu.memory_space<semaphore_mem>>) src(%dma_wait3A_1114 : memref<16xf32, #tpu.memory_space<vmem_shared>>) dst(%arg12 : memref<16xf32, #tpu.memory_space<vmem>>)
      tpu.yield
    }) : () -> ()
    %barrier3A_109 = arith.constant 0 : index
    tpu.barrier barrier_id(%barrier3A_109)
    %mul3A_110 = arith.constant 32 : i32
    %mul3A_111 = arith.muli %arg1, %mul3A_110 : i32
    %add3A_112 = arith.addi %add3A_21, %mul3A_111 : i32
    %mul3A_113 = arith.constant 65536 : i32
    %mul3A_114 = arith.muli %arg1, %mul3A_113 : i32
    %add3A_115 = arith.constant 0 : i32
    %add3A_116 = arith.addi %mul3A_114, %add3A_115 : i32
    %add3A_117 = arith.constant 0 : i32
    %add3A_118 = arith.addi %add3A_112, %add3A_117 : i32
    %dma_start3A_119 = arith.constant 0 : i32
    %dma_start3A_120 = tpu.memref_slice %arg5[%add3A_118, %dma_start3A_119] : memref<2048x2048xf32, #tpu.memory_space<hbm>> -> memref<1x2048xf32, #tpu.memory_space<hbm>>
    %dma_start3A_121 = tpu.memref_squeeze %dma_start3A_120 : memref<1x2048xf32, #tpu.memory_space<hbm>> -> memref<2048xf32, #tpu.memory_space<hbm>>
    %dma_start3A_122 = tpu.memref_slice %arg13[%add3A_116] : memref<1048592xf32, #tpu.memory_space<vmem_shared>> -> memref<2048xf32, #tpu.memory_space<vmem_shared>>
    tpu.enqueue_dma source(%dma_start3A_122 : memref<2048xf32, #tpu.memory_space<vmem_shared>>) target(%dma_start3A_121 : memref<2048xf32, #tpu.memory_space<hbm>>) target_semaphore(%arg14 : memref<!tpu.dma_semaphore, #tpu.memory_space<semaphore_mem>>)
    %mul3A_123 = arith.constant 65536 : i32
    %mul3A_124 = arith.muli %arg1, %mul3A_123 : i32
    %add3A_125 = arith.constant 2048 : i32
    %add3A_126 = arith.addi %mul3A_124, %add3A_125 : i32
    %add3A_127 = arith.constant 1 : i32
    %add3A_128 = arith.addi %add3A_112, %add3A_127 : i32
    %dma_start3A_129 = arith.constant 0 : i32
    %dma_start3A_130 = tpu.memref_slice %arg5[%add3A_128, %dma_start3A_129] : memref<2048x2048xf32, #tpu.memory_space<hbm>> -> memref<1x2048xf32, #tpu.memory_space<hbm>>
    %dma_start3A_131 = tpu.memref_squeeze %dma_start3A_130 : memref<1x2048xf32, #tpu.memory_space<hbm>> -> memref<2048xf32, #tpu.memory_space<hbm>>
    %dma_start3A_132 = tpu.memref_slice %arg13[%add3A_126] : memref<1048592xf32, #tpu.memory_space<vmem_shared>> -> memref<2048xf32, #tpu.memory_space<vmem_shared>>
    tpu.enqueue_dma source(%dma_start3A_132 : memref<2048xf32, #tpu.memory_space<vmem_shared>>) target(%dma_start3A_131 : memref<2048xf32, #tpu.memory_space<hbm>>) target_semaphore(%arg14 : memref<!tpu.dma_semaphore, #tpu.memory_space<semaphore_mem>>)
    %mul3A_133 = arith.constant 65536 : i32
    %mul3A_134 = arith.muli %arg1, %mul3A_133 : i32
    %add3A_135 = arith.constant 4096 : i32
    %add3A_136 = arith.addi %mul3A_134, %add3A_135 : i32
    %add3A_137 = arith.constant 2 : i32
    %add3A_138 = arith.addi %add3A_112, %add3A_137 : i32
    %dma_start3A_139 = arith.constant 0 : i32
    %dma_start3A_140 = tpu.memref_slice %arg5[%add3A_138, %dma_start3A_139] : memref<2048x2048xf32, #tpu.memory_space<hbm>> -> memref<1x2048xf32, #tpu.memory_space<hbm>>
    %dma_start3A_141 = tpu.memref_squeeze %dma_start3A_140 : memref<1x2048xf32, #tpu.memory_space<hbm>> -> memref<2048xf32, #tpu.memory_space<hbm>>
    %dma_start3A_142 = tpu.memref_slice %arg13[%add3A_136] : memref<1048592xf32, #tpu.memory_space<vmem_shared>> -> memref<2048xf32, #tpu.memory_space<vmem_shared>>
    tpu.enqueue_dma source(%dma_start3A_142 : memref<2048xf32, #tpu.memory_space<vmem_shared>>) target(%dma_start3A_141 : memref<2048xf32, #tpu.memory_space<hbm>>) target_semaphore(%arg14 : memref<!tpu.dma_semaphore, #tpu.memory_space<semaphore_mem>>)
    %mul3A_143 = arith.constant 65536 : i32
    %mul3A_144 = arith.muli %arg1, %mul3A_143 : i32
    %add3A_145 = arith.constant 6144 : i32
    %add3A_146 = arith.addi %mul3A_144, %add3A_145 : i32
    %add3A_147 = arith.constant 3 : i32
    %add3A_148 = arith.addi %add3A_112, %add3A_147 : i32
    %dma_start3A_149 = arith.constant 0 : i32
    %dma_start3A_150 = tpu.memref_slice %arg5[%add3A_148, %dma_start3A_149] : memref<2048x2048xf32, #tpu.memory_space<hbm>> -> memref<1x2048xf32, #tpu.memory_space<hbm>>
    %dma_start3A_151 = tpu.memref_squeeze %dma_start3A_150 : memref<1x2048xf32, #tpu.memory_space<hbm>> -> memref<2048xf32, #tpu.memory_space<hbm>>
    %dma_start3A_152 = tpu.memref_slice %arg13[%add3A_146] : memref<1048592xf32, #tpu.memory_space<vmem_shared>> -> memref<2048xf32, #tpu.memory_space<vmem_shared>>
    tpu.enqueue_dma source(%dma_start3A_152 : memref<2048xf32, #tpu.memory_space<vmem_shared>>) target(%dma_start3A_151 : memref<2048xf32, #tpu.memory_space<hbm>>) target_semaphore(%arg14 : memref<!tpu.dma_semaphore, #tpu.memory_space<semaphore_mem>>)
    %mul3A_153 = arith.constant 65536 : i32
    %mul3A_154 = arith.muli %arg1, %mul3A_153 : i32
    %add3A_155 = arith.constant 8192 : i32
    %add3A_156 = arith.addi %mul3A_154, %add3A_155 : i32
    %add3A_157 = arith.constant 4 : i32
    %add3A_158 = arith.addi %add3A_112, %add3A_157 : i32
    %dma_start3A_159 = arith.constant 0 : i32
    %dma_start3A_160 = tpu.memref_slice %arg5[%add3A_158, %dma_start3A_159] : memref<2048x2048xf32, #tpu.memory_space<hbm>> -> memref<1x2048xf32, #tpu.memory_space<hbm>>
    %dma_start3A_161 = tpu.memref_squeeze %dma_start3A_160 : memref<1x2048xf32, #tpu.memory_space<hbm>> -> memref<2048xf32, #tpu.memory_space<hbm>>
    %dma_start3A_162 = tpu.memref_slice %arg13[%add3A_156] : memref<1048592xf32, #tpu.memory_space<vmem_shared>> -> memref<2048xf32, #tpu.memory_space<vmem_shared>>
    tpu.enqueue_dma source(%dma_start3A_162 : memref<2048xf32, #tpu.memory_space<vmem_shared>>) target(%dma_start3A_161 : memref<2048xf32, #tpu.memory_space<hbm>>) target_semaphore(%arg14 : memref<!tpu.dma_semaphore, #tpu.memory_space<semaphore_mem>>)
    %mul3A_163 = arith.constant 65536 : i32
    %mul3A_164 = arith.muli %arg1, %mul3A_163 : i32
    %add3A_165 = arith.constant 10240 : i32
    %add3A_166 = arith.addi %mul3A_164, %add3A_165 : i32
    %add3A_167 = arith.constant 5 : i32
    %add3A_168 = arith.addi %add3A_112, %add3A_167 : i32
    %dma_start3A_169 = arith.constant 0 : i32
    %dma_start3A_170 = tpu.memref_slice %arg5[%add3A_168, %dma_start3A_169] : memref<2048x2048xf32, #tpu.memory_space<hbm>> -> memref<1x2048xf32, #tpu.memory_space<hbm>>
    %dma_start3A_171 = tpu.memref_squeeze %dma_start3A_170 : memref<1x2048xf32, #tpu.memory_space<hbm>> -> memref<2048xf32, #tpu.memory_space<hbm>>
    %dma_start3A_172 = tpu.memref_slice %arg13[%add3A_166] : memref<1048592xf32, #tpu.memory_space<vmem_shared>> -> memref<2048xf32, #tpu.memory_space<vmem_shared>>
    tpu.enqueue_dma source(%dma_start3A_172 : memref<2048xf32, #tpu.memory_space<vmem_shared>>) target(%dma_start3A_171 : memref<2048xf32, #tpu.memory_space<hbm>>) target_semaphore(%arg14 : memref<!tpu.dma_semaphore, #tpu.memory_space<semaphore_mem>>)
    %mul3A_173 = arith.constant 65536 : i32
    %mul3A_174 = arith.muli %arg1, %mul3A_173 : i32
    %add3A_175 = arith.constant 12288 : i32
    %add3A_176 = arith.addi %mul3A_174, %add3A_175 : i32
    %add3A_177 = arith.constant 6 : i32
    %add3A_178 = arith.addi %add3A_112, %add3A_177 : i32
    %dma_start3A_179 = arith.constant 0 : i32
    %dma_start3A_180 = tpu.memref_slice %arg5[%add3A_178, %dma_start3A_179] : memref<2048x2048xf32, #tpu.memory_space<hbm>> -> memref<1x2048xf32, #tpu.memory_space<hbm>>
    %dma_start3A_181 = tpu.memref_squeeze %dma_start3A_180 : memref<1x2048xf32, #tpu.memory_space<hbm>> -> memref<2048xf32, #tpu.memory_space<hbm>>
    %dma_start3A_182 = tpu.memref_slice %arg13[%add3A_176] : memref<1048592xf32, #tpu.memory_space<vmem_shared>> -> memref<2048xf32, #tpu.memory_space<vmem_shared>>
    tpu.enqueue_dma source(%dma_start3A_182 : memref<2048xf32, #tpu.memory_space<vmem_shared>>) target(%dma_start3A_181 : memref<2048xf32, #tpu.memory_space<hbm>>) target_semaphore(%arg14 : memref<!tpu.dma_semaphore, #tpu.memory_space<semaphore_mem>>)
    %mul3A_183 = arith.constant 65536 : i32
    %mul3A_184 = arith.muli %arg1, %mul3A_183 : i32
    %add3A_185 = arith.constant 14336 : i32
    %add3A_186 = arith.addi %mul3A_184, %add3A_185 : i32
    %add3A_187 = arith.constant 7 : i32
    %add3A_188 = arith.addi %add3A_112, %add3A_187 : i32
    %dma_start3A_189 = arith.constant 0 : i32
    %dma_start3A_190 = tpu.memref_slice %arg5[%add3A_188, %dma_start3A_189] : memref<2048x2048xf32, #tpu.memory_space<hbm>> -> memref<1x2048xf32, #tpu.memory_space<hbm>>
    %dma_start3A_191 = tpu.memref_squeeze %dma_start3A_190 : memref<1x2048xf32, #tpu.memory_space<hbm>> -> memref<2048xf32, #tpu.memory_space<hbm>>
    %dma_start3A_192 = tpu.memref_slice %arg13[%add3A_186] : memref<1048592xf32, #tpu.memory_space<vmem_shared>> -> memref<2048xf32, #tpu.memory_space<vmem_shared>>
    tpu.enqueue_dma source(%dma_start3A_192 : memref<2048xf32, #tpu.memory_space<vmem_shared>>) target(%dma_start3A_191 : memref<2048xf32, #tpu.memory_space<hbm>>) target_semaphore(%arg14 : memref<!tpu.dma_semaphore, #tpu.memory_space<semaphore_mem>>)
    %mul3A_193 = arith.constant 65536 : i32
    %mul3A_194 = arith.muli %arg1, %mul3A_193 : i32
    %add3A_195 = arith.constant 16384 : i32
    %add3A_196 = arith.addi %mul3A_194, %add3A_195 : i32
    %add3A_197 = arith.constant 8 : i32
    %add3A_198 = arith.addi %add3A_112, %add3A_197 : i32
    %dma_start3A_199 = arith.constant 0 : i32
    %dma_start3A_200 = tpu.memref_slice %arg5[%add3A_198, %dma_start3A_199] : memref<2048x2048xf32, #tpu.memory_space<hbm>> -> memref<1x2048xf32, #tpu.memory_space<hbm>>
    %dma_start3A_201 = tpu.memref_squeeze %dma_start3A_200 : memref<1x2048xf32, #tpu.memory_space<hbm>> -> memref<2048xf32, #tpu.memory_space<hbm>>
    %dma_start3A_202 = tpu.memref_slice %arg13[%add3A_196] : memref<1048592xf32, #tpu.memory_space<vmem_shared>> -> memref<2048xf32, #tpu.memory_space<vmem_shared>>
    tpu.enqueue_dma source(%dma_start3A_202 : memref<2048xf32, #tpu.memory_space<vmem_shared>>) target(%dma_start3A_201 : memref<2048xf32, #tpu.memory_space<hbm>>) target_semaphore(%arg14 : memref<!tpu.dma_semaphore, #tpu.memory_space<semaphore_mem>>)
    %mul3A_203 = arith.constant 65536 : i32
    %mul3A_204 = arith.muli %arg1, %mul3A_203 : i32
    %add3A_205 = arith.constant 18432 : i32
    %add3A_206 = arith.addi %mul3A_204, %add3A_205 : i32
    %add3A_207 = arith.constant 9 : i32
    %add3A_208 = arith.addi %add3A_112, %add3A_207 : i32
    %dma_start3A_209 = arith.constant 0 : i32
    %dma_start3A_210 = tpu.memref_slice %arg5[%add3A_208, %dma_start3A_209] : memref<2048x2048xf32, #tpu.memory_space<hbm>> -> memref<1x2048xf32, #tpu.memory_space<hbm>>
    %dma_start3A_211 = tpu.memref_squeeze %dma_start3A_210 : memref<1x2048xf32, #tpu.memory_space<hbm>> -> memref<2048xf32, #tpu.memory_space<hbm>>
    %dma_start3A_212 = tpu.memref_slice %arg13[%add3A_206] : memref<1048592xf32, #tpu.memory_space<vmem_shared>> -> memref<2048xf32, #tpu.memory_space<vmem_shared>>
    tpu.enqueue_dma source(%dma_start3A_212 : memref<2048xf32, #tpu.memory_space<vmem_shared>>) target(%dma_start3A_211 : memref<2048xf32, #tpu.memory_space<hbm>>) target_semaphore(%arg14 : memref<!tpu.dma_semaphore, #tpu.memory_space<semaphore_mem>>)
    %mul3A_213 = arith.constant 65536 : i32
    %mul3A_214 = arith.muli %arg1, %mul3A_213 : i32
    %add3A_215 = arith.constant 20480 : i32
    %add3A_216 = arith.addi %mul3A_214, %add3A_215 : i32
    %add3A_217 = arith.constant 10 : i32
    %add3A_218 = arith.addi %add3A_112, %add3A_217 : i32
    %dma_start3A_219 = arith.constant 0 : i32
    %dma_start3A_220 = tpu.memref_slice %arg5[%add3A_218, %dma_start3A_219] : memref<2048x2048xf32, #tpu.memory_space<hbm>> -> memref<1x2048xf32, #tpu.memory_space<hbm>>
    %dma_start3A_221 = tpu.memref_squeeze %dma_start3A_220 : memref<1x2048xf32, #tpu.memory_space<hbm>> -> memref<2048xf32, #tpu.memory_space<hbm>>
    %dma_start3A_222 = tpu.memref_slice %arg13[%add3A_216] : memref<1048592xf32, #tpu.memory_space<vmem_shared>> -> memref<2048xf32, #tpu.memory_space<vmem_shared>>
    tpu.enqueue_dma source(%dma_start3A_222 : memref<2048xf32, #tpu.memory_space<vmem_shared>>) target(%dma_start3A_221 : memref<2048xf32, #tpu.memory_space<hbm>>) target_semaphore(%arg14 : memref<!tpu.dma_semaphore, #tpu.memory_space<semaphore_mem>>)
    %mul3A_223 = arith.constant 65536 : i32
    %mul3A_224 = arith.muli %arg1, %mul3A_223 : i32
    %add3A_225 = arith.constant 22528 : i32
    %add3A_226 = arith.addi %mul3A_224, %add3A_225 : i32
    %add3A_227 = arith.constant 11 : i32
    %add3A_228 = arith.addi %add3A_112, %add3A_227 : i32
    %dma_start3A_229 = arith.constant 0 : i32
    %dma_start3A_230 = tpu.memref_slice %arg5[%add3A_228, %dma_start3A_229] : memref<2048x2048xf32, #tpu.memory_space<hbm>> -> memref<1x2048xf32, #tpu.memory_space<hbm>>
    %dma_start3A_231 = tpu.memref_squeeze %dma_start3A_230 : memref<1x2048xf32, #tpu.memory_space<hbm>> -> memref<2048xf32, #tpu.memory_space<hbm>>
    %dma_start3A_232 = tpu.memref_slice %arg13[%add3A_226] : memref<1048592xf32, #tpu.memory_space<vmem_shared>> -> memref<2048xf32, #tpu.memory_space<vmem_shared>>
    tpu.enqueue_dma source(%dma_start3A_232 : memref<2048xf32, #tpu.memory_space<vmem_shared>>) target(%dma_start3A_231 : memref<2048xf32, #tpu.memory_space<hbm>>) target_semaphore(%arg14 : memref<!tpu.dma_semaphore, #tpu.memory_space<semaphore_mem>>)
    %mul3A_233 = arith.constant 65536 : i32
    %mul3A_234 = arith.muli %arg1, %mul3A_233 : i32
    %add3A_235 = arith.constant 24576 : i32
    %add3A_236 = arith.addi %mul3A_234, %add3A_235 : i32
    %add3A_237 = arith.constant 12 : i32
    %add3A_238 = arith.addi %add3A_112, %add3A_237 : i32
    %dma_start3A_239 = arith.constant 0 : i32
    %dma_start3A_240 = tpu.memref_slice %arg5[%add3A_238, %dma_start3A_239] : memref<2048x2048xf32, #tpu.memory_space<hbm>> -> memref<1x2048xf32, #tpu.memory_space<hbm>>
    %dma_start3A_241 = tpu.memref_squeeze %dma_start3A_240 : memref<1x2048xf32, #tpu.memory_space<hbm>> -> memref<2048xf32, #tpu.memory_space<hbm>>
    %dma_start3A_242 = tpu.memref_slice %arg13[%add3A_236] : memref<1048592xf32, #tpu.memory_space<vmem_shared>> -> memref<2048xf32, #tpu.memory_space<vmem_shared>>
    tpu.enqueue_dma source(%dma_start3A_242 : memref<2048xf32, #tpu.memory_space<vmem_shared>>) target(%dma_start3A_241 : memref<2048xf32, #tpu.memory_space<hbm>>) target_semaphore(%arg14 : memref<!tpu.dma_semaphore, #tpu.memory_space<semaphore_mem>>)
    %mul3A_243 = arith.constant 65536 : i32
    %mul3A_244 = arith.muli %arg1, %mul3A_243 : i32
    %add3A_245 = arith.constant 26624 : i32
    %add3A_246 = arith.addi %mul3A_244, %add3A_245 : i32
    %add3A_247 = arith.constant 13 : i32
    %add3A_248 = arith.addi %add3A_112, %add3A_247 : i32
    %dma_start3A_249 = arith.constant 0 : i32
    %dma_start3A_250 = tpu.memref_slice %arg5[%add3A_248, %dma_start3A_249] : memref<2048x2048xf32, #tpu.memory_space<hbm>> -> memref<1x2048xf32, #tpu.memory_space<hbm>>
    %dma_start3A_251 = tpu.memref_squeeze %dma_start3A_250 : memref<1x2048xf32, #tpu.memory_space<hbm>> -> memref<2048xf32, #tpu.memory_space<hbm>>
    %dma_start3A_252 = tpu.memref_slice %arg13[%add3A_246] : memref<1048592xf32, #tpu.memory_space<vmem_shared>> -> memref<2048xf32, #tpu.memory_space<vmem_shared>>
    tpu.enqueue_dma source(%dma_start3A_252 : memref<2048xf32, #tpu.memory_space<vmem_shared>>) target(%dma_start3A_251 : memref<2048xf32, #tpu.memory_space<hbm>>) target_semaphore(%arg14 : memref<!tpu.dma_semaphore, #tpu.memory_space<semaphore_mem>>)
    %mul3A_253 = arith.constant 65536 : i32
    %mul3A_254 = arith.muli %arg1, %mul3A_253 : i32
    %add3A_255 = arith.constant 28672 : i32
    %add3A_256 = arith.addi %mul3A_254, %add3A_255 : i32
    %add3A_257 = arith.constant 14 : i32
    %add3A_258 = arith.addi %add3A_112, %add3A_257 : i32
    %dma_start3A_259 = arith.constant 0 : i32
    %dma_start3A_260 = tpu.memref_slice %arg5[%add3A_258, %dma_start3A_259] : memref<2048x2048xf32, #tpu.memory_space<hbm>> -> memref<1x2048xf32, #tpu.memory_space<hbm>>
    %dma_start3A_261 = tpu.memref_squeeze %dma_start3A_260 : memref<1x2048xf32, #tpu.memory_space<hbm>> -> memref<2048xf32, #tpu.memory_space<hbm>>
    %dma_start3A_262 = tpu.memref_slice %arg13[%add3A_256] : memref<1048592xf32, #tpu.memory_space<vmem_shared>> -> memref<2048xf32, #tpu.memory_space<vmem_shared>>
    tpu.enqueue_dma source(%dma_start3A_262 : memref<2048xf32, #tpu.memory_space<vmem_shared>>) target(%dma_start3A_261 : memref<2048xf32, #tpu.memory_space<hbm>>) target_semaphore(%arg14 : memref<!tpu.dma_semaphore, #tpu.memory_space<semaphore_mem>>)
    %mul3A_263 = arith.constant 65536 : i32
    %mul3A_264 = arith.muli %arg1, %mul3A_263 : i32
    %add3A_265 = arith.constant 30720 : i32
    %add3A_266 = arith.addi %mul3A_264, %add3A_265 : i32
    %add3A_267 = arith.constant 15 : i32
    %add3A_268 = arith.addi %add3A_112, %add3A_267 : i32
    %dma_start3A_269 = arith.constant 0 : i32
    %dma_start3A_270 = tpu.memref_slice %arg5[%add3A_268, %dma_start3A_269] : memref<2048x2048xf32, #tpu.memory_space<hbm>> -> memref<1x2048xf32, #tpu.memory_space<hbm>>
    %dma_start3A_271 = tpu.memref_squeeze %dma_start3A_270 : memref<1x2048xf32, #tpu.memory_space<hbm>> -> memref<2048xf32, #tpu.memory_space<hbm>>
    %dma_start3A_272 = tpu.memref_slice %arg13[%add3A_266] : memref<1048592xf32, #tpu.memory_space<vmem_shared>> -> memref<2048xf32, #tpu.memory_space<vmem_shared>>
    tpu.enqueue_dma source(%dma_start3A_272 : memref<2048xf32, #tpu.memory_space<vmem_shared>>) target(%dma_start3A_271 : memref<2048xf32, #tpu.memory_space<hbm>>) target_semaphore(%arg14 : memref<!tpu.dma_semaphore, #tpu.memory_space<semaphore_mem>>)
    %mul3A_273 = arith.constant 65536 : i32
    %mul3A_274 = arith.muli %arg1, %mul3A_273 : i32
    %add3A_275 = arith.constant 32768 : i32
    %add3A_276 = arith.addi %mul3A_274, %add3A_275 : i32
    %add3A_277 = arith.constant 16 : i32
    %add3A_278 = arith.addi %add3A_112, %add3A_277 : i32
    %dma_start3A_279 = arith.constant 0 : i32
    %dma_start3A_280 = tpu.memref_slice %arg5[%add3A_278, %dma_start3A_279] : memref<2048x2048xf32, #tpu.memory_space<hbm>> -> memref<1x2048xf32, #tpu.memory_space<hbm>>
    %dma_start3A_281 = tpu.memref_squeeze %dma_start3A_280 : memref<1x2048xf32, #tpu.memory_space<hbm>> -> memref<2048xf32, #tpu.memory_space<hbm>>
    %dma_start3A_282 = tpu.memref_slice %arg13[%add3A_276] : memref<1048592xf32, #tpu.memory_space<vmem_shared>> -> memref<2048xf32, #tpu.memory_space<vmem_shared>>
    tpu.enqueue_dma source(%dma_start3A_282 : memref<2048xf32, #tpu.memory_space<vmem_shared>>) target(%dma_start3A_281 : memref<2048xf32, #tpu.memory_space<hbm>>) target_semaphore(%arg14 : memref<!tpu.dma_semaphore, #tpu.memory_space<semaphore_mem>>)
    %mul3A_283 = arith.constant 65536 : i32
    %mul3A_284 = arith.muli %arg1, %mul3A_283 : i32
    %add3A_285 = arith.constant 34816 : i32
    %add3A_286 = arith.addi %mul3A_284, %add3A_285 : i32
    %add3A_287 = arith.constant 17 : i32
    %add3A_288 = arith.addi %add3A_112, %add3A_287 : i32
    %dma_start3A_289 = arith.constant 0 : i32
    %dma_start3A_290 = tpu.memref_slice %arg5[%add3A_288, %dma_start3A_289] : memref<2048x2048xf32, #tpu.memory_space<hbm>> -> memref<1x2048xf32, #tpu.memory_space<hbm>>
    %dma_start3A_291 = tpu.memref_squeeze %dma_start3A_290 : memref<1x2048xf32, #tpu.memory_space<hbm>> -> memref<2048xf32, #tpu.memory_space<hbm>>
    %dma_start3A_292 = tpu.memref_slice %arg13[%add3A_286] : memref<1048592xf32, #tpu.memory_space<vmem_shared>> -> memref<2048xf32, #tpu.memory_space<vmem_shared>>
    tpu.enqueue_dma source(%dma_start3A_292 : memref<2048xf32, #tpu.memory_space<vmem_shared>>) target(%dma_start3A_291 : memref<2048xf32, #tpu.memory_space<hbm>>) target_semaphore(%arg14 : memref<!tpu.dma_semaphore, #tpu.memory_space<semaphore_mem>>)
    %mul3A_293 = arith.constant 65536 : i32
    %mul3A_294 = arith.muli %arg1, %mul3A_293 : i32
    %add3A_295 = arith.constant 36864 : i32
    %add3A_296 = arith.addi %mul3A_294, %add3A_295 : i32
    %add3A_297 = arith.constant 18 : i32
    %add3A_298 = arith.addi %add3A_112, %add3A_297 : i32
    %dma_start3A_299 = arith.constant 0 : i32
    %dma_start3A_300 = tpu.memref_slice %arg5[%add3A_298, %dma_start3A_299] : memref<2048x2048xf32, #tpu.memory_space<hbm>> -> memref<1x2048xf32, #tpu.memory_space<hbm>>
    %dma_start3A_301 = tpu.memref_squeeze %dma_start3A_300 : memref<1x2048xf32, #tpu.memory_space<hbm>> -> memref<2048xf32, #tpu.memory_space<hbm>>
    %dma_start3A_302 = tpu.memref_slice %arg13[%add3A_296] : memref<1048592xf32, #tpu.memory_space<vmem_shared>> -> memref<2048xf32, #tpu.memory_space<vmem_shared>>
    tpu.enqueue_dma source(%dma_start3A_302 : memref<2048xf32, #tpu.memory_space<vmem_shared>>) target(%dma_start3A_301 : memref<2048xf32, #tpu.memory_space<hbm>>) target_semaphore(%arg14 : memref<!tpu.dma_semaphore, #tpu.memory_space<semaphore_mem>>)
    %mul3A_303 = arith.constant 65536 : i32
    %mul3A_304 = arith.muli %arg1, %mul3A_303 : i32
    %add3A_305 = arith.constant 38912 : i32
    %add3A_306 = arith.addi %mul3A_304, %add3A_305 : i32
    %add3A_307 = arith.constant 19 : i32
    %add3A_308 = arith.addi %add3A_112, %add3A_307 : i32
    %dma_start3A_309 = arith.constant 0 : i32
    %dma_start3A_310 = tpu.memref_slice %arg5[%add3A_308, %dma_start3A_309] : memref<2048x2048xf32, #tpu.memory_space<hbm>> -> memref<1x2048xf32, #tpu.memory_space<hbm>>
    %dma_start3A_311 = tpu.memref_squeeze %dma_start3A_310 : memref<1x2048xf32, #tpu.memory_space<hbm>> -> memref<2048xf32, #tpu.memory_space<hbm>>
    %dma_start3A_312 = tpu.memref_slice %arg13[%add3A_306] : memref<1048592xf32, #tpu.memory_space<vmem_shared>> -> memref<2048xf32, #tpu.memory_space<vmem_shared>>
    tpu.enqueue_dma source(%dma_start3A_312 : memref<2048xf32, #tpu.memory_space<vmem_shared>>) target(%dma_start3A_311 : memref<2048xf32, #tpu.memory_space<hbm>>) target_semaphore(%arg14 : memref<!tpu.dma_semaphore, #tpu.memory_space<semaphore_mem>>)
    %mul3A_313 = arith.constant 65536 : i32
    %mul3A_314 = arith.muli %arg1, %mul3A_313 : i32
    %add3A_315 = arith.constant 40960 : i32
    %add3A_316 = arith.addi %mul3A_314, %add3A_315 : i32
    %add3A_317 = arith.constant 20 : i32
    %add3A_318 = arith.addi %add3A_112, %add3A_317 : i32
    %dma_start3A_319 = arith.constant 0 : i32
    %dma_start3A_320 = tpu.memref_slice %arg5[%add3A_318, %dma_start3A_319] : memref<2048x2048xf32, #tpu.memory_space<hbm>> -> memref<1x2048xf32, #tpu.memory_space<hbm>>
    %dma_start3A_321 = tpu.memref_squeeze %dma_start3A_320 : memref<1x2048xf32, #tpu.memory_space<hbm>> -> memref<2048xf32, #tpu.memory_space<hbm>>
    %dma_start3A_322 = tpu.memref_slice %arg13[%add3A_316] : memref<1048592xf32, #tpu.memory_space<vmem_shared>> -> memref<2048xf32, #tpu.memory_space<vmem_shared>>
    tpu.enqueue_dma source(%dma_start3A_322 : memref<2048xf32, #tpu.memory_space<vmem_shared>>) target(%dma_start3A_321 : memref<2048xf32, #tpu.memory_space<hbm>>) target_semaphore(%arg14 : memref<!tpu.dma_semaphore, #tpu.memory_space<semaphore_mem>>)
    %mul3A_323 = arith.constant 65536 : i32
    %mul3A_324 = arith.muli %arg1, %mul3A_323 : i32
    %add3A_325 = arith.constant 43008 : i32
    %add3A_326 = arith.addi %mul3A_324, %add3A_325 : i32
    %add3A_327 = arith.constant 21 : i32
    %add3A_328 = arith.addi %add3A_112, %add3A_327 : i32
    %dma_start3A_329 = arith.constant 0 : i32
    %dma_start3A_330 = tpu.memref_slice %arg5[%add3A_328, %dma_start3A_329] : memref<2048x2048xf32, #tpu.memory_space<hbm>> -> memref<1x2048xf32, #tpu.memory_space<hbm>>
    %dma_start3A_331 = tpu.memref_squeeze %dma_start3A_330 : memref<1x2048xf32, #tpu.memory_space<hbm>> -> memref<2048xf32, #tpu.memory_space<hbm>>
    %dma_start3A_332 = tpu.memref_slice %arg13[%add3A_326] : memref<1048592xf32, #tpu.memory_space<vmem_shared>> -> memref<2048xf32, #tpu.memory_space<vmem_shared>>
    tpu.enqueue_dma source(%dma_start3A_332 : memref<2048xf32, #tpu.memory_space<vmem_shared>>) target(%dma_start3A_331 : memref<2048xf32, #tpu.memory_space<hbm>>) target_semaphore(%arg14 : memref<!tpu.dma_semaphore, #tpu.memory_space<semaphore_mem>>)
    %mul3A_333 = arith.constant 65536 : i32
    %mul3A_334 = arith.muli %arg1, %mul3A_333 : i32
    %add3A_335 = arith.constant 45056 : i32
    %add3A_336 = arith.addi %mul3A_334, %add3A_335 : i32
    %add3A_337 = arith.constant 22 : i32
    %add3A_338 = arith.addi %add3A_112, %add3A_337 : i32
    %dma_start3A_339 = arith.constant 0 : i32
    %dma_start3A_340 = tpu.memref_slice %arg5[%add3A_338, %dma_start3A_339] : memref<2048x2048xf32, #tpu.memory_space<hbm>> -> memref<1x2048xf32, #tpu.memory_space<hbm>>
    %dma_start3A_341 = tpu.memref_squeeze %dma_start3A_340 : memref<1x2048xf32, #tpu.memory_space<hbm>> -> memref<2048xf32, #tpu.memory_space<hbm>>
    %dma_start3A_342 = tpu.memref_slice %arg13[%add3A_336] : memref<1048592xf32, #tpu.memory_space<vmem_shared>> -> memref<2048xf32, #tpu.memory_space<vmem_shared>>
    tpu.enqueue_dma source(%dma_start3A_342 : memref<2048xf32, #tpu.memory_space<vmem_shared>>) target(%dma_start3A_341 : memref<2048xf32, #tpu.memory_space<hbm>>) target_semaphore(%arg14 : memref<!tpu.dma_semaphore, #tpu.memory_space<semaphore_mem>>)
    %mul3A_343 = arith.constant 65536 : i32
    %mul3A_344 = arith.muli %arg1, %mul3A_343 : i32
    %add3A_345 = arith.constant 47104 : i32
    %add3A_346 = arith.addi %mul3A_344, %add3A_345 : i32
    %add3A_347 = arith.constant 23 : i32
    %add3A_348 = arith.addi %add3A_112, %add3A_347 : i32
    %dma_start3A_349 = arith.constant 0 : i32
    %dma_start3A_350 = tpu.memref_slice %arg5[%add3A_348, %dma_start3A_349] : memref<2048x2048xf32, #tpu.memory_space<hbm>> -> memref<1x2048xf32, #tpu.memory_space<hbm>>
    %dma_start3A_351 = tpu.memref_squeeze %dma_start3A_350 : memref<1x2048xf32, #tpu.memory_space<hbm>> -> memref<2048xf32, #tpu.memory_space<hbm>>
    %dma_start3A_352 = tpu.memref_slice %arg13[%add3A_346] : memref<1048592xf32, #tpu.memory_space<vmem_shared>> -> memref<2048xf32, #tpu.memory_space<vmem_shared>>
    tpu.enqueue_dma source(%dma_start3A_352 : memref<2048xf32, #tpu.memory_space<vmem_shared>>) target(%dma_start3A_351 : memref<2048xf32, #tpu.memory_space<hbm>>) target_semaphore(%arg14 : memref<!tpu.dma_semaphore, #tpu.memory_space<semaphore_mem>>)
    %mul3A_353 = arith.constant 65536 : i32
    %mul3A_354 = arith.muli %arg1, %mul3A_353 : i32
    %add3A_355 = arith.constant 49152 : i32
    %add3A_356 = arith.addi %mul3A_354, %add3A_355 : i32
    %add3A_357 = arith.constant 24 : i32
    %add3A_358 = arith.addi %add3A_112, %add3A_357 : i32
    %dma_start3A_359 = arith.constant 0 : i32
    %dma_start3A_360 = tpu.memref_slice %arg5[%add3A_358, %dma_start3A_359] : memref<2048x2048xf32, #tpu.memory_space<hbm>> -> memref<1x2048xf32, #tpu.memory_space<hbm>>
    %dma_start3A_361 = tpu.memref_squeeze %dma_start3A_360 : memref<1x2048xf32, #tpu.memory_space<hbm>> -> memref<2048xf32, #tpu.memory_space<hbm>>
    %dma_start3A_362 = tpu.memref_slice %arg13[%add3A_356] : memref<1048592xf32, #tpu.memory_space<vmem_shared>> -> memref<2048xf32, #tpu.memory_space<vmem_shared>>
    tpu.enqueue_dma source(%dma_start3A_362 : memref<2048xf32, #tpu.memory_space<vmem_shared>>) target(%dma_start3A_361 : memref<2048xf32, #tpu.memory_space<hbm>>) target_semaphore(%arg14 : memref<!tpu.dma_semaphore, #tpu.memory_space<semaphore_mem>>)
    %mul3A_363 = arith.constant 65536 : i32
    %mul3A_364 = arith.muli %arg1, %mul3A_363 : i32
    %add3A_365 = arith.constant 51200 : i32
    %add3A_366 = arith.addi %mul3A_364, %add3A_365 : i32
    %add3A_367 = arith.constant 25 : i32
    %add3A_368 = arith.addi %add3A_112, %add3A_367 : i32
    %dma_start3A_369 = arith.constant 0 : i32
    %dma_start3A_370 = tpu.memref_slice %arg5[%add3A_368, %dma_start3A_369] : memref<2048x2048xf32, #tpu.memory_space<hbm>> -> memref<1x2048xf32, #tpu.memory_space<hbm>>
    %dma_start3A_371 = tpu.memref_squeeze %dma_start3A_370 : memref<1x2048xf32, #tpu.memory_space<hbm>> -> memref<2048xf32, #tpu.memory_space<hbm>>
    %dma_start3A_372 = tpu.memref_slice %arg13[%add3A_366] : memref<1048592xf32, #tpu.memory_space<vmem_shared>> -> memref<2048xf32, #tpu.memory_space<vmem_shared>>
    tpu.enqueue_dma source(%dma_start3A_372 : memref<2048xf32, #tpu.memory_space<vmem_shared>>) target(%dma_start3A_371 : memref<2048xf32, #tpu.memory_space<hbm>>) target_semaphore(%arg14 : memref<!tpu.dma_semaphore, #tpu.memory_space<semaphore_mem>>)
    %mul3A_373 = arith.constant 65536 : i32
    %mul3A_374 = arith.muli %arg1, %mul3A_373 : i32
    %add3A_375 = arith.constant 53248 : i32
    %add3A_376 = arith.addi %mul3A_374, %add3A_375 : i32
    %add3A_377 = arith.constant 26 : i32
    %add3A_378 = arith.addi %add3A_112, %add3A_377 : i32
    %dma_start3A_379 = arith.constant 0 : i32
    %dma_start3A_380 = tpu.memref_slice %arg5[%add3A_378, %dma_start3A_379] : memref<2048x2048xf32, #tpu.memory_space<hbm>> -> memref<1x2048xf32, #tpu.memory_space<hbm>>
    %dma_start3A_381 = tpu.memref_squeeze %dma_start3A_380 : memref<1x2048xf32, #tpu.memory_space<hbm>> -> memref<2048xf32, #tpu.memory_space<hbm>>
    %dma_start3A_382 = tpu.memref_slice %arg13[%add3A_376] : memref<1048592xf32, #tpu.memory_space<vmem_shared>> -> memref<2048xf32, #tpu.memory_space<vmem_shared>>
    tpu.enqueue_dma source(%dma_start3A_382 : memref<2048xf32, #tpu.memory_space<vmem_shared>>) target(%dma_start3A_381 : memref<2048xf32, #tpu.memory_space<hbm>>) target_semaphore(%arg14 : memref<!tpu.dma_semaphore, #tpu.memory_space<semaphore_mem>>)
    %mul3A_383 = arith.constant 65536 : i32
    %mul3A_384 = arith.muli %arg1, %mul3A_383 : i32
    %add3A_385 = arith.constant 55296 : i32
    %add3A_386 = arith.addi %mul3A_384, %add3A_385 : i32
    %add3A_387 = arith.constant 27 : i32
    %add3A_388 = arith.addi %add3A_112, %add3A_387 : i32
    %dma_start3A_389 = arith.constant 0 : i32
    %dma_start3A_390 = tpu.memref_slice %arg5[%add3A_388, %dma_start3A_389] : memref<2048x2048xf32, #tpu.memory_space<hbm>> -> memref<1x2048xf32, #tpu.memory_space<hbm>>
    %dma_start3A_391 = tpu.memref_squeeze %dma_start3A_390 : memref<1x2048xf32, #tpu.memory_space<hbm>> -> memref<2048xf32, #tpu.memory_space<hbm>>
    %dma_start3A_392 = tpu.memref_slice %arg13[%add3A_386] : memref<1048592xf32, #tpu.memory_space<vmem_shared>> -> memref<2048xf32, #tpu.memory_space<vmem_shared>>
    tpu.enqueue_dma source(%dma_start3A_392 : memref<2048xf32, #tpu.memory_space<vmem_shared>>) target(%dma_start3A_391 : memref<2048xf32, #tpu.memory_space<hbm>>) target_semaphore(%arg14 : memref<!tpu.dma_semaphore, #tpu.memory_space<semaphore_mem>>)
    %mul3A_393 = arith.constant 65536 : i32
    %mul3A_394 = arith.muli %arg1, %mul3A_393 : i32
    %add3A_395 = arith.constant 57344 : i32
    %add3A_396 = arith.addi %mul3A_394, %add3A_395 : i32
    %add3A_397 = arith.constant 28 : i32
    %add3A_398 = arith.addi %add3A_112, %add3A_397 : i32
    %dma_start3A_399 = arith.constant 0 : i32
    %dma_start3A_400 = tpu.memref_slice %arg5[%add3A_398, %dma_start3A_399] : memref<2048x2048xf32, #tpu.memory_space<hbm>> -> memref<1x2048xf32, #tpu.memory_space<hbm>>
    %dma_start3A_401 = tpu.memref_squeeze %dma_start3A_400 : memref<1x2048xf32, #tpu.memory_space<hbm>> -> memref<2048xf32, #tpu.memory_space<hbm>>
    %dma_start3A_402 = tpu.memref_slice %arg13[%add3A_396] : memref<1048592xf32, #tpu.memory_space<vmem_shared>> -> memref<2048xf32, #tpu.memory_space<vmem_shared>>
    tpu.enqueue_dma source(%dma_start3A_402 : memref<2048xf32, #tpu.memory_space<vmem_shared>>) target(%dma_start3A_401 : memref<2048xf32, #tpu.memory_space<hbm>>) target_semaphore(%arg14 : memref<!tpu.dma_semaphore, #tpu.memory_space<semaphore_mem>>)
    %mul3A_403 = arith.constant 65536 : i32
    %mul3A_404 = arith.muli %arg1, %mul3A_403 : i32
    %add3A_405 = arith.constant 59392 : i32
    %add3A_406 = arith.addi %mul3A_404, %add3A_405 : i32
    %add3A_407 = arith.constant 29 : i32
    %add3A_408 = arith.addi %add3A_112, %add3A_407 : i32
    %dma_start3A_409 = arith.constant 0 : i32
    %dma_start3A_410 = tpu.memref_slice %arg5[%add3A_408, %dma_start3A_409] : memref<2048x2048xf32, #tpu.memory_space<hbm>> -> memref<1x2048xf32, #tpu.memory_space<hbm>>
    %dma_start3A_411 = tpu.memref_squeeze %dma_start3A_410 : memref<1x2048xf32, #tpu.memory_space<hbm>> -> memref<2048xf32, #tpu.memory_space<hbm>>
    %dma_start3A_412 = tpu.memref_slice %arg13[%add3A_406] : memref<1048592xf32, #tpu.memory_space<vmem_shared>> -> memref<2048xf32, #tpu.memory_space<vmem_shared>>
    tpu.enqueue_dma source(%dma_start3A_412 : memref<2048xf32, #tpu.memory_space<vmem_shared>>) target(%dma_start3A_411 : memref<2048xf32, #tpu.memory_space<hbm>>) target_semaphore(%arg14 : memref<!tpu.dma_semaphore, #tpu.memory_space<semaphore_mem>>)
    %mul3A_413 = arith.constant 65536 : i32
    %mul3A_414 = arith.muli %arg1, %mul3A_413 : i32
    %add3A_415 = arith.constant 61440 : i32
    %add3A_416 = arith.addi %mul3A_414, %add3A_415 : i32
    %add3A_417 = arith.constant 30 : i32
    %add3A_418 = arith.addi %add3A_112, %add3A_417 : i32
    %dma_start3A_419 = arith.constant 0 : i32
    %dma_start3A_420 = tpu.memref_slice %arg5[%add3A_418, %dma_start3A_419] : memref<2048x2048xf32, #tpu.memory_space<hbm>> -> memref<1x2048xf32, #tpu.memory_space<hbm>>
    %dma_start3A_421 = tpu.memref_squeeze %dma_start3A_420 : memref<1x2048xf32, #tpu.memory_space<hbm>> -> memref<2048xf32, #tpu.memory_space<hbm>>
    %dma_start3A_422 = tpu.memref_slice %arg13[%add3A_416] : memref<1048592xf32, #tpu.memory_space<vmem_shared>> -> memref<2048xf32, #tpu.memory_space<vmem_shared>>
    tpu.enqueue_dma source(%dma_start3A_422 : memref<2048xf32, #tpu.memory_space<vmem_shared>>) target(%dma_start3A_421 : memref<2048xf32, #tpu.memory_space<hbm>>) target_semaphore(%arg14 : memref<!tpu.dma_semaphore, #tpu.memory_space<semaphore_mem>>)
    %mul3A_423 = arith.constant 65536 : i32
    %mul3A_424 = arith.muli %arg1, %mul3A_423 : i32
    %add3A_425 = arith.constant 63488 : i32
    %add3A_426 = arith.addi %mul3A_424, %add3A_425 : i32
    %add3A_427 = arith.constant 31 : i32
    %add3A_428 = arith.addi %add3A_112, %add3A_427 : i32
    %dma_start3A_429 = arith.constant 0 : i32
    %dma_start3A_430 = tpu.memref_slice %arg5[%add3A_428, %dma_start3A_429] : memref<2048x2048xf32, #tpu.memory_space<hbm>> -> memref<1x2048xf32, #tpu.memory_space<hbm>>
    %dma_start3A_431 = tpu.memref_squeeze %dma_start3A_430 : memref<1x2048xf32, #tpu.memory_space<hbm>> -> memref<2048xf32, #tpu.memory_space<hbm>>
    %dma_start3A_432 = tpu.memref_slice %arg13[%add3A_426] : memref<1048592xf32, #tpu.memory_space<vmem_shared>> -> memref<2048xf32, #tpu.memory_space<vmem_shared>>
    tpu.enqueue_dma source(%dma_start3A_432 : memref<2048xf32, #tpu.memory_space<vmem_shared>>) target(%dma_start3A_431 : memref<2048xf32, #tpu.memory_space<hbm>>) target_semaphore(%arg14 : memref<!tpu.dma_semaphore, #tpu.memory_space<semaphore_mem>>)
    %dma_wait3A_433 = arith.constant 0 : i32
    %dma_wait3A_434 = tpu.memref_slice %arg5[%add3A_118, %dma_wait3A_433] : memref<2048x2048xf32, #tpu.memory_space<hbm>> -> memref<1x2048xf32, #tpu.memory_space<hbm>>
    %dma_wait3A_435 = tpu.memref_squeeze %dma_wait3A_434 : memref<1x2048xf32, #tpu.memory_space<hbm>> -> memref<2048xf32, #tpu.memory_space<hbm>>
    %dma_wait3A_436 = tpu.memref_slice %arg13[%add3A_116] : memref<1048592xf32, #tpu.memory_space<vmem_shared>> -> memref<2048xf32, #tpu.memory_space<vmem_shared>>
    tpu.wait_dma2 semaphore(%arg14 : memref<!tpu.dma_semaphore, #tpu.memory_space<semaphore_mem>>) src(%dma_wait3A_436 : memref<2048xf32, #tpu.memory_space<vmem_shared>>) dst(%dma_wait3A_435 : memref<2048xf32, #tpu.memory_space<hbm>>)
    %dma_wait3A_437 = arith.constant 0 : i32
    %dma_wait3A_438 = tpu.memref_slice %arg5[%add3A_128, %dma_wait3A_437] : memref<2048x2048xf32, #tpu.memory_space<hbm>> -> memref<1x2048xf32, #tpu.memory_space<hbm>>
    %dma_wait3A_439 = tpu.memref_squeeze %dma_wait3A_438 : memref<1x2048xf32, #tpu.memory_space<hbm>> -> memref<2048xf32, #tpu.memory_space<hbm>>
    %dma_wait3A_440 = tpu.memref_slice %arg13[%add3A_126] : memref<1048592xf32, #tpu.memory_space<vmem_shared>> -> memref<2048xf32, #tpu.memory_space<vmem_shared>>
    tpu.wait_dma2 semaphore(%arg14 : memref<!tpu.dma_semaphore, #tpu.memory_space<semaphore_mem>>) src(%dma_wait3A_440 : memref<2048xf32, #tpu.memory_space<vmem_shared>>) dst(%dma_wait3A_439 : memref<2048xf32, #tpu.memory_space<hbm>>)
    %dma_wait3A_441 = arith.constant 0 : i32
    %dma_wait3A_442 = tpu.memref_slice %arg5[%add3A_138, %dma_wait3A_441] : memref<2048x2048xf32, #tpu.memory_space<hbm>> -> memref<1x2048xf32, #tpu.memory_space<hbm>>
    %dma_wait3A_443 = tpu.memref_squeeze %dma_wait3A_442 : memref<1x2048xf32, #tpu.memory_space<hbm>> -> memref<2048xf32, #tpu.memory_space<hbm>>
    %dma_wait3A_444 = tpu.memref_slice %arg13[%add3A_136] : memref<1048592xf32, #tpu.memory_space<vmem_shared>> -> memref<2048xf32, #tpu.memory_space<vmem_shared>>
    tpu.wait_dma2 semaphore(%arg14 : memref<!tpu.dma_semaphore, #tpu.memory_space<semaphore_mem>>) src(%dma_wait3A_444 : memref<2048xf32, #tpu.memory_space<vmem_shared>>) dst(%dma_wait3A_443 : memref<2048xf32, #tpu.memory_space<hbm>>)
    %dma_wait3A_445 = arith.constant 0 : i32
    %dma_wait3A_446 = tpu.memref_slice %arg5[%add3A_148, %dma_wait3A_445] : memref<2048x2048xf32, #tpu.memory_space<hbm>> -> memref<1x2048xf32, #tpu.memory_space<hbm>>
    %dma_wait3A_447 = tpu.memref_squeeze %dma_wait3A_446 : memref<1x2048xf32, #tpu.memory_space<hbm>> -> memref<2048xf32, #tpu.memory_space<hbm>>
    %dma_wait3A_448 = tpu.memref_slice %arg13[%add3A_146] : memref<1048592xf32, #tpu.memory_space<vmem_shared>> -> memref<2048xf32, #tpu.memory_space<vmem_shared>>
    tpu.wait_dma2 semaphore(%arg14 : memref<!tpu.dma_semaphore, #tpu.memory_space<semaphore_mem>>) src(%dma_wait3A_448 : memref<2048xf32, #tpu.memory_space<vmem_shared>>) dst(%dma_wait3A_447 : memref<2048xf32, #tpu.memory_space<hbm>>)
    %dma_wait3A_449 = arith.constant 0 : i32
    %dma_wait3A_450 = tpu.memref_slice %arg5[%add3A_158, %dma_wait3A_449] : memref<2048x2048xf32, #tpu.memory_space<hbm>> -> memref<1x2048xf32, #tpu.memory_space<hbm>>
    %dma_wait3A_451 = tpu.memref_squeeze %dma_wait3A_450 : memref<1x2048xf32, #tpu.memory_space<hbm>> -> memref<2048xf32, #tpu.memory_space<hbm>>
    %dma_wait3A_452 = tpu.memref_slice %arg13[%add3A_156] : memref<1048592xf32, #tpu.memory_space<vmem_shared>> -> memref<2048xf32, #tpu.memory_space<vmem_shared>>
    tpu.wait_dma2 semaphore(%arg14 : memref<!tpu.dma_semaphore, #tpu.memory_space<semaphore_mem>>) src(%dma_wait3A_452 : memref<2048xf32, #tpu.memory_space<vmem_shared>>) dst(%dma_wait3A_451 : memref<2048xf32, #tpu.memory_space<hbm>>)
    %dma_wait3A_453 = arith.constant 0 : i32
    %dma_wait3A_454 = tpu.memref_slice %arg5[%add3A_168, %dma_wait3A_453] : memref<2048x2048xf32, #tpu.memory_space<hbm>> -> memref<1x2048xf32, #tpu.memory_space<hbm>>
    %dma_wait3A_455 = tpu.memref_squeeze %dma_wait3A_454 : memref<1x2048xf32, #tpu.memory_space<hbm>> -> memref<2048xf32, #tpu.memory_space<hbm>>
    %dma_wait3A_456 = tpu.memref_slice %arg13[%add3A_166] : memref<1048592xf32, #tpu.memory_space<vmem_shared>> -> memref<2048xf32, #tpu.memory_space<vmem_shared>>
    tpu.wait_dma2 semaphore(%arg14 : memref<!tpu.dma_semaphore, #tpu.memory_space<semaphore_mem>>) src(%dma_wait3A_456 : memref<2048xf32, #tpu.memory_space<vmem_shared>>) dst(%dma_wait3A_455 : memref<2048xf32, #tpu.memory_space<hbm>>)
    %dma_wait3A_457 = arith.constant 0 : i32
    %dma_wait3A_458 = tpu.memref_slice %arg5[%add3A_178, %dma_wait3A_457] : memref<2048x2048xf32, #tpu.memory_space<hbm>> -> memref<1x2048xf32, #tpu.memory_space<hbm>>
    %dma_wait3A_459 = tpu.memref_squeeze %dma_wait3A_458 : memref<1x2048xf32, #tpu.memory_space<hbm>> -> memref<2048xf32, #tpu.memory_space<hbm>>
    %dma_wait3A_460 = tpu.memref_slice %arg13[%add3A_176] : memref<1048592xf32, #tpu.memory_space<vmem_shared>> -> memref<2048xf32, #tpu.memory_space<vmem_shared>>
    tpu.wait_dma2 semaphore(%arg14 : memref<!tpu.dma_semaphore, #tpu.memory_space<semaphore_mem>>) src(%dma_wait3A_460 : memref<2048xf32, #tpu.memory_space<vmem_shared>>) dst(%dma_wait3A_459 : memref<2048xf32, #tpu.memory_space<hbm>>)
    %dma_wait3A_461 = arith.constant 0 : i32
    %dma_wait3A_462 = tpu.memref_slice %arg5[%add3A_188, %dma_wait3A_461] : memref<2048x2048xf32, #tpu.memory_space<hbm>> -> memref<1x2048xf32, #tpu.memory_space<hbm>>
    %dma_wait3A_463 = tpu.memref_squeeze %dma_wait3A_462 : memref<1x2048xf32, #tpu.memory_space<hbm>> -> memref<2048xf32, #tpu.memory_space<hbm>>
    %dma_wait3A_464 = tpu.memref_slice %arg13[%add3A_186] : memref<1048592xf32, #tpu.memory_space<vmem_shared>> -> memref<2048xf32, #tpu.memory_space<vmem_shared>>
    tpu.wait_dma2 semaphore(%arg14 : memref<!tpu.dma_semaphore, #tpu.memory_space<semaphore_mem>>) src(%dma_wait3A_464 : memref<2048xf32, #tpu.memory_space<vmem_shared>>) dst(%dma_wait3A_463 : memref<2048xf32, #tpu.memory_space<hbm>>)
    %dma_wait3A_465 = arith.constant 0 : i32
    %dma_wait3A_466 = tpu.memref_slice %arg5[%add3A_198, %dma_wait3A_465] : memref<2048x2048xf32, #tpu.memory_space<hbm>> -> memref<1x2048xf32, #tpu.memory_space<hbm>>
    %dma_wait3A_467 = tpu.memref_squeeze %dma_wait3A_466 : memref<1x2048xf32, #tpu.memory_space<hbm>> -> memref<2048xf32, #tpu.memory_space<hbm>>
    %dma_wait3A_468 = tpu.memref_slice %arg13[%add3A_196] : memref<1048592xf32, #tpu.memory_space<vmem_shared>> -> memref<2048xf32, #tpu.memory_space<vmem_shared>>
    tpu.wait_dma2 semaphore(%arg14 : memref<!tpu.dma_semaphore, #tpu.memory_space<semaphore_mem>>) src(%dma_wait3A_468 : memref<2048xf32, #tpu.memory_space<vmem_shared>>) dst(%dma_wait3A_467 : memref<2048xf32, #tpu.memory_space<hbm>>)
    %dma_wait3A_469 = arith.constant 0 : i32
    %dma_wait3A_470 = tpu.memref_slice %arg5[%add3A_208, %dma_wait3A_469] : memref<2048x2048xf32, #tpu.memory_space<hbm>> -> memref<1x2048xf32, #tpu.memory_space<hbm>>
    %dma_wait3A_471 = tpu.memref_squeeze %dma_wait3A_470 : memref<1x2048xf32, #tpu.memory_space<hbm>> -> memref<2048xf32, #tpu.memory_space<hbm>>
    %dma_wait3A_472 = tpu.memref_slice %arg13[%add3A_206] : memref<1048592xf32, #tpu.memory_space<vmem_shared>> -> memref<2048xf32, #tpu.memory_space<vmem_shared>>
    tpu.wait_dma2 semaphore(%arg14 : memref<!tpu.dma_semaphore, #tpu.memory_space<semaphore_mem>>) src(%dma_wait3A_472 : memref<2048xf32, #tpu.memory_space<vmem_shared>>) dst(%dma_wait3A_471 : memref<2048xf32, #tpu.memory_space<hbm>>)
    %dma_wait3A_473 = arith.constant 0 : i32
    %dma_wait3A_474 = tpu.memref_slice %arg5[%add3A_218, %dma_wait3A_473] : memref<2048x2048xf32, #tpu.memory_space<hbm>> -> memref<1x2048xf32, #tpu.memory_space<hbm>>
    %dma_wait3A_475 = tpu.memref_squeeze %dma_wait3A_474 : memref<1x2048xf32, #tpu.memory_space<hbm>> -> memref<2048xf32, #tpu.memory_space<hbm>>
    %dma_wait3A_476 = tpu.memref_slice %arg13[%add3A_216] : memref<1048592xf32, #tpu.memory_space<vmem_shared>> -> memref<2048xf32, #tpu.memory_space<vmem_shared>>
    tpu.wait_dma2 semaphore(%arg14 : memref<!tpu.dma_semaphore, #tpu.memory_space<semaphore_mem>>) src(%dma_wait3A_476 : memref<2048xf32, #tpu.memory_space<vmem_shared>>) dst(%dma_wait3A_475 : memref<2048xf32, #tpu.memory_space<hbm>>)
    %dma_wait3A_477 = arith.constant 0 : i32
    %dma_wait3A_478 = tpu.memref_slice %arg5[%add3A_228, %dma_wait3A_477] : memref<2048x2048xf32, #tpu.memory_space<hbm>> -> memref<1x2048xf32, #tpu.memory_space<hbm>>
    %dma_wait3A_479 = tpu.memref_squeeze %dma_wait3A_478 : memref<1x2048xf32, #tpu.memory_space<hbm>> -> memref<2048xf32, #tpu.memory_space<hbm>>
    %dma_wait3A_480 = tpu.memref_slice %arg13[%add3A_226] : memref<1048592xf32, #tpu.memory_space<vmem_shared>> -> memref<2048xf32, #tpu.memory_space<vmem_shared>>
    tpu.wait_dma2 semaphore(%arg14 : memref<!tpu.dma_semaphore, #tpu.memory_space<semaphore_mem>>) src(%dma_wait3A_480 : memref<2048xf32, #tpu.memory_space<vmem_shared>>) dst(%dma_wait3A_479 : memref<2048xf32, #tpu.memory_space<hbm>>)
    %dma_wait3A_481 = arith.constant 0 : i32
    %dma_wait3A_482 = tpu.memref_slice %arg5[%add3A_238, %dma_wait3A_481] : memref<2048x2048xf32, #tpu.memory_space<hbm>> -> memref<1x2048xf32, #tpu.memory_space<hbm>>
    %dma_wait3A_483 = tpu.memref_squeeze %dma_wait3A_482 : memref<1x2048xf32, #tpu.memory_space<hbm>> -> memref<2048xf32, #tpu.memory_space<hbm>>
    %dma_wait3A_484 = tpu.memref_slice %arg13[%add3A_236] : memref<1048592xf32, #tpu.memory_space<vmem_shared>> -> memref<2048xf32, #tpu.memory_space<vmem_shared>>
    tpu.wait_dma2 semaphore(%arg14 : memref<!tpu.dma_semaphore, #tpu.memory_space<semaphore_mem>>) src(%dma_wait3A_484 : memref<2048xf32, #tpu.memory_space<vmem_shared>>) dst(%dma_wait3A_483 : memref<2048xf32, #tpu.memory_space<hbm>>)
    %dma_wait3A_485 = arith.constant 0 : i32
    %dma_wait3A_486 = tpu.memref_slice %arg5[%add3A_248, %dma_wait3A_485] : memref<2048x2048xf32, #tpu.memory_space<hbm>> -> memref<1x2048xf32, #tpu.memory_space<hbm>>
    %dma_wait3A_487 = tpu.memref_squeeze %dma_wait3A_486 : memref<1x2048xf32, #tpu.memory_space<hbm>> -> memref<2048xf32, #tpu.memory_space<hbm>>
    %dma_wait3A_488 = tpu.memref_slice %arg13[%add3A_246] : memref<1048592xf32, #tpu.memory_space<vmem_shared>> -> memref<2048xf32, #tpu.memory_space<vmem_shared>>
    tpu.wait_dma2 semaphore(%arg14 : memref<!tpu.dma_semaphore, #tpu.memory_space<semaphore_mem>>) src(%dma_wait3A_488 : memref<2048xf32, #tpu.memory_space<vmem_shared>>) dst(%dma_wait3A_487 : memref<2048xf32, #tpu.memory_space<hbm>>)
    %dma_wait3A_489 = arith.constant 0 : i32
    %dma_wait3A_490 = tpu.memref_slice %arg5[%add3A_258, %dma_wait3A_489] : memref<2048x2048xf32, #tpu.memory_space<hbm>> -> memref<1x2048xf32, #tpu.memory_space<hbm>>
    %dma_wait3A_491 = tpu.memref_squeeze %dma_wait3A_490 : memref<1x2048xf32, #tpu.memory_space<hbm>> -> memref<2048xf32, #tpu.memory_space<hbm>>
    %dma_wait3A_492 = tpu.memref_slice %arg13[%add3A_256] : memref<1048592xf32, #tpu.memory_space<vmem_shared>> -> memref<2048xf32, #tpu.memory_space<vmem_shared>>
    tpu.wait_dma2 semaphore(%arg14 : memref<!tpu.dma_semaphore, #tpu.memory_space<semaphore_mem>>) src(%dma_wait3A_492 : memref<2048xf32, #tpu.memory_space<vmem_shared>>) dst(%dma_wait3A_491 : memref<2048xf32, #tpu.memory_space<hbm>>)
    %dma_wait3A_493 = arith.constant 0 : i32
    %dma_wait3A_494 = tpu.memref_slice %arg5[%add3A_268, %dma_wait3A_493] : memref<2048x2048xf32, #tpu.memory_space<hbm>> -> memref<1x2048xf32, #tpu.memory_space<hbm>>
    %dma_wait3A_495 = tpu.memref_squeeze %dma_wait3A_494 : memref<1x2048xf32, #tpu.memory_space<hbm>> -> memref<2048xf32, #tpu.memory_space<hbm>>
    %dma_wait3A_496 = tpu.memref_slice %arg13[%add3A_266] : memref<1048592xf32, #tpu.memory_space<vmem_shared>> -> memref<2048xf32, #tpu.memory_space<vmem_shared>>
    tpu.wait_dma2 semaphore(%arg14 : memref<!tpu.dma_semaphore, #tpu.memory_space<semaphore_mem>>) src(%dma_wait3A_496 : memref<2048xf32, #tpu.memory_space<vmem_shared>>) dst(%dma_wait3A_495 : memref<2048xf32, #tpu.memory_space<hbm>>)
    %dma_wait3A_497 = arith.constant 0 : i32
    %dma_wait3A_498 = tpu.memref_slice %arg5[%add3A_278, %dma_wait3A_497] : memref<2048x2048xf32, #tpu.memory_space<hbm>> -> memref<1x2048xf32, #tpu.memory_space<hbm>>
    %dma_wait3A_499 = tpu.memref_squeeze %dma_wait3A_498 : memref<1x2048xf32, #tpu.memory_space<hbm>> -> memref<2048xf32, #tpu.memory_space<hbm>>
    %dma_wait3A_500 = tpu.memref_slice %arg13[%add3A_276] : memref<1048592xf32, #tpu.memory_space<vmem_shared>> -> memref<2048xf32, #tpu.memory_space<vmem_shared>>
    tpu.wait_dma2 semaphore(%arg14 : memref<!tpu.dma_semaphore, #tpu.memory_space<semaphore_mem>>) src(%dma_wait3A_500 : memref<2048xf32, #tpu.memory_space<vmem_shared>>) dst(%dma_wait3A_499 : memref<2048xf32, #tpu.memory_space<hbm>>)
    %dma_wait3A_501 = arith.constant 0 : i32
    %dma_wait3A_502 = tpu.memref_slice %arg5[%add3A_288, %dma_wait3A_501] : memref<2048x2048xf32, #tpu.memory_space<hbm>> -> memref<1x2048xf32, #tpu.memory_space<hbm>>
    %dma_wait3A_503 = tpu.memref_squeeze %dma_wait3A_502 : memref<1x2048xf32, #tpu.memory_space<hbm>> -> memref<2048xf32, #tpu.memory_space<hbm>>
    %dma_wait3A_504 = tpu.memref_slice %arg13[%add3A_286] : memref<1048592xf32, #tpu.memory_space<vmem_shared>> -> memref<2048xf32, #tpu.memory_space<vmem_shared>>
    tpu.wait_dma2 semaphore(%arg14 : memref<!tpu.dma_semaphore, #tpu.memory_space<semaphore_mem>>) src(%dma_wait3A_504 : memref<2048xf32, #tpu.memory_space<vmem_shared>>) dst(%dma_wait3A_503 : memref<2048xf32, #tpu.memory_space<hbm>>)
    %dma_wait3A_505 = arith.constant 0 : i32
    %dma_wait3A_506 = tpu.memref_slice %arg5[%add3A_298, %dma_wait3A_505] : memref<2048x2048xf32, #tpu.memory_space<hbm>> -> memref<1x2048xf32, #tpu.memory_space<hbm>>
    %dma_wait3A_507 = tpu.memref_squeeze %dma_wait3A_506 : memref<1x2048xf32, #tpu.memory_space<hbm>> -> memref<2048xf32, #tpu.memory_space<hbm>>
    %dma_wait3A_508 = tpu.memref_slice %arg13[%add3A_296] : memref<1048592xf32, #tpu.memory_space<vmem_shared>> -> memref<2048xf32, #tpu.memory_space<vmem_shared>>
    tpu.wait_dma2 semaphore(%arg14 : memref<!tpu.dma_semaphore, #tpu.memory_space<semaphore_mem>>) src(%dma_wait3A_508 : memref<2048xf32, #tpu.memory_space<vmem_shared>>) dst(%dma_wait3A_507 : memref<2048xf32, #tpu.memory_space<hbm>>)
    %dma_wait3A_509 = arith.constant 0 : i32
    %dma_wait3A_510 = tpu.memref_slice %arg5[%add3A_308, %dma_wait3A_509] : memref<2048x2048xf32, #tpu.memory_space<hbm>> -> memref<1x2048xf32, #tpu.memory_space<hbm>>
    %dma_wait3A_511 = tpu.memref_squeeze %dma_wait3A_510 : memref<1x2048xf32, #tpu.memory_space<hbm>> -> memref<2048xf32, #tpu.memory_space<hbm>>
    %dma_wait3A_512 = tpu.memref_slice %arg13[%add3A_306] : memref<1048592xf32, #tpu.memory_space<vmem_shared>> -> memref<2048xf32, #tpu.memory_space<vmem_shared>>
    tpu.wait_dma2 semaphore(%arg14 : memref<!tpu.dma_semaphore, #tpu.memory_space<semaphore_mem>>) src(%dma_wait3A_512 : memref<2048xf32, #tpu.memory_space<vmem_shared>>) dst(%dma_wait3A_511 : memref<2048xf32, #tpu.memory_space<hbm>>)
    %dma_wait3A_513 = arith.constant 0 : i32
    %dma_wait3A_514 = tpu.memref_slice %arg5[%add3A_318, %dma_wait3A_513] : memref<2048x2048xf32, #tpu.memory_space<hbm>> -> memref<1x2048xf32, #tpu.memory_space<hbm>>
    %dma_wait3A_515 = tpu.memref_squeeze %dma_wait3A_514 : memref<1x2048xf32, #tpu.memory_space<hbm>> -> memref<2048xf32, #tpu.memory_space<hbm>>
    %dma_wait3A_516 = tpu.memref_slice %arg13[%add3A_316] : memref<1048592xf32, #tpu.memory_space<vmem_shared>> -> memref<2048xf32, #tpu.memory_space<vmem_shared>>
    tpu.wait_dma2 semaphore(%arg14 : memref<!tpu.dma_semaphore, #tpu.memory_space<semaphore_mem>>) src(%dma_wait3A_516 : memref<2048xf32, #tpu.memory_space<vmem_shared>>) dst(%dma_wait3A_515 : memref<2048xf32, #tpu.memory_space<hbm>>)
    %dma_wait3A_517 = arith.constant 0 : i32
    %dma_wait3A_518 = tpu.memref_slice %arg5[%add3A_328, %dma_wait3A_517] : memref<2048x2048xf32, #tpu.memory_space<hbm>> -> memref<1x2048xf32, #tpu.memory_space<hbm>>
    %dma_wait3A_519 = tpu.memref_squeeze %dma_wait3A_518 : memref<1x2048xf32, #tpu.memory_space<hbm>> -> memref<2048xf32, #tpu.memory_space<hbm>>
    %dma_wait3A_520 = tpu.memref_slice %arg13[%add3A_326] : memref<1048592xf32, #tpu.memory_space<vmem_shared>> -> memref<2048xf32, #tpu.memory_space<vmem_shared>>
    tpu.wait_dma2 semaphore(%arg14 : memref<!tpu.dma_semaphore, #tpu.memory_space<semaphore_mem>>) src(%dma_wait3A_520 : memref<2048xf32, #tpu.memory_space<vmem_shared>>) dst(%dma_wait3A_519 : memref<2048xf32, #tpu.memory_space<hbm>>)
    %dma_wait3A_521 = arith.constant 0 : i32
    %dma_wait3A_522 = tpu.memref_slice %arg5[%add3A_338, %dma_wait3A_521] : memref<2048x2048xf32, #tpu.memory_space<hbm>> -> memref<1x2048xf32, #tpu.memory_space<hbm>>
    %dma_wait3A_523 = tpu.memref_squeeze %dma_wait3A_522 : memref<1x2048xf32, #tpu.memory_space<hbm>> -> memref<2048xf32, #tpu.memory_space<hbm>>
    %dma_wait3A_524 = tpu.memref_slice %arg13[%add3A_336] : memref<1048592xf32, #tpu.memory_space<vmem_shared>> -> memref<2048xf32, #tpu.memory_space<vmem_shared>>
    tpu.wait_dma2 semaphore(%arg14 : memref<!tpu.dma_semaphore, #tpu.memory_space<semaphore_mem>>) src(%dma_wait3A_524 : memref<2048xf32, #tpu.memory_space<vmem_shared>>) dst(%dma_wait3A_523 : memref<2048xf32, #tpu.memory_space<hbm>>)
    %dma_wait3A_525 = arith.constant 0 : i32
    %dma_wait3A_526 = tpu.memref_slice %arg5[%add3A_348, %dma_wait3A_525] : memref<2048x2048xf32, #tpu.memory_space<hbm>> -> memref<1x2048xf32, #tpu.memory_space<hbm>>
    %dma_wait3A_527 = tpu.memref_squeeze %dma_wait3A_526 : memref<1x2048xf32, #tpu.memory_space<hbm>> -> memref<2048xf32, #tpu.memory_space<hbm>>
    %dma_wait3A_528 = tpu.memref_slice %arg13[%add3A_346] : memref<1048592xf32, #tpu.memory_space<vmem_shared>> -> memref<2048xf32, #tpu.memory_space<vmem_shared>>
    tpu.wait_dma2 semaphore(%arg14 : memref<!tpu.dma_semaphore, #tpu.memory_space<semaphore_mem>>) src(%dma_wait3A_528 : memref<2048xf32, #tpu.memory_space<vmem_shared>>) dst(%dma_wait3A_527 : memref<2048xf32, #tpu.memory_space<hbm>>)
    %dma_wait3A_529 = arith.constant 0 : i32
    %dma_wait3A_530 = tpu.memref_slice %arg5[%add3A_358, %dma_wait3A_529] : memref<2048x2048xf32, #tpu.memory_space<hbm>> -> memref<1x2048xf32, #tpu.memory_space<hbm>>
    %dma_wait3A_531 = tpu.memref_squeeze %dma_wait3A_530 : memref<1x2048xf32, #tpu.memory_space<hbm>> -> memref<2048xf32, #tpu.memory_space<hbm>>
    %dma_wait3A_532 = tpu.memref_slice %arg13[%add3A_356] : memref<1048592xf32, #tpu.memory_space<vmem_shared>> -> memref<2048xf32, #tpu.memory_space<vmem_shared>>
    tpu.wait_dma2 semaphore(%arg14 : memref<!tpu.dma_semaphore, #tpu.memory_space<semaphore_mem>>) src(%dma_wait3A_532 : memref<2048xf32, #tpu.memory_space<vmem_shared>>) dst(%dma_wait3A_531 : memref<2048xf32, #tpu.memory_space<hbm>>)
    %dma_wait3A_533 = arith.constant 0 : i32
    %dma_wait3A_534 = tpu.memref_slice %arg5[%add3A_368, %dma_wait3A_533] : memref<2048x2048xf32, #tpu.memory_space<hbm>> -> memref<1x2048xf32, #tpu.memory_space<hbm>>
    %dma_wait3A_535 = tpu.memref_squeeze %dma_wait3A_534 : memref<1x2048xf32, #tpu.memory_space<hbm>> -> memref<2048xf32, #tpu.memory_space<hbm>>
    %dma_wait3A_536 = tpu.memref_slice %arg13[%add3A_366] : memref<1048592xf32, #tpu.memory_space<vmem_shared>> -> memref<2048xf32, #tpu.memory_space<vmem_shared>>
    tpu.wait_dma2 semaphore(%arg14 : memref<!tpu.dma_semaphore, #tpu.memory_space<semaphore_mem>>) src(%dma_wait3A_536 : memref<2048xf32, #tpu.memory_space<vmem_shared>>) dst(%dma_wait3A_535 : memref<2048xf32, #tpu.memory_space<hbm>>)
    %dma_wait3A_537 = arith.constant 0 : i32
    %dma_wait3A_538 = tpu.memref_slice %arg5[%add3A_378, %dma_wait3A_537] : memref<2048x2048xf32, #tpu.memory_space<hbm>> -> memref<1x2048xf32, #tpu.memory_space<hbm>>
    %dma_wait3A_539 = tpu.memref_squeeze %dma_wait3A_538 : memref<1x2048xf32, #tpu.memory_space<hbm>> -> memref<2048xf32, #tpu.memory_space<hbm>>
    %dma_wait3A_540 = tpu.memref_slice %arg13[%add3A_376] : memref<1048592xf32, #tpu.memory_space<vmem_shared>> -> memref<2048xf32, #tpu.memory_space<vmem_shared>>
    tpu.wait_dma2 semaphore(%arg14 : memref<!tpu.dma_semaphore, #tpu.memory_space<semaphore_mem>>) src(%dma_wait3A_540 : memref<2048xf32, #tpu.memory_space<vmem_shared>>) dst(%dma_wait3A_539 : memref<2048xf32, #tpu.memory_space<hbm>>)
    %dma_wait3A_541 = arith.constant 0 : i32
    %dma_wait3A_542 = tpu.memref_slice %arg5[%add3A_388, %dma_wait3A_541] : memref<2048x2048xf32, #tpu.memory_space<hbm>> -> memref<1x2048xf32, #tpu.memory_space<hbm>>
    %dma_wait3A_543 = tpu.memref_squeeze %dma_wait3A_542 : memref<1x2048xf32, #tpu.memory_space<hbm>> -> memref<2048xf32, #tpu.memory_space<hbm>>
    %dma_wait3A_544 = tpu.memref_slice %arg13[%add3A_386] : memref<1048592xf32, #tpu.memory_space<vmem_shared>> -> memref<2048xf32, #tpu.memory_space<vmem_shared>>
    tpu.wait_dma2 semaphore(%arg14 : memref<!tpu.dma_semaphore, #tpu.memory_space<semaphore_mem>>) src(%dma_wait3A_544 : memref<2048xf32, #tpu.memory_space<vmem_shared>>) dst(%dma_wait3A_543 : memref<2048xf32, #tpu.memory_space<hbm>>)
    %dma_wait3A_545 = arith.constant 0 : i32
    %dma_wait3A_546 = tpu.memref_slice %arg5[%add3A_398, %dma_wait3A_545] : memref<2048x2048xf32, #tpu.memory_space<hbm>> -> memref<1x2048xf32, #tpu.memory_space<hbm>>
    %dma_wait3A_547 = tpu.memref_squeeze %dma_wait3A_546 : memref<1x2048xf32, #tpu.memory_space<hbm>> -> memref<2048xf32, #tpu.memory_space<hbm>>
    %dma_wait3A_548 = tpu.memref_slice %arg13[%add3A_396] : memref<1048592xf32, #tpu.memory_space<vmem_shared>> -> memref<2048xf32, #tpu.memory_space<vmem_shared>>
    tpu.wait_dma2 semaphore(%arg14 : memref<!tpu.dma_semaphore, #tpu.memory_space<semaphore_mem>>) src(%dma_wait3A_548 : memref<2048xf32, #tpu.memory_space<vmem_shared>>) dst(%dma_wait3A_547 : memref<2048xf32, #tpu.memory_space<hbm>>)
    %dma_wait3A_549 = arith.constant 0 : i32
    %dma_wait3A_550 = tpu.memref_slice %arg5[%add3A_408, %dma_wait3A_549] : memref<2048x2048xf32, #tpu.memory_space<hbm>> -> memref<1x2048xf32, #tpu.memory_space<hbm>>
    %dma_wait3A_551 = tpu.memref_squeeze %dma_wait3A_550 : memref<1x2048xf32, #tpu.memory_space<hbm>> -> memref<2048xf32, #tpu.memory_space<hbm>>
    %dma_wait3A_552 = tpu.memref_slice %arg13[%add3A_406] : memref<1048592xf32, #tpu.memory_space<vmem_shared>> -> memref<2048xf32, #tpu.memory_space<vmem_shared>>
    tpu.wait_dma2 semaphore(%arg14 : memref<!tpu.dma_semaphore, #tpu.memory_space<semaphore_mem>>) src(%dma_wait3A_552 : memref<2048xf32, #tpu.memory_space<vmem_shared>>) dst(%dma_wait3A_551 : memref<2048xf32, #tpu.memory_space<hbm>>)
    %dma_wait3A_553 = arith.constant 0 : i32
    %dma_wait3A_554 = tpu.memref_slice %arg5[%add3A_418, %dma_wait3A_553] : memref<2048x2048xf32, #tpu.memory_space<hbm>> -> memref<1x2048xf32, #tpu.memory_space<hbm>>
    %dma_wait3A_555 = tpu.memref_squeeze %dma_wait3A_554 : memref<1x2048xf32, #tpu.memory_space<hbm>> -> memref<2048xf32, #tpu.memory_space<hbm>>
    %dma_wait3A_556 = tpu.memref_slice %arg13[%add3A_416] : memref<1048592xf32, #tpu.memory_space<vmem_shared>> -> memref<2048xf32, #tpu.memory_space<vmem_shared>>
    tpu.wait_dma2 semaphore(%arg14 : memref<!tpu.dma_semaphore, #tpu.memory_space<semaphore_mem>>) src(%dma_wait3A_556 : memref<2048xf32, #tpu.memory_space<vmem_shared>>) dst(%dma_wait3A_555 : memref<2048xf32, #tpu.memory_space<hbm>>)
    %dma_wait3A_557 = arith.constant 0 : i32
    %dma_wait3A_558 = tpu.memref_slice %arg5[%add3A_428, %dma_wait3A_557] : memref<2048x2048xf32, #tpu.memory_space<hbm>> -> memref<1x2048xf32, #tpu.memory_space<hbm>>
    %dma_wait3A_559 = tpu.memref_squeeze %dma_wait3A_558 : memref<1x2048xf32, #tpu.memory_space<hbm>> -> memref<2048xf32, #tpu.memory_space<hbm>>
    %dma_wait3A_560 = tpu.memref_slice %arg13[%add3A_426] : memref<1048592xf32, #tpu.memory_space<vmem_shared>> -> memref<2048xf32, #tpu.memory_space<vmem_shared>>
    tpu.wait_dma2 semaphore(%arg14 : memref<!tpu.dma_semaphore, #tpu.memory_space<semaphore_mem>>) src(%dma_wait3A_560 : memref<2048xf32, #tpu.memory_space<vmem_shared>>) dst(%dma_wait3A_559 : memref<2048xf32, #tpu.memory_space<hbm>>)
    %barrier3A_561 = arith.constant 0 : index
    tpu.barrier barrier_id(%barrier3A_561)
    %mul3A_562 = arith.constant 1024 : i32
    %mul3A_563 = arith.muli %arg0, %mul3A_562 : i32
    %add3A_564 = arith.constant 512 : i32
    %add3A_565 = arith.addi %mul3A_563, %add3A_564 : i32
    %mul3A_566 = arith.constant 65536 : i32
    %mul3A_567 = arith.muli %arg1, %mul3A_566 : i32
    %add3A_568 = arith.constant 0 : i32
    %add3A_569 = arith.addi %mul3A_567, %add3A_568 : i32
    %dma_start3A_570 = tpu.memref_slice %arg13[%add3A_569] : memref<1048592xf32, #tpu.memory_space<vmem_shared>> -> memref<8192xf32, #tpu.memory_space<vmem_shared>>
    %dma_start3A_571 = tpu.memref_slice %arg13[%add3A_569] : memref<1048592xf32, #tpu.memory_space<vmem_shared>> -> memref<8192xf32, #tpu.memory_space<vmem_shared>>
    tpu.enqueue_dma source(%arg11 : memref<8192xf32, #tpu.memory_space<vmem>>) target(%dma_start3A_571 : memref<8192xf32, #tpu.memory_space<vmem_shared>>) target_semaphore(%arg14 : memref<!tpu.dma_semaphore, #tpu.memory_space<semaphore_mem>>)
    %mul3A_572 = arith.constant 65536 : i32
    %mul3A_573 = arith.muli %arg1, %mul3A_572 : i32
    %add3A_574 = arith.constant 8192 : i32
    %add3A_575 = arith.addi %mul3A_573, %add3A_574 : i32
    %dma_start3A_576 = tpu.memref_slice %arg13[%add3A_575] : memref<1048592xf32, #tpu.memory_space<vmem_shared>> -> memref<8192xf32, #tpu.memory_space<vmem_shared>>
    %dma_start3A_577 = tpu.memref_slice %arg13[%add3A_575] : memref<1048592xf32, #tpu.memory_space<vmem_shared>> -> memref<8192xf32, #tpu.memory_space<vmem_shared>>
    tpu.enqueue_dma source(%arg11 : memref<8192xf32, #tpu.memory_space<vmem>>) target(%dma_start3A_577 : memref<8192xf32, #tpu.memory_space<vmem_shared>>) target_semaphore(%arg14 : memref<!tpu.dma_semaphore, #tpu.memory_space<semaphore_mem>>)
    %mul3A_578 = arith.constant 65536 : i32
    %mul3A_579 = arith.muli %arg1, %mul3A_578 : i32
    %add3A_580 = arith.constant 16384 : i32
    %add3A_581 = arith.addi %mul3A_579, %add3A_580 : i32
    %dma_start3A_582 = tpu.memref_slice %arg13[%add3A_581] : memref<1048592xf32, #tpu.memory_space<vmem_shared>> -> memref<8192xf32, #tpu.memory_space<vmem_shared>>
    %dma_start3A_583 = tpu.memref_slice %arg13[%add3A_581] : memref<1048592xf32, #tpu.memory_space<vmem_shared>> -> memref<8192xf32, #tpu.memory_space<vmem_shared>>
    tpu.enqueue_dma source(%arg11 : memref<8192xf32, #tpu.memory_space<vmem>>) target(%dma_start3A_583 : memref<8192xf32, #tpu.memory_space<vmem_shared>>) target_semaphore(%arg14 : memref<!tpu.dma_semaphore, #tpu.memory_space<semaphore_mem>>)
    %mul3A_584 = arith.constant 65536 : i32
    %mul3A_585 = arith.muli %arg1, %mul3A_584 : i32
    %add3A_586 = arith.constant 24576 : i32
    %add3A_587 = arith.addi %mul3A_585, %add3A_586 : i32
    %dma_start3A_588 = tpu.memref_slice %arg13[%add3A_587] : memref<1048592xf32, #tpu.memory_space<vmem_shared>> -> memref<8192xf32, #tpu.memory_space<vmem_shared>>
    %dma_start3A_589 = tpu.memref_slice %arg13[%add3A_587] : memref<1048592xf32, #tpu.memory_space<vmem_shared>> -> memref<8192xf32, #tpu.memory_space<vmem_shared>>
    tpu.enqueue_dma source(%arg11 : memref<8192xf32, #tpu.memory_space<vmem>>) target(%dma_start3A_589 : memref<8192xf32, #tpu.memory_space<vmem_shared>>) target_semaphore(%arg14 : memref<!tpu.dma_semaphore, #tpu.memory_space<semaphore_mem>>)
    %mul3A_590 = arith.constant 65536 : i32
    %mul3A_591 = arith.muli %arg1, %mul3A_590 : i32
    %add3A_592 = arith.constant 32768 : i32
    %add3A_593 = arith.addi %mul3A_591, %add3A_592 : i32
    %dma_start3A_594 = tpu.memref_slice %arg13[%add3A_593] : memref<1048592xf32, #tpu.memory_space<vmem_shared>> -> memref<8192xf32, #tpu.memory_space<vmem_shared>>
    %dma_start3A_595 = tpu.memref_slice %arg13[%add3A_593] : memref<1048592xf32, #tpu.memory_space<vmem_shared>> -> memref<8192xf32, #tpu.memory_space<vmem_shared>>
    tpu.enqueue_dma source(%arg11 : memref<8192xf32, #tpu.memory_space<vmem>>) target(%dma_start3A_595 : memref<8192xf32, #tpu.memory_space<vmem_shared>>) target_semaphore(%arg14 : memref<!tpu.dma_semaphore, #tpu.memory_space<semaphore_mem>>)
    %mul3A_596 = arith.constant 65536 : i32
    %mul3A_597 = arith.muli %arg1, %mul3A_596 : i32
    %add3A_598 = arith.constant 40960 : i32
    %add3A_599 = arith.addi %mul3A_597, %add3A_598 : i32
    %dma_start3A_600 = tpu.memref_slice %arg13[%add3A_599] : memref<1048592xf32, #tpu.memory_space<vmem_shared>> -> memref<8192xf32, #tpu.memory_space<vmem_shared>>
    %dma_start3A_601 = tpu.memref_slice %arg13[%add3A_599] : memref<1048592xf32, #tpu.memory_space<vmem_shared>> -> memref<8192xf32, #tpu.memory_space<vmem_shared>>
    tpu.enqueue_dma source(%arg11 : memref<8192xf32, #tpu.memory_space<vmem>>) target(%dma_start3A_601 : memref<8192xf32, #tpu.memory_space<vmem_shared>>) target_semaphore(%arg14 : memref<!tpu.dma_semaphore, #tpu.memory_space<semaphore_mem>>)
    %mul3A_602 = arith.constant 65536 : i32
    %mul3A_603 = arith.muli %arg1, %mul3A_602 : i32
    %add3A_604 = arith.constant 49152 : i32
    %add3A_605 = arith.addi %mul3A_603, %add3A_604 : i32
    %dma_start3A_606 = tpu.memref_slice %arg13[%add3A_605] : memref<1048592xf32, #tpu.memory_space<vmem_shared>> -> memref<8192xf32, #tpu.memory_space<vmem_shared>>
    %dma_start3A_607 = tpu.memref_slice %arg13[%add3A_605] : memref<1048592xf32, #tpu.memory_space<vmem_shared>> -> memref<8192xf32, #tpu.memory_space<vmem_shared>>
    tpu.enqueue_dma source(%arg11 : memref<8192xf32, #tpu.memory_space<vmem>>) target(%dma_start3A_607 : memref<8192xf32, #tpu.memory_space<vmem_shared>>) target_semaphore(%arg14 : memref<!tpu.dma_semaphore, #tpu.memory_space<semaphore_mem>>)
    %mul3A_608 = arith.constant 65536 : i32
    %mul3A_609 = arith.muli %arg1, %mul3A_608 : i32
    %add3A_610 = arith.constant 57344 : i32
    %add3A_611 = arith.addi %mul3A_609, %add3A_610 : i32
    %dma_start3A_612 = tpu.memref_slice %arg13[%add3A_611] : memref<1048592xf32, #tpu.memory_space<vmem_shared>> -> memref<8192xf32, #tpu.memory_space<vmem_shared>>
    %dma_start3A_613 = tpu.memref_slice %arg13[%add3A_611] : memref<1048592xf32, #tpu.memory_space<vmem_shared>> -> memref<8192xf32, #tpu.memory_space<vmem_shared>>
    tpu.enqueue_dma source(%arg11 : memref<8192xf32, #tpu.memory_space<vmem>>) target(%dma_start3A_613 : memref<8192xf32, #tpu.memory_space<vmem_shared>>) target_semaphore(%arg14 : memref<!tpu.dma_semaphore, #tpu.memory_space<semaphore_mem>>)
    %parallel_loop3A_614 = arith.constant 0 : i32
    %parallel_loop3A_615 = arith.constant 256 : i32
    %parallel_loop3A_616 = arith.constant 1 : i32
    scf.for %parallel_loop3A_1107 = %parallel_loop3A_614 to %parallel_loop3A_615 step %parallel_loop3A_616  : i32 {
      %parallel_loop3A_1108 = arith.constant 16 : i32
      %parallel_loop3A_1109 = arith.muli %parallel_loop3A_1107, %parallel_loop3A_1108 : i32
      %parallel_loop3A_1110 = arith.index_cast %parallel_loop3A_1109 : i32 to index
      %parallel_loop3A_1111 = tpu.vector_load %arg6[%parallel_loop3A_1110] {strides = array<i32>} : memref<4096xi32, #tpu.memory_space<vmem>>, vector<16xi32>,
      %parallel_loop3A_1112 = vector.shape_cast %parallel_loop3A_1111 : vector<16xi32> to vector<16xi32>
      %parallel_loop3A_1113 = arith.constant 16 : i32
      %parallel_loop3A_1114 = arith.muli %parallel_loop3A_1107, %parallel_loop3A_1113 : i32
      %parallel_loop3A_1115 = arith.index_cast %parallel_loop3A_1114 : i32 to index
      %parallel_loop3A_1116 = tpu.vector_load %arg7[%parallel_loop3A_1115] {strides = array<i32>} : memref<4096xi32, #tpu.memory_space<vmem>>, vector<16xi32>,
      %parallel_loop3A_1117 = vector.shape_cast %parallel_loop3A_1116 : vector<16xi32> to vector<16xi32>
      %parallel_loop3A_1118 = vector.broadcast %add3A_565 : i32 to vector<16xi32>
      %parallel_loop3A_1119 = arith.subi %parallel_loop3A_1112, %parallel_loop3A_1118 : vector<16xi32>
      %parallel_loop3A_1120 = arith.constant 0 : i32
      %parallel_loop3A_1121 = vector.broadcast %parallel_loop3A_1120 : i32 to vector<16xi32>
      %parallel_loop3A_1122 = arith.cmpi sge, %parallel_loop3A_1119, %parallel_loop3A_1121 : vector<16xi32>
      %parallel_loop3A_1123 = arith.constant 512 : i32
      %parallel_loop3A_1124 = vector.broadcast %parallel_loop3A_1123 : i32 to vector<16xi32>
      %parallel_loop3A_1125 = arith.cmpi slt, %parallel_loop3A_1119, %parallel_loop3A_1124 : vector<16xi32>
      %parallel_loop3A_1126 = arith.andi %parallel_loop3A_1122, %parallel_loop3A_1125 : vector<16xi1>
      %parallel_loop3A_1127 = arith.constant 2048 : i32
      %parallel_loop3A_1128 = vector.broadcast %parallel_loop3A_1127 : i32 to vector<16xi32>
      %parallel_loop3A_1129 = arith.muli %parallel_loop3A_1119, %parallel_loop3A_1128 : vector<16xi32>
      %parallel_loop3A_1130 = arith.addi %parallel_loop3A_1129, %parallel_loop3A_1117 : vector<16xi32>
      %parallel_loop3A_1131 = arith.constant 1048576 : i32
      %parallel_loop3A_1132 = vector.broadcast %parallel_loop3A_1131 : i32 to vector<16xi32>
      %parallel_loop3A_1133 = arith.select %parallel_loop3A_1126, %parallel_loop3A_1130, %parallel_loop3A_1132 : vector<16xi1>, vector<16xi32>
      %parallel_loop3A_1134 = arith.constant 16 : i32
      %parallel_loop3A_1135 = arith.muli %parallel_loop3A_1107, %parallel_loop3A_1134 : i32
      %parallel_loop3A_1136 = arith.index_cast %parallel_loop3A_1135 : i32 to index
      %parallel_loop3A_1137 = tpu.vector_load %arg9[%parallel_loop3A_1136] {strides = array<i32>} : memref<4096xi32, #tpu.memory_space<vmem>>, vector<16xi32>,
      %parallel_loop3A_1138 = vector.shape_cast %parallel_loop3A_1137 : vector<16xi32> to vector<16xi32>
      %parallel_loop3A_1139 = vector.shape_cast %parallel_loop3A_1133 : vector<16xi32> to vector<16xi32>
      tpu.vector_store %arg9[%parallel_loop3A_1136], %parallel_loop3A_1139 {strides = array<i32>} : memref<4096xi32, #tpu.memory_space<vmem>>, vector<16xi32>,
    } {sc.loop_unroll_factor = 8 : i64, sc.parallel_access}
    %dma_wait3A_617 = tpu.memref_slice %arg13[%add3A_569] : memref<1048592xf32, #tpu.memory_space<vmem_shared>> -> memref<8192xf32, #tpu.memory_space<vmem_shared>>
    %dma_wait3A_618 = tpu.memref_slice %arg13[%add3A_569] : memref<1048592xf32, #tpu.memory_space<vmem_shared>> -> memref<8192xf32, #tpu.memory_space<vmem_shared>>
    tpu.wait_dma2 semaphore(%arg14 : memref<!tpu.dma_semaphore, #tpu.memory_space<semaphore_mem>>) src(%arg11 : memref<8192xf32, #tpu.memory_space<vmem>>) dst(%dma_wait3A_618 : memref<8192xf32, #tpu.memory_space<vmem_shared>>)
    %dma_wait3A_619 = tpu.memref_slice %arg13[%add3A_575] : memref<1048592xf32, #tpu.memory_space<vmem_shared>> -> memref<8192xf32, #tpu.memory_space<vmem_shared>>
    %dma_wait3A_620 = tpu.memref_slice %arg13[%add3A_575] : memref<1048592xf32, #tpu.memory_space<vmem_shared>> -> memref<8192xf32, #tpu.memory_space<vmem_shared>>
    tpu.wait_dma2 semaphore(%arg14 : memref<!tpu.dma_semaphore, #tpu.memory_space<semaphore_mem>>) src(%arg11 : memref<8192xf32, #tpu.memory_space<vmem>>) dst(%dma_wait3A_620 : memref<8192xf32, #tpu.memory_space<vmem_shared>>)
    %dma_wait3A_621 = tpu.memref_slice %arg13[%add3A_581] : memref<1048592xf32, #tpu.memory_space<vmem_shared>> -> memref<8192xf32, #tpu.memory_space<vmem_shared>>
    %dma_wait3A_622 = tpu.memref_slice %arg13[%add3A_581] : memref<1048592xf32, #tpu.memory_space<vmem_shared>> -> memref<8192xf32, #tpu.memory_space<vmem_shared>>
    tpu.wait_dma2 semaphore(%arg14 : memref<!tpu.dma_semaphore, #tpu.memory_space<semaphore_mem>>) src(%arg11 : memref<8192xf32, #tpu.memory_space<vmem>>) dst(%dma_wait3A_622 : memref<8192xf32, #tpu.memory_space<vmem_shared>>)
    %dma_wait3A_623 = tpu.memref_slice %arg13[%add3A_587] : memref<1048592xf32, #tpu.memory_space<vmem_shared>> -> memref<8192xf32, #tpu.memory_space<vmem_shared>>
    %dma_wait3A_624 = tpu.memref_slice %arg13[%add3A_587] : memref<1048592xf32, #tpu.memory_space<vmem_shared>> -> memref<8192xf32, #tpu.memory_space<vmem_shared>>
    tpu.wait_dma2 semaphore(%arg14 : memref<!tpu.dma_semaphore, #tpu.memory_space<semaphore_mem>>) src(%arg11 : memref<8192xf32, #tpu.memory_space<vmem>>) dst(%dma_wait3A_624 : memref<8192xf32, #tpu.memory_space<vmem_shared>>)
    %dma_wait3A_625 = tpu.memref_slice %arg13[%add3A_593] : memref<1048592xf32, #tpu.memory_space<vmem_shared>> -> memref<8192xf32, #tpu.memory_space<vmem_shared>>
    %dma_wait3A_626 = tpu.memref_slice %arg13[%add3A_593] : memref<1048592xf32, #tpu.memory_space<vmem_shared>> -> memref<8192xf32, #tpu.memory_space<vmem_shared>>
    tpu.wait_dma2 semaphore(%arg14 : memref<!tpu.dma_semaphore, #tpu.memory_space<semaphore_mem>>) src(%arg11 : memref<8192xf32, #tpu.memory_space<vmem>>) dst(%dma_wait3A_626 : memref<8192xf32, #tpu.memory_space<vmem_shared>>)
    %dma_wait3A_627 = tpu.memref_slice %arg13[%add3A_599] : memref<1048592xf32, #tpu.memory_space<vmem_shared>> -> memref<8192xf32, #tpu.memory_space<vmem_shared>>
    %dma_wait3A_628 = tpu.memref_slice %arg13[%add3A_599] : memref<1048592xf32, #tpu.memory_space<vmem_shared>> -> memref<8192xf32, #tpu.memory_space<vmem_shared>>
    tpu.wait_dma2 semaphore(%arg14 : memref<!tpu.dma_semaphore, #tpu.memory_space<semaphore_mem>>) src(%arg11 : memref<8192xf32, #tpu.memory_space<vmem>>) dst(%dma_wait3A_628 : memref<8192xf32, #tpu.memory_space<vmem_shared>>)
    %dma_wait3A_629 = tpu.memref_slice %arg13[%add3A_605] : memref<1048592xf32, #tpu.memory_space<vmem_shared>> -> memref<8192xf32, #tpu.memory_space<vmem_shared>>
    %dma_wait3A_630 = tpu.memref_slice %arg13[%add3A_605] : memref<1048592xf32, #tpu.memory_space<vmem_shared>> -> memref<8192xf32, #tpu.memory_space<vmem_shared>>
    tpu.wait_dma2 semaphore(%arg14 : memref<!tpu.dma_semaphore, #tpu.memory_space<semaphore_mem>>) src(%arg11 : memref<8192xf32, #tpu.memory_space<vmem>>) dst(%dma_wait3A_630 : memref<8192xf32, #tpu.memory_space<vmem_shared>>)
    %dma_wait3A_631 = tpu.memref_slice %arg13[%add3A_611] : memref<1048592xf32, #tpu.memory_space<vmem_shared>> -> memref<8192xf32, #tpu.memory_space<vmem_shared>>
    %dma_wait3A_632 = tpu.memref_slice %arg13[%add3A_611] : memref<1048592xf32, #tpu.memory_space<vmem_shared>> -> memref<8192xf32, #tpu.memory_space<vmem_shared>>
    tpu.wait_dma2 semaphore(%arg14 : memref<!tpu.dma_semaphore, #tpu.memory_space<semaphore_mem>>) src(%arg11 : memref<8192xf32, #tpu.memory_space<vmem>>) dst(%dma_wait3A_632 : memref<8192xf32, #tpu.memory_space<vmem_shared>>)
    %barrier3A_633 = arith.constant 0 : index
    tpu.barrier barrier_id(%barrier3A_633)
    %dma_start3A_634 = arith.constant 0 : i32
    %dma_start3A_635 = tpu.memref_slice %arg13[%dma_start3A_634] : memref<1048592xf32, #tpu.memory_space<vmem_shared>> -> memref<1048592xf32, #tpu.memory_space<vmem_shared>>
    tpu.enqueue_indirect_dma source(%arg8 : memref<4096xf32, #tpu.memory_space<vmem>>) target(%dma_start3A_635 : memref<1048592xf32, #tpu.memory_space<vmem_shared>>) offsets(%arg9 : memref<4096xi32, #tpu.memory_space<vmem>>) semaphore(%arg14 : memref<!tpu.dma_semaphore, #tpu.memory_space<semaphore_mem>>) {add = true}
    %dma_start3A_636 = arith.constant 0 : i32
    %dma_start3A_637 = tpu.memref_slice %arg11[%dma_start3A_636] : memref<8192xf32, #tpu.memory_space<vmem>> -> memref<128xf32, #tpu.memory_space<vmem>>
    %dma_start3A_638 = arith.constant 0 : i32
    %dma_start3A_639 = tpu.memref_slice %arg13[%dma_start3A_638] : memref<1048592xf32, #tpu.memory_space<vmem_shared>> -> memref<1048592xf32, #tpu.memory_space<vmem_shared>>
    tpu.enqueue_indirect_dma source(%dma_start3A_637 : memref<128xf32, #tpu.memory_space<vmem>>) target(%dma_start3A_639 : memref<1048592xf32, #tpu.memory_space<vmem_shared>>) offsets(%arg10 : memref<128xi32, #tpu.memory_space<vmem>>) semaphore(%arg14 : memref<!tpu.dma_semaphore, #tpu.memory_space<semaphore_mem>>) {add = true}
    %dma_start3A_640 = arith.constant 0 : i32
    %dma_start3A_641 = tpu.memref_slice %arg11[%dma_start3A_640] : memref<8192xf32, #tpu.memory_space<vmem>> -> memref<128xf32, #tpu.memory_space<vmem>>
    %dma_start3A_642 = arith.constant 0 : i32
    %dma_start3A_643 = tpu.memref_slice %arg13[%dma_start3A_642] : memref<1048592xf32, #tpu.memory_space<vmem_shared>> -> memref<1048592xf32, #tpu.memory_space<vmem_shared>>
    tpu.enqueue_indirect_dma source(%dma_start3A_641 : memref<128xf32, #tpu.memory_space<vmem>>) target(%dma_start3A_643 : memref<1048592xf32, #tpu.memory_space<vmem_shared>>) offsets(%arg10 : memref<128xi32, #tpu.memory_space<vmem>>) semaphore(%arg14 : memref<!tpu.dma_semaphore, #tpu.memory_space<semaphore_mem>>) {add = true}
    %dma_wait3A_644 = arith.constant 0 : i32
    %dma_wait3A_645 = tpu.memref_slice %arg13[%dma_wait3A_644] : memref<1048592xf32, #tpu.memory_space<vmem_shared>> -> memref<1048592xf32, #tpu.memory_space<vmem_shared>>
    tpu.wait_indirect_dma semaphore(%arg14 : memref<!tpu.dma_semaphore, #tpu.memory_space<semaphore_mem>>) src(%arg8 : memref<4096xf32, #tpu.memory_space<vmem>>) dst(%dma_wait3A_645 : memref<1048592xf32, #tpu.memory_space<vmem_shared>>)
    %dma_wait3A_646 = arith.constant 0 : i32
    %dma_wait3A_647 = tpu.memref_slice %arg11[%dma_wait3A_646] : memref<8192xf32, #tpu.memory_space<vmem>> -> memref<128xf32, #tpu.memory_space<vmem>>
    %dma_wait3A_648 = arith.constant 0 : i32
    %dma_wait3A_649 = tpu.memref_slice %arg13[%dma_wait3A_648] : memref<1048592xf32, #tpu.memory_space<vmem_shared>> -> memref<1048592xf32, #tpu.memory_space<vmem_shared>>
    tpu.wait_indirect_dma semaphore(%arg14 : memref<!tpu.dma_semaphore, #tpu.memory_space<semaphore_mem>>) src(%dma_wait3A_647 : memref<128xf32, #tpu.memory_space<vmem>>) dst(%dma_wait3A_649 : memref<1048592xf32, #tpu.memory_space<vmem_shared>>)
    %dma_wait3A_650 = arith.constant 0 : i32
    %dma_wait3A_651 = tpu.memref_slice %arg11[%dma_wait3A_650] : memref<8192xf32, #tpu.memory_space<vmem>> -> memref<128xf32, #tpu.memory_space<vmem>>
    %dma_wait3A_652 = arith.constant 0 : i32
    %dma_wait3A_653 = tpu.memref_slice %arg13[%dma_wait3A_652] : memref<1048592xf32, #tpu.memory_space<vmem_shared>> -> memref<1048592xf32, #tpu.memory_space<vmem_shared>>
    tpu.wait_indirect_dma semaphore(%arg14 : memref<!tpu.dma_semaphore, #tpu.memory_space<semaphore_mem>>) src(%dma_wait3A_651 : memref<128xf32, #tpu.memory_space<vmem>>) dst(%dma_wait3A_653 : memref<1048592xf32, #tpu.memory_space<vmem_shared>>)
    "tpu.region"() ({
      %run_scoped3A = tpu.sem_alloc : memref<!tpu.dma_semaphore, #tpu.memory_space<semaphore_mem>>
      %dma_start3A_1107 = arith.constant 0 : i32
      %dma_start3A_1108 = tpu.memref_slice %arg11[%dma_start3A_1107] : memref<8192xf32, #tpu.memory_space<vmem>> -> memref<16xf32, #tpu.memory_space<vmem>>
      %dma_start3A_1109 = arith.constant 1048576 : i32
      %dma_start3A_1110 = tpu.memref_slice %arg13[%dma_start3A_1109] : memref<1048592xf32, #tpu.memory_space<vmem_shared>> -> memref<16xf32, #tpu.memory_space<vmem_shared>>
      %dma_start3A_1111 = arith.constant 1048576 : i32
      %dma_start3A_1112 = tpu.memref_slice %arg13[%dma_start3A_1111] : memref<1048592xf32, #tpu.memory_space<vmem_shared>> -> memref<16xf32, #tpu.memory_space<vmem_shared>>
      %dma_start3A_1113 = arith.constant 0 : i32
      %dma_start3A_1114 = tpu.memref_slice %arg11[%dma_start3A_1113] : memref<8192xf32, #tpu.memory_space<vmem>> -> memref<16xf32, #tpu.memory_space<vmem>>
      tpu.enqueue_dma source(%dma_start3A_1114 : memref<16xf32, #tpu.memory_space<vmem>>) target(%dma_start3A_1112 : memref<16xf32, #tpu.memory_space<vmem_shared>>) target_semaphore(%run_scoped3A : memref<!tpu.dma_semaphore, #tpu.memory_space<semaphore_mem>>)
      %dma_wait3A_1115 = arith.constant 0 : i32
      %dma_wait3A_1116 = tpu.memref_slice %arg11[%dma_wait3A_1115] : memref<8192xf32, #tpu.memory_space<vmem>> -> memref<16xf32, #tpu.memory_space<vmem>>
      %dma_wait3A_1117 = arith.constant 1048576 : i32
      %dma_wait3A_1118 = tpu.memref_slice %arg13[%dma_wait3A_1117] : memref<1048592xf32, #tpu.memory_space<vmem_shared>> -> memref<16xf32, #tpu.memory_space<vmem_shared>>
      %dma_wait3A_1119 = arith.constant 1048576 : i32
      %dma_wait3A_1120 = tpu.memref_slice %arg13[%dma_wait3A_1119] : memref<1048592xf32, #tpu.memory_space<vmem_shared>> -> memref<16xf32, #tpu.memory_space<vmem_shared>>
      %dma_wait3A_1121 = arith.constant 0 : i32
      %dma_wait3A_1122 = tpu.memref_slice %arg11[%dma_wait3A_1121] : memref<8192xf32, #tpu.memory_space<vmem>> -> memref<16xf32, #tpu.memory_space<vmem>>
      tpu.wait_dma2 semaphore(%run_scoped3A : memref<!tpu.dma_semaphore, #tpu.memory_space<semaphore_mem>>) src(%dma_wait3A_1122 : memref<16xf32, #tpu.memory_space<vmem>>) dst(%dma_wait3A_1120 : memref<16xf32, #tpu.memory_space<vmem_shared>>)
      tpu.yield
    }) : () -> ()
    "tpu.region"() ({
      %run_scoped3A = tpu.sem_alloc : memref<!tpu.dma_semaphore, #tpu.memory_space<semaphore_mem>>
      %dma_start3A_1107 = arith.constant 1048576 : i32
      %dma_start3A_1108 = tpu.memref_slice %arg13[%dma_start3A_1107] : memref<1048592xf32, #tpu.memory_space<vmem_shared>> -> memref<16xf32, #tpu.memory_space<vmem_shared>>
      %dma_start3A_1109 = arith.constant 1048576 : i32
      %dma_start3A_1110 = tpu.memref_slice %arg13[%dma_start3A_1109] : memref<1048592xf32, #tpu.memory_space<vmem_shared>> -> memref<16xf32, #tpu.memory_space<vmem_shared>>
      tpu.enqueue_dma source(%dma_start3A_1110 : memref<16xf32, #tpu.memory_space<vmem_shared>>) target(%arg12 : memref<16xf32, #tpu.memory_space<vmem>>) target_semaphore(%run_scoped3A : memref<!tpu.dma_semaphore, #tpu.memory_space<semaphore_mem>>)
      %dma_wait3A_1111 = arith.constant 1048576 : i32
      %dma_wait3A_1112 = tpu.memref_slice %arg13[%dma_wait3A_1111] : memref<1048592xf32, #tpu.memory_space<vmem_shared>> -> memref<16xf32, #tpu.memory_space<vmem_shared>>
      %dma_wait3A_1113 = arith.constant 1048576 : i32
      %dma_wait3A_1114 = tpu.memref_slice %arg13[%dma_wait3A_1113] : memref<1048592xf32, #tpu.memory_space<vmem_shared>> -> memref<16xf32, #tpu.memory_space<vmem_shared>>
      tpu.wait_dma2 semaphore(%run_scoped3A : memref<!tpu.dma_semaphore, #tpu.memory_space<semaphore_mem>>) src(%dma_wait3A_1114 : memref<16xf32, #tpu.memory_space<vmem_shared>>) dst(%arg12 : memref<16xf32, #tpu.memory_space<vmem>>)
      tpu.yield
    }) : () -> ()
    %barrier3A_654 = arith.constant 0 : index
    tpu.barrier barrier_id(%barrier3A_654)
    %mul3A_655 = arith.constant 32 : i32
    %mul3A_656 = arith.muli %arg1, %mul3A_655 : i32
    %add3A_657 = arith.addi %add3A_565, %mul3A_656 : i32
    %mul3A_658 = arith.constant 65536 : i32
    %mul3A_659 = arith.muli %arg1, %mul3A_658 : i32
    %add3A_660 = arith.constant 0 : i32
    %add3A_661 = arith.addi %mul3A_659, %add3A_660 : i32
    %add3A_662 = arith.constant 0 : i32
    %add3A_663 = arith.addi %add3A_657, %add3A_662 : i32
    %dma_start3A_664 = arith.constant 0 : i32
    %dma_start3A_665 = tpu.memref_slice %arg5[%add3A_663, %dma_start3A_664] : memref<2048x2048xf32, #tpu.memory_space<hbm>> -> memref<1x2048xf32, #tpu.memory_space<hbm>>
    %dma_start3A_666 = tpu.memref_squeeze %dma_start3A_665 : memref<1x2048xf32, #tpu.memory_space<hbm>> -> memref<2048xf32, #tpu.memory_space<hbm>>
    %dma_start3A_667 = tpu.memref_slice %arg13[%add3A_661] : memref<1048592xf32, #tpu.memory_space<vmem_shared>> -> memref<2048xf32, #tpu.memory_space<vmem_shared>>
    tpu.enqueue_dma source(%dma_start3A_667 : memref<2048xf32, #tpu.memory_space<vmem_shared>>) target(%dma_start3A_666 : memref<2048xf32, #tpu.memory_space<hbm>>) target_semaphore(%arg14 : memref<!tpu.dma_semaphore, #tpu.memory_space<semaphore_mem>>)
    %mul3A_668 = arith.constant 65536 : i32
    %mul3A_669 = arith.muli %arg1, %mul3A_668 : i32
    %add3A_670 = arith.constant 2048 : i32
    %add3A_671 = arith.addi %mul3A_669, %add3A_670 : i32
    %add3A_672 = arith.constant 1 : i32
    %add3A_673 = arith.addi %add3A_657, %add3A_672 : i32
    %dma_start3A_674 = arith.constant 0 : i32
    %dma_start3A_675 = tpu.memref_slice %arg5[%add3A_673, %dma_start3A_674] : memref<2048x2048xf32, #tpu.memory_space<hbm>> -> memref<1x2048xf32, #tpu.memory_space<hbm>>
    %dma_start3A_676 = tpu.memref_squeeze %dma_start3A_675 : memref<1x2048xf32, #tpu.memory_space<hbm>> -> memref<2048xf32, #tpu.memory_space<hbm>>
    %dma_start3A_677 = tpu.memref_slice %arg13[%add3A_671] : memref<1048592xf32, #tpu.memory_space<vmem_shared>> -> memref<2048xf32, #tpu.memory_space<vmem_shared>>
    tpu.enqueue_dma source(%dma_start3A_677 : memref<2048xf32, #tpu.memory_space<vmem_shared>>) target(%dma_start3A_676 : memref<2048xf32, #tpu.memory_space<hbm>>) target_semaphore(%arg14 : memref<!tpu.dma_semaphore, #tpu.memory_space<semaphore_mem>>)
    %mul3A_678 = arith.constant 65536 : i32
    %mul3A_679 = arith.muli %arg1, %mul3A_678 : i32
    %add3A_680 = arith.constant 4096 : i32
    %add3A_681 = arith.addi %mul3A_679, %add3A_680 : i32
    %add3A_682 = arith.constant 2 : i32
    %add3A_683 = arith.addi %add3A_657, %add3A_682 : i32
    %dma_start3A_684 = arith.constant 0 : i32
    %dma_start3A_685 = tpu.memref_slice %arg5[%add3A_683, %dma_start3A_684] : memref<2048x2048xf32, #tpu.memory_space<hbm>> -> memref<1x2048xf32, #tpu.memory_space<hbm>>
    %dma_start3A_686 = tpu.memref_squeeze %dma_start3A_685 : memref<1x2048xf32, #tpu.memory_space<hbm>> -> memref<2048xf32, #tpu.memory_space<hbm>>
    %dma_start3A_687 = tpu.memref_slice %arg13[%add3A_681] : memref<1048592xf32, #tpu.memory_space<vmem_shared>> -> memref<2048xf32, #tpu.memory_space<vmem_shared>>
    tpu.enqueue_dma source(%dma_start3A_687 : memref<2048xf32, #tpu.memory_space<vmem_shared>>) target(%dma_start3A_686 : memref<2048xf32, #tpu.memory_space<hbm>>) target_semaphore(%arg14 : memref<!tpu.dma_semaphore, #tpu.memory_space<semaphore_mem>>)
    %mul3A_688 = arith.constant 65536 : i32
    %mul3A_689 = arith.muli %arg1, %mul3A_688 : i32
    %add3A_690 = arith.constant 6144 : i32
    %add3A_691 = arith.addi %mul3A_689, %add3A_690 : i32
    %add3A_692 = arith.constant 3 : i32
    %add3A_693 = arith.addi %add3A_657, %add3A_692 : i32
    %dma_start3A_694 = arith.constant 0 : i32
    %dma_start3A_695 = tpu.memref_slice %arg5[%add3A_693, %dma_start3A_694] : memref<2048x2048xf32, #tpu.memory_space<hbm>> -> memref<1x2048xf32, #tpu.memory_space<hbm>>
    %dma_start3A_696 = tpu.memref_squeeze %dma_start3A_695 : memref<1x2048xf32, #tpu.memory_space<hbm>> -> memref<2048xf32, #tpu.memory_space<hbm>>
    %dma_start3A_697 = tpu.memref_slice %arg13[%add3A_691] : memref<1048592xf32, #tpu.memory_space<vmem_shared>> -> memref<2048xf32, #tpu.memory_space<vmem_shared>>
    tpu.enqueue_dma source(%dma_start3A_697 : memref<2048xf32, #tpu.memory_space<vmem_shared>>) target(%dma_start3A_696 : memref<2048xf32, #tpu.memory_space<hbm>>) target_semaphore(%arg14 : memref<!tpu.dma_semaphore, #tpu.memory_space<semaphore_mem>>)
    %mul3A_698 = arith.constant 65536 : i32
    %mul3A_699 = arith.muli %arg1, %mul3A_698 : i32
    %add3A_700 = arith.constant 8192 : i32
    %add3A_701 = arith.addi %mul3A_699, %add3A_700 : i32
    %add3A_702 = arith.constant 4 : i32
    %add3A_703 = arith.addi %add3A_657, %add3A_702 : i32
    %dma_start3A_704 = arith.constant 0 : i32
    %dma_start3A_705 = tpu.memref_slice %arg5[%add3A_703, %dma_start3A_704] : memref<2048x2048xf32, #tpu.memory_space<hbm>> -> memref<1x2048xf32, #tpu.memory_space<hbm>>
    %dma_start3A_706 = tpu.memref_squeeze %dma_start3A_705 : memref<1x2048xf32, #tpu.memory_space<hbm>> -> memref<2048xf32, #tpu.memory_space<hbm>>
    %dma_start3A_707 = tpu.memref_slice %arg13[%add3A_701] : memref<1048592xf32, #tpu.memory_space<vmem_shared>> -> memref<2048xf32, #tpu.memory_space<vmem_shared>>
    tpu.enqueue_dma source(%dma_start3A_707 : memref<2048xf32, #tpu.memory_space<vmem_shared>>) target(%dma_start3A_706 : memref<2048xf32, #tpu.memory_space<hbm>>) target_semaphore(%arg14 : memref<!tpu.dma_semaphore, #tpu.memory_space<semaphore_mem>>)
    %mul3A_708 = arith.constant 65536 : i32
    %mul3A_709 = arith.muli %arg1, %mul3A_708 : i32
    %add3A_710 = arith.constant 10240 : i32
    %add3A_711 = arith.addi %mul3A_709, %add3A_710 : i32
    %add3A_712 = arith.constant 5 : i32
    %add3A_713 = arith.addi %add3A_657, %add3A_712 : i32
    %dma_start3A_714 = arith.constant 0 : i32
    %dma_start3A_715 = tpu.memref_slice %arg5[%add3A_713, %dma_start3A_714] : memref<2048x2048xf32, #tpu.memory_space<hbm>> -> memref<1x2048xf32, #tpu.memory_space<hbm>>
    %dma_start3A_716 = tpu.memref_squeeze %dma_start3A_715 : memref<1x2048xf32, #tpu.memory_space<hbm>> -> memref<2048xf32, #tpu.memory_space<hbm>>
    %dma_start3A_717 = tpu.memref_slice %arg13[%add3A_711] : memref<1048592xf32, #tpu.memory_space<vmem_shared>> -> memref<2048xf32, #tpu.memory_space<vmem_shared>>
    tpu.enqueue_dma source(%dma_start3A_717 : memref<2048xf32, #tpu.memory_space<vmem_shared>>) target(%dma_start3A_716 : memref<2048xf32, #tpu.memory_space<hbm>>) target_semaphore(%arg14 : memref<!tpu.dma_semaphore, #tpu.memory_space<semaphore_mem>>)
    %mul3A_718 = arith.constant 65536 : i32
    %mul3A_719 = arith.muli %arg1, %mul3A_718 : i32
    %add3A_720 = arith.constant 12288 : i32
    %add3A_721 = arith.addi %mul3A_719, %add3A_720 : i32
    %add3A_722 = arith.constant 6 : i32
    %add3A_723 = arith.addi %add3A_657, %add3A_722 : i32
    %dma_start3A_724 = arith.constant 0 : i32
    %dma_start3A_725 = tpu.memref_slice %arg5[%add3A_723, %dma_start3A_724] : memref<2048x2048xf32, #tpu.memory_space<hbm>> -> memref<1x2048xf32, #tpu.memory_space<hbm>>
    %dma_start3A_726 = tpu.memref_squeeze %dma_start3A_725 : memref<1x2048xf32, #tpu.memory_space<hbm>> -> memref<2048xf32, #tpu.memory_space<hbm>>
    %dma_start3A_727 = tpu.memref_slice %arg13[%add3A_721] : memref<1048592xf32, #tpu.memory_space<vmem_shared>> -> memref<2048xf32, #tpu.memory_space<vmem_shared>>
    tpu.enqueue_dma source(%dma_start3A_727 : memref<2048xf32, #tpu.memory_space<vmem_shared>>) target(%dma_start3A_726 : memref<2048xf32, #tpu.memory_space<hbm>>) target_semaphore(%arg14 : memref<!tpu.dma_semaphore, #tpu.memory_space<semaphore_mem>>)
    %mul3A_728 = arith.constant 65536 : i32
    %mul3A_729 = arith.muli %arg1, %mul3A_728 : i32
    %add3A_730 = arith.constant 14336 : i32
    %add3A_731 = arith.addi %mul3A_729, %add3A_730 : i32
    %add3A_732 = arith.constant 7 : i32
    %add3A_733 = arith.addi %add3A_657, %add3A_732 : i32
    %dma_start3A_734 = arith.constant 0 : i32
    %dma_start3A_735 = tpu.memref_slice %arg5[%add3A_733, %dma_start3A_734] : memref<2048x2048xf32, #tpu.memory_space<hbm>> -> memref<1x2048xf32, #tpu.memory_space<hbm>>
    %dma_start3A_736 = tpu.memref_squeeze %dma_start3A_735 : memref<1x2048xf32, #tpu.memory_space<hbm>> -> memref<2048xf32, #tpu.memory_space<hbm>>
    %dma_start3A_737 = tpu.memref_slice %arg13[%add3A_731] : memref<1048592xf32, #tpu.memory_space<vmem_shared>> -> memref<2048xf32, #tpu.memory_space<vmem_shared>>
    tpu.enqueue_dma source(%dma_start3A_737 : memref<2048xf32, #tpu.memory_space<vmem_shared>>) target(%dma_start3A_736 : memref<2048xf32, #tpu.memory_space<hbm>>) target_semaphore(%arg14 : memref<!tpu.dma_semaphore, #tpu.memory_space<semaphore_mem>>)
    %mul3A_738 = arith.constant 65536 : i32
    %mul3A_739 = arith.muli %arg1, %mul3A_738 : i32
    %add3A_740 = arith.constant 16384 : i32
    %add3A_741 = arith.addi %mul3A_739, %add3A_740 : i32
    %add3A_742 = arith.constant 8 : i32
    %add3A_743 = arith.addi %add3A_657, %add3A_742 : i32
    %dma_start3A_744 = arith.constant 0 : i32
    %dma_start3A_745 = tpu.memref_slice %arg5[%add3A_743, %dma_start3A_744] : memref<2048x2048xf32, #tpu.memory_space<hbm>> -> memref<1x2048xf32, #tpu.memory_space<hbm>>
    %dma_start3A_746 = tpu.memref_squeeze %dma_start3A_745 : memref<1x2048xf32, #tpu.memory_space<hbm>> -> memref<2048xf32, #tpu.memory_space<hbm>>
    %dma_start3A_747 = tpu.memref_slice %arg13[%add3A_741] : memref<1048592xf32, #tpu.memory_space<vmem_shared>> -> memref<2048xf32, #tpu.memory_space<vmem_shared>>
    tpu.enqueue_dma source(%dma_start3A_747 : memref<2048xf32, #tpu.memory_space<vmem_shared>>) target(%dma_start3A_746 : memref<2048xf32, #tpu.memory_space<hbm>>) target_semaphore(%arg14 : memref<!tpu.dma_semaphore, #tpu.memory_space<semaphore_mem>>)
    %mul3A_748 = arith.constant 65536 : i32
    %mul3A_749 = arith.muli %arg1, %mul3A_748 : i32
    %add3A_750 = arith.constant 18432 : i32
    %add3A_751 = arith.addi %mul3A_749, %add3A_750 : i32
    %add3A_752 = arith.constant 9 : i32
    %add3A_753 = arith.addi %add3A_657, %add3A_752 : i32
    %dma_start3A_754 = arith.constant 0 : i32
    %dma_start3A_755 = tpu.memref_slice %arg5[%add3A_753, %dma_start3A_754] : memref<2048x2048xf32, #tpu.memory_space<hbm>> -> memref<1x2048xf32, #tpu.memory_space<hbm>>
    %dma_start3A_756 = tpu.memref_squeeze %dma_start3A_755 : memref<1x2048xf32, #tpu.memory_space<hbm>> -> memref<2048xf32, #tpu.memory_space<hbm>>
    %dma_start3A_757 = tpu.memref_slice %arg13[%add3A_751] : memref<1048592xf32, #tpu.memory_space<vmem_shared>> -> memref<2048xf32, #tpu.memory_space<vmem_shared>>
    tpu.enqueue_dma source(%dma_start3A_757 : memref<2048xf32, #tpu.memory_space<vmem_shared>>) target(%dma_start3A_756 : memref<2048xf32, #tpu.memory_space<hbm>>) target_semaphore(%arg14 : memref<!tpu.dma_semaphore, #tpu.memory_space<semaphore_mem>>)
    %mul3A_758 = arith.constant 65536 : i32
    %mul3A_759 = arith.muli %arg1, %mul3A_758 : i32
    %add3A_760 = arith.constant 20480 : i32
    %add3A_761 = arith.addi %mul3A_759, %add3A_760 : i32
    %add3A_762 = arith.constant 10 : i32
    %add3A_763 = arith.addi %add3A_657, %add3A_762 : i32
    %dma_start3A_764 = arith.constant 0 : i32
    %dma_start3A_765 = tpu.memref_slice %arg5[%add3A_763, %dma_start3A_764] : memref<2048x2048xf32, #tpu.memory_space<hbm>> -> memref<1x2048xf32, #tpu.memory_space<hbm>>
    %dma_start3A_766 = tpu.memref_squeeze %dma_start3A_765 : memref<1x2048xf32, #tpu.memory_space<hbm>> -> memref<2048xf32, #tpu.memory_space<hbm>>
    %dma_start3A_767 = tpu.memref_slice %arg13[%add3A_761] : memref<1048592xf32, #tpu.memory_space<vmem_shared>> -> memref<2048xf32, #tpu.memory_space<vmem_shared>>
    tpu.enqueue_dma source(%dma_start3A_767 : memref<2048xf32, #tpu.memory_space<vmem_shared>>) target(%dma_start3A_766 : memref<2048xf32, #tpu.memory_space<hbm>>) target_semaphore(%arg14 : memref<!tpu.dma_semaphore, #tpu.memory_space<semaphore_mem>>)
    %mul3A_768 = arith.constant 65536 : i32
    %mul3A_769 = arith.muli %arg1, %mul3A_768 : i32
    %add3A_770 = arith.constant 22528 : i32
    %add3A_771 = arith.addi %mul3A_769, %add3A_770 : i32
    %add3A_772 = arith.constant 11 : i32
    %add3A_773 = arith.addi %add3A_657, %add3A_772 : i32
    %dma_start3A_774 = arith.constant 0 : i32
    %dma_start3A_775 = tpu.memref_slice %arg5[%add3A_773, %dma_start3A_774] : memref<2048x2048xf32, #tpu.memory_space<hbm>> -> memref<1x2048xf32, #tpu.memory_space<hbm>>
    %dma_start3A_776 = tpu.memref_squeeze %dma_start3A_775 : memref<1x2048xf32, #tpu.memory_space<hbm>> -> memref<2048xf32, #tpu.memory_space<hbm>>
    %dma_start3A_777 = tpu.memref_slice %arg13[%add3A_771] : memref<1048592xf32, #tpu.memory_space<vmem_shared>> -> memref<2048xf32, #tpu.memory_space<vmem_shared>>
    tpu.enqueue_dma source(%dma_start3A_777 : memref<2048xf32, #tpu.memory_space<vmem_shared>>) target(%dma_start3A_776 : memref<2048xf32, #tpu.memory_space<hbm>>) target_semaphore(%arg14 : memref<!tpu.dma_semaphore, #tpu.memory_space<semaphore_mem>>)
    %mul3A_778 = arith.constant 65536 : i32
    %mul3A_779 = arith.muli %arg1, %mul3A_778 : i32
    %add3A_780 = arith.constant 24576 : i32
    %add3A_781 = arith.addi %mul3A_779, %add3A_780 : i32
    %add3A_782 = arith.constant 12 : i32
    %add3A_783 = arith.addi %add3A_657, %add3A_782 : i32
    %dma_start3A_784 = arith.constant 0 : i32
    %dma_start3A_785 = tpu.memref_slice %arg5[%add3A_783, %dma_start3A_784] : memref<2048x2048xf32, #tpu.memory_space<hbm>> -> memref<1x2048xf32, #tpu.memory_space<hbm>>
    %dma_start3A_786 = tpu.memref_squeeze %dma_start3A_785 : memref<1x2048xf32, #tpu.memory_space<hbm>> -> memref<2048xf32, #tpu.memory_space<hbm>>
    %dma_start3A_787 = tpu.memref_slice %arg13[%add3A_781] : memref<1048592xf32, #tpu.memory_space<vmem_shared>> -> memref<2048xf32, #tpu.memory_space<vmem_shared>>
    tpu.enqueue_dma source(%dma_start3A_787 : memref<2048xf32, #tpu.memory_space<vmem_shared>>) target(%dma_start3A_786 : memref<2048xf32, #tpu.memory_space<hbm>>) target_semaphore(%arg14 : memref<!tpu.dma_semaphore, #tpu.memory_space<semaphore_mem>>)
    %mul3A_788 = arith.constant 65536 : i32
    %mul3A_789 = arith.muli %arg1, %mul3A_788 : i32
    %add3A_790 = arith.constant 26624 : i32
    %add3A_791 = arith.addi %mul3A_789, %add3A_790 : i32
    %add3A_792 = arith.constant 13 : i32
    %add3A_793 = arith.addi %add3A_657, %add3A_792 : i32
    %dma_start3A_794 = arith.constant 0 : i32
    %dma_start3A_795 = tpu.memref_slice %arg5[%add3A_793, %dma_start3A_794] : memref<2048x2048xf32, #tpu.memory_space<hbm>> -> memref<1x2048xf32, #tpu.memory_space<hbm>>
    %dma_start3A_796 = tpu.memref_squeeze %dma_start3A_795 : memref<1x2048xf32, #tpu.memory_space<hbm>> -> memref<2048xf32, #tpu.memory_space<hbm>>
    %dma_start3A_797 = tpu.memref_slice %arg13[%add3A_791] : memref<1048592xf32, #tpu.memory_space<vmem_shared>> -> memref<2048xf32, #tpu.memory_space<vmem_shared>>
    tpu.enqueue_dma source(%dma_start3A_797 : memref<2048xf32, #tpu.memory_space<vmem_shared>>) target(%dma_start3A_796 : memref<2048xf32, #tpu.memory_space<hbm>>) target_semaphore(%arg14 : memref<!tpu.dma_semaphore, #tpu.memory_space<semaphore_mem>>)
    %mul3A_798 = arith.constant 65536 : i32
    %mul3A_799 = arith.muli %arg1, %mul3A_798 : i32
    %add3A_800 = arith.constant 28672 : i32
    %add3A_801 = arith.addi %mul3A_799, %add3A_800 : i32
    %add3A_802 = arith.constant 14 : i32
    %add3A_803 = arith.addi %add3A_657, %add3A_802 : i32
    %dma_start3A_804 = arith.constant 0 : i32
    %dma_start3A_805 = tpu.memref_slice %arg5[%add3A_803, %dma_start3A_804] : memref<2048x2048xf32, #tpu.memory_space<hbm>> -> memref<1x2048xf32, #tpu.memory_space<hbm>>
    %dma_start3A_806 = tpu.memref_squeeze %dma_start3A_805 : memref<1x2048xf32, #tpu.memory_space<hbm>> -> memref<2048xf32, #tpu.memory_space<hbm>>
    %dma_start3A_807 = tpu.memref_slice %arg13[%add3A_801] : memref<1048592xf32, #tpu.memory_space<vmem_shared>> -> memref<2048xf32, #tpu.memory_space<vmem_shared>>
    tpu.enqueue_dma source(%dma_start3A_807 : memref<2048xf32, #tpu.memory_space<vmem_shared>>) target(%dma_start3A_806 : memref<2048xf32, #tpu.memory_space<hbm>>) target_semaphore(%arg14 : memref<!tpu.dma_semaphore, #tpu.memory_space<semaphore_mem>>)
    %mul3A_808 = arith.constant 65536 : i32
    %mul3A_809 = arith.muli %arg1, %mul3A_808 : i32
    %add3A_810 = arith.constant 30720 : i32
    %add3A_811 = arith.addi %mul3A_809, %add3A_810 : i32
    %add3A_812 = arith.constant 15 : i32
    %add3A_813 = arith.addi %add3A_657, %add3A_812 : i32
    %dma_start3A_814 = arith.constant 0 : i32
    %dma_start3A_815 = tpu.memref_slice %arg5[%add3A_813, %dma_start3A_814] : memref<2048x2048xf32, #tpu.memory_space<hbm>> -> memref<1x2048xf32, #tpu.memory_space<hbm>>
    %dma_start3A_816 = tpu.memref_squeeze %dma_start3A_815 : memref<1x2048xf32, #tpu.memory_space<hbm>> -> memref<2048xf32, #tpu.memory_space<hbm>>
    %dma_start3A_817 = tpu.memref_slice %arg13[%add3A_811] : memref<1048592xf32, #tpu.memory_space<vmem_shared>> -> memref<2048xf32, #tpu.memory_space<vmem_shared>>
    tpu.enqueue_dma source(%dma_start3A_817 : memref<2048xf32, #tpu.memory_space<vmem_shared>>) target(%dma_start3A_816 : memref<2048xf32, #tpu.memory_space<hbm>>) target_semaphore(%arg14 : memref<!tpu.dma_semaphore, #tpu.memory_space<semaphore_mem>>)
    %mul3A_818 = arith.constant 65536 : i32
    %mul3A_819 = arith.muli %arg1, %mul3A_818 : i32
    %add3A_820 = arith.constant 32768 : i32
    %add3A_821 = arith.addi %mul3A_819, %add3A_820 : i32
    %add3A_822 = arith.constant 16 : i32
    %add3A_823 = arith.addi %add3A_657, %add3A_822 : i32
    %dma_start3A_824 = arith.constant 0 : i32
    %dma_start3A_825 = tpu.memref_slice %arg5[%add3A_823, %dma_start3A_824] : memref<2048x2048xf32, #tpu.memory_space<hbm>> -> memref<1x2048xf32, #tpu.memory_space<hbm>>
    %dma_start3A_826 = tpu.memref_squeeze %dma_start3A_825 : memref<1x2048xf32, #tpu.memory_space<hbm>> -> memref<2048xf32, #tpu.memory_space<hbm>>
    %dma_start3A_827 = tpu.memref_slice %arg13[%add3A_821] : memref<1048592xf32, #tpu.memory_space<vmem_shared>> -> memref<2048xf32, #tpu.memory_space<vmem_shared>>
    tpu.enqueue_dma source(%dma_start3A_827 : memref<2048xf32, #tpu.memory_space<vmem_shared>>) target(%dma_start3A_826 : memref<2048xf32, #tpu.memory_space<hbm>>) target_semaphore(%arg14 : memref<!tpu.dma_semaphore, #tpu.memory_space<semaphore_mem>>)
    %mul3A_828 = arith.constant 65536 : i32
    %mul3A_829 = arith.muli %arg1, %mul3A_828 : i32
    %add3A_830 = arith.constant 34816 : i32
    %add3A_831 = arith.addi %mul3A_829, %add3A_830 : i32
    %add3A_832 = arith.constant 17 : i32
    %add3A_833 = arith.addi %add3A_657, %add3A_832 : i32
    %dma_start3A_834 = arith.constant 0 : i32
    %dma_start3A_835 = tpu.memref_slice %arg5[%add3A_833, %dma_start3A_834] : memref<2048x2048xf32, #tpu.memory_space<hbm>> -> memref<1x2048xf32, #tpu.memory_space<hbm>>
    %dma_start3A_836 = tpu.memref_squeeze %dma_start3A_835 : memref<1x2048xf32, #tpu.memory_space<hbm>> -> memref<2048xf32, #tpu.memory_space<hbm>>
    %dma_start3A_837 = tpu.memref_slice %arg13[%add3A_831] : memref<1048592xf32, #tpu.memory_space<vmem_shared>> -> memref<2048xf32, #tpu.memory_space<vmem_shared>>
    tpu.enqueue_dma source(%dma_start3A_837 : memref<2048xf32, #tpu.memory_space<vmem_shared>>) target(%dma_start3A_836 : memref<2048xf32, #tpu.memory_space<hbm>>) target_semaphore(%arg14 : memref<!tpu.dma_semaphore, #tpu.memory_space<semaphore_mem>>)
    %mul3A_838 = arith.constant 65536 : i32
    %mul3A_839 = arith.muli %arg1, %mul3A_838 : i32
    %add3A_840 = arith.constant 36864 : i32
    %add3A_841 = arith.addi %mul3A_839, %add3A_840 : i32
    %add3A_842 = arith.constant 18 : i32
    %add3A_843 = arith.addi %add3A_657, %add3A_842 : i32
    %dma_start3A_844 = arith.constant 0 : i32
    %dma_start3A_845 = tpu.memref_slice %arg5[%add3A_843, %dma_start3A_844] : memref<2048x2048xf32, #tpu.memory_space<hbm>> -> memref<1x2048xf32, #tpu.memory_space<hbm>>
    %dma_start3A_846 = tpu.memref_squeeze %dma_start3A_845 : memref<1x2048xf32, #tpu.memory_space<hbm>> -> memref<2048xf32, #tpu.memory_space<hbm>>
    %dma_start3A_847 = tpu.memref_slice %arg13[%add3A_841] : memref<1048592xf32, #tpu.memory_space<vmem_shared>> -> memref<2048xf32, #tpu.memory_space<vmem_shared>>
    tpu.enqueue_dma source(%dma_start3A_847 : memref<2048xf32, #tpu.memory_space<vmem_shared>>) target(%dma_start3A_846 : memref<2048xf32, #tpu.memory_space<hbm>>) target_semaphore(%arg14 : memref<!tpu.dma_semaphore, #tpu.memory_space<semaphore_mem>>)
    %mul3A_848 = arith.constant 65536 : i32
    %mul3A_849 = arith.muli %arg1, %mul3A_848 : i32
    %add3A_850 = arith.constant 38912 : i32
    %add3A_851 = arith.addi %mul3A_849, %add3A_850 : i32
    %add3A_852 = arith.constant 19 : i32
    %add3A_853 = arith.addi %add3A_657, %add3A_852 : i32
    %dma_start3A_854 = arith.constant 0 : i32
    %dma_start3A_855 = tpu.memref_slice %arg5[%add3A_853, %dma_start3A_854] : memref<2048x2048xf32, #tpu.memory_space<hbm>> -> memref<1x2048xf32, #tpu.memory_space<hbm>>
    %dma_start3A_856 = tpu.memref_squeeze %dma_start3A_855 : memref<1x2048xf32, #tpu.memory_space<hbm>> -> memref<2048xf32, #tpu.memory_space<hbm>>
    %dma_start3A_857 = tpu.memref_slice %arg13[%add3A_851] : memref<1048592xf32, #tpu.memory_space<vmem_shared>> -> memref<2048xf32, #tpu.memory_space<vmem_shared>>
    tpu.enqueue_dma source(%dma_start3A_857 : memref<2048xf32, #tpu.memory_space<vmem_shared>>) target(%dma_start3A_856 : memref<2048xf32, #tpu.memory_space<hbm>>) target_semaphore(%arg14 : memref<!tpu.dma_semaphore, #tpu.memory_space<semaphore_mem>>)
    %mul3A_858 = arith.constant 65536 : i32
    %mul3A_859 = arith.muli %arg1, %mul3A_858 : i32
    %add3A_860 = arith.constant 40960 : i32
    %add3A_861 = arith.addi %mul3A_859, %add3A_860 : i32
    %add3A_862 = arith.constant 20 : i32
    %add3A_863 = arith.addi %add3A_657, %add3A_862 : i32
    %dma_start3A_864 = arith.constant 0 : i32
    %dma_start3A_865 = tpu.memref_slice %arg5[%add3A_863, %dma_start3A_864] : memref<2048x2048xf32, #tpu.memory_space<hbm>> -> memref<1x2048xf32, #tpu.memory_space<hbm>>
    %dma_start3A_866 = tpu.memref_squeeze %dma_start3A_865 : memref<1x2048xf32, #tpu.memory_space<hbm>> -> memref<2048xf32, #tpu.memory_space<hbm>>
    %dma_start3A_867 = tpu.memref_slice %arg13[%add3A_861] : memref<1048592xf32, #tpu.memory_space<vmem_shared>> -> memref<2048xf32, #tpu.memory_space<vmem_shared>>
    tpu.enqueue_dma source(%dma_start3A_867 : memref<2048xf32, #tpu.memory_space<vmem_shared>>) target(%dma_start3A_866 : memref<2048xf32, #tpu.memory_space<hbm>>) target_semaphore(%arg14 : memref<!tpu.dma_semaphore, #tpu.memory_space<semaphore_mem>>)
    %mul3A_868 = arith.constant 65536 : i32
    %mul3A_869 = arith.muli %arg1, %mul3A_868 : i32
    %add3A_870 = arith.constant 43008 : i32
    %add3A_871 = arith.addi %mul3A_869, %add3A_870 : i32
    %add3A_872 = arith.constant 21 : i32
    %add3A_873 = arith.addi %add3A_657, %add3A_872 : i32
    %dma_start3A_874 = arith.constant 0 : i32
    %dma_start3A_875 = tpu.memref_slice %arg5[%add3A_873, %dma_start3A_874] : memref<2048x2048xf32, #tpu.memory_space<hbm>> -> memref<1x2048xf32, #tpu.memory_space<hbm>>
    %dma_start3A_876 = tpu.memref_squeeze %dma_start3A_875 : memref<1x2048xf32, #tpu.memory_space<hbm>> -> memref<2048xf32, #tpu.memory_space<hbm>>
    %dma_start3A_877 = tpu.memref_slice %arg13[%add3A_871] : memref<1048592xf32, #tpu.memory_space<vmem_shared>> -> memref<2048xf32, #tpu.memory_space<vmem_shared>>
    tpu.enqueue_dma source(%dma_start3A_877 : memref<2048xf32, #tpu.memory_space<vmem_shared>>) target(%dma_start3A_876 : memref<2048xf32, #tpu.memory_space<hbm>>) target_semaphore(%arg14 : memref<!tpu.dma_semaphore, #tpu.memory_space<semaphore_mem>>)
    %mul3A_878 = arith.constant 65536 : i32
    %mul3A_879 = arith.muli %arg1, %mul3A_878 : i32
    %add3A_880 = arith.constant 45056 : i32
    %add3A_881 = arith.addi %mul3A_879, %add3A_880 : i32
    %add3A_882 = arith.constant 22 : i32
    %add3A_883 = arith.addi %add3A_657, %add3A_882 : i32
    %dma_start3A_884 = arith.constant 0 : i32
    %dma_start3A_885 = tpu.memref_slice %arg5[%add3A_883, %dma_start3A_884] : memref<2048x2048xf32, #tpu.memory_space<hbm>> -> memref<1x2048xf32, #tpu.memory_space<hbm>>
    %dma_start3A_886 = tpu.memref_squeeze %dma_start3A_885 : memref<1x2048xf32, #tpu.memory_space<hbm>> -> memref<2048xf32, #tpu.memory_space<hbm>>
    %dma_start3A_887 = tpu.memref_slice %arg13[%add3A_881] : memref<1048592xf32, #tpu.memory_space<vmem_shared>> -> memref<2048xf32, #tpu.memory_space<vmem_shared>>
    tpu.enqueue_dma source(%dma_start3A_887 : memref<2048xf32, #tpu.memory_space<vmem_shared>>) target(%dma_start3A_886 : memref<2048xf32, #tpu.memory_space<hbm>>) target_semaphore(%arg14 : memref<!tpu.dma_semaphore, #tpu.memory_space<semaphore_mem>>)
    %mul3A_888 = arith.constant 65536 : i32
    %mul3A_889 = arith.muli %arg1, %mul3A_888 : i32
    %add3A_890 = arith.constant 47104 : i32
    %add3A_891 = arith.addi %mul3A_889, %add3A_890 : i32
    %add3A_892 = arith.constant 23 : i32
    %add3A_893 = arith.addi %add3A_657, %add3A_892 : i32
    %dma_start3A_894 = arith.constant 0 : i32
    %dma_start3A_895 = tpu.memref_slice %arg5[%add3A_893, %dma_start3A_894] : memref<2048x2048xf32, #tpu.memory_space<hbm>> -> memref<1x2048xf32, #tpu.memory_space<hbm>>
    %dma_start3A_896 = tpu.memref_squeeze %dma_start3A_895 : memref<1x2048xf32, #tpu.memory_space<hbm>> -> memref<2048xf32, #tpu.memory_space<hbm>>
    %dma_start3A_897 = tpu.memref_slice %arg13[%add3A_891] : memref<1048592xf32, #tpu.memory_space<vmem_shared>> -> memref<2048xf32, #tpu.memory_space<vmem_shared>>
    tpu.enqueue_dma source(%dma_start3A_897 : memref<2048xf32, #tpu.memory_space<vmem_shared>>) target(%dma_start3A_896 : memref<2048xf32, #tpu.memory_space<hbm>>) target_semaphore(%arg14 : memref<!tpu.dma_semaphore, #tpu.memory_space<semaphore_mem>>)
    %mul3A_898 = arith.constant 65536 : i32
    %mul3A_899 = arith.muli %arg1, %mul3A_898 : i32
    %add3A_900 = arith.constant 49152 : i32
    %add3A_901 = arith.addi %mul3A_899, %add3A_900 : i32
    %add3A_902 = arith.constant 24 : i32
    %add3A_903 = arith.addi %add3A_657, %add3A_902 : i32
    %dma_start3A_904 = arith.constant 0 : i32
    %dma_start3A_905 = tpu.memref_slice %arg5[%add3A_903, %dma_start3A_904] : memref<2048x2048xf32, #tpu.memory_space<hbm>> -> memref<1x2048xf32, #tpu.memory_space<hbm>>
    %dma_start3A_906 = tpu.memref_squeeze %dma_start3A_905 : memref<1x2048xf32, #tpu.memory_space<hbm>> -> memref<2048xf32, #tpu.memory_space<hbm>>
    %dma_start3A_907 = tpu.memref_slice %arg13[%add3A_901] : memref<1048592xf32, #tpu.memory_space<vmem_shared>> -> memref<2048xf32, #tpu.memory_space<vmem_shared>>
    tpu.enqueue_dma source(%dma_start3A_907 : memref<2048xf32, #tpu.memory_space<vmem_shared>>) target(%dma_start3A_906 : memref<2048xf32, #tpu.memory_space<hbm>>) target_semaphore(%arg14 : memref<!tpu.dma_semaphore, #tpu.memory_space<semaphore_mem>>)
    %mul3A_908 = arith.constant 65536 : i32
    %mul3A_909 = arith.muli %arg1, %mul3A_908 : i32
    %add3A_910 = arith.constant 51200 : i32
    %add3A_911 = arith.addi %mul3A_909, %add3A_910 : i32
    %add3A_912 = arith.constant 25 : i32
    %add3A_913 = arith.addi %add3A_657, %add3A_912 : i32
    %dma_start3A_914 = arith.constant 0 : i32
    %dma_start3A_915 = tpu.memref_slice %arg5[%add3A_913, %dma_start3A_914] : memref<2048x2048xf32, #tpu.memory_space<hbm>> -> memref<1x2048xf32, #tpu.memory_space<hbm>>
    %dma_start3A_916 = tpu.memref_squeeze %dma_start3A_915 : memref<1x2048xf32, #tpu.memory_space<hbm>> -> memref<2048xf32, #tpu.memory_space<hbm>>
    %dma_start3A_917 = tpu.memref_slice %arg13[%add3A_911] : memref<1048592xf32, #tpu.memory_space<vmem_shared>> -> memref<2048xf32, #tpu.memory_space<vmem_shared>>
    tpu.enqueue_dma source(%dma_start3A_917 : memref<2048xf32, #tpu.memory_space<vmem_shared>>) target(%dma_start3A_916 : memref<2048xf32, #tpu.memory_space<hbm>>) target_semaphore(%arg14 : memref<!tpu.dma_semaphore, #tpu.memory_space<semaphore_mem>>)
    %mul3A_918 = arith.constant 65536 : i32
    %mul3A_919 = arith.muli %arg1, %mul3A_918 : i32
    %add3A_920 = arith.constant 53248 : i32
    %add3A_921 = arith.addi %mul3A_919, %add3A_920 : i32
    %add3A_922 = arith.constant 26 : i32
    %add3A_923 = arith.addi %add3A_657, %add3A_922 : i32
    %dma_start3A_924 = arith.constant 0 : i32
    %dma_start3A_925 = tpu.memref_slice %arg5[%add3A_923, %dma_start3A_924] : memref<2048x2048xf32, #tpu.memory_space<hbm>> -> memref<1x2048xf32, #tpu.memory_space<hbm>>
    %dma_start3A_926 = tpu.memref_squeeze %dma_start3A_925 : memref<1x2048xf32, #tpu.memory_space<hbm>> -> memref<2048xf32, #tpu.memory_space<hbm>>
    %dma_start3A_927 = tpu.memref_slice %arg13[%add3A_921] : memref<1048592xf32, #tpu.memory_space<vmem_shared>> -> memref<2048xf32, #tpu.memory_space<vmem_shared>>
    tpu.enqueue_dma source(%dma_start3A_927 : memref<2048xf32, #tpu.memory_space<vmem_shared>>) target(%dma_start3A_926 : memref<2048xf32, #tpu.memory_space<hbm>>) target_semaphore(%arg14 : memref<!tpu.dma_semaphore, #tpu.memory_space<semaphore_mem>>)
    %mul3A_928 = arith.constant 65536 : i32
    %mul3A_929 = arith.muli %arg1, %mul3A_928 : i32
    %add3A_930 = arith.constant 55296 : i32
    %add3A_931 = arith.addi %mul3A_929, %add3A_930 : i32
    %add3A_932 = arith.constant 27 : i32
    %add3A_933 = arith.addi %add3A_657, %add3A_932 : i32
    %dma_start3A_934 = arith.constant 0 : i32
    %dma_start3A_935 = tpu.memref_slice %arg5[%add3A_933, %dma_start3A_934] : memref<2048x2048xf32, #tpu.memory_space<hbm>> -> memref<1x2048xf32, #tpu.memory_space<hbm>>
    %dma_start3A_936 = tpu.memref_squeeze %dma_start3A_935 : memref<1x2048xf32, #tpu.memory_space<hbm>> -> memref<2048xf32, #tpu.memory_space<hbm>>
    %dma_start3A_937 = tpu.memref_slice %arg13[%add3A_931] : memref<1048592xf32, #tpu.memory_space<vmem_shared>> -> memref<2048xf32, #tpu.memory_space<vmem_shared>>
    tpu.enqueue_dma source(%dma_start3A_937 : memref<2048xf32, #tpu.memory_space<vmem_shared>>) target(%dma_start3A_936 : memref<2048xf32, #tpu.memory_space<hbm>>) target_semaphore(%arg14 : memref<!tpu.dma_semaphore, #tpu.memory_space<semaphore_mem>>)
    %mul3A_938 = arith.constant 65536 : i32
    %mul3A_939 = arith.muli %arg1, %mul3A_938 : i32
    %add3A_940 = arith.constant 57344 : i32
    %add3A_941 = arith.addi %mul3A_939, %add3A_940 : i32
    %add3A_942 = arith.constant 28 : i32
    %add3A_943 = arith.addi %add3A_657, %add3A_942 : i32
    %dma_start3A_944 = arith.constant 0 : i32
    %dma_start3A_945 = tpu.memref_slice %arg5[%add3A_943, %dma_start3A_944] : memref<2048x2048xf32, #tpu.memory_space<hbm>> -> memref<1x2048xf32, #tpu.memory_space<hbm>>
    %dma_start3A_946 = tpu.memref_squeeze %dma_start3A_945 : memref<1x2048xf32, #tpu.memory_space<hbm>> -> memref<2048xf32, #tpu.memory_space<hbm>>
    %dma_start3A_947 = tpu.memref_slice %arg13[%add3A_941] : memref<1048592xf32, #tpu.memory_space<vmem_shared>> -> memref<2048xf32, #tpu.memory_space<vmem_shared>>
    tpu.enqueue_dma source(%dma_start3A_947 : memref<2048xf32, #tpu.memory_space<vmem_shared>>) target(%dma_start3A_946 : memref<2048xf32, #tpu.memory_space<hbm>>) target_semaphore(%arg14 : memref<!tpu.dma_semaphore, #tpu.memory_space<semaphore_mem>>)
    %mul3A_948 = arith.constant 65536 : i32
    %mul3A_949 = arith.muli %arg1, %mul3A_948 : i32
    %add3A_950 = arith.constant 59392 : i32
    %add3A_951 = arith.addi %mul3A_949, %add3A_950 : i32
    %add3A_952 = arith.constant 29 : i32
    %add3A_953 = arith.addi %add3A_657, %add3A_952 : i32
    %dma_start3A_954 = arith.constant 0 : i32
    %dma_start3A_955 = tpu.memref_slice %arg5[%add3A_953, %dma_start3A_954] : memref<2048x2048xf32, #tpu.memory_space<hbm>> -> memref<1x2048xf32, #tpu.memory_space<hbm>>
    %dma_start3A_956 = tpu.memref_squeeze %dma_start3A_955 : memref<1x2048xf32, #tpu.memory_space<hbm>> -> memref<2048xf32, #tpu.memory_space<hbm>>
    %dma_start3A_957 = tpu.memref_slice %arg13[%add3A_951] : memref<1048592xf32, #tpu.memory_space<vmem_shared>> -> memref<2048xf32, #tpu.memory_space<vmem_shared>>
    tpu.enqueue_dma source(%dma_start3A_957 : memref<2048xf32, #tpu.memory_space<vmem_shared>>) target(%dma_start3A_956 : memref<2048xf32, #tpu.memory_space<hbm>>) target_semaphore(%arg14 : memref<!tpu.dma_semaphore, #tpu.memory_space<semaphore_mem>>)
    %mul3A_958 = arith.constant 65536 : i32
    %mul3A_959 = arith.muli %arg1, %mul3A_958 : i32
    %add3A_960 = arith.constant 61440 : i32
    %add3A_961 = arith.addi %mul3A_959, %add3A_960 : i32
    %add3A_962 = arith.constant 30 : i32
    %add3A_963 = arith.addi %add3A_657, %add3A_962 : i32
    %dma_start3A_964 = arith.constant 0 : i32
    %dma_start3A_965 = tpu.memref_slice %arg5[%add3A_963, %dma_start3A_964] : memref<2048x2048xf32, #tpu.memory_space<hbm>> -> memref<1x2048xf32, #tpu.memory_space<hbm>>
    %dma_start3A_966 = tpu.memref_squeeze %dma_start3A_965 : memref<1x2048xf32, #tpu.memory_space<hbm>> -> memref<2048xf32, #tpu.memory_space<hbm>>
    %dma_start3A_967 = tpu.memref_slice %arg13[%add3A_961] : memref<1048592xf32, #tpu.memory_space<vmem_shared>> -> memref<2048xf32, #tpu.memory_space<vmem_shared>>
    tpu.enqueue_dma source(%dma_start3A_967 : memref<2048xf32, #tpu.memory_space<vmem_shared>>) target(%dma_start3A_966 : memref<2048xf32, #tpu.memory_space<hbm>>) target_semaphore(%arg14 : memref<!tpu.dma_semaphore, #tpu.memory_space<semaphore_mem>>)
    %mul3A_968 = arith.constant 65536 : i32
    %mul3A_969 = arith.muli %arg1, %mul3A_968 : i32
    %add3A_970 = arith.constant 63488 : i32
    %add3A_971 = arith.addi %mul3A_969, %add3A_970 : i32
    %add3A_972 = arith.constant 31 : i32
    %add3A_973 = arith.addi %add3A_657, %add3A_972 : i32
    %dma_start3A_974 = arith.constant 0 : i32
    %dma_start3A_975 = tpu.memref_slice %arg5[%add3A_973, %dma_start3A_974] : memref<2048x2048xf32, #tpu.memory_space<hbm>> -> memref<1x2048xf32, #tpu.memory_space<hbm>>
    %dma_start3A_976 = tpu.memref_squeeze %dma_start3A_975 : memref<1x2048xf32, #tpu.memory_space<hbm>> -> memref<2048xf32, #tpu.memory_space<hbm>>
    %dma_start3A_977 = tpu.memref_slice %arg13[%add3A_971] : memref<1048592xf32, #tpu.memory_space<vmem_shared>> -> memref<2048xf32, #tpu.memory_space<vmem_shared>>
    tpu.enqueue_dma source(%dma_start3A_977 : memref<2048xf32, #tpu.memory_space<vmem_shared>>) target(%dma_start3A_976 : memref<2048xf32, #tpu.memory_space<hbm>>) target_semaphore(%arg14 : memref<!tpu.dma_semaphore, #tpu.memory_space<semaphore_mem>>)
    %dma_wait3A_978 = arith.constant 0 : i32
    %dma_wait3A_979 = tpu.memref_slice %arg5[%add3A_663, %dma_wait3A_978] : memref<2048x2048xf32, #tpu.memory_space<hbm>> -> memref<1x2048xf32, #tpu.memory_space<hbm>>
    %dma_wait3A_980 = tpu.memref_squeeze %dma_wait3A_979 : memref<1x2048xf32, #tpu.memory_space<hbm>> -> memref<2048xf32, #tpu.memory_space<hbm>>
    %dma_wait3A_981 = tpu.memref_slice %arg13[%add3A_661] : memref<1048592xf32, #tpu.memory_space<vmem_shared>> -> memref<2048xf32, #tpu.memory_space<vmem_shared>>
    tpu.wait_dma2 semaphore(%arg14 : memref<!tpu.dma_semaphore, #tpu.memory_space<semaphore_mem>>) src(%dma_wait3A_981 : memref<2048xf32, #tpu.memory_space<vmem_shared>>) dst(%dma_wait3A_980 : memref<2048xf32, #tpu.memory_space<hbm>>)
    %dma_wait3A_982 = arith.constant 0 : i32
    %dma_wait3A_983 = tpu.memref_slice %arg5[%add3A_673, %dma_wait3A_982] : memref<2048x2048xf32, #tpu.memory_space<hbm>> -> memref<1x2048xf32, #tpu.memory_space<hbm>>
    %dma_wait3A_984 = tpu.memref_squeeze %dma_wait3A_983 : memref<1x2048xf32, #tpu.memory_space<hbm>> -> memref<2048xf32, #tpu.memory_space<hbm>>
    %dma_wait3A_985 = tpu.memref_slice %arg13[%add3A_671] : memref<1048592xf32, #tpu.memory_space<vmem_shared>> -> memref<2048xf32, #tpu.memory_space<vmem_shared>>
    tpu.wait_dma2 semaphore(%arg14 : memref<!tpu.dma_semaphore, #tpu.memory_space<semaphore_mem>>) src(%dma_wait3A_985 : memref<2048xf32, #tpu.memory_space<vmem_shared>>) dst(%dma_wait3A_984 : memref<2048xf32, #tpu.memory_space<hbm>>)
    %dma_wait3A_986 = arith.constant 0 : i32
    %dma_wait3A_987 = tpu.memref_slice %arg5[%add3A_683, %dma_wait3A_986] : memref<2048x2048xf32, #tpu.memory_space<hbm>> -> memref<1x2048xf32, #tpu.memory_space<hbm>>
    %dma_wait3A_988 = tpu.memref_squeeze %dma_wait3A_987 : memref<1x2048xf32, #tpu.memory_space<hbm>> -> memref<2048xf32, #tpu.memory_space<hbm>>
    %dma_wait3A_989 = tpu.memref_slice %arg13[%add3A_681] : memref<1048592xf32, #tpu.memory_space<vmem_shared>> -> memref<2048xf32, #tpu.memory_space<vmem_shared>>
    tpu.wait_dma2 semaphore(%arg14 : memref<!tpu.dma_semaphore, #tpu.memory_space<semaphore_mem>>) src(%dma_wait3A_989 : memref<2048xf32, #tpu.memory_space<vmem_shared>>) dst(%dma_wait3A_988 : memref<2048xf32, #tpu.memory_space<hbm>>)
    %dma_wait3A_990 = arith.constant 0 : i32
    %dma_wait3A_991 = tpu.memref_slice %arg5[%add3A_693, %dma_wait3A_990] : memref<2048x2048xf32, #tpu.memory_space<hbm>> -> memref<1x2048xf32, #tpu.memory_space<hbm>>
    %dma_wait3A_992 = tpu.memref_squeeze %dma_wait3A_991 : memref<1x2048xf32, #tpu.memory_space<hbm>> -> memref<2048xf32, #tpu.memory_space<hbm>>
    %dma_wait3A_993 = tpu.memref_slice %arg13[%add3A_691] : memref<1048592xf32, #tpu.memory_space<vmem_shared>> -> memref<2048xf32, #tpu.memory_space<vmem_shared>>
    tpu.wait_dma2 semaphore(%arg14 : memref<!tpu.dma_semaphore, #tpu.memory_space<semaphore_mem>>) src(%dma_wait3A_993 : memref<2048xf32, #tpu.memory_space<vmem_shared>>) dst(%dma_wait3A_992 : memref<2048xf32, #tpu.memory_space<hbm>>)
    %dma_wait3A_994 = arith.constant 0 : i32
    %dma_wait3A_995 = tpu.memref_slice %arg5[%add3A_703, %dma_wait3A_994] : memref<2048x2048xf32, #tpu.memory_space<hbm>> -> memref<1x2048xf32, #tpu.memory_space<hbm>>
    %dma_wait3A_996 = tpu.memref_squeeze %dma_wait3A_995 : memref<1x2048xf32, #tpu.memory_space<hbm>> -> memref<2048xf32, #tpu.memory_space<hbm>>
    %dma_wait3A_997 = tpu.memref_slice %arg13[%add3A_701] : memref<1048592xf32, #tpu.memory_space<vmem_shared>> -> memref<2048xf32, #tpu.memory_space<vmem_shared>>
    tpu.wait_dma2 semaphore(%arg14 : memref<!tpu.dma_semaphore, #tpu.memory_space<semaphore_mem>>) src(%dma_wait3A_997 : memref<2048xf32, #tpu.memory_space<vmem_shared>>) dst(%dma_wait3A_996 : memref<2048xf32, #tpu.memory_space<hbm>>)
    %dma_wait3A_998 = arith.constant 0 : i32
    %dma_wait3A_999 = tpu.memref_slice %arg5[%add3A_713, %dma_wait3A_998] : memref<2048x2048xf32, #tpu.memory_space<hbm>> -> memref<1x2048xf32, #tpu.memory_space<hbm>>
    %dma_wait3A_1000 = tpu.memref_squeeze %dma_wait3A_999 : memref<1x2048xf32, #tpu.memory_space<hbm>> -> memref<2048xf32, #tpu.memory_space<hbm>>
    %dma_wait3A_1001 = tpu.memref_slice %arg13[%add3A_711] : memref<1048592xf32, #tpu.memory_space<vmem_shared>> -> memref<2048xf32, #tpu.memory_space<vmem_shared>>
    tpu.wait_dma2 semaphore(%arg14 : memref<!tpu.dma_semaphore, #tpu.memory_space<semaphore_mem>>) src(%dma_wait3A_1001 : memref<2048xf32, #tpu.memory_space<vmem_shared>>) dst(%dma_wait3A_1000 : memref<2048xf32, #tpu.memory_space<hbm>>)
    %dma_wait3A_1002 = arith.constant 0 : i32
    %dma_wait3A_1003 = tpu.memref_slice %arg5[%add3A_723, %dma_wait3A_1002] : memref<2048x2048xf32, #tpu.memory_space<hbm>> -> memref<1x2048xf32, #tpu.memory_space<hbm>>
    %dma_wait3A_1004 = tpu.memref_squeeze %dma_wait3A_1003 : memref<1x2048xf32, #tpu.memory_space<hbm>> -> memref<2048xf32, #tpu.memory_space<hbm>>
    %dma_wait3A_1005 = tpu.memref_slice %arg13[%add3A_721] : memref<1048592xf32, #tpu.memory_space<vmem_shared>> -> memref<2048xf32, #tpu.memory_space<vmem_shared>>
    tpu.wait_dma2 semaphore(%arg14 : memref<!tpu.dma_semaphore, #tpu.memory_space<semaphore_mem>>) src(%dma_wait3A_1005 : memref<2048xf32, #tpu.memory_space<vmem_shared>>) dst(%dma_wait3A_1004 : memref<2048xf32, #tpu.memory_space<hbm>>)
    %dma_wait3A_1006 = arith.constant 0 : i32
    %dma_wait3A_1007 = tpu.memref_slice %arg5[%add3A_733, %dma_wait3A_1006] : memref<2048x2048xf32, #tpu.memory_space<hbm>> -> memref<1x2048xf32, #tpu.memory_space<hbm>>
    %dma_wait3A_1008 = tpu.memref_squeeze %dma_wait3A_1007 : memref<1x2048xf32, #tpu.memory_space<hbm>> -> memref<2048xf32, #tpu.memory_space<hbm>>
    %dma_wait3A_1009 = tpu.memref_slice %arg13[%add3A_731] : memref<1048592xf32, #tpu.memory_space<vmem_shared>> -> memref<2048xf32, #tpu.memory_space<vmem_shared>>
    tpu.wait_dma2 semaphore(%arg14 : memref<!tpu.dma_semaphore, #tpu.memory_space<semaphore_mem>>) src(%dma_wait3A_1009 : memref<2048xf32, #tpu.memory_space<vmem_shared>>) dst(%dma_wait3A_1008 : memref<2048xf32, #tpu.memory_space<hbm>>)
    %dma_wait3A_1010 = arith.constant 0 : i32
    %dma_wait3A_1011 = tpu.memref_slice %arg5[%add3A_743, %dma_wait3A_1010] : memref<2048x2048xf32, #tpu.memory_space<hbm>> -> memref<1x2048xf32, #tpu.memory_space<hbm>>
    %dma_wait3A_1012 = tpu.memref_squeeze %dma_wait3A_1011 : memref<1x2048xf32, #tpu.memory_space<hbm>> -> memref<2048xf32, #tpu.memory_space<hbm>>
    %dma_wait3A_1013 = tpu.memref_slice %arg13[%add3A_741] : memref<1048592xf32, #tpu.memory_space<vmem_shared>> -> memref<2048xf32, #tpu.memory_space<vmem_shared>>
    tpu.wait_dma2 semaphore(%arg14 : memref<!tpu.dma_semaphore, #tpu.memory_space<semaphore_mem>>) src(%dma_wait3A_1013 : memref<2048xf32, #tpu.memory_space<vmem_shared>>) dst(%dma_wait3A_1012 : memref<2048xf32, #tpu.memory_space<hbm>>)
    %dma_wait3A_1014 = arith.constant 0 : i32
    %dma_wait3A_1015 = tpu.memref_slice %arg5[%add3A_753, %dma_wait3A_1014] : memref<2048x2048xf32, #tpu.memory_space<hbm>> -> memref<1x2048xf32, #tpu.memory_space<hbm>>
    %dma_wait3A_1016 = tpu.memref_squeeze %dma_wait3A_1015 : memref<1x2048xf32, #tpu.memory_space<hbm>> -> memref<2048xf32, #tpu.memory_space<hbm>>
    %dma_wait3A_1017 = tpu.memref_slice %arg13[%add3A_751] : memref<1048592xf32, #tpu.memory_space<vmem_shared>> -> memref<2048xf32, #tpu.memory_space<vmem_shared>>
    tpu.wait_dma2 semaphore(%arg14 : memref<!tpu.dma_semaphore, #tpu.memory_space<semaphore_mem>>) src(%dma_wait3A_1017 : memref<2048xf32, #tpu.memory_space<vmem_shared>>) dst(%dma_wait3A_1016 : memref<2048xf32, #tpu.memory_space<hbm>>)
    %dma_wait3A_1018 = arith.constant 0 : i32
    %dma_wait3A_1019 = tpu.memref_slice %arg5[%add3A_763, %dma_wait3A_1018] : memref<2048x2048xf32, #tpu.memory_space<hbm>> -> memref<1x2048xf32, #tpu.memory_space<hbm>>
    %dma_wait3A_1020 = tpu.memref_squeeze %dma_wait3A_1019 : memref<1x2048xf32, #tpu.memory_space<hbm>> -> memref<2048xf32, #tpu.memory_space<hbm>>
    %dma_wait3A_1021 = tpu.memref_slice %arg13[%add3A_761] : memref<1048592xf32, #tpu.memory_space<vmem_shared>> -> memref<2048xf32, #tpu.memory_space<vmem_shared>>
    tpu.wait_dma2 semaphore(%arg14 : memref<!tpu.dma_semaphore, #tpu.memory_space<semaphore_mem>>) src(%dma_wait3A_1021 : memref<2048xf32, #tpu.memory_space<vmem_shared>>) dst(%dma_wait3A_1020 : memref<2048xf32, #tpu.memory_space<hbm>>)
    %dma_wait3A_1022 = arith.constant 0 : i32
    %dma_wait3A_1023 = tpu.memref_slice %arg5[%add3A_773, %dma_wait3A_1022] : memref<2048x2048xf32, #tpu.memory_space<hbm>> -> memref<1x2048xf32, #tpu.memory_space<hbm>>
    %dma_wait3A_1024 = tpu.memref_squeeze %dma_wait3A_1023 : memref<1x2048xf32, #tpu.memory_space<hbm>> -> memref<2048xf32, #tpu.memory_space<hbm>>
    %dma_wait3A_1025 = tpu.memref_slice %arg13[%add3A_771] : memref<1048592xf32, #tpu.memory_space<vmem_shared>> -> memref<2048xf32, #tpu.memory_space<vmem_shared>>
    tpu.wait_dma2 semaphore(%arg14 : memref<!tpu.dma_semaphore, #tpu.memory_space<semaphore_mem>>) src(%dma_wait3A_1025 : memref<2048xf32, #tpu.memory_space<vmem_shared>>) dst(%dma_wait3A_1024 : memref<2048xf32, #tpu.memory_space<hbm>>)
    %dma_wait3A_1026 = arith.constant 0 : i32
    %dma_wait3A_1027 = tpu.memref_slice %arg5[%add3A_783, %dma_wait3A_1026] : memref<2048x2048xf32, #tpu.memory_space<hbm>> -> memref<1x2048xf32, #tpu.memory_space<hbm>>
    %dma_wait3A_1028 = tpu.memref_squeeze %dma_wait3A_1027 : memref<1x2048xf32, #tpu.memory_space<hbm>> -> memref<2048xf32, #tpu.memory_space<hbm>>
    %dma_wait3A_1029 = tpu.memref_slice %arg13[%add3A_781] : memref<1048592xf32, #tpu.memory_space<vmem_shared>> -> memref<2048xf32, #tpu.memory_space<vmem_shared>>
    tpu.wait_dma2 semaphore(%arg14 : memref<!tpu.dma_semaphore, #tpu.memory_space<semaphore_mem>>) src(%dma_wait3A_1029 : memref<2048xf32, #tpu.memory_space<vmem_shared>>) dst(%dma_wait3A_1028 : memref<2048xf32, #tpu.memory_space<hbm>>)
    %dma_wait3A_1030 = arith.constant 0 : i32
    %dma_wait3A_1031 = tpu.memref_slice %arg5[%add3A_793, %dma_wait3A_1030] : memref<2048x2048xf32, #tpu.memory_space<hbm>> -> memref<1x2048xf32, #tpu.memory_space<hbm>>
    %dma_wait3A_1032 = tpu.memref_squeeze %dma_wait3A_1031 : memref<1x2048xf32, #tpu.memory_space<hbm>> -> memref<2048xf32, #tpu.memory_space<hbm>>
    %dma_wait3A_1033 = tpu.memref_slice %arg13[%add3A_791] : memref<1048592xf32, #tpu.memory_space<vmem_shared>> -> memref<2048xf32, #tpu.memory_space<vmem_shared>>
    tpu.wait_dma2 semaphore(%arg14 : memref<!tpu.dma_semaphore, #tpu.memory_space<semaphore_mem>>) src(%dma_wait3A_1033 : memref<2048xf32, #tpu.memory_space<vmem_shared>>) dst(%dma_wait3A_1032 : memref<2048xf32, #tpu.memory_space<hbm>>)
    %dma_wait3A_1034 = arith.constant 0 : i32
    %dma_wait3A_1035 = tpu.memref_slice %arg5[%add3A_803, %dma_wait3A_1034] : memref<2048x2048xf32, #tpu.memory_space<hbm>> -> memref<1x2048xf32, #tpu.memory_space<hbm>>
    %dma_wait3A_1036 = tpu.memref_squeeze %dma_wait3A_1035 : memref<1x2048xf32, #tpu.memory_space<hbm>> -> memref<2048xf32, #tpu.memory_space<hbm>>
    %dma_wait3A_1037 = tpu.memref_slice %arg13[%add3A_801] : memref<1048592xf32, #tpu.memory_space<vmem_shared>> -> memref<2048xf32, #tpu.memory_space<vmem_shared>>
    tpu.wait_dma2 semaphore(%arg14 : memref<!tpu.dma_semaphore, #tpu.memory_space<semaphore_mem>>) src(%dma_wait3A_1037 : memref<2048xf32, #tpu.memory_space<vmem_shared>>) dst(%dma_wait3A_1036 : memref<2048xf32, #tpu.memory_space<hbm>>)
    %dma_wait3A_1038 = arith.constant 0 : i32
    %dma_wait3A_1039 = tpu.memref_slice %arg5[%add3A_813, %dma_wait3A_1038] : memref<2048x2048xf32, #tpu.memory_space<hbm>> -> memref<1x2048xf32, #tpu.memory_space<hbm>>
    %dma_wait3A_1040 = tpu.memref_squeeze %dma_wait3A_1039 : memref<1x2048xf32, #tpu.memory_space<hbm>> -> memref<2048xf32, #tpu.memory_space<hbm>>
    %dma_wait3A_1041 = tpu.memref_slice %arg13[%add3A_811] : memref<1048592xf32, #tpu.memory_space<vmem_shared>> -> memref<2048xf32, #tpu.memory_space<vmem_shared>>
    tpu.wait_dma2 semaphore(%arg14 : memref<!tpu.dma_semaphore, #tpu.memory_space<semaphore_mem>>) src(%dma_wait3A_1041 : memref<2048xf32, #tpu.memory_space<vmem_shared>>) dst(%dma_wait3A_1040 : memref<2048xf32, #tpu.memory_space<hbm>>)
    %dma_wait3A_1042 = arith.constant 0 : i32
    %dma_wait3A_1043 = tpu.memref_slice %arg5[%add3A_823, %dma_wait3A_1042] : memref<2048x2048xf32, #tpu.memory_space<hbm>> -> memref<1x2048xf32, #tpu.memory_space<hbm>>
    %dma_wait3A_1044 = tpu.memref_squeeze %dma_wait3A_1043 : memref<1x2048xf32, #tpu.memory_space<hbm>> -> memref<2048xf32, #tpu.memory_space<hbm>>
    %dma_wait3A_1045 = tpu.memref_slice %arg13[%add3A_821] : memref<1048592xf32, #tpu.memory_space<vmem_shared>> -> memref<2048xf32, #tpu.memory_space<vmem_shared>>
    tpu.wait_dma2 semaphore(%arg14 : memref<!tpu.dma_semaphore, #tpu.memory_space<semaphore_mem>>) src(%dma_wait3A_1045 : memref<2048xf32, #tpu.memory_space<vmem_shared>>) dst(%dma_wait3A_1044 : memref<2048xf32, #tpu.memory_space<hbm>>)
    %dma_wait3A_1046 = arith.constant 0 : i32
    %dma_wait3A_1047 = tpu.memref_slice %arg5[%add3A_833, %dma_wait3A_1046] : memref<2048x2048xf32, #tpu.memory_space<hbm>> -> memref<1x2048xf32, #tpu.memory_space<hbm>>
    %dma_wait3A_1048 = tpu.memref_squeeze %dma_wait3A_1047 : memref<1x2048xf32, #tpu.memory_space<hbm>> -> memref<2048xf32, #tpu.memory_space<hbm>>
    %dma_wait3A_1049 = tpu.memref_slice %arg13[%add3A_831] : memref<1048592xf32, #tpu.memory_space<vmem_shared>> -> memref<2048xf32, #tpu.memory_space<vmem_shared>>
    tpu.wait_dma2 semaphore(%arg14 : memref<!tpu.dma_semaphore, #tpu.memory_space<semaphore_mem>>) src(%dma_wait3A_1049 : memref<2048xf32, #tpu.memory_space<vmem_shared>>) dst(%dma_wait3A_1048 : memref<2048xf32, #tpu.memory_space<hbm>>)
    %dma_wait3A_1050 = arith.constant 0 : i32
    %dma_wait3A_1051 = tpu.memref_slice %arg5[%add3A_843, %dma_wait3A_1050] : memref<2048x2048xf32, #tpu.memory_space<hbm>> -> memref<1x2048xf32, #tpu.memory_space<hbm>>
    %dma_wait3A_1052 = tpu.memref_squeeze %dma_wait3A_1051 : memref<1x2048xf32, #tpu.memory_space<hbm>> -> memref<2048xf32, #tpu.memory_space<hbm>>
    %dma_wait3A_1053 = tpu.memref_slice %arg13[%add3A_841] : memref<1048592xf32, #tpu.memory_space<vmem_shared>> -> memref<2048xf32, #tpu.memory_space<vmem_shared>>
    tpu.wait_dma2 semaphore(%arg14 : memref<!tpu.dma_semaphore, #tpu.memory_space<semaphore_mem>>) src(%dma_wait3A_1053 : memref<2048xf32, #tpu.memory_space<vmem_shared>>) dst(%dma_wait3A_1052 : memref<2048xf32, #tpu.memory_space<hbm>>)
    %dma_wait3A_1054 = arith.constant 0 : i32
    %dma_wait3A_1055 = tpu.memref_slice %arg5[%add3A_853, %dma_wait3A_1054] : memref<2048x2048xf32, #tpu.memory_space<hbm>> -> memref<1x2048xf32, #tpu.memory_space<hbm>>
    %dma_wait3A_1056 = tpu.memref_squeeze %dma_wait3A_1055 : memref<1x2048xf32, #tpu.memory_space<hbm>> -> memref<2048xf32, #tpu.memory_space<hbm>>
    %dma_wait3A_1057 = tpu.memref_slice %arg13[%add3A_851] : memref<1048592xf32, #tpu.memory_space<vmem_shared>> -> memref<2048xf32, #tpu.memory_space<vmem_shared>>
    tpu.wait_dma2 semaphore(%arg14 : memref<!tpu.dma_semaphore, #tpu.memory_space<semaphore_mem>>) src(%dma_wait3A_1057 : memref<2048xf32, #tpu.memory_space<vmem_shared>>) dst(%dma_wait3A_1056 : memref<2048xf32, #tpu.memory_space<hbm>>)
    %dma_wait3A_1058 = arith.constant 0 : i32
    %dma_wait3A_1059 = tpu.memref_slice %arg5[%add3A_863, %dma_wait3A_1058] : memref<2048x2048xf32, #tpu.memory_space<hbm>> -> memref<1x2048xf32, #tpu.memory_space<hbm>>
    %dma_wait3A_1060 = tpu.memref_squeeze %dma_wait3A_1059 : memref<1x2048xf32, #tpu.memory_space<hbm>> -> memref<2048xf32, #tpu.memory_space<hbm>>
    %dma_wait3A_1061 = tpu.memref_slice %arg13[%add3A_861] : memref<1048592xf32, #tpu.memory_space<vmem_shared>> -> memref<2048xf32, #tpu.memory_space<vmem_shared>>
    tpu.wait_dma2 semaphore(%arg14 : memref<!tpu.dma_semaphore, #tpu.memory_space<semaphore_mem>>) src(%dma_wait3A_1061 : memref<2048xf32, #tpu.memory_space<vmem_shared>>) dst(%dma_wait3A_1060 : memref<2048xf32, #tpu.memory_space<hbm>>)
    %dma_wait3A_1062 = arith.constant 0 : i32
    %dma_wait3A_1063 = tpu.memref_slice %arg5[%add3A_873, %dma_wait3A_1062] : memref<2048x2048xf32, #tpu.memory_space<hbm>> -> memref<1x2048xf32, #tpu.memory_space<hbm>>
    %dma_wait3A_1064 = tpu.memref_squeeze %dma_wait3A_1063 : memref<1x2048xf32, #tpu.memory_space<hbm>> -> memref<2048xf32, #tpu.memory_space<hbm>>
    %dma_wait3A_1065 = tpu.memref_slice %arg13[%add3A_871] : memref<1048592xf32, #tpu.memory_space<vmem_shared>> -> memref<2048xf32, #tpu.memory_space<vmem_shared>>
    tpu.wait_dma2 semaphore(%arg14 : memref<!tpu.dma_semaphore, #tpu.memory_space<semaphore_mem>>) src(%dma_wait3A_1065 : memref<2048xf32, #tpu.memory_space<vmem_shared>>) dst(%dma_wait3A_1064 : memref<2048xf32, #tpu.memory_space<hbm>>)
    %dma_wait3A_1066 = arith.constant 0 : i32
    %dma_wait3A_1067 = tpu.memref_slice %arg5[%add3A_883, %dma_wait3A_1066] : memref<2048x2048xf32, #tpu.memory_space<hbm>> -> memref<1x2048xf32, #tpu.memory_space<hbm>>
    %dma_wait3A_1068 = tpu.memref_squeeze %dma_wait3A_1067 : memref<1x2048xf32, #tpu.memory_space<hbm>> -> memref<2048xf32, #tpu.memory_space<hbm>>
    %dma_wait3A_1069 = tpu.memref_slice %arg13[%add3A_881] : memref<1048592xf32, #tpu.memory_space<vmem_shared>> -> memref<2048xf32, #tpu.memory_space<vmem_shared>>
    tpu.wait_dma2 semaphore(%arg14 : memref<!tpu.dma_semaphore, #tpu.memory_space<semaphore_mem>>) src(%dma_wait3A_1069 : memref<2048xf32, #tpu.memory_space<vmem_shared>>) dst(%dma_wait3A_1068 : memref<2048xf32, #tpu.memory_space<hbm>>)
    %dma_wait3A_1070 = arith.constant 0 : i32
    %dma_wait3A_1071 = tpu.memref_slice %arg5[%add3A_893, %dma_wait3A_1070] : memref<2048x2048xf32, #tpu.memory_space<hbm>> -> memref<1x2048xf32, #tpu.memory_space<hbm>>
    %dma_wait3A_1072 = tpu.memref_squeeze %dma_wait3A_1071 : memref<1x2048xf32, #tpu.memory_space<hbm>> -> memref<2048xf32, #tpu.memory_space<hbm>>
    %dma_wait3A_1073 = tpu.memref_slice %arg13[%add3A_891] : memref<1048592xf32, #tpu.memory_space<vmem_shared>> -> memref<2048xf32, #tpu.memory_space<vmem_shared>>
    tpu.wait_dma2 semaphore(%arg14 : memref<!tpu.dma_semaphore, #tpu.memory_space<semaphore_mem>>) src(%dma_wait3A_1073 : memref<2048xf32, #tpu.memory_space<vmem_shared>>) dst(%dma_wait3A_1072 : memref<2048xf32, #tpu.memory_space<hbm>>)
    %dma_wait3A_1074 = arith.constant 0 : i32
    %dma_wait3A_1075 = tpu.memref_slice %arg5[%add3A_903, %dma_wait3A_1074] : memref<2048x2048xf32, #tpu.memory_space<hbm>> -> memref<1x2048xf32, #tpu.memory_space<hbm>>
    %dma_wait3A_1076 = tpu.memref_squeeze %dma_wait3A_1075 : memref<1x2048xf32, #tpu.memory_space<hbm>> -> memref<2048xf32, #tpu.memory_space<hbm>>
    %dma_wait3A_1077 = tpu.memref_slice %arg13[%add3A_901] : memref<1048592xf32, #tpu.memory_space<vmem_shared>> -> memref<2048xf32, #tpu.memory_space<vmem_shared>>
    tpu.wait_dma2 semaphore(%arg14 : memref<!tpu.dma_semaphore, #tpu.memory_space<semaphore_mem>>) src(%dma_wait3A_1077 : memref<2048xf32, #tpu.memory_space<vmem_shared>>) dst(%dma_wait3A_1076 : memref<2048xf32, #tpu.memory_space<hbm>>)
    %dma_wait3A_1078 = arith.constant 0 : i32
    %dma_wait3A_1079 = tpu.memref_slice %arg5[%add3A_913, %dma_wait3A_1078] : memref<2048x2048xf32, #tpu.memory_space<hbm>> -> memref<1x2048xf32, #tpu.memory_space<hbm>>
    %dma_wait3A_1080 = tpu.memref_squeeze %dma_wait3A_1079 : memref<1x2048xf32, #tpu.memory_space<hbm>> -> memref<2048xf32, #tpu.memory_space<hbm>>
    %dma_wait3A_1081 = tpu.memref_slice %arg13[%add3A_911] : memref<1048592xf32, #tpu.memory_space<vmem_shared>> -> memref<2048xf32, #tpu.memory_space<vmem_shared>>
    tpu.wait_dma2 semaphore(%arg14 : memref<!tpu.dma_semaphore, #tpu.memory_space<semaphore_mem>>) src(%dma_wait3A_1081 : memref<2048xf32, #tpu.memory_space<vmem_shared>>) dst(%dma_wait3A_1080 : memref<2048xf32, #tpu.memory_space<hbm>>)
    %dma_wait3A_1082 = arith.constant 0 : i32
    %dma_wait3A_1083 = tpu.memref_slice %arg5[%add3A_923, %dma_wait3A_1082] : memref<2048x2048xf32, #tpu.memory_space<hbm>> -> memref<1x2048xf32, #tpu.memory_space<hbm>>
    %dma_wait3A_1084 = tpu.memref_squeeze %dma_wait3A_1083 : memref<1x2048xf32, #tpu.memory_space<hbm>> -> memref<2048xf32, #tpu.memory_space<hbm>>
    %dma_wait3A_1085 = tpu.memref_slice %arg13[%add3A_921] : memref<1048592xf32, #tpu.memory_space<vmem_shared>> -> memref<2048xf32, #tpu.memory_space<vmem_shared>>
    tpu.wait_dma2 semaphore(%arg14 : memref<!tpu.dma_semaphore, #tpu.memory_space<semaphore_mem>>) src(%dma_wait3A_1085 : memref<2048xf32, #tpu.memory_space<vmem_shared>>) dst(%dma_wait3A_1084 : memref<2048xf32, #tpu.memory_space<hbm>>)
    %dma_wait3A_1086 = arith.constant 0 : i32
    %dma_wait3A_1087 = tpu.memref_slice %arg5[%add3A_933, %dma_wait3A_1086] : memref<2048x2048xf32, #tpu.memory_space<hbm>> -> memref<1x2048xf32, #tpu.memory_space<hbm>>
    %dma_wait3A_1088 = tpu.memref_squeeze %dma_wait3A_1087 : memref<1x2048xf32, #tpu.memory_space<hbm>> -> memref<2048xf32, #tpu.memory_space<hbm>>
    %dma_wait3A_1089 = tpu.memref_slice %arg13[%add3A_931] : memref<1048592xf32, #tpu.memory_space<vmem_shared>> -> memref<2048xf32, #tpu.memory_space<vmem_shared>>
    tpu.wait_dma2 semaphore(%arg14 : memref<!tpu.dma_semaphore, #tpu.memory_space<semaphore_mem>>) src(%dma_wait3A_1089 : memref<2048xf32, #tpu.memory_space<vmem_shared>>) dst(%dma_wait3A_1088 : memref<2048xf32, #tpu.memory_space<hbm>>)
    %dma_wait3A_1090 = arith.constant 0 : i32
    %dma_wait3A_1091 = tpu.memref_slice %arg5[%add3A_943, %dma_wait3A_1090] : memref<2048x2048xf32, #tpu.memory_space<hbm>> -> memref<1x2048xf32, #tpu.memory_space<hbm>>
    %dma_wait3A_1092 = tpu.memref_squeeze %dma_wait3A_1091 : memref<1x2048xf32, #tpu.memory_space<hbm>> -> memref<2048xf32, #tpu.memory_space<hbm>>
    %dma_wait3A_1093 = tpu.memref_slice %arg13[%add3A_941] : memref<1048592xf32, #tpu.memory_space<vmem_shared>> -> memref<2048xf32, #tpu.memory_space<vmem_shared>>
    tpu.wait_dma2 semaphore(%arg14 : memref<!tpu.dma_semaphore, #tpu.memory_space<semaphore_mem>>) src(%dma_wait3A_1093 : memref<2048xf32, #tpu.memory_space<vmem_shared>>) dst(%dma_wait3A_1092 : memref<2048xf32, #tpu.memory_space<hbm>>)
    %dma_wait3A_1094 = arith.constant 0 : i32
    %dma_wait3A_1095 = tpu.memref_slice %arg5[%add3A_953, %dma_wait3A_1094] : memref<2048x2048xf32, #tpu.memory_space<hbm>> -> memref<1x2048xf32, #tpu.memory_space<hbm>>
    %dma_wait3A_1096 = tpu.memref_squeeze %dma_wait3A_1095 : memref<1x2048xf32, #tpu.memory_space<hbm>> -> memref<2048xf32, #tpu.memory_space<hbm>>
    %dma_wait3A_1097 = tpu.memref_slice %arg13[%add3A_951] : memref<1048592xf32, #tpu.memory_space<vmem_shared>> -> memref<2048xf32, #tpu.memory_space<vmem_shared>>
    tpu.wait_dma2 semaphore(%arg14 : memref<!tpu.dma_semaphore, #tpu.memory_space<semaphore_mem>>) src(%dma_wait3A_1097 : memref<2048xf32, #tpu.memory_space<vmem_shared>>) dst(%dma_wait3A_1096 : memref<2048xf32, #tpu.memory_space<hbm>>)
    %dma_wait3A_1098 = arith.constant 0 : i32
    %dma_wait3A_1099 = tpu.memref_slice %arg5[%add3A_963, %dma_wait3A_1098] : memref<2048x2048xf32, #tpu.memory_space<hbm>> -> memref<1x2048xf32, #tpu.memory_space<hbm>>
    %dma_wait3A_1100 = tpu.memref_squeeze %dma_wait3A_1099 : memref<1x2048xf32, #tpu.memory_space<hbm>> -> memref<2048xf32, #tpu.memory_space<hbm>>
    %dma_wait3A_1101 = tpu.memref_slice %arg13[%add3A_961] : memref<1048592xf32, #tpu.memory_space<vmem_shared>> -> memref<2048xf32, #tpu.memory_space<vmem_shared>>
    tpu.wait_dma2 semaphore(%arg14 : memref<!tpu.dma_semaphore, #tpu.memory_space<semaphore_mem>>) src(%dma_wait3A_1101 : memref<2048xf32, #tpu.memory_space<vmem_shared>>) dst(%dma_wait3A_1100 : memref<2048xf32, #tpu.memory_space<hbm>>)
    %dma_wait3A_1102 = arith.constant 0 : i32
    %dma_wait3A_1103 = tpu.memref_slice %arg5[%add3A_973, %dma_wait3A_1102] : memref<2048x2048xf32, #tpu.memory_space<hbm>> -> memref<1x2048xf32, #tpu.memory_space<hbm>>
    %dma_wait3A_1104 = tpu.memref_squeeze %dma_wait3A_1103 : memref<1x2048xf32, #tpu.memory_space<hbm>> -> memref<2048xf32, #tpu.memory_space<hbm>>
    %dma_wait3A_1105 = tpu.memref_slice %arg13[%add3A_971] : memref<1048592xf32, #tpu.memory_space<vmem_shared>> -> memref<2048xf32, #tpu.memory_space<vmem_shared>>
    tpu.wait_dma2 semaphore(%arg14 : memref<!tpu.dma_semaphore, #tpu.memory_space<semaphore_mem>>) src(%dma_wait3A_1105 : memref<2048xf32, #tpu.memory_space<vmem_shared>>) dst(%dma_wait3A_1104 : memref<2048xf32, #tpu.memory_space<hbm>>)
    %barrier3A_1106 = arith.constant 0 : index
    tpu.barrier barrier_id(%barrier3A_1106)
    return
  }
}

module attributes {stable_mosaic.version = 14 : i64} {
  func.func @_attn_body(%arg0: i32, %arg1: i32, %arg2: memref<1x256x64xbf16, #tpu.memory_space<vmem>>, %arg3: memref<16x2048x64xbf16, #tpu.memory_space<vmem>>, %arg4: memref<256x2048xf32, #tpu.memory_space<vmem>>, %arg5: memref<16x2048x128xbf16, #tpu.memory_space<vmem>>, %arg6: memref<1x64x1024xbf16, #tpu.memory_space<vmem>>, %arg7: memref<1x1024xf32, #tpu.memory_space<vmem>>, %arg8: memref<256x1024xf32, #tpu.memory_space<vmem>>) attributes {dimension_semantics = [#tpu.dimension_semantics<arbitrary>, #tpu.dimension_semantics<arbitrary>], iteration_bounds = array<i64: 8, 16>, scalar_prefetch = 0 : i64, scratch_operands = 0 : i64, tpu.core_type = #tpu.core_type<tc>, window_params = [{transform_indices = @transform_0, window_bounds = array<i64: 1, 256, 64>}, {pipeline_mode = #tpu.pipeline_mode<synchronous>, transform_indices = @transform_1, window_bounds = array<i64: 16, 2048, 64>}, {transform_indices = @transform_2, window_bounds = array<i64: 256, 2048>}, {pipeline_mode = #tpu.pipeline_mode<synchronous>, transform_indices = @transform_3, window_bounds = array<i64: 16, 2048, 128>}, {transform_indices = @transform_4, window_bounds = array<i64: 1, 64, 1024>}, {pipeline_mode = #tpu.pipeline_mode<synchronous>, transform_indices = @transform_5, window_bounds = array<i64: 1, 1024>}, {transform_indices = @transform_6, window_bounds = array<i64: 256, 1024>}]} {
    %get3A = arith.constant 0 : index
    %get3A_0 = arith.constant 0 : index
    %get3A_1 = arith.constant 0 : index
    %get3A_2 = vector.load %arg2[%get3A, %get3A_0, %get3A_1] : memref<1x256x64xbf16, #tpu.memory_space<vmem>>, vector<1x256x64xbf16>
    %get3A_3 = vector.shape_cast %get3A_2 : vector<1x256x64xbf16> to vector<256x64xbf16>
    %get3A_4 = arith.index_cast %arg1 : i32 to index
    %get3A_5 = arith.constant 0 : index
    %get3A_6 = arith.constant 0 : index
    %get3A_7 = vector.load %arg3[%get3A_4, %get3A_5, %get3A_6] : memref<16x2048x64xbf16, #tpu.memory_space<vmem>>, vector<1x2048x64xbf16>
    %get3A_8 = vector.shape_cast %get3A_7 : vector<1x2048x64xbf16> to vector<2048x64xbf16>
    %dot_general3A = arith.constant dense<0.000000e+00> : vector<256x2048xf32>
    %dot_general3A_9 = tpu.matmul %get3A_3, %get3A_8, %dot_general3A {dimension_numbers = #tpu.dot_dimension_numbers<[1], [1], [0], [0], [0, 0, 1, 0], [], []>, transpose_lhs_hint = false} : vector<256x64xbf16>, vector<2048x64xbf16>, vector<256x2048xf32> -> vector<256x2048xf32>
    %get3A_10 = arith.constant 0 : index
    %get3A_11 = arith.constant 0 : index
    %get3A_12 = vector.load %arg4[%get3A_10, %get3A_11] : memref<256x2048xf32, #tpu.memory_space<vmem>>, vector<256x2048xf32>
    %exp3A = math.exp %dot_general3A_9 : vector<256x2048xf32>
    %mul3A = arith.mulf %get3A_12, %exp3A : vector<256x2048xf32>
    %convert_element_type3A = arith.truncf %mul3A : vector<256x2048xf32> to vector<256x2048xbf16>
    %get3A_13 = arith.index_cast %arg1 : i32 to index
    %get3A_14 = arith.constant 0 : index
    %get3A_15 = arith.constant 0 : index
    %get3A_16 = vector.load %arg5[%get3A_13, %get3A_14, %get3A_15] : memref<16x2048x128xbf16, #tpu.memory_space<vmem>>, vector<1x2048x128xbf16>
    %get3A_17 = vector.shape_cast %get3A_16 : vector<1x2048x128xbf16> to vector<2048x128xbf16>
    %dot_general3A_18 = arith.constant dense<0.000000e+00> : vector<256x128xf32>
    %dot_general3A_19 = tpu.matmul %convert_element_type3A, %get3A_17, %dot_general3A_18 {dimension_numbers = #tpu.dot_dimension_numbers<[1], [0], [0], [1], [0, 0, 1, 1], [], []>, transpose_lhs_hint = false} : vector<256x2048xbf16>, vector<2048x128xbf16>, vector<256x128xf32> -> vector<256x128xf32>
    %slice3A = vector.extract_strided_slice %dot_general3A_19 {offsets = [0, 64], sizes = [256, 1], strides = [1, 1]} : vector<256x128xf32> to vector<256x1xf32>
    %add3A = arith.constant 1.000000e-16 : f32
    %add3A_20 = vector.broadcast %add3A : f32 to vector<256x1xf32>
    %add3A_21 = arith.addf %slice3A, %add3A_20 : vector<256x1xf32>
    %slice3A_22 = vector.extract_strided_slice %dot_general3A_19 {offsets = [0, 0], sizes = [256, 64], strides = [1, 1]} : vector<256x128xf32> to vector<256x64xf32>
    %div3A = vector.broadcast %add3A_21 : vector<256x1xf32> to vector<256x64xf32>
    %div3A_23 = arith.divf %slice3A_22, %div3A : vector<256x64xf32>
    %convert_element_type3A_24 = arith.truncf %div3A_23 : vector<256x64xf32> to vector<256x64xbf16>
    %get3A_25 = arith.constant 0 : index
    %get3A_26 = arith.constant 0 : index
    %get3A_27 = arith.constant 0 : index
    %get3A_28 = vector.load %arg6[%get3A_25, %get3A_26, %get3A_27] : memref<1x64x1024xbf16, #tpu.memory_space<vmem>>, vector<1x64x1024xbf16>
    %get3A_29 = vector.shape_cast %get3A_28 : vector<1x64x1024xbf16> to vector<64x1024xbf16>
    %dot_general3A_30 = arith.constant dense<0.000000e+00> : vector<256x1024xf32>
    %dot_general3A_31 = tpu.matmul %convert_element_type3A_24, %get3A_29, %dot_general3A_30 {dimension_numbers = #tpu.dot_dimension_numbers<[1], [0], [0], [1], [0, 0, 1, 1], [], []>, transpose_lhs_hint = false} : vector<256x64xbf16>, vector<64x1024xbf16>, vector<256x1024xf32> -> vector<256x1024xf32>
    %eq3A = arith.constant 0 : i32
    %eq3A_32 = arith.cmpi eq, %arg1, %eq3A : i32
    %convert_element_type3A_33 = arith.extui %eq3A_32 : i1 to i32
    %cond3A = arith.constant 0 : i32
    %cond3A_34 = arith.cmpi ne, %convert_element_type3A_33, %cond3A : i32
    scf.if %cond3A_34 {
      %get3A_39 = arith.constant 0 : index
      %get3A_40 = arith.constant 0 : index
      %get3A_41 = vector.load %arg7[%get3A_39, %get3A_40] : memref<1x1024xf32, #tpu.memory_space<vmem>>, vector<1x1024xf32>
      %add3A_42 = vector.broadcast %get3A_41 : vector<1x1024xf32> to vector<256x1024xf32>
      %add3A_43 = arith.addf %dot_general3A_31, %add3A_42 : vector<256x1024xf32>
      %swap3A = arith.constant 0 : index
      %swap3A_44 = arith.constant 0 : index
      %swap3A_45 = vector.load %arg8[%swap3A, %swap3A_44] : memref<256x1024xf32, #tpu.memory_space<vmem>>, vector<256x1024xf32>
      tpu.vector_store %arg8[%swap3A, %swap3A_44], %add3A_43 {strides = array<i32>} : memref<256x1024xf32, #tpu.memory_space<vmem>>, vector<256x1024xf32>,
    } else {
    }
    %gt3A = arith.constant 0 : i32
    %gt3A_35 = arith.cmpi sgt, %arg1, %gt3A : i32
    %convert_element_type3A_36 = arith.extui %gt3A_35 : i1 to i32
    %cond3A_37 = arith.constant 0 : i32
    %cond3A_38 = arith.cmpi ne, %convert_element_type3A_36, %cond3A_37 : i32
    scf.if %cond3A_38 {
      %get3A_39 = arith.constant 0 : index
      %get3A_40 = arith.constant 0 : index
      %get3A_41 = vector.load %arg8[%get3A_39, %get3A_40] : memref<256x1024xf32, #tpu.memory_space<vmem>>, vector<256x1024xf32>
      %add3A_42 = arith.addf %get3A_41, %dot_general3A_31 : vector<256x1024xf32>
      %swap3A = arith.constant 0 : index
      %swap3A_43 = arith.constant 0 : index
      %swap3A_44 = vector.load %arg8[%swap3A, %swap3A_43] : memref<256x1024xf32, #tpu.memory_space<vmem>>, vector<256x1024xf32>
      tpu.vector_store %arg8[%swap3A, %swap3A_43], %add3A_42 {strides = array<i32>} : memref<256x1024xf32, #tpu.memory_space<vmem>>, vector<256x1024xf32>,
    } else {
    }
    return
  }
  func.func @transform_0(%arg0: i32, %arg1: i32) -> (i32, i32, i32) {
    %c0_i32 = arith.constant 0 : i32
    %c0_i32_0 = arith.constant 0 : i32
    return %arg1, %arg0, %c0_i32 : i32, i32, i32
  }
  func.func @transform_1(%arg0: i32, %arg1: i32) -> (i32, i32, i32) {
    %c0_i32 = arith.constant 0 : i32
    %c0_i32_0 = arith.constant 0 : i32
    %c0_i32_1 = arith.constant 0 : i32
    %c0_i32_2 = arith.constant 0 : i32
    return %c0_i32, %c0_i32_0, %c0_i32_1 : i32, i32, i32
  }
  func.func @transform_2(%arg0: i32, %arg1: i32) -> (i32, i32) {
    %c0_i32 = arith.constant 0 : i32
    %c0_i32_0 = arith.constant 0 : i32
    return %arg0, %c0_i32 : i32, i32
  }
  func.func @transform_3(%arg0: i32, %arg1: i32) -> (i32, i32, i32) {
    %c0_i32 = arith.constant 0 : i32
    %c0_i32_0 = arith.constant 0 : i32
    %c0_i32_1 = arith.constant 0 : i32
    %c0_i32_2 = arith.constant 0 : i32
    return %c0_i32, %c0_i32_0, %c0_i32_1 : i32, i32, i32
  }
  func.func @transform_4(%arg0: i32, %arg1: i32) -> (i32, i32, i32) {
    %c0_i32 = arith.constant 0 : i32
    %c0_i32_0 = arith.constant 0 : i32
    %c0_i32_1 = arith.constant 0 : i32
    return %arg1, %c0_i32, %c0_i32_0 : i32, i32, i32
  }
  func.func @transform_5(%arg0: i32, %arg1: i32) -> (i32, i32) {
    %c0_i32 = arith.constant 0 : i32
    %c0_i32_0 = arith.constant 0 : i32
    %c0_i32_1 = arith.constant 0 : i32
    return %c0_i32, %c0_i32_0 : i32, i32
  }
  func.func @transform_6(%arg0: i32, %arg1: i32) -> (i32, i32) {
    %c0_i32 = arith.constant 0 : i32
    %c0_i32_0 = arith.constant 0 : i32
    return %arg0, %c0_i32 : i32, i32
  }
}

module attributes {stable_mosaic.version = 14 : i64} {
  func.func @_proj_body(%arg0: i32, %arg1: memref<256x1024xf32, #tpu.memory_space<vmem>>, %arg2: memref<256x1024xf32, #tpu.memory_space<vmem>>, %arg3: memref<256x1024xf32, #tpu.memory_space<vmem>>, %arg4: memref<1024x1024xf32, #tpu.memory_space<vmem>>, %arg5: memref<1024x1024xf32, #tpu.memory_space<vmem>>, %arg6: memref<1024x1024xf32, #tpu.memory_space<vmem>>, %arg7: memref<1x1024xf32, #tpu.memory_space<vmem>>, %arg8: memref<1x1024xf32, #tpu.memory_space<vmem>>, %arg9: memref<1x1024xf32, #tpu.memory_space<vmem>>, %arg10: memref<16x256x64xbf16, #tpu.memory_space<vmem>>, %arg11: memref<16x256x64xbf16, #tpu.memory_space<vmem>>, %arg12: memref<16x256x128xbf16, #tpu.memory_space<vmem>>) attributes {dimension_semantics = [#tpu.dimension_semantics<arbitrary>], iteration_bounds = array<i64: 8>, scalar_prefetch = 0 : i64, scratch_operands = 0 : i64, tpu.core_type = #tpu.core_type<tc>, window_params = [{transform_indices = @transform_0, window_bounds = array<i64: 256, 1024>}, {transform_indices = @transform_1, window_bounds = array<i64: 256, 1024>}, {transform_indices = @transform_2, window_bounds = array<i64: 256, 1024>}, {pipeline_mode = #tpu.pipeline_mode<synchronous>, transform_indices = @transform_3, window_bounds = array<i64: 1024, 1024>}, {pipeline_mode = #tpu.pipeline_mode<synchronous>, transform_indices = @transform_4, window_bounds = array<i64: 1024, 1024>}, {pipeline_mode = #tpu.pipeline_mode<synchronous>, transform_indices = @transform_5, window_bounds = array<i64: 1024, 1024>}, {pipeline_mode = #tpu.pipeline_mode<synchronous>, transform_indices = @transform_6, window_bounds = array<i64: 1, 1024>}, {pipeline_mode = #tpu.pipeline_mode<synchronous>, transform_indices = @transform_7, window_bounds = array<i64: 1, 1024>}, {pipeline_mode = #tpu.pipeline_mode<synchronous>, transform_indices = @transform_8, window_bounds = array<i64: 1, 1024>}, {transform_indices = @transform_9, window_bounds = array<i64: 16, 256, 64>}, {transform_indices = @transform_10, window_bounds = array<i64: 16, 256, 64>}, {transform_indices = @transform_11, window_bounds = array<i64: 16, 256, 128>}]} {
    %get3A = arith.constant 0 : index
    %get3A_0 = arith.constant 0 : index
    %get3A_1 = vector.load %arg1[%get3A, %get3A_0] : memref<256x1024xf32, #tpu.memory_space<vmem>>, vector<256x1024xf32>
    %get3A_2 = arith.constant 0 : index
    %get3A_3 = arith.constant 0 : index
    %get3A_4 = vector.load %arg4[%get3A_2, %get3A_3] : memref<1024x1024xf32, #tpu.memory_space<vmem>>, vector<1024x1024xf32>
    %convert_element_type3A = arith.truncf %get3A_1 : vector<256x1024xf32> to vector<256x1024xbf16>
    %convert_element_type3A_5 = arith.extf %convert_element_type3A : vector<256x1024xbf16> to vector<256x1024xf32>
    %sub3A = arith.subf %get3A_1, %convert_element_type3A_5 : vector<256x1024xf32>
    %convert_element_type3A_6 = arith.truncf %sub3A : vector<256x1024xf32> to vector<256x1024xbf16>
    %convert_element_type3A_7 = arith.truncf %get3A_4 : vector<1024x1024xf32> to vector<1024x1024xbf16>
    %convert_element_type3A_8 = arith.extf %convert_element_type3A_7 : vector<1024x1024xbf16> to vector<1024x1024xf32>
    %sub3A_9 = arith.subf %get3A_4, %convert_element_type3A_8 : vector<1024x1024xf32>
    %convert_element_type3A_10 = arith.truncf %sub3A_9 : vector<1024x1024xf32> to vector<1024x1024xbf16>
    %dot_general3A = arith.constant dense<0.000000e+00> : vector<256x1024xf32>
    %dot_general3A_11 = tpu.matmul %convert_element_type3A, %convert_element_type3A_7, %dot_general3A {dimension_numbers = #tpu.dot_dimension_numbers<[1], [0], [0], [1], [0, 0, 1, 1], [], []>, transpose_lhs_hint = false} : vector<256x1024xbf16>, vector<1024x1024xbf16>, vector<256x1024xf32> -> vector<256x1024xf32>
    %dot_general3A_12 = arith.constant dense<0.000000e+00> : vector<256x1024xf32>
    %dot_general3A_13 = tpu.matmul %convert_element_type3A, %convert_element_type3A_10, %dot_general3A_12 {dimension_numbers = #tpu.dot_dimension_numbers<[1], [0], [0], [1], [0, 0, 1, 1], [], []>, transpose_lhs_hint = false} : vector<256x1024xbf16>, vector<1024x1024xbf16>, vector<256x1024xf32> -> vector<256x1024xf32>
    %add3A = arith.addf %dot_general3A_11, %dot_general3A_13 : vector<256x1024xf32>
    %dot_general3A_14 = arith.constant dense<0.000000e+00> : vector<256x1024xf32>
    %dot_general3A_15 = tpu.matmul %convert_element_type3A_6, %convert_element_type3A_7, %dot_general3A_14 {dimension_numbers = #tpu.dot_dimension_numbers<[1], [0], [0], [1], [0, 0, 1, 1], [], []>, transpose_lhs_hint = false} : vector<256x1024xbf16>, vector<1024x1024xbf16>, vector<256x1024xf32> -> vector<256x1024xf32>
    %add3A_16 = arith.addf %add3A, %dot_general3A_15 : vector<256x1024xf32>
    %get3A_17 = arith.constant 0 : index
    %get3A_18 = arith.constant 0 : index
    %get3A_19 = vector.load %arg7[%get3A_17, %get3A_18] : memref<1x1024xf32, #tpu.memory_space<vmem>>, vector<1x1024xf32>
    %add3A_20 = vector.broadcast %get3A_19 : vector<1x1024xf32> to vector<256x1024xf32>
    %add3A_21 = arith.addf %add3A_16, %add3A_20 : vector<256x1024xf32>
    %mul3A = arith.constant 1.250000e-01 : f32
    %mul3A_22 = vector.broadcast %mul3A : f32 to vector<256x1024xf32>
    %mul3A_23 = arith.mulf %add3A_21, %mul3A_22 : vector<256x1024xf32>
    %convert_element_type3A_24 = arith.truncf %mul3A_23 : vector<256x1024xf32> to vector<256x1024xbf16>
    %get3A_25 = arith.constant 0 : index
    %get3A_26 = arith.constant 0 : index
    %get3A_27 = vector.load %arg2[%get3A_25, %get3A_26] : memref<256x1024xf32, #tpu.memory_space<vmem>>, vector<256x1024xf32>
    %get3A_28 = arith.constant 0 : index
    %get3A_29 = arith.constant 0 : index
    %get3A_30 = vector.load %arg5[%get3A_28, %get3A_29] : memref<1024x1024xf32, #tpu.memory_space<vmem>>, vector<1024x1024xf32>
    %convert_element_type3A_31 = arith.truncf %get3A_27 : vector<256x1024xf32> to vector<256x1024xbf16>
    %convert_element_type3A_32 = arith.extf %convert_element_type3A_31 : vector<256x1024xbf16> to vector<256x1024xf32>
    %sub3A_33 = arith.subf %get3A_27, %convert_element_type3A_32 : vector<256x1024xf32>
    %convert_element_type3A_34 = arith.truncf %sub3A_33 : vector<256x1024xf32> to vector<256x1024xbf16>
    %convert_element_type3A_35 = arith.truncf %get3A_30 : vector<1024x1024xf32> to vector<1024x1024xbf16>
    %convert_element_type3A_36 = arith.extf %convert_element_type3A_35 : vector<1024x1024xbf16> to vector<1024x1024xf32>
    %sub3A_37 = arith.subf %get3A_30, %convert_element_type3A_36 : vector<1024x1024xf32>
    %convert_element_type3A_38 = arith.truncf %sub3A_37 : vector<1024x1024xf32> to vector<1024x1024xbf16>
    %dot_general3A_39 = arith.constant dense<0.000000e+00> : vector<256x1024xf32>
    %dot_general3A_40 = tpu.matmul %convert_element_type3A_31, %convert_element_type3A_35, %dot_general3A_39 {dimension_numbers = #tpu.dot_dimension_numbers<[1], [0], [0], [1], [0, 0, 1, 1], [], []>, transpose_lhs_hint = false} : vector<256x1024xbf16>, vector<1024x1024xbf16>, vector<256x1024xf32> -> vector<256x1024xf32>
    %dot_general3A_41 = arith.constant dense<0.000000e+00> : vector<256x1024xf32>
    %dot_general3A_42 = tpu.matmul %convert_element_type3A_31, %convert_element_type3A_38, %dot_general3A_41 {dimension_numbers = #tpu.dot_dimension_numbers<[1], [0], [0], [1], [0, 0, 1, 1], [], []>, transpose_lhs_hint = false} : vector<256x1024xbf16>, vector<1024x1024xbf16>, vector<256x1024xf32> -> vector<256x1024xf32>
    %add3A_43 = arith.addf %dot_general3A_40, %dot_general3A_42 : vector<256x1024xf32>
    %dot_general3A_44 = arith.constant dense<0.000000e+00> : vector<256x1024xf32>
    %dot_general3A_45 = tpu.matmul %convert_element_type3A_34, %convert_element_type3A_35, %dot_general3A_44 {dimension_numbers = #tpu.dot_dimension_numbers<[1], [0], [0], [1], [0, 0, 1, 1], [], []>, transpose_lhs_hint = false} : vector<256x1024xbf16>, vector<1024x1024xbf16>, vector<256x1024xf32> -> vector<256x1024xf32>
    %add3A_46 = arith.addf %add3A_43, %dot_general3A_45 : vector<256x1024xf32>
    %get3A_47 = arith.constant 0 : index
    %get3A_48 = arith.constant 0 : index
    %get3A_49 = vector.load %arg8[%get3A_47, %get3A_48] : memref<1x1024xf32, #tpu.memory_space<vmem>>, vector<1x1024xf32>
    %add3A_50 = vector.broadcast %get3A_49 : vector<1x1024xf32> to vector<256x1024xf32>
    %add3A_51 = arith.addf %add3A_46, %add3A_50 : vector<256x1024xf32>
    %convert_element_type3A_52 = arith.truncf %add3A_51 : vector<256x1024xf32> to vector<256x1024xbf16>
    %get3A_53 = arith.constant 0 : index
    %get3A_54 = arith.constant 0 : index
    %get3A_55 = vector.load %arg3[%get3A_53, %get3A_54] : memref<256x1024xf32, #tpu.memory_space<vmem>>, vector<256x1024xf32>
    %get3A_56 = arith.constant 0 : index
    %get3A_57 = arith.constant 0 : index
    %get3A_58 = vector.load %arg6[%get3A_56, %get3A_57] : memref<1024x1024xf32, #tpu.memory_space<vmem>>, vector<1024x1024xf32>
    %convert_element_type3A_59 = arith.truncf %get3A_55 : vector<256x1024xf32> to vector<256x1024xbf16>
    %convert_element_type3A_60 = arith.extf %convert_element_type3A_59 : vector<256x1024xbf16> to vector<256x1024xf32>
    %sub3A_61 = arith.subf %get3A_55, %convert_element_type3A_60 : vector<256x1024xf32>
    %convert_element_type3A_62 = arith.truncf %sub3A_61 : vector<256x1024xf32> to vector<256x1024xbf16>
    %convert_element_type3A_63 = arith.truncf %get3A_58 : vector<1024x1024xf32> to vector<1024x1024xbf16>
    %convert_element_type3A_64 = arith.extf %convert_element_type3A_63 : vector<1024x1024xbf16> to vector<1024x1024xf32>
    %sub3A_65 = arith.subf %get3A_58, %convert_element_type3A_64 : vector<1024x1024xf32>
    %convert_element_type3A_66 = arith.truncf %sub3A_65 : vector<1024x1024xf32> to vector<1024x1024xbf16>
    %dot_general3A_67 = arith.constant dense<0.000000e+00> : vector<256x1024xf32>
    %dot_general3A_68 = tpu.matmul %convert_element_type3A_59, %convert_element_type3A_63, %dot_general3A_67 {dimension_numbers = #tpu.dot_dimension_numbers<[1], [0], [0], [1], [0, 0, 1, 1], [], []>, transpose_lhs_hint = false} : vector<256x1024xbf16>, vector<1024x1024xbf16>, vector<256x1024xf32> -> vector<256x1024xf32>
    %dot_general3A_69 = arith.constant dense<0.000000e+00> : vector<256x1024xf32>
    %dot_general3A_70 = tpu.matmul %convert_element_type3A_59, %convert_element_type3A_66, %dot_general3A_69 {dimension_numbers = #tpu.dot_dimension_numbers<[1], [0], [0], [1], [0, 0, 1, 1], [], []>, transpose_lhs_hint = false} : vector<256x1024xbf16>, vector<1024x1024xbf16>, vector<256x1024xf32> -> vector<256x1024xf32>
    %add3A_71 = arith.addf %dot_general3A_68, %dot_general3A_70 : vector<256x1024xf32>
    %dot_general3A_72 = arith.constant dense<0.000000e+00> : vector<256x1024xf32>
    %dot_general3A_73 = tpu.matmul %convert_element_type3A_62, %convert_element_type3A_63, %dot_general3A_72 {dimension_numbers = #tpu.dot_dimension_numbers<[1], [0], [0], [1], [0, 0, 1, 1], [], []>, transpose_lhs_hint = false} : vector<256x1024xbf16>, vector<1024x1024xbf16>, vector<256x1024xf32> -> vector<256x1024xf32>
    %add3A_74 = arith.addf %add3A_71, %dot_general3A_73 : vector<256x1024xf32>
    %get3A_75 = arith.constant 0 : index
    %get3A_76 = arith.constant 0 : index
    %get3A_77 = vector.load %arg9[%get3A_75, %get3A_76] : memref<1x1024xf32, #tpu.memory_space<vmem>>, vector<1x1024xf32>
    %add3A_78 = vector.broadcast %get3A_77 : vector<1x1024xf32> to vector<256x1024xf32>
    %add3A_79 = arith.addf %add3A_74, %add3A_78 : vector<256x1024xf32>
    %convert_element_type3A_80 = arith.truncf %add3A_79 : vector<256x1024xf32> to vector<256x1024xbf16>
    %broadcast_in_dim3A = arith.constant 0.000000e+00 : bf16
    %broadcast_in_dim3A_81 = vector.broadcast %broadcast_in_dim3A : bf16 to vector<256x63xbf16>
    %broadcast_in_dim3A_82 = arith.constant 1.000000e+00 : bf16
    %broadcast_in_dim3A_83 = vector.broadcast %broadcast_in_dim3A_82 : bf16 to vector<256x1xbf16>
    %slice3A = vector.extract_strided_slice %convert_element_type3A_24 {offsets = [0, 0], sizes = [256, 64], strides = [1, 1]} : vector<256x1024xbf16> to vector<256x64xbf16>
    %swap3A = arith.constant 0 : index
    %swap3A_84 = arith.constant 0 : index
    %swap3A_85 = arith.constant 0 : index
    %swap3A_86 = vector.load %arg10[%swap3A, %swap3A_84, %swap3A_85] : memref<16x256x64xbf16, #tpu.memory_space<vmem>>, vector<1x256x64xbf16>
    %swap3A_87 = vector.shape_cast %swap3A_86 : vector<1x256x64xbf16> to vector<256x64xbf16>
    %swap3A_88 = vector.shape_cast %slice3A : vector<256x64xbf16> to vector<1x256x64xbf16>
    tpu.vector_store %arg10[%swap3A, %swap3A_84, %swap3A_85], %swap3A_88 {strides = array<i32>} : memref<16x256x64xbf16, #tpu.memory_space<vmem>>, vector<1x256x64xbf16>,
    %slice3A_89 = vector.extract_strided_slice %convert_element_type3A_52 {offsets = [0, 0], sizes = [256, 64], strides = [1, 1]} : vector<256x1024xbf16> to vector<256x64xbf16>
    %swap3A_90 = arith.constant 0 : index
    %swap3A_91 = arith.constant 0 : index
    %swap3A_92 = arith.constant 0 : index
    %swap3A_93 = vector.load %arg11[%swap3A_90, %swap3A_91, %swap3A_92] : memref<16x256x64xbf16, #tpu.memory_space<vmem>>, vector<1x256x64xbf16>
    %swap3A_94 = vector.shape_cast %swap3A_93 : vector<1x256x64xbf16> to vector<256x64xbf16>
    %swap3A_95 = vector.shape_cast %slice3A_89 : vector<256x64xbf16> to vector<1x256x64xbf16>
    tpu.vector_store %arg11[%swap3A_90, %swap3A_91, %swap3A_92], %swap3A_95 {strides = array<i32>} : memref<16x256x64xbf16, #tpu.memory_space<vmem>>, vector<1x256x64xbf16>,
    %slice3A_96 = vector.extract_strided_slice %convert_element_type3A_80 {offsets = [0, 0], sizes = [256, 64], strides = [1, 1]} : vector<256x1024xbf16> to vector<256x64xbf16>
    %concatenate3A = tpu.concatenate %slice3A_96, %broadcast_in_dim3A_83, %broadcast_in_dim3A_81 in 1 : vector<256x64xbf16>, vector<256x1xbf16>, vector<256x63xbf16> -> vector<256x128xbf16>
    %swap3A_97 = arith.constant 0 : index
    %swap3A_98 = arith.constant 0 : index
    %swap3A_99 = arith.constant 0 : index
    %swap3A_100 = vector.load %arg12[%swap3A_97, %swap3A_98, %swap3A_99] : memref<16x256x128xbf16, #tpu.memory_space<vmem>>, vector<1x256x128xbf16>
    %swap3A_101 = vector.shape_cast %swap3A_100 : vector<1x256x128xbf16> to vector<256x128xbf16>
    %swap3A_102 = vector.shape_cast %concatenate3A : vector<256x128xbf16> to vector<1x256x128xbf16>
    tpu.vector_store %arg12[%swap3A_97, %swap3A_98, %swap3A_99], %swap3A_102 {strides = array<i32>} : memref<16x256x128xbf16, #tpu.memory_space<vmem>>, vector<1x256x128xbf16>,
    %slice3A_103 = vector.extract_strided_slice %convert_element_type3A_24 {offsets = [0, 64], sizes = [256, 64], strides = [1, 1]} : vector<256x1024xbf16> to vector<256x64xbf16>
    %swap3A_104 = arith.constant 1 : index
    %swap3A_105 = arith.constant 0 : index
    %swap3A_106 = arith.constant 0 : index
    %swap3A_107 = vector.load %arg10[%swap3A_104, %swap3A_105, %swap3A_106] : memref<16x256x64xbf16, #tpu.memory_space<vmem>>, vector<1x256x64xbf16>
    %swap3A_108 = vector.shape_cast %swap3A_107 : vector<1x256x64xbf16> to vector<256x64xbf16>
    %swap3A_109 = vector.shape_cast %slice3A_103 : vector<256x64xbf16> to vector<1x256x64xbf16>
    tpu.vector_store %arg10[%swap3A_104, %swap3A_105, %swap3A_106], %swap3A_109 {strides = array<i32>} : memref<16x256x64xbf16, #tpu.memory_space<vmem>>, vector<1x256x64xbf16>,
    %slice3A_110 = vector.extract_strided_slice %convert_element_type3A_52 {offsets = [0, 64], sizes = [256, 64], strides = [1, 1]} : vector<256x1024xbf16> to vector<256x64xbf16>
    %swap3A_111 = arith.constant 1 : index
    %swap3A_112 = arith.constant 0 : index
    %swap3A_113 = arith.constant 0 : index
    %swap3A_114 = vector.load %arg11[%swap3A_111, %swap3A_112, %swap3A_113] : memref<16x256x64xbf16, #tpu.memory_space<vmem>>, vector<1x256x64xbf16>
    %swap3A_115 = vector.shape_cast %swap3A_114 : vector<1x256x64xbf16> to vector<256x64xbf16>
    %swap3A_116 = vector.shape_cast %slice3A_110 : vector<256x64xbf16> to vector<1x256x64xbf16>
    tpu.vector_store %arg11[%swap3A_111, %swap3A_112, %swap3A_113], %swap3A_116 {strides = array<i32>} : memref<16x256x64xbf16, #tpu.memory_space<vmem>>, vector<1x256x64xbf16>,
    %slice3A_117 = vector.extract_strided_slice %convert_element_type3A_80 {offsets = [0, 64], sizes = [256, 64], strides = [1, 1]} : vector<256x1024xbf16> to vector<256x64xbf16>
    %concatenate3A_118 = tpu.concatenate %slice3A_117, %broadcast_in_dim3A_83, %broadcast_in_dim3A_81 in 1 : vector<256x64xbf16>, vector<256x1xbf16>, vector<256x63xbf16> -> vector<256x128xbf16>
    %swap3A_119 = arith.constant 1 : index
    %swap3A_120 = arith.constant 0 : index
    %swap3A_121 = arith.constant 0 : index
    %swap3A_122 = vector.load %arg12[%swap3A_119, %swap3A_120, %swap3A_121] : memref<16x256x128xbf16, #tpu.memory_space<vmem>>, vector<1x256x128xbf16>
    %swap3A_123 = vector.shape_cast %swap3A_122 : vector<1x256x128xbf16> to vector<256x128xbf16>
    %swap3A_124 = vector.shape_cast %concatenate3A_118 : vector<256x128xbf16> to vector<1x256x128xbf16>
    tpu.vector_store %arg12[%swap3A_119, %swap3A_120, %swap3A_121], %swap3A_124 {strides = array<i32>} : memref<16x256x128xbf16, #tpu.memory_space<vmem>>, vector<1x256x128xbf16>,
    %slice3A_125 = vector.extract_strided_slice %convert_element_type3A_24 {offsets = [0, 128], sizes = [256, 64], strides = [1, 1]} : vector<256x1024xbf16> to vector<256x64xbf16>
    %swap3A_126 = arith.constant 2 : index
    %swap3A_127 = arith.constant 0 : index
    %swap3A_128 = arith.constant 0 : index
    %swap3A_129 = vector.load %arg10[%swap3A_126, %swap3A_127, %swap3A_128] : memref<16x256x64xbf16, #tpu.memory_space<vmem>>, vector<1x256x64xbf16>
    %swap3A_130 = vector.shape_cast %swap3A_129 : vector<1x256x64xbf16> to vector<256x64xbf16>
    %swap3A_131 = vector.shape_cast %slice3A_125 : vector<256x64xbf16> to vector<1x256x64xbf16>
    tpu.vector_store %arg10[%swap3A_126, %swap3A_127, %swap3A_128], %swap3A_131 {strides = array<i32>} : memref<16x256x64xbf16, #tpu.memory_space<vmem>>, vector<1x256x64xbf16>,
    %slice3A_132 = vector.extract_strided_slice %convert_element_type3A_52 {offsets = [0, 128], sizes = [256, 64], strides = [1, 1]} : vector<256x1024xbf16> to vector<256x64xbf16>
    %swap3A_133 = arith.constant 2 : index
    %swap3A_134 = arith.constant 0 : index
    %swap3A_135 = arith.constant 0 : index
    %swap3A_136 = vector.load %arg11[%swap3A_133, %swap3A_134, %swap3A_135] : memref<16x256x64xbf16, #tpu.memory_space<vmem>>, vector<1x256x64xbf16>
    %swap3A_137 = vector.shape_cast %swap3A_136 : vector<1x256x64xbf16> to vector<256x64xbf16>
    %swap3A_138 = vector.shape_cast %slice3A_132 : vector<256x64xbf16> to vector<1x256x64xbf16>
    tpu.vector_store %arg11[%swap3A_133, %swap3A_134, %swap3A_135], %swap3A_138 {strides = array<i32>} : memref<16x256x64xbf16, #tpu.memory_space<vmem>>, vector<1x256x64xbf16>,
    %slice3A_139 = vector.extract_strided_slice %convert_element_type3A_80 {offsets = [0, 128], sizes = [256, 64], strides = [1, 1]} : vector<256x1024xbf16> to vector<256x64xbf16>
    %concatenate3A_140 = tpu.concatenate %slice3A_139, %broadcast_in_dim3A_83, %broadcast_in_dim3A_81 in 1 : vector<256x64xbf16>, vector<256x1xbf16>, vector<256x63xbf16> -> vector<256x128xbf16>
    %swap3A_141 = arith.constant 2 : index
    %swap3A_142 = arith.constant 0 : index
    %swap3A_143 = arith.constant 0 : index
    %swap3A_144 = vector.load %arg12[%swap3A_141, %swap3A_142, %swap3A_143] : memref<16x256x128xbf16, #tpu.memory_space<vmem>>, vector<1x256x128xbf16>
    %swap3A_145 = vector.shape_cast %swap3A_144 : vector<1x256x128xbf16> to vector<256x128xbf16>
    %swap3A_146 = vector.shape_cast %concatenate3A_140 : vector<256x128xbf16> to vector<1x256x128xbf16>
    tpu.vector_store %arg12[%swap3A_141, %swap3A_142, %swap3A_143], %swap3A_146 {strides = array<i32>} : memref<16x256x128xbf16, #tpu.memory_space<vmem>>, vector<1x256x128xbf16>,
    %slice3A_147 = vector.extract_strided_slice %convert_element_type3A_24 {offsets = [0, 192], sizes = [256, 64], strides = [1, 1]} : vector<256x1024xbf16> to vector<256x64xbf16>
    %swap3A_148 = arith.constant 3 : index
    %swap3A_149 = arith.constant 0 : index
    %swap3A_150 = arith.constant 0 : index
    %swap3A_151 = vector.load %arg10[%swap3A_148, %swap3A_149, %swap3A_150] : memref<16x256x64xbf16, #tpu.memory_space<vmem>>, vector<1x256x64xbf16>
    %swap3A_152 = vector.shape_cast %swap3A_151 : vector<1x256x64xbf16> to vector<256x64xbf16>
    %swap3A_153 = vector.shape_cast %slice3A_147 : vector<256x64xbf16> to vector<1x256x64xbf16>
    tpu.vector_store %arg10[%swap3A_148, %swap3A_149, %swap3A_150], %swap3A_153 {strides = array<i32>} : memref<16x256x64xbf16, #tpu.memory_space<vmem>>, vector<1x256x64xbf16>,
    %slice3A_154 = vector.extract_strided_slice %convert_element_type3A_52 {offsets = [0, 192], sizes = [256, 64], strides = [1, 1]} : vector<256x1024xbf16> to vector<256x64xbf16>
    %swap3A_155 = arith.constant 3 : index
    %swap3A_156 = arith.constant 0 : index
    %swap3A_157 = arith.constant 0 : index
    %swap3A_158 = vector.load %arg11[%swap3A_155, %swap3A_156, %swap3A_157] : memref<16x256x64xbf16, #tpu.memory_space<vmem>>, vector<1x256x64xbf16>
    %swap3A_159 = vector.shape_cast %swap3A_158 : vector<1x256x64xbf16> to vector<256x64xbf16>
    %swap3A_160 = vector.shape_cast %slice3A_154 : vector<256x64xbf16> to vector<1x256x64xbf16>
    tpu.vector_store %arg11[%swap3A_155, %swap3A_156, %swap3A_157], %swap3A_160 {strides = array<i32>} : memref<16x256x64xbf16, #tpu.memory_space<vmem>>, vector<1x256x64xbf16>,
    %slice3A_161 = vector.extract_strided_slice %convert_element_type3A_80 {offsets = [0, 192], sizes = [256, 64], strides = [1, 1]} : vector<256x1024xbf16> to vector<256x64xbf16>
    %concatenate3A_162 = tpu.concatenate %slice3A_161, %broadcast_in_dim3A_83, %broadcast_in_dim3A_81 in 1 : vector<256x64xbf16>, vector<256x1xbf16>, vector<256x63xbf16> -> vector<256x128xbf16>
    %swap3A_163 = arith.constant 3 : index
    %swap3A_164 = arith.constant 0 : index
    %swap3A_165 = arith.constant 0 : index
    %swap3A_166 = vector.load %arg12[%swap3A_163, %swap3A_164, %swap3A_165] : memref<16x256x128xbf16, #tpu.memory_space<vmem>>, vector<1x256x128xbf16>
    %swap3A_167 = vector.shape_cast %swap3A_166 : vector<1x256x128xbf16> to vector<256x128xbf16>
    %swap3A_168 = vector.shape_cast %concatenate3A_162 : vector<256x128xbf16> to vector<1x256x128xbf16>
    tpu.vector_store %arg12[%swap3A_163, %swap3A_164, %swap3A_165], %swap3A_168 {strides = array<i32>} : memref<16x256x128xbf16, #tpu.memory_space<vmem>>, vector<1x256x128xbf16>,
    %slice3A_169 = vector.extract_strided_slice %convert_element_type3A_24 {offsets = [0, 256], sizes = [256, 64], strides = [1, 1]} : vector<256x1024xbf16> to vector<256x64xbf16>
    %swap3A_170 = arith.constant 4 : index
    %swap3A_171 = arith.constant 0 : index
    %swap3A_172 = arith.constant 0 : index
    %swap3A_173 = vector.load %arg10[%swap3A_170, %swap3A_171, %swap3A_172] : memref<16x256x64xbf16, #tpu.memory_space<vmem>>, vector<1x256x64xbf16>
    %swap3A_174 = vector.shape_cast %swap3A_173 : vector<1x256x64xbf16> to vector<256x64xbf16>
    %swap3A_175 = vector.shape_cast %slice3A_169 : vector<256x64xbf16> to vector<1x256x64xbf16>
    tpu.vector_store %arg10[%swap3A_170, %swap3A_171, %swap3A_172], %swap3A_175 {strides = array<i32>} : memref<16x256x64xbf16, #tpu.memory_space<vmem>>, vector<1x256x64xbf16>,
    %slice3A_176 = vector.extract_strided_slice %convert_element_type3A_52 {offsets = [0, 256], sizes = [256, 64], strides = [1, 1]} : vector<256x1024xbf16> to vector<256x64xbf16>
    %swap3A_177 = arith.constant 4 : index
    %swap3A_178 = arith.constant 0 : index
    %swap3A_179 = arith.constant 0 : index
    %swap3A_180 = vector.load %arg11[%swap3A_177, %swap3A_178, %swap3A_179] : memref<16x256x64xbf16, #tpu.memory_space<vmem>>, vector<1x256x64xbf16>
    %swap3A_181 = vector.shape_cast %swap3A_180 : vector<1x256x64xbf16> to vector<256x64xbf16>
    %swap3A_182 = vector.shape_cast %slice3A_176 : vector<256x64xbf16> to vector<1x256x64xbf16>
    tpu.vector_store %arg11[%swap3A_177, %swap3A_178, %swap3A_179], %swap3A_182 {strides = array<i32>} : memref<16x256x64xbf16, #tpu.memory_space<vmem>>, vector<1x256x64xbf16>,
    %slice3A_183 = vector.extract_strided_slice %convert_element_type3A_80 {offsets = [0, 256], sizes = [256, 64], strides = [1, 1]} : vector<256x1024xbf16> to vector<256x64xbf16>
    %concatenate3A_184 = tpu.concatenate %slice3A_183, %broadcast_in_dim3A_83, %broadcast_in_dim3A_81 in 1 : vector<256x64xbf16>, vector<256x1xbf16>, vector<256x63xbf16> -> vector<256x128xbf16>
    %swap3A_185 = arith.constant 4 : index
    %swap3A_186 = arith.constant 0 : index
    %swap3A_187 = arith.constant 0 : index
    %swap3A_188 = vector.load %arg12[%swap3A_185, %swap3A_186, %swap3A_187] : memref<16x256x128xbf16, #tpu.memory_space<vmem>>, vector<1x256x128xbf16>
    %swap3A_189 = vector.shape_cast %swap3A_188 : vector<1x256x128xbf16> to vector<256x128xbf16>
    %swap3A_190 = vector.shape_cast %concatenate3A_184 : vector<256x128xbf16> to vector<1x256x128xbf16>
    tpu.vector_store %arg12[%swap3A_185, %swap3A_186, %swap3A_187], %swap3A_190 {strides = array<i32>} : memref<16x256x128xbf16, #tpu.memory_space<vmem>>, vector<1x256x128xbf16>,
    %slice3A_191 = vector.extract_strided_slice %convert_element_type3A_24 {offsets = [0, 320], sizes = [256, 64], strides = [1, 1]} : vector<256x1024xbf16> to vector<256x64xbf16>
    %swap3A_192 = arith.constant 5 : index
    %swap3A_193 = arith.constant 0 : index
    %swap3A_194 = arith.constant 0 : index
    %swap3A_195 = vector.load %arg10[%swap3A_192, %swap3A_193, %swap3A_194] : memref<16x256x64xbf16, #tpu.memory_space<vmem>>, vector<1x256x64xbf16>
    %swap3A_196 = vector.shape_cast %swap3A_195 : vector<1x256x64xbf16> to vector<256x64xbf16>
    %swap3A_197 = vector.shape_cast %slice3A_191 : vector<256x64xbf16> to vector<1x256x64xbf16>
    tpu.vector_store %arg10[%swap3A_192, %swap3A_193, %swap3A_194], %swap3A_197 {strides = array<i32>} : memref<16x256x64xbf16, #tpu.memory_space<vmem>>, vector<1x256x64xbf16>,
    %slice3A_198 = vector.extract_strided_slice %convert_element_type3A_52 {offsets = [0, 320], sizes = [256, 64], strides = [1, 1]} : vector<256x1024xbf16> to vector<256x64xbf16>
    %swap3A_199 = arith.constant 5 : index
    %swap3A_200 = arith.constant 0 : index
    %swap3A_201 = arith.constant 0 : index
    %swap3A_202 = vector.load %arg11[%swap3A_199, %swap3A_200, %swap3A_201] : memref<16x256x64xbf16, #tpu.memory_space<vmem>>, vector<1x256x64xbf16>
    %swap3A_203 = vector.shape_cast %swap3A_202 : vector<1x256x64xbf16> to vector<256x64xbf16>
    %swap3A_204 = vector.shape_cast %slice3A_198 : vector<256x64xbf16> to vector<1x256x64xbf16>
    tpu.vector_store %arg11[%swap3A_199, %swap3A_200, %swap3A_201], %swap3A_204 {strides = array<i32>} : memref<16x256x64xbf16, #tpu.memory_space<vmem>>, vector<1x256x64xbf16>,
    %slice3A_205 = vector.extract_strided_slice %convert_element_type3A_80 {offsets = [0, 320], sizes = [256, 64], strides = [1, 1]} : vector<256x1024xbf16> to vector<256x64xbf16>
    %concatenate3A_206 = tpu.concatenate %slice3A_205, %broadcast_in_dim3A_83, %broadcast_in_dim3A_81 in 1 : vector<256x64xbf16>, vector<256x1xbf16>, vector<256x63xbf16> -> vector<256x128xbf16>
    %swap3A_207 = arith.constant 5 : index
    %swap3A_208 = arith.constant 0 : index
    %swap3A_209 = arith.constant 0 : index
    %swap3A_210 = vector.load %arg12[%swap3A_207, %swap3A_208, %swap3A_209] : memref<16x256x128xbf16, #tpu.memory_space<vmem>>, vector<1x256x128xbf16>
    %swap3A_211 = vector.shape_cast %swap3A_210 : vector<1x256x128xbf16> to vector<256x128xbf16>
    %swap3A_212 = vector.shape_cast %concatenate3A_206 : vector<256x128xbf16> to vector<1x256x128xbf16>
    tpu.vector_store %arg12[%swap3A_207, %swap3A_208, %swap3A_209], %swap3A_212 {strides = array<i32>} : memref<16x256x128xbf16, #tpu.memory_space<vmem>>, vector<1x256x128xbf16>,
    %slice3A_213 = vector.extract_strided_slice %convert_element_type3A_24 {offsets = [0, 384], sizes = [256, 64], strides = [1, 1]} : vector<256x1024xbf16> to vector<256x64xbf16>
    %swap3A_214 = arith.constant 6 : index
    %swap3A_215 = arith.constant 0 : index
    %swap3A_216 = arith.constant 0 : index
    %swap3A_217 = vector.load %arg10[%swap3A_214, %swap3A_215, %swap3A_216] : memref<16x256x64xbf16, #tpu.memory_space<vmem>>, vector<1x256x64xbf16>
    %swap3A_218 = vector.shape_cast %swap3A_217 : vector<1x256x64xbf16> to vector<256x64xbf16>
    %swap3A_219 = vector.shape_cast %slice3A_213 : vector<256x64xbf16> to vector<1x256x64xbf16>
    tpu.vector_store %arg10[%swap3A_214, %swap3A_215, %swap3A_216], %swap3A_219 {strides = array<i32>} : memref<16x256x64xbf16, #tpu.memory_space<vmem>>, vector<1x256x64xbf16>,
    %slice3A_220 = vector.extract_strided_slice %convert_element_type3A_52 {offsets = [0, 384], sizes = [256, 64], strides = [1, 1]} : vector<256x1024xbf16> to vector<256x64xbf16>
    %swap3A_221 = arith.constant 6 : index
    %swap3A_222 = arith.constant 0 : index
    %swap3A_223 = arith.constant 0 : index
    %swap3A_224 = vector.load %arg11[%swap3A_221, %swap3A_222, %swap3A_223] : memref<16x256x64xbf16, #tpu.memory_space<vmem>>, vector<1x256x64xbf16>
    %swap3A_225 = vector.shape_cast %swap3A_224 : vector<1x256x64xbf16> to vector<256x64xbf16>
    %swap3A_226 = vector.shape_cast %slice3A_220 : vector<256x64xbf16> to vector<1x256x64xbf16>
    tpu.vector_store %arg11[%swap3A_221, %swap3A_222, %swap3A_223], %swap3A_226 {strides = array<i32>} : memref<16x256x64xbf16, #tpu.memory_space<vmem>>, vector<1x256x64xbf16>,
    %slice3A_227 = vector.extract_strided_slice %convert_element_type3A_80 {offsets = [0, 384], sizes = [256, 64], strides = [1, 1]} : vector<256x1024xbf16> to vector<256x64xbf16>
    %concatenate3A_228 = tpu.concatenate %slice3A_227, %broadcast_in_dim3A_83, %broadcast_in_dim3A_81 in 1 : vector<256x64xbf16>, vector<256x1xbf16>, vector<256x63xbf16> -> vector<256x128xbf16>
    %swap3A_229 = arith.constant 6 : index
    %swap3A_230 = arith.constant 0 : index
    %swap3A_231 = arith.constant 0 : index
    %swap3A_232 = vector.load %arg12[%swap3A_229, %swap3A_230, %swap3A_231] : memref<16x256x128xbf16, #tpu.memory_space<vmem>>, vector<1x256x128xbf16>
    %swap3A_233 = vector.shape_cast %swap3A_232 : vector<1x256x128xbf16> to vector<256x128xbf16>
    %swap3A_234 = vector.shape_cast %concatenate3A_228 : vector<256x128xbf16> to vector<1x256x128xbf16>
    tpu.vector_store %arg12[%swap3A_229, %swap3A_230, %swap3A_231], %swap3A_234 {strides = array<i32>} : memref<16x256x128xbf16, #tpu.memory_space<vmem>>, vector<1x256x128xbf16>,
    %slice3A_235 = vector.extract_strided_slice %convert_element_type3A_24 {offsets = [0, 448], sizes = [256, 64], strides = [1, 1]} : vector<256x1024xbf16> to vector<256x64xbf16>
    %swap3A_236 = arith.constant 7 : index
    %swap3A_237 = arith.constant 0 : index
    %swap3A_238 = arith.constant 0 : index
    %swap3A_239 = vector.load %arg10[%swap3A_236, %swap3A_237, %swap3A_238] : memref<16x256x64xbf16, #tpu.memory_space<vmem>>, vector<1x256x64xbf16>
    %swap3A_240 = vector.shape_cast %swap3A_239 : vector<1x256x64xbf16> to vector<256x64xbf16>
    %swap3A_241 = vector.shape_cast %slice3A_235 : vector<256x64xbf16> to vector<1x256x64xbf16>
    tpu.vector_store %arg10[%swap3A_236, %swap3A_237, %swap3A_238], %swap3A_241 {strides = array<i32>} : memref<16x256x64xbf16, #tpu.memory_space<vmem>>, vector<1x256x64xbf16>,
    %slice3A_242 = vector.extract_strided_slice %convert_element_type3A_52 {offsets = [0, 448], sizes = [256, 64], strides = [1, 1]} : vector<256x1024xbf16> to vector<256x64xbf16>
    %swap3A_243 = arith.constant 7 : index
    %swap3A_244 = arith.constant 0 : index
    %swap3A_245 = arith.constant 0 : index
    %swap3A_246 = vector.load %arg11[%swap3A_243, %swap3A_244, %swap3A_245] : memref<16x256x64xbf16, #tpu.memory_space<vmem>>, vector<1x256x64xbf16>
    %swap3A_247 = vector.shape_cast %swap3A_246 : vector<1x256x64xbf16> to vector<256x64xbf16>
    %swap3A_248 = vector.shape_cast %slice3A_242 : vector<256x64xbf16> to vector<1x256x64xbf16>
    tpu.vector_store %arg11[%swap3A_243, %swap3A_244, %swap3A_245], %swap3A_248 {strides = array<i32>} : memref<16x256x64xbf16, #tpu.memory_space<vmem>>, vector<1x256x64xbf16>,
    %slice3A_249 = vector.extract_strided_slice %convert_element_type3A_80 {offsets = [0, 448], sizes = [256, 64], strides = [1, 1]} : vector<256x1024xbf16> to vector<256x64xbf16>
    %concatenate3A_250 = tpu.concatenate %slice3A_249, %broadcast_in_dim3A_83, %broadcast_in_dim3A_81 in 1 : vector<256x64xbf16>, vector<256x1xbf16>, vector<256x63xbf16> -> vector<256x128xbf16>
    %swap3A_251 = arith.constant 7 : index
    %swap3A_252 = arith.constant 0 : index
    %swap3A_253 = arith.constant 0 : index
    %swap3A_254 = vector.load %arg12[%swap3A_251, %swap3A_252, %swap3A_253] : memref<16x256x128xbf16, #tpu.memory_space<vmem>>, vector<1x256x128xbf16>
    %swap3A_255 = vector.shape_cast %swap3A_254 : vector<1x256x128xbf16> to vector<256x128xbf16>
    %swap3A_256 = vector.shape_cast %concatenate3A_250 : vector<256x128xbf16> to vector<1x256x128xbf16>
    tpu.vector_store %arg12[%swap3A_251, %swap3A_252, %swap3A_253], %swap3A_256 {strides = array<i32>} : memref<16x256x128xbf16, #tpu.memory_space<vmem>>, vector<1x256x128xbf16>,
    %slice3A_257 = vector.extract_strided_slice %convert_element_type3A_24 {offsets = [0, 512], sizes = [256, 64], strides = [1, 1]} : vector<256x1024xbf16> to vector<256x64xbf16>
    %swap3A_258 = arith.constant 8 : index
    %swap3A_259 = arith.constant 0 : index
    %swap3A_260 = arith.constant 0 : index
    %swap3A_261 = vector.load %arg10[%swap3A_258, %swap3A_259, %swap3A_260] : memref<16x256x64xbf16, #tpu.memory_space<vmem>>, vector<1x256x64xbf16>
    %swap3A_262 = vector.shape_cast %swap3A_261 : vector<1x256x64xbf16> to vector<256x64xbf16>
    %swap3A_263 = vector.shape_cast %slice3A_257 : vector<256x64xbf16> to vector<1x256x64xbf16>
    tpu.vector_store %arg10[%swap3A_258, %swap3A_259, %swap3A_260], %swap3A_263 {strides = array<i32>} : memref<16x256x64xbf16, #tpu.memory_space<vmem>>, vector<1x256x64xbf16>,
    %slice3A_264 = vector.extract_strided_slice %convert_element_type3A_52 {offsets = [0, 512], sizes = [256, 64], strides = [1, 1]} : vector<256x1024xbf16> to vector<256x64xbf16>
    %swap3A_265 = arith.constant 8 : index
    %swap3A_266 = arith.constant 0 : index
    %swap3A_267 = arith.constant 0 : index
    %swap3A_268 = vector.load %arg11[%swap3A_265, %swap3A_266, %swap3A_267] : memref<16x256x64xbf16, #tpu.memory_space<vmem>>, vector<1x256x64xbf16>
    %swap3A_269 = vector.shape_cast %swap3A_268 : vector<1x256x64xbf16> to vector<256x64xbf16>
    %swap3A_270 = vector.shape_cast %slice3A_264 : vector<256x64xbf16> to vector<1x256x64xbf16>
    tpu.vector_store %arg11[%swap3A_265, %swap3A_266, %swap3A_267], %swap3A_270 {strides = array<i32>} : memref<16x256x64xbf16, #tpu.memory_space<vmem>>, vector<1x256x64xbf16>,
    %slice3A_271 = vector.extract_strided_slice %convert_element_type3A_80 {offsets = [0, 512], sizes = [256, 64], strides = [1, 1]} : vector<256x1024xbf16> to vector<256x64xbf16>
    %concatenate3A_272 = tpu.concatenate %slice3A_271, %broadcast_in_dim3A_83, %broadcast_in_dim3A_81 in 1 : vector<256x64xbf16>, vector<256x1xbf16>, vector<256x63xbf16> -> vector<256x128xbf16>
    %swap3A_273 = arith.constant 8 : index
    %swap3A_274 = arith.constant 0 : index
    %swap3A_275 = arith.constant 0 : index
    %swap3A_276 = vector.load %arg12[%swap3A_273, %swap3A_274, %swap3A_275] : memref<16x256x128xbf16, #tpu.memory_space<vmem>>, vector<1x256x128xbf16>
    %swap3A_277 = vector.shape_cast %swap3A_276 : vector<1x256x128xbf16> to vector<256x128xbf16>
    %swap3A_278 = vector.shape_cast %concatenate3A_272 : vector<256x128xbf16> to vector<1x256x128xbf16>
    tpu.vector_store %arg12[%swap3A_273, %swap3A_274, %swap3A_275], %swap3A_278 {strides = array<i32>} : memref<16x256x128xbf16, #tpu.memory_space<vmem>>, vector<1x256x128xbf16>,
    %slice3A_279 = vector.extract_strided_slice %convert_element_type3A_24 {offsets = [0, 576], sizes = [256, 64], strides = [1, 1]} : vector<256x1024xbf16> to vector<256x64xbf16>
    %swap3A_280 = arith.constant 9 : index
    %swap3A_281 = arith.constant 0 : index
    %swap3A_282 = arith.constant 0 : index
    %swap3A_283 = vector.load %arg10[%swap3A_280, %swap3A_281, %swap3A_282] : memref<16x256x64xbf16, #tpu.memory_space<vmem>>, vector<1x256x64xbf16>
    %swap3A_284 = vector.shape_cast %swap3A_283 : vector<1x256x64xbf16> to vector<256x64xbf16>
    %swap3A_285 = vector.shape_cast %slice3A_279 : vector<256x64xbf16> to vector<1x256x64xbf16>
    tpu.vector_store %arg10[%swap3A_280, %swap3A_281, %swap3A_282], %swap3A_285 {strides = array<i32>} : memref<16x256x64xbf16, #tpu.memory_space<vmem>>, vector<1x256x64xbf16>,
    %slice3A_286 = vector.extract_strided_slice %convert_element_type3A_52 {offsets = [0, 576], sizes = [256, 64], strides = [1, 1]} : vector<256x1024xbf16> to vector<256x64xbf16>
    %swap3A_287 = arith.constant 9 : index
    %swap3A_288 = arith.constant 0 : index
    %swap3A_289 = arith.constant 0 : index
    %swap3A_290 = vector.load %arg11[%swap3A_287, %swap3A_288, %swap3A_289] : memref<16x256x64xbf16, #tpu.memory_space<vmem>>, vector<1x256x64xbf16>
    %swap3A_291 = vector.shape_cast %swap3A_290 : vector<1x256x64xbf16> to vector<256x64xbf16>
    %swap3A_292 = vector.shape_cast %slice3A_286 : vector<256x64xbf16> to vector<1x256x64xbf16>
    tpu.vector_store %arg11[%swap3A_287, %swap3A_288, %swap3A_289], %swap3A_292 {strides = array<i32>} : memref<16x256x64xbf16, #tpu.memory_space<vmem>>, vector<1x256x64xbf16>,
    %slice3A_293 = vector.extract_strided_slice %convert_element_type3A_80 {offsets = [0, 576], sizes = [256, 64], strides = [1, 1]} : vector<256x1024xbf16> to vector<256x64xbf16>
    %concatenate3A_294 = tpu.concatenate %slice3A_293, %broadcast_in_dim3A_83, %broadcast_in_dim3A_81 in 1 : vector<256x64xbf16>, vector<256x1xbf16>, vector<256x63xbf16> -> vector<256x128xbf16>
    %swap3A_295 = arith.constant 9 : index
    %swap3A_296 = arith.constant 0 : index
    %swap3A_297 = arith.constant 0 : index
    %swap3A_298 = vector.load %arg12[%swap3A_295, %swap3A_296, %swap3A_297] : memref<16x256x128xbf16, #tpu.memory_space<vmem>>, vector<1x256x128xbf16>
    %swap3A_299 = vector.shape_cast %swap3A_298 : vector<1x256x128xbf16> to vector<256x128xbf16>
    %swap3A_300 = vector.shape_cast %concatenate3A_294 : vector<256x128xbf16> to vector<1x256x128xbf16>
    tpu.vector_store %arg12[%swap3A_295, %swap3A_296, %swap3A_297], %swap3A_300 {strides = array<i32>} : memref<16x256x128xbf16, #tpu.memory_space<vmem>>, vector<1x256x128xbf16>,
    %slice3A_301 = vector.extract_strided_slice %convert_element_type3A_24 {offsets = [0, 640], sizes = [256, 64], strides = [1, 1]} : vector<256x1024xbf16> to vector<256x64xbf16>
    %swap3A_302 = arith.constant 10 : index
    %swap3A_303 = arith.constant 0 : index
    %swap3A_304 = arith.constant 0 : index
    %swap3A_305 = vector.load %arg10[%swap3A_302, %swap3A_303, %swap3A_304] : memref<16x256x64xbf16, #tpu.memory_space<vmem>>, vector<1x256x64xbf16>
    %swap3A_306 = vector.shape_cast %swap3A_305 : vector<1x256x64xbf16> to vector<256x64xbf16>
    %swap3A_307 = vector.shape_cast %slice3A_301 : vector<256x64xbf16> to vector<1x256x64xbf16>
    tpu.vector_store %arg10[%swap3A_302, %swap3A_303, %swap3A_304], %swap3A_307 {strides = array<i32>} : memref<16x256x64xbf16, #tpu.memory_space<vmem>>, vector<1x256x64xbf16>,
    %slice3A_308 = vector.extract_strided_slice %convert_element_type3A_52 {offsets = [0, 640], sizes = [256, 64], strides = [1, 1]} : vector<256x1024xbf16> to vector<256x64xbf16>
    %swap3A_309 = arith.constant 10 : index
    %swap3A_310 = arith.constant 0 : index
    %swap3A_311 = arith.constant 0 : index
    %swap3A_312 = vector.load %arg11[%swap3A_309, %swap3A_310, %swap3A_311] : memref<16x256x64xbf16, #tpu.memory_space<vmem>>, vector<1x256x64xbf16>
    %swap3A_313 = vector.shape_cast %swap3A_312 : vector<1x256x64xbf16> to vector<256x64xbf16>
    %swap3A_314 = vector.shape_cast %slice3A_308 : vector<256x64xbf16> to vector<1x256x64xbf16>
    tpu.vector_store %arg11[%swap3A_309, %swap3A_310, %swap3A_311], %swap3A_314 {strides = array<i32>} : memref<16x256x64xbf16, #tpu.memory_space<vmem>>, vector<1x256x64xbf16>,
    %slice3A_315 = vector.extract_strided_slice %convert_element_type3A_80 {offsets = [0, 640], sizes = [256, 64], strides = [1, 1]} : vector<256x1024xbf16> to vector<256x64xbf16>
    %concatenate3A_316 = tpu.concatenate %slice3A_315, %broadcast_in_dim3A_83, %broadcast_in_dim3A_81 in 1 : vector<256x64xbf16>, vector<256x1xbf16>, vector<256x63xbf16> -> vector<256x128xbf16>
    %swap3A_317 = arith.constant 10 : index
    %swap3A_318 = arith.constant 0 : index
    %swap3A_319 = arith.constant 0 : index
    %swap3A_320 = vector.load %arg12[%swap3A_317, %swap3A_318, %swap3A_319] : memref<16x256x128xbf16, #tpu.memory_space<vmem>>, vector<1x256x128xbf16>
    %swap3A_321 = vector.shape_cast %swap3A_320 : vector<1x256x128xbf16> to vector<256x128xbf16>
    %swap3A_322 = vector.shape_cast %concatenate3A_316 : vector<256x128xbf16> to vector<1x256x128xbf16>
    tpu.vector_store %arg12[%swap3A_317, %swap3A_318, %swap3A_319], %swap3A_322 {strides = array<i32>} : memref<16x256x128xbf16, #tpu.memory_space<vmem>>, vector<1x256x128xbf16>,
    %slice3A_323 = vector.extract_strided_slice %convert_element_type3A_24 {offsets = [0, 704], sizes = [256, 64], strides = [1, 1]} : vector<256x1024xbf16> to vector<256x64xbf16>
    %swap3A_324 = arith.constant 11 : index
    %swap3A_325 = arith.constant 0 : index
    %swap3A_326 = arith.constant 0 : index
    %swap3A_327 = vector.load %arg10[%swap3A_324, %swap3A_325, %swap3A_326] : memref<16x256x64xbf16, #tpu.memory_space<vmem>>, vector<1x256x64xbf16>
    %swap3A_328 = vector.shape_cast %swap3A_327 : vector<1x256x64xbf16> to vector<256x64xbf16>
    %swap3A_329 = vector.shape_cast %slice3A_323 : vector<256x64xbf16> to vector<1x256x64xbf16>
    tpu.vector_store %arg10[%swap3A_324, %swap3A_325, %swap3A_326], %swap3A_329 {strides = array<i32>} : memref<16x256x64xbf16, #tpu.memory_space<vmem>>, vector<1x256x64xbf16>,
    %slice3A_330 = vector.extract_strided_slice %convert_element_type3A_52 {offsets = [0, 704], sizes = [256, 64], strides = [1, 1]} : vector<256x1024xbf16> to vector<256x64xbf16>
    %swap3A_331 = arith.constant 11 : index
    %swap3A_332 = arith.constant 0 : index
    %swap3A_333 = arith.constant 0 : index
    %swap3A_334 = vector.load %arg11[%swap3A_331, %swap3A_332, %swap3A_333] : memref<16x256x64xbf16, #tpu.memory_space<vmem>>, vector<1x256x64xbf16>
    %swap3A_335 = vector.shape_cast %swap3A_334 : vector<1x256x64xbf16> to vector<256x64xbf16>
    %swap3A_336 = vector.shape_cast %slice3A_330 : vector<256x64xbf16> to vector<1x256x64xbf16>
    tpu.vector_store %arg11[%swap3A_331, %swap3A_332, %swap3A_333], %swap3A_336 {strides = array<i32>} : memref<16x256x64xbf16, #tpu.memory_space<vmem>>, vector<1x256x64xbf16>,
    %slice3A_337 = vector.extract_strided_slice %convert_element_type3A_80 {offsets = [0, 704], sizes = [256, 64], strides = [1, 1]} : vector<256x1024xbf16> to vector<256x64xbf16>
    %concatenate3A_338 = tpu.concatenate %slice3A_337, %broadcast_in_dim3A_83, %broadcast_in_dim3A_81 in 1 : vector<256x64xbf16>, vector<256x1xbf16>, vector<256x63xbf16> -> vector<256x128xbf16>
    %swap3A_339 = arith.constant 11 : index
    %swap3A_340 = arith.constant 0 : index
    %swap3A_341 = arith.constant 0 : index
    %swap3A_342 = vector.load %arg12[%swap3A_339, %swap3A_340, %swap3A_341] : memref<16x256x128xbf16, #tpu.memory_space<vmem>>, vector<1x256x128xbf16>
    %swap3A_343 = vector.shape_cast %swap3A_342 : vector<1x256x128xbf16> to vector<256x128xbf16>
    %swap3A_344 = vector.shape_cast %concatenate3A_338 : vector<256x128xbf16> to vector<1x256x128xbf16>
    tpu.vector_store %arg12[%swap3A_339, %swap3A_340, %swap3A_341], %swap3A_344 {strides = array<i32>} : memref<16x256x128xbf16, #tpu.memory_space<vmem>>, vector<1x256x128xbf16>,
    %slice3A_345 = vector.extract_strided_slice %convert_element_type3A_24 {offsets = [0, 768], sizes = [256, 64], strides = [1, 1]} : vector<256x1024xbf16> to vector<256x64xbf16>
    %swap3A_346 = arith.constant 12 : index
    %swap3A_347 = arith.constant 0 : index
    %swap3A_348 = arith.constant 0 : index
    %swap3A_349 = vector.load %arg10[%swap3A_346, %swap3A_347, %swap3A_348] : memref<16x256x64xbf16, #tpu.memory_space<vmem>>, vector<1x256x64xbf16>
    %swap3A_350 = vector.shape_cast %swap3A_349 : vector<1x256x64xbf16> to vector<256x64xbf16>
    %swap3A_351 = vector.shape_cast %slice3A_345 : vector<256x64xbf16> to vector<1x256x64xbf16>
    tpu.vector_store %arg10[%swap3A_346, %swap3A_347, %swap3A_348], %swap3A_351 {strides = array<i32>} : memref<16x256x64xbf16, #tpu.memory_space<vmem>>, vector<1x256x64xbf16>,
    %slice3A_352 = vector.extract_strided_slice %convert_element_type3A_52 {offsets = [0, 768], sizes = [256, 64], strides = [1, 1]} : vector<256x1024xbf16> to vector<256x64xbf16>
    %swap3A_353 = arith.constant 12 : index
    %swap3A_354 = arith.constant 0 : index
    %swap3A_355 = arith.constant 0 : index
    %swap3A_356 = vector.load %arg11[%swap3A_353, %swap3A_354, %swap3A_355] : memref<16x256x64xbf16, #tpu.memory_space<vmem>>, vector<1x256x64xbf16>
    %swap3A_357 = vector.shape_cast %swap3A_356 : vector<1x256x64xbf16> to vector<256x64xbf16>
    %swap3A_358 = vector.shape_cast %slice3A_352 : vector<256x64xbf16> to vector<1x256x64xbf16>
    tpu.vector_store %arg11[%swap3A_353, %swap3A_354, %swap3A_355], %swap3A_358 {strides = array<i32>} : memref<16x256x64xbf16, #tpu.memory_space<vmem>>, vector<1x256x64xbf16>,
    %slice3A_359 = vector.extract_strided_slice %convert_element_type3A_80 {offsets = [0, 768], sizes = [256, 64], strides = [1, 1]} : vector<256x1024xbf16> to vector<256x64xbf16>
    %concatenate3A_360 = tpu.concatenate %slice3A_359, %broadcast_in_dim3A_83, %broadcast_in_dim3A_81 in 1 : vector<256x64xbf16>, vector<256x1xbf16>, vector<256x63xbf16> -> vector<256x128xbf16>
    %swap3A_361 = arith.constant 12 : index
    %swap3A_362 = arith.constant 0 : index
    %swap3A_363 = arith.constant 0 : index
    %swap3A_364 = vector.load %arg12[%swap3A_361, %swap3A_362, %swap3A_363] : memref<16x256x128xbf16, #tpu.memory_space<vmem>>, vector<1x256x128xbf16>
    %swap3A_365 = vector.shape_cast %swap3A_364 : vector<1x256x128xbf16> to vector<256x128xbf16>
    %swap3A_366 = vector.shape_cast %concatenate3A_360 : vector<256x128xbf16> to vector<1x256x128xbf16>
    tpu.vector_store %arg12[%swap3A_361, %swap3A_362, %swap3A_363], %swap3A_366 {strides = array<i32>} : memref<16x256x128xbf16, #tpu.memory_space<vmem>>, vector<1x256x128xbf16>,
    %slice3A_367 = vector.extract_strided_slice %convert_element_type3A_24 {offsets = [0, 832], sizes = [256, 64], strides = [1, 1]} : vector<256x1024xbf16> to vector<256x64xbf16>
    %swap3A_368 = arith.constant 13 : index
    %swap3A_369 = arith.constant 0 : index
    %swap3A_370 = arith.constant 0 : index
    %swap3A_371 = vector.load %arg10[%swap3A_368, %swap3A_369, %swap3A_370] : memref<16x256x64xbf16, #tpu.memory_space<vmem>>, vector<1x256x64xbf16>
    %swap3A_372 = vector.shape_cast %swap3A_371 : vector<1x256x64xbf16> to vector<256x64xbf16>
    %swap3A_373 = vector.shape_cast %slice3A_367 : vector<256x64xbf16> to vector<1x256x64xbf16>
    tpu.vector_store %arg10[%swap3A_368, %swap3A_369, %swap3A_370], %swap3A_373 {strides = array<i32>} : memref<16x256x64xbf16, #tpu.memory_space<vmem>>, vector<1x256x64xbf16>,
    %slice3A_374 = vector.extract_strided_slice %convert_element_type3A_52 {offsets = [0, 832], sizes = [256, 64], strides = [1, 1]} : vector<256x1024xbf16> to vector<256x64xbf16>
    %swap3A_375 = arith.constant 13 : index
    %swap3A_376 = arith.constant 0 : index
    %swap3A_377 = arith.constant 0 : index
    %swap3A_378 = vector.load %arg11[%swap3A_375, %swap3A_376, %swap3A_377] : memref<16x256x64xbf16, #tpu.memory_space<vmem>>, vector<1x256x64xbf16>
    %swap3A_379 = vector.shape_cast %swap3A_378 : vector<1x256x64xbf16> to vector<256x64xbf16>
    %swap3A_380 = vector.shape_cast %slice3A_374 : vector<256x64xbf16> to vector<1x256x64xbf16>
    tpu.vector_store %arg11[%swap3A_375, %swap3A_376, %swap3A_377], %swap3A_380 {strides = array<i32>} : memref<16x256x64xbf16, #tpu.memory_space<vmem>>, vector<1x256x64xbf16>,
    %slice3A_381 = vector.extract_strided_slice %convert_element_type3A_80 {offsets = [0, 832], sizes = [256, 64], strides = [1, 1]} : vector<256x1024xbf16> to vector<256x64xbf16>
    %concatenate3A_382 = tpu.concatenate %slice3A_381, %broadcast_in_dim3A_83, %broadcast_in_dim3A_81 in 1 : vector<256x64xbf16>, vector<256x1xbf16>, vector<256x63xbf16> -> vector<256x128xbf16>
    %swap3A_383 = arith.constant 13 : index
    %swap3A_384 = arith.constant 0 : index
    %swap3A_385 = arith.constant 0 : index
    %swap3A_386 = vector.load %arg12[%swap3A_383, %swap3A_384, %swap3A_385] : memref<16x256x128xbf16, #tpu.memory_space<vmem>>, vector<1x256x128xbf16>
    %swap3A_387 = vector.shape_cast %swap3A_386 : vector<1x256x128xbf16> to vector<256x128xbf16>
    %swap3A_388 = vector.shape_cast %concatenate3A_382 : vector<256x128xbf16> to vector<1x256x128xbf16>
    tpu.vector_store %arg12[%swap3A_383, %swap3A_384, %swap3A_385], %swap3A_388 {strides = array<i32>} : memref<16x256x128xbf16, #tpu.memory_space<vmem>>, vector<1x256x128xbf16>,
    %slice3A_389 = vector.extract_strided_slice %convert_element_type3A_24 {offsets = [0, 896], sizes = [256, 64], strides = [1, 1]} : vector<256x1024xbf16> to vector<256x64xbf16>
    %swap3A_390 = arith.constant 14 : index
    %swap3A_391 = arith.constant 0 : index
    %swap3A_392 = arith.constant 0 : index
    %swap3A_393 = vector.load %arg10[%swap3A_390, %swap3A_391, %swap3A_392] : memref<16x256x64xbf16, #tpu.memory_space<vmem>>, vector<1x256x64xbf16>
    %swap3A_394 = vector.shape_cast %swap3A_393 : vector<1x256x64xbf16> to vector<256x64xbf16>
    %swap3A_395 = vector.shape_cast %slice3A_389 : vector<256x64xbf16> to vector<1x256x64xbf16>
    tpu.vector_store %arg10[%swap3A_390, %swap3A_391, %swap3A_392], %swap3A_395 {strides = array<i32>} : memref<16x256x64xbf16, #tpu.memory_space<vmem>>, vector<1x256x64xbf16>,
    %slice3A_396 = vector.extract_strided_slice %convert_element_type3A_52 {offsets = [0, 896], sizes = [256, 64], strides = [1, 1]} : vector<256x1024xbf16> to vector<256x64xbf16>
    %swap3A_397 = arith.constant 14 : index
    %swap3A_398 = arith.constant 0 : index
    %swap3A_399 = arith.constant 0 : index
    %swap3A_400 = vector.load %arg11[%swap3A_397, %swap3A_398, %swap3A_399] : memref<16x256x64xbf16, #tpu.memory_space<vmem>>, vector<1x256x64xbf16>
    %swap3A_401 = vector.shape_cast %swap3A_400 : vector<1x256x64xbf16> to vector<256x64xbf16>
    %swap3A_402 = vector.shape_cast %slice3A_396 : vector<256x64xbf16> to vector<1x256x64xbf16>
    tpu.vector_store %arg11[%swap3A_397, %swap3A_398, %swap3A_399], %swap3A_402 {strides = array<i32>} : memref<16x256x64xbf16, #tpu.memory_space<vmem>>, vector<1x256x64xbf16>,
    %slice3A_403 = vector.extract_strided_slice %convert_element_type3A_80 {offsets = [0, 896], sizes = [256, 64], strides = [1, 1]} : vector<256x1024xbf16> to vector<256x64xbf16>
    %concatenate3A_404 = tpu.concatenate %slice3A_403, %broadcast_in_dim3A_83, %broadcast_in_dim3A_81 in 1 : vector<256x64xbf16>, vector<256x1xbf16>, vector<256x63xbf16> -> vector<256x128xbf16>
    %swap3A_405 = arith.constant 14 : index
    %swap3A_406 = arith.constant 0 : index
    %swap3A_407 = arith.constant 0 : index
    %swap3A_408 = vector.load %arg12[%swap3A_405, %swap3A_406, %swap3A_407] : memref<16x256x128xbf16, #tpu.memory_space<vmem>>, vector<1x256x128xbf16>
    %swap3A_409 = vector.shape_cast %swap3A_408 : vector<1x256x128xbf16> to vector<256x128xbf16>
    %swap3A_410 = vector.shape_cast %concatenate3A_404 : vector<256x128xbf16> to vector<1x256x128xbf16>
    tpu.vector_store %arg12[%swap3A_405, %swap3A_406, %swap3A_407], %swap3A_410 {strides = array<i32>} : memref<16x256x128xbf16, #tpu.memory_space<vmem>>, vector<1x256x128xbf16>,
    %slice3A_411 = vector.extract_strided_slice %convert_element_type3A_24 {offsets = [0, 960], sizes = [256, 64], strides = [1, 1]} : vector<256x1024xbf16> to vector<256x64xbf16>
    %swap3A_412 = arith.constant 15 : index
    %swap3A_413 = arith.constant 0 : index
    %swap3A_414 = arith.constant 0 : index
    %swap3A_415 = vector.load %arg10[%swap3A_412, %swap3A_413, %swap3A_414] : memref<16x256x64xbf16, #tpu.memory_space<vmem>>, vector<1x256x64xbf16>
    %swap3A_416 = vector.shape_cast %swap3A_415 : vector<1x256x64xbf16> to vector<256x64xbf16>
    %swap3A_417 = vector.shape_cast %slice3A_411 : vector<256x64xbf16> to vector<1x256x64xbf16>
    tpu.vector_store %arg10[%swap3A_412, %swap3A_413, %swap3A_414], %swap3A_417 {strides = array<i32>} : memref<16x256x64xbf16, #tpu.memory_space<vmem>>, vector<1x256x64xbf16>,
    %slice3A_418 = vector.extract_strided_slice %convert_element_type3A_52 {offsets = [0, 960], sizes = [256, 64], strides = [1, 1]} : vector<256x1024xbf16> to vector<256x64xbf16>
    %swap3A_419 = arith.constant 15 : index
    %swap3A_420 = arith.constant 0 : index
    %swap3A_421 = arith.constant 0 : index
    %swap3A_422 = vector.load %arg11[%swap3A_419, %swap3A_420, %swap3A_421] : memref<16x256x64xbf16, #tpu.memory_space<vmem>>, vector<1x256x64xbf16>
    %swap3A_423 = vector.shape_cast %swap3A_422 : vector<1x256x64xbf16> to vector<256x64xbf16>
    %swap3A_424 = vector.shape_cast %slice3A_418 : vector<256x64xbf16> to vector<1x256x64xbf16>
    tpu.vector_store %arg11[%swap3A_419, %swap3A_420, %swap3A_421], %swap3A_424 {strides = array<i32>} : memref<16x256x64xbf16, #tpu.memory_space<vmem>>, vector<1x256x64xbf16>,
    %slice3A_425 = vector.extract_strided_slice %convert_element_type3A_80 {offsets = [0, 960], sizes = [256, 64], strides = [1, 1]} : vector<256x1024xbf16> to vector<256x64xbf16>
    %concatenate3A_426 = tpu.concatenate %slice3A_425, %broadcast_in_dim3A_83, %broadcast_in_dim3A_81 in 1 : vector<256x64xbf16>, vector<256x1xbf16>, vector<256x63xbf16> -> vector<256x128xbf16>
    %swap3A_427 = arith.constant 15 : index
    %swap3A_428 = arith.constant 0 : index
    %swap3A_429 = arith.constant 0 : index
    %swap3A_430 = vector.load %arg12[%swap3A_427, %swap3A_428, %swap3A_429] : memref<16x256x128xbf16, #tpu.memory_space<vmem>>, vector<1x256x128xbf16>
    %swap3A_431 = vector.shape_cast %swap3A_430 : vector<1x256x128xbf16> to vector<256x128xbf16>
    %swap3A_432 = vector.shape_cast %concatenate3A_426 : vector<256x128xbf16> to vector<1x256x128xbf16>
    tpu.vector_store %arg12[%swap3A_427, %swap3A_428, %swap3A_429], %swap3A_432 {strides = array<i32>} : memref<16x256x128xbf16, #tpu.memory_space<vmem>>, vector<1x256x128xbf16>,
    return
  }
  func.func @transform_0(%arg0: i32) -> (i32, i32) {
    %c0_i32 = arith.constant 0 : i32
    %c0_i32_0 = arith.constant 0 : i32
    return %arg0, %c0_i32 : i32, i32
  }
  func.func @transform_1(%arg0: i32) -> (i32, i32) {
    %c0_i32 = arith.constant 0 : i32
    %c0_i32_0 = arith.constant 0 : i32
    return %arg0, %c0_i32 : i32, i32
  }
  func.func @transform_2(%arg0: i32) -> (i32, i32) {
    %c0_i32 = arith.constant 0 : i32
    %c0_i32_0 = arith.constant 0 : i32
    return %arg0, %c0_i32 : i32, i32
  }
  func.func @transform_3(%arg0: i32) -> (i32, i32) {
    %c0_i32 = arith.constant 0 : i32
    %c0_i32_0 = arith.constant 0 : i32
    %c0_i32_1 = arith.constant 0 : i32
    return %c0_i32, %c0_i32_0 : i32, i32
  }
  func.func @transform_4(%arg0: i32) -> (i32, i32) {
    %c0_i32 = arith.constant 0 : i32
    %c0_i32_0 = arith.constant 0 : i32
    %c0_i32_1 = arith.constant 0 : i32
    return %c0_i32, %c0_i32_0 : i32, i32
  }
  func.func @transform_5(%arg0: i32) -> (i32, i32) {
    %c0_i32 = arith.constant 0 : i32
    %c0_i32_0 = arith.constant 0 : i32
    %c0_i32_1 = arith.constant 0 : i32
    return %c0_i32, %c0_i32_0 : i32, i32
  }
  func.func @transform_6(%arg0: i32) -> (i32, i32) {
    %c0_i32 = arith.constant 0 : i32
    %c0_i32_0 = arith.constant 0 : i32
    %c0_i32_1 = arith.constant 0 : i32
    return %c0_i32, %c0_i32_0 : i32, i32
  }
  func.func @transform_7(%arg0: i32) -> (i32, i32) {
    %c0_i32 = arith.constant 0 : i32
    %c0_i32_0 = arith.constant 0 : i32
    %c0_i32_1 = arith.constant 0 : i32
    return %c0_i32, %c0_i32_0 : i32, i32
  }
  func.func @transform_8(%arg0: i32) -> (i32, i32) {
    %c0_i32 = arith.constant 0 : i32
    %c0_i32_0 = arith.constant 0 : i32
    %c0_i32_1 = arith.constant 0 : i32
    return %c0_i32, %c0_i32_0 : i32, i32
  }
  func.func @transform_9(%arg0: i32) -> (i32, i32, i32) {
    %c0_i32 = arith.constant 0 : i32
    %c0_i32_0 = arith.constant 0 : i32
    %c0_i32_1 = arith.constant 0 : i32
    return %c0_i32, %arg0, %c0_i32_0 : i32, i32, i32
  }
  func.func @transform_10(%arg0: i32) -> (i32, i32, i32) {
    %c0_i32 = arith.constant 0 : i32
    %c0_i32_0 = arith.constant 0 : i32
    %c0_i32_1 = arith.constant 0 : i32
    return %c0_i32, %arg0, %c0_i32_0 : i32, i32, i32
  }
  func.func @transform_11(%arg0: i32) -> (i32, i32, i32) {
    %c0_i32 = arith.constant 0 : i32
    %c0_i32_0 = arith.constant 0 : i32
    %c0_i32_1 = arith.constant 0 : i32
    return %c0_i32, %arg0, %c0_i32_0 : i32, i32, i32
  }
}

</mosaic_0001>

<sc_bundles>
// kernel: kernel.5.cloned.1.call-start
scs
__scs_entry_jumppad:
0x0: {  	(pc) =	sbr.rel $0x88, $3  }
0x1: {  	(tag) =	ssettag $0x0;
	lr =	simm.s32 $0x1  }
0x2: {  	[smem:$0x3F94] =	sst lr;
	_ =	strace $0xD0000000  }
0x3: {  	_ = 	snop  }
0x4: {  	_ = 	snop  }
0x5: {  	_ = 	snop  }
0x6: {  	_ = 	snop  }
0x7: {  	_ = 	snop  }
__scs_overlays_trampoline_lowered:
0x8: {  	[smem:$0x3FA3] =	sst s0  }
0x9: {  	[smem:$0x3FA4] =	sst s1  }
0xa: {  	[smem:$0x3FA5] =	sst s2  }
0xb: {  	[smem:$0x3FA6] =	sst s3  }
0xc: {  	[smem:$0x3FA7] =	sst s4  }
0xd: {  	[smem:$0x3FA8] =	sst s5  }
0xe: {  	[smem:$0x3FA9] =	sst s6  }
0xf: {  	[smem:$0x3FAA] =	sst s7  }
0x10: {  	[smem:$0x3FAB] =	sst s8  }
0x11: {  	[smem:$0x3FAC] =	sst s9;
	s0 =	simm.s32 @!p0 $0x0  }
0x12: {  	s1 =	sld [smem:$0x3F92];
	s0 =	simm.s32 @p0 $0x1  }
0x13: {  	[smem:$0x3FAD] =	sst s0;
	s0 =	simm.s32 @!p1 $0x0  }
0x14: {  	s2 =	sld [smem:$0x3F91];
	s0 =	simm.s32 @p1 $0x1  }
0x15: {  	[smem:$0x3FAE] =	sst s0;
	s0 =	simm.s32 @!p2 $0x0  }
0x16: {  	s3 =	sld [smem:$0x3FDB];
	s0 =	simm.s32 @p2 $0x1  }
0x17: {  	s4 =	simm.s32 $0x1BF5;
	[smem:$0x3FB0] =	sst s0  }
0x18: {  	s0 =	sld [smem:$0x3F93];
	_ =	swait.ge [sflag:s4], $0x0  }
0x19: {  	s7 =	sld [smem:$0x3F94]  }
0x1a: {  	s8 =	sadd.s32 $0xFFFFE003, lr  }
0x1b: {  	s9 =	sadd.s32 $0xFFFFFEF7, lr;
	s5 =	simm.s32 $0xFFFFFFFF;
	p2 =	slt.u32 s8, $0xFFFFF086  }
0x1c: {  	p1 =	slt.u32 s9, $0xF7A;
	s5 =	simm.s32 @!p2 $0x0  }
0x1d: {  	s5 =	simm.s32 @p1 $0x1;
	p0 =	seq.s32 s7, s2  }
0x1e: {  	s7 =	smul.u32 @!p0 $0xF7A, s2;
	p2 =	seq.s32 @!p0 s5, $0x0  }
0x1f: {  	s9 =	smul.u32 $0xF7A, s1;
	s8 =	simm.s32 @!p0 $0x1BF5;
	p2 =	por !p2, p0  }
0x20: {  	[sflag:s8] =	ssyncset.s32 @!p0 $0xFFFFF086;
	s6 =	sadd.s32 @!p0 s3, s7;
	s7 =	simm.s32 @!p0 $0x108  }
0x21: {  	s3 =	sadd.s32 s3, s9;
	s6 =	sadd.s32 @!p0 $0x88, s6;
	s7 =	simm.s32 @p2 $0x1082  }
0x22: {  	[simem:s7], [sflag:s8] =	dma.local @!p0 [hbm:s6], $0xF7A  }
0x23: {  	s9 =	sor.u32 $0xD0000000, s2;
	s6 =	simm.s32 $0x108;
	_ =	swait.ge @!p0 [sflag:s8], $0x0  }
0x24: {  	s3 =	sadd.s32 $0x88, s3;
	s6 =	simm.s32 @!p1 $0x1082;
	[sflag:s4] =	ssyncset.s32 $0xFFFFF086  }
0x25: {  	[simem:s6], [sflag:s4] =	dma.local [hbm:s3], $0xF7A  }
0x26: {  	[smem:$0x3F94] =	sst s1;
	(tag) =	ssettag s2;
	_ =	strace s9  }
0x27: {  	s1 =	sld [smem:$0x3FA4]  }
0x28: {  	s2 =	sld [smem:$0x3FA5]  }
0x29: {  	s4 =	sld [smem:$0x3FA7]  }
0x2a: {  	p0 =	seq.s32 s5, $0x0;
	s5 =	sld [smem:$0x3FA8]  }
0x2b: {  	s6 =	sld [smem:$0x3FA9]  }
0x2c: {  	s7 =	sld [smem:$0x3FAA]  }
0x2d: {  	s3 =	simm.s32 $0x108;
	s8 =	sld [smem:$0x3FAB]  }
0x2e: {  	s3 =	simm.s32 @!p0 $0x1082;
	s9 =	sld [smem:$0x3FAC]  }
0x2f: {  	lr =	sadd.s32 s0, s3;
	s0 =	sld [smem:$0x3FA3]  }
0x30: {  	s3 =	sld [smem:$0x3FA6]  }
0x31: {  	[smem:$0x3FAF] =	sst s10  }
0x32: {  	s10 =	sld [smem:$0x3FAD];
	_ =	sdelay $0x3  }
0x33: {  	p0 =	seq.s32 s10, $0x1;
	s10 =	sld [smem:$0x3FAF];
	_ =	sdelay $0x3  }
0x34: {  	[smem:$0x3FAF] =	sst s10  }
0x35: {  	s10 =	sld [smem:$0x3FAE];
	_ =	sdelay $0x3  }
0x36: {  	p1 =	seq.s32 s10, $0x1;
	s10 =	sld [smem:$0x3FAF];
	_ =	sdelay $0x3  }
0x37: {  	[smem:$0x3FAF] =	sst s10  }
0x38: {  	s10 =	sld [smem:$0x3FB0]  }
0x39: {  	_ = 	snop;
	(pc) =	sbr.ind lr, $3  }
0x3a: {  	_ = 	snop  }
0x3b: {  	_ = 	snop  }
0x3c: {  	p2 =	seq.s32 s10, $0x1;
	s10 =	sld [smem:$0x3FAF]  }
0x3d: {  	_ =	shalt  }
0x3e: {  	_ =	shalt  }
0x3f: {  	_ =	shalt  }
0x40: {  	_ =	shalt  }
0x41: {  	_ =	shalt  }
0x42: {  	_ =	shalt  }
0x43: {  	_ =	shalt  }
0x44: {  	_ =	shalt  }
0x45: {  	_ =	shalt  }
0x46: {  	_ =	shalt  }
0x47: {  	_ =	shalt  }
0x48: {  	_ =	shalt  }
0x49: {  	_ =	shalt  }
0x4a: {  	_ =	shalt  }
0x4b: {  	_ =	shalt  }
0x4c: {  	_ =	shalt  }
0x4d: {  	_ =	shalt  }
0x4e: {  	_ =	shalt  }
0x4f: {  	_ =	shalt  }
0x50: {  	_ =	shalt  }
0x51: {  	_ =	shalt  }
0x52: {  	_ =	shalt  }
0x53: {  	_ =	shalt  }
0x54: {  	_ =	shalt  }
0x55: {  	_ =	shalt  }
0x56: {  	_ =	shalt  }
0x57: {  	_ =	shalt  }
0x58: {  	_ =	shalt  }
0x59: {  	_ =	shalt  }
0x5a: {  	_ =	shalt  }
0x5b: {  	_ =	shalt  }
0x5c: {  	_ =	shalt  }
0x5d: {  	_ =	shalt  }
0x5e: {  	_ =	shalt  }
0x5f: {  	_ =	shalt  }
0x60: {  	_ =	shalt  }
0x61: {  	_ =	shalt  }
0x62: {  	_ =	shalt  }
0x63: {  	_ =	shalt  }
0x64: {  	_ =	shalt  }
0x65: {  	_ =	shalt  }
0x66: {  	_ =	shalt  }
0x67: {  	_ =	shalt  }
0x68: {  	_ =	shalt  }
0x69: {  	_ =	shalt  }
0x6a: {  	_ =	shalt  }
0x6b: {  	_ =	shalt  }
0x6c: {  	_ =	shalt  }
0x6d: {  	_ =	shalt  }
0x6e: {  	_ =	shalt  }
0x6f: {  	_ =	shalt  }
0x70: {  	_ =	shalt  }
0x71: {  	_ =	shalt  }
0x72: {  	_ =	shalt  }
0x73: {  	_ =	shalt  }
0x74: {  	_ =	shalt  }
0x75: {  	_ =	shalt  }
0x76: {  	_ =	shalt  }
0x77: {  	_ =	shalt  }
0x78: {  	_ =	shalt  }
0x79: {  	_ =	shalt  }
0x7a: {  	_ =	shalt  }
0x7b: {  	_ =	shalt  }
0x7c: {  	_ =	shalt  }
0x7d: {  	_ =	shalt  }
0x7e: {  	_ =	shalt  }
0x7f: {  	_ =	shalt  }
0x80: {  	_ =	shalt  }
0x81: {  	_ =	shalt  }
0x82: {  	_ =	shalt  }
0x83: {  	_ =	shalt  }
0x84: {  	_ =	shalt  }
0x85: {  	_ =	shalt  }
0x86: {  	_ =	shalt  }
0x87: {  	_ =	shalt  }
.Lfunc_end0:
.L_simem_size_0:
called_computation_lowered:
.L_overlay_start_0:
0x88: {  	s2 =	sld [smem:$0x3FD9]  }
0x89: {  	s3 =	sld [smem:$0x3FFE];
	_ =	sdelay $0x1  }
0x8a: {  	s1 =	srdreg.scid  }
0x8b: {  	s0 =	sand.u32 $0x1, s1  }
0x8c: {  	s17 =	sshll.u32 s0, $0xA;
	s2 =	sadd.s32 s3, s2  }
0x8d: {  	s2 =	sadd.s32 s2, s17  }
0x8e: {  	[smem:$0x3FBB] =	sst s2  }
0x8f: {  	_ = 	snop  }
0x90: {  	s2 =	sld [smem:$0x3FC5];
	(tm) =	ssettm $0x1  }
0x91: {  	s18 =	sld [smem:$0x3FFB];
	_ =	sdelay $0x3  }
0x92: {  	_ =	strace s18  }
0x93: {  	s3 =	sld [smem:$0x3FFC];
	_ =	sdelay $0x3  }
0x94: {  	_ =	strace s3  }
0x95: {  	s3 =	sld [smem:$0x3FFD];
	_ =	sdelay $0x3  }
0x96: {  	_ =	strace s3  }
0x97: {  	_ =	strace $0x8FFFFFFF  }
0x98: {  	s19 =	sld [smem:$0x3FDB];
	_ =	sdelay $0x1  }
0x99: {  	s4 =	simm.s32 $_scs_section_size  }
0x9a: {  	s5 =	simm.s32 $_size__tile_overlayer_lowered;
	s6 =	simm.s32 $_tile_overlayer_lowered  }
0x9b: {  	s22 =	simm.s32 $0x1BFF;
	s21 =	sshll.u32 s6, $0x1;
	s3 =	sadd.s32 s4, s19  }
0x9c: {  	s7 =	simm.s32 $0x0;
	s20 =	sshll.u32 s5, $0x1;
	s5 =	sadd.s32 s21, s3  }
0x9d: {  	[timem:s7], [sflag:s22] =	dma.local [hbm:s5], s20  }
0x9e: {  	_ =	swait.ge [sflag:s22], s20  }
0x9f: {  	s4 =	ssub.s32 $0x0, s20;
	[sflag:s22] =	ssyncset.done $0x0  }
0xa0: {  	[sflag:s22] =	ssyncadd.s32 s4;
	_ =	sdelay $0x1  }
0xa1: {  	s23 =	simm.s32 $0x1B8B  }
0xa2: {  	_ =	swait.ge [sflag:s23], $0x1  }
0xa3: {  	[sflag:s23] =	ssyncset.done $0x0  }
0xa4: {  	s25 =	simm.s32 $0x1B8E;
	s24 =	sld [smem:$0x3FFE];
	[sflag:s23] =	ssyncadd.s32 $0xFFFFFFFF  }
0xa5: {  	s26 =	simm.s32 $execute0_lowered;
	[smem:$0x3FD2] =	sst s25  }
0xa6: {  	s5 =	sshll.u32 s26, $0x1;
	_ =	strace $0x80000046;
	[dreg:$0x1] =	wrdreg $0xFFFFFFFF  }
0xa7: {  	s28 =	simm.s32 $_size_execute0_lowered;
	s3 =	sadd.s32 s3, s5;
	[dreg:$0x0] =	wrdreg $0x0  }
0xa8: {  	s5 =	sshll.u32 s28, $0x1;
	[dreg:$0x2] =	wrdreg s3  }
0xa9: {  	[dreg:$0x3] =	wrdreg s5  }
0xaa: {  	[dreg:$0x4] =	wrdreg $0xC0  }
0xab: {  	_ =	task [dreg:s7], $0x5FFFF  }
0xac: {  	[dreg:$0x1] =	wrdreg $0xFFFFFFFF  }
0xad: {  	[dreg:$0x0] =	wrdreg $0x60  }
0xae: {  	[dreg:$0x2] =	wrdreg s24  }
0xaf: {  	[dreg:$0x3] =	wrdreg s2  }
0xb0: {  	[dreg:$0x4] =	wrdreg $0x61000  }
0xb1: {  	[dreg:$0x5] =	wrdreg $0x9  }
0xb2: {  	_ =	task.clear_ibuf [dreg:s7], $0x6FFFF;
	_ =	strace $0x90000046  }
0xb3: {  	s29 =	simm.s32 $0x9;
	_ =	strace $0x80000048  }
0xb4: {  	_ =	swait.ge [sflag:s29], $0x1  }
0xb5: {  	[sflag:s29] =	ssyncadd.s32 $0xFFFFFFFF  }
0xb6: {  	_ =	strace $0x90000048  }
0xb7: {  	_ =	sfence  }
0xb8: {  	s30 =	sld [smem:$0x0];
	_ =	sdelay $0x2  }
0xb9: {  	s31 =	sshll.u32 s1, $0xD;
	s1 =	sshrl.u32 s1, $0x2  }
0xba: {  	s3 =	sand.u32 $0x4000, s31;
	s1 =	sadd.s32 s1, s30  }
0xbb: {  	s0 =	sor.u32 s3, s0;
	s1 =	sshll.u32 s1, $0x11  }
0xbc: {  	s0 =	sor.u32 s1, s0  }
0xbd: {  	s0 =	sadd.s32 $0x8F2B, s0  }
0xbe: {  	[sflag:s0] =	ssyncadd.remote.s32 $0x1  }
0xbf: {  	_ =	sfence.sel $0xFFFF  }
0xc0: {  	[dreg:$0x0] =	wrdreg $0xFFFFFFFF;
	(pc) =	sbr.abs _section_cstart, $3  }
0xc1: {  	[dreg:$0x1] =	wrdreg $0xFFFFFFFF  }
0xc2: {  	_ =	task.clear_ibuf [dreg:s7], $0x2FFFF;
	_ =	strace $0x9FFFFFFF  }
0xc3: {  	(tm) =	ssettm $0x7FFFFFFF  }
tec
execute0_lowered:
.L_overlay_start_1:
0x0: {  	(tag) =	ssettag $0x1  }
0x1: {  	s0 =	rddreg [dreg:$0x0]  }
0x2: {  	s1 =	rddreg [dreg:$0x1]  }
0x3: {  	s3 =	simm.s32 $0x0;
	s7 =	stileid.u32;
	s2 =	srdreg.scid  }
0x4: {  	[smem:$0x7FF] =	sst s3;
	s21 =	sshll.u32 s7, $0x9;
	s2 =	sand.u32 $0x1, s2  }
0x5: {  	s20 =	sadd.s32 $0x5A00, s0;
	s23 =	sshll.u32 s7, $0x5;
	s7 =	sadd.s32 $0x5A30, s0  }
0x6: {  	s8 =	sadd.s32 $0x5A40, s0;
	s9 =	sadd.s32 $0x5A50, s0;
	s10 =	sadd.s32 $0x5A60, s0  }
0x7: {  	s11 =	sadd.s32 $0x5A70, s0;
	s12 =	sadd.s32 $0x6200, s0;
	s13 =	sadd.s32 $0x6210, s0  }
0x8: {  	s14 =	sadd.s32 $0x6220, s0;
	s15 =	sadd.s32 $0x6230, s0;
	s16 =	sadd.s32 $0x6240, s0  }
0x9: {  	s25 =	sadd.s32 $0x6250, s0;
	s3 =	sadd.s32 $0x6260, s0;
	s31 =	sadd.s32 $0x6270, s0  }
0xa: {  	s19 =	sadd.s32 $0x6A00, s0;
	s28 =	sadd.s32 $0x6A70, s0;
	[smem:$0x7A8] =	sst s25  }
0xb: {  	s29 =	sadd.s32 $0x7200, s0;
	s17 =	sadd.s32 $0x7220, s0;
	[smem:$0x7C0] =	sst s3  }
0xc: {  	s30 =	sadd.s32 $0x7270, s0;
	s4 =	sadd.s32 s21, s0;
	[smem:$0x7C3] =	sst s19  }
0xd: {  	s22 =	ssub.s32 $0x2, s2;
	s6 =	sshll.u32 s2, $0xA;
	[smem:$0x7CF] =	sst s17  }
0xe: {  	s1 =	sadd.s32 s1, s21;
	s21 =	sadd.s32 $0x6A10, s0;
	[smem:$0x7D6] =	sst s4  }
0xf: {  	s25 =	sadd.s32 $0x6A50, s0;
	s2 =	sadd.s32 $0x7230, s0;
	[dreg:$0x4] =	wrdreg s1  }
0x10: {  	s5 =	sshrl.u32 s22, $0x1;
	s24 =	sor.u32 s23, s6;
	[smem:$0x7F9] =	sst s6  }
0x11: {  	s26 =	sor.u32 $0x200, s6;
	s6 =	sadd.s32 $0x7210, s0;
	[smem:$0x7A9] =	sst s2  }
0x12: {  	s2 =	sadd.s32 $0x7240, s0;
	s4 =	ssub.s32 s22, s5;
	[smem:$0x7FA] =	sst s26  }
0x13: {  	s18 =	sshll.u32 s24, $0x8;
	s5 =	sadd.s32 $0x5A20, s0;
	[smem:$0x7CD] =	sst s6  }
0x14: {  	s1 =	sor.u32 s23, s26;
	s22 =	sadd.s32 $0x6A20, s0;
	[smem:$0x7AB] =	sst s2  }
0x15: {  	s23 =	sadd.s32 $0x6A30, s0;
	s2 =	sadd.s32 $0x7250, s0;
	[smem:$0x7D9] =	sst s4  }
0x16: {  	s24 =	sadd.s32 $0x6A40, s0;
	[smem:$0x7AD] =	sst s2;
	s2 =	sadd.s32 $0x7260, s0  }
0x17: {  	s26 =	sadd.s32 $0x6A60, s0;
	s3 =	sadd.s32 s18, s3;
	[smem:$0x7AF] =	sst s2  }
0x18: {  	s4 =	sadd.s32 $0x5A10, s0;
	s2 =	sadd.s32 s20, s18;
	[dreg:$0x13] =	wrdreg s3  }
0x19: {  	s0 =	sshll.u32 s1, $0x8;
	s3 =	sadd.s32 s18, s31;
	[dreg:$0x5] =	wrdreg s2  }
0x1a: {  	s20 =	sadd.s32 s20, s0;
	[dreg:$0x14] =	wrdreg s3  }
0x1b: {  	s2 =	smov.u32 s4;
	s4 =	sadd.s32 s18, s4;
	[smem:$0x7B2] =	sst s20  }
0x1c: {  	s3 =	sadd.s32 s18, s19;
	[dreg:$0x6] =	wrdreg s4  }
0x1d: {  	s19 =	sadd.s32 s18, s21;
	[dreg:$0x15] =	wrdreg s3  }
0x1e: {  	s4 =	smov.u32 s5;
	s5 =	sadd.s32 s18, s5;
	[dreg:$0x16] =	wrdreg s19  }
0x1f: {  	s3 =	sadd.s32 s18, s22;
	[dreg:$0x7] =	wrdreg s5  }
0x20: {  	s19 =	sadd.s32 s18, s23;
	[dreg:$0x17] =	wrdreg s3  }
0x21: {  	s2 =	sadd.s32 s0, s2;
	[dreg:$0x18] =	wrdreg s19  }
0x22: {  	s5 =	smov.u32 s7;
	s7 =	sadd.s32 s18, s7;
	[smem:$0x7B3] =	sst s2  }
0x23: {  	s3 =	sadd.s32 s18, s24;
	[dreg:$0x8] =	wrdreg s7  }
0x24: {  	s19 =	sadd.s32 s18, s25;
	[dreg:$0x19] =	wrdreg s3  }
0x25: {  	s4 =	sadd.s32 s0, s4;
	[dreg:$0x1a] =	wrdreg s19  }
0x26: {  	s7 =	smov.u32 s8;
	s8 =	sadd.s32 s18, s8;
	[smem:$0x7B4] =	sst s4  }
0x27: {  	s3 =	sadd.s32 s18, s26;
	[dreg:$0x9] =	wrdreg s8  }
0x28: {  	s19 =	sadd.s32 s18, s28;
	[dreg:$0x1b] =	wrdreg s3  }
0x29: {  	s5 =	sadd.s32 s0, s5;
	[dreg:$0x1c] =	wrdreg s19  }
0x2a: {  	s8 =	smov.u32 s9;
	s9 =	sadd.s32 s18, s9;
	[smem:$0x7B5] =	sst s5  }
0x2b: {  	s3 =	sadd.s32 s18, s29;
	[dreg:$0xa] =	wrdreg s9  }
0x2c: {  	s19 =	sadd.s32 s18, s6;
	[dreg:$0x1d] =	wrdreg s3  }
0x2d: {  	s9 =	smov.u32 s10;
	s10 =	sadd.s32 s18, s10;
	[dreg:$0x1e] =	wrdreg s19  }
0x2e: {  	s3 =	sadd.s32 s18, s17;
	[dreg:$0xb] =	wrdreg s10  }
0x2f: {  	[dreg:$0x1f] =	wrdreg s3  }
0x30: {  	s20 =	sadd.s32 s0, s8;
	s3 =	sld [smem:$0x7A9]  }
0x31: {  	s10 =	smov.u32 s11;
	s11 =	sadd.s32 s18, s11;
	[smem:$0x7B7] =	sst s20  }
0x32: {  	s2 =	sadd.s32 s0, s9;
	[dreg:$0xc] =	wrdreg s11  }
0x33: {  	s20 =	sadd.s32 s0, s24;
	[smem:$0x7B8] =	sst s2  }
0x34: {  	s24 =	sadd.s32 s0, s29;
	[smem:$0x7C8] =	sst s20  }
0x35: {  	s11 =	smov.u32 s12;
	s12 =	sadd.s32 s18, s12;
	[smem:$0x7CC] =	sst s24  }
0x36: {  	s4 =	sadd.s32 s0, s10;
	[dreg:$0xd] =	wrdreg s12  }
0x37: {  	s12 =	smov.u32 s13;
	s13 =	sadd.s32 s18, s13;
	[smem:$0x7B9] =	sst s4  }
0x38: {  	s5 =	sadd.s32 s0, s11;
	[dreg:$0xe] =	wrdreg s13  }
0x39: {  	s13 =	smov.u32 s14;
	s14 =	sadd.s32 s18, s14;
	[smem:$0x7BA] =	sst s5  }
0x3a: {  	s6 =	sadd.s32 s18, s3;
	[dreg:$0xf] =	wrdreg s14  }
0x3b: {  	[smem:$0x7AA] =	sst s6  }
0x3c: {  	s2 =	sadd.s32 s0, s3;
	s6 =	sld [smem:$0x7AB]  }
0x3d: {  	s14 =	smov.u32 s15;
	s15 =	sadd.s32 s18, s15;
	[smem:$0x7D1] =	sst s2  }
0x3e: {  	s8 =	sadd.s32 s0, s13;
	[dreg:$0x10] =	wrdreg s15  }
0x3f: {  	s13 =	sadd.s32 s0, s31;
	[smem:$0x7BC] =	sst s8  }
0x40: {  	s15 =	smov.u32 s16;
	[smem:$0x7C2] =	sst s13  }
0x41: {  	s16 =	sadd.s32 s18, s16;
	s9 =	sadd.s32 s0, s14;
	s14 =	sld [smem:$0x7C3]  }
0x42: {  	[dreg:$0x11] =	wrdreg s16  }
0x43: {  	s16 =	sld [smem:$0x7A8]  }
0x44: {  	[smem:$0x7BD] =	sst s9;
	s10 =	sadd.s32 s0, s15  }
0x45: {  	s15 =	sadd.s32 s0, s21;
	s21 =	sadd.s32 s0, s25;
	s25 =	sld [smem:$0x7CD]  }
0x46: {  	[smem:$0x7BE] =	sst s10  }
0x47: {  	[smem:$0x7C5] =	sst s15  }
0x48: {  	s17 =	sadd.s32 s18, s6;
	[smem:$0x7C9] =	sst s21  }
0x49: {  	[smem:$0x7AC] =	sst s17  }
0x4a: {  	s3 =	sadd.s32 s0, s6;
	s17 =	sld [smem:$0x7AD]  }
0x4b: {  	[smem:$0x7D2] =	sst s3;
	s1 =	sadd.s32 s18, s16;
	s11 =	sadd.s32 s0, s16  }
0x4c: {  	s16 =	sadd.s32 s0, s22;
	s22 =	sadd.s32 s0, s26;
	s26 =	sld [smem:$0x7CF]  }
0x4d: {  	[dreg:$0x12] =	wrdreg s1  }
0x4e: {  	[smem:$0x7BF] =	sst s11  }
0x4f: {  	[smem:$0x7C6] =	sst s16;
	s19 =	sadd.s32 s18, s17  }
0x50: {  	[smem:$0x7AE] =	sst s19  }
0x51: {  	s19 =	sld [smem:$0x7AF]  }
0x52: {  	[smem:$0x7CA] =	sst s22  }
0x53: {  	s22 =	rddreg [dreg:$0x2];
	s4 =	sadd.s32 s0, s17  }
0x54: {  	[smem:$0x7D3] =	sst s4;
	s1 =	sadd.s32 s18, s19  }
0x55: {  	s18 =	sadd.s32 s18, s30;
	[smem:$0x7B0] =	sst s1  }
0x56: {  	s5 =	sadd.s32 s0, s19;
	[smem:$0x7B1] =	sst s18  }
0x57: {  	s18 =	sadd.s32 s0, s7;
	s7 =	sadd.s32 s0, s12;
	s12 =	sld [smem:$0x7C0]  }
0x58: {  	[smem:$0x7D4] =	sst s5  }
0x59: {  	[smem:$0x7B6] =	sst s18  }
0x5a: {  	[smem:$0x7BB] =	sst s7;
	s18 =	sadd.s32 s0, s23  }
0x5b: {  	s23 =	sadd.s32 s0, s28;
	[smem:$0x7C7] =	sst s18  }
0x5c: {  	[smem:$0x7CB] =	sst s23;
	s1 =	sadd.s32 s0, s12  }
0x5d: {  	[smem:$0x7C1] =	sst s1;
	s1 =	sadd.s32 s0, s14  }
0x5e: {  	[smem:$0x7C4] =	sst s1;
	s1 =	sadd.s32 s0, s25  }
0x5f: {  	[smem:$0x7CE] =	sst s1;
	s1 =	sadd.s32 s0, s26  }
0x60: {  	s6 =	stileid.u32;
	s0 =	sadd.s32 s0, s30;
	[smem:$0x7D0] =	sst s1  }
0x61: {  	[smem:$0x7D5] =	sst s0;
	s0 =	sshll.u32 s6, $0x10;
	s6 =	sadd.s32 $0x100000, s22  }
0x62: {  	_ =	strace $0x80000047;
	[smem:$0x7FD] =	sst s6  }
0x63: {  	s7 =	sld [smem:$0x7D6]  }
0x64: {  	s21 =	sadd.s32 s0, s22;
	s10 =	sld [smem:$0x7D9]  }
0x65: {  	s11 =	sadd.s32 $0x4000, s21;
	[smem:$0x7FB] =	sst s21  }
0x66: {  	s12 =	sadd.s32 $0x6000, s21;
	[smem:$0x7DB] =	sst s11  }
0x67: {  	s13 =	sadd.s32 $0x8000, s21;
	[smem:$0x7DC] =	sst s12  }
0x68: {  	s14 =	sadd.s32 $0xA000, s21;
	[smem:$0x7DD] =	sst s13  }
0x69: {  	s15 =	sadd.s32 $0xC000, s21;
	[smem:$0x7DE] =	sst s14  }
0x6a: {  	s16 =	sadd.s32 $0xE000, s21;
	[smem:$0x7DF] =	sst s15  }
0x6b: {  	s17 =	sadd.s32 $0x800, s21;
	[smem:$0x7E0] =	sst s16  }
0x6c: {  	s18 =	sadd.s32 $0x1000, s21;
	[smem:$0x7E1] =	sst s17  }
0x6d: {  	s19 =	sadd.s32 $0x1800, s21;
	[smem:$0x7E2] =	sst s18  }
0x6e: {  	s20 =	sadd.s32 $0x2800, s21;
	[smem:$0x7E3] =	sst s19  }
0x6f: {  	s24 =	sadd.s32 $0x3000, s21;
	[smem:$0x7E4] =	sst s20  }
0x70: {  	s25 =	sadd.s32 $0x3800, s21;
	[smem:$0x7E5] =	sst s24  }
0x71: {  	s26 =	sadd.s32 $0x4800, s21;
	[smem:$0x7E6] =	sst s25  }
0x72: {  	s1 =	sadd.s32 $0x5000, s21;
	[smem:$0x7E7] =	sst s26  }
0x73: {  	s2 =	sadd.s32 $0x5800, s21;
	[smem:$0x7E8] =	sst s1  }
0x74: {  	s3 =	sadd.s32 $0x6800, s21;
	[smem:$0x7E9] =	sst s2  }
0x75: {  	s4 =	sadd.s32 $0x7000, s21;
	[smem:$0x7EA] =	sst s3  }
0x76: {  	s5 =	sadd.s32 $0x7800, s21;
	[smem:$0x7EB] =	sst s4  }
0x77: {  	[smem:$0x7EC] =	sst s5  }
0x78: {  	s19 =	sld [smem:$0x7F9]  }
0x79: {  	s23 =	sadd.s32 $0x2000, s21;
	s20 =	sld [smem:$0x7FA]  }
0x7a: {  	s11 =	sadd.s32 $0xB000, s21;
	[smem:$0x7FC] =	sst s23  }
0x7b: {  	s12 =	sadd.s32 $0xB800, s21;
	[smem:$0x7F1] =	sst s11  }
0x7c: {  	s13 =	sadd.s32 $0xC800, s21;
	[smem:$0x7F2] =	sst s12  }
0x7d: {  	s14 =	sadd.s32 $0xD000, s21;
	[smem:$0x7F3] =	sst s13  }
0x7e: {  	s15 =	sadd.s32 $0xD800, s21;
	[smem:$0x7F4] =	sst s14  }
0x7f: {  	s16 =	sadd.s32 $0xE800, s21;
	[smem:$0x7F5] =	sst s15  }
0x80: {  	s17 =	sadd.s32 $0xF000, s21;
	[smem:$0x7F6] =	sst s16  }
0x81: {  	s18 =	sadd.s32 $0xF800, s21;
	[smem:$0x7F7] =	sst s17  }
0x82: {  	[smem:$0x7F8] =	sst s18;
	s8 =	sadd.s32 $0x3A00, s7  }
0x83: {  	s29 =	simm.s32 $0x10;
	s9 =	sadd.s32 $0x1A00, s7;
	[smem:$0x7D7] =	sst s8  }
0x84: {  	s31 =	simm.s32 $0x3000;
	s0 =	smax.u32 s10, $0x1;
	[smem:$0x7D8] =	sst s9  }
0x85: {  	s28 =	simm.s32 $0x4080;
	s7 =	sadd.s32 $0x8800, s21;
	[smem:$0x7DA] =	sst s0  }
0x86: {  	s30 =	simm.s32 $0x80;
	s10 =	sadd.s32 $0xA800, s21;
	[smem:$0x7ED] =	sst s7  }
0x87: {  	s24 =	simm.s32 $0x1000;
	s8 =	sadd.s32 $0x9000, s21;
	[smem:$0x7F0] =	sst s10  }
0x88: {  	v2 =	vimm.f32 $0.0e+00;
	s25 =	simm.s32 $0x2000;
	s9 =	sadd.s32 $0x9800, s21;
	[smem:$0x7EE] =	sst s8  }
0x89: {  	v3 =	vimm.s32 $0x100000;
	s26 =	simm.s32 $0x1;
	s1 =	simm.s32 $0x0;
	v0 =	vmov s19;
	v1 =	vmov s20;
	[smem:$0x7EF] =	sst s9  }
.LBB2_1:
0x8a: {  	s18 =	sld [smem:$0x7D7];
	_ =	sdelay $0x1  }
0x8b: {  	s0 =	simm.s32 $0x0;
	s19 =	sld [smem:$0x7D8]  }
0x8c: {  	[tilespmem:s0], [sflag:$0x1] =	stream.linear.gather [hbm4b:s18+s0], $0x1000, $0x38;
	[tilespmem:$0x16108] =	vst v63  }
0x8d: {  	[smem:$0x7A7] =	sst s1  }
0x8e: {  	[tilespmem:s24], [sflag:$0x1] =	stream.linear.gather [hbm4b:s19+s0], $0x1000, $0x38;
	[tilespmem:$0x16108] =	vst v63  }
0x8f: {  	s20 =	rddreg [dreg:$0x4]  }
0x90: {  	[tilespmem:s25], [sflag:$0x1] =	stream.linear.gather [hbm4b:s20+s0], $0x1000, $0x38;
	[tilespmem:$0x16108] =	vst v63  }
0x91: {  	_ =	swait.ge [sflag:s26], $0x1000  }
0x92: {  	[sflag:s26] =	ssyncset.done $0x0  }
0x93: {  	[sflag:s26] =	ssyncadd.s32 $0xFFFFF000  }
0x94: {  	_ =	swait.ge [sflag:s26], $0x1000  }
0x95: {  	[sflag:s26] =	ssyncset.done $0x0  }
0x96: {  	[sflag:s26] =	ssyncadd.s32 $0xFFFFF000  }
0x97: {  	_ =	swait.ge [sflag:s26], $0x1000  }
0x98: {  	[sflag:s26] =	ssyncset.done $0x0  }
0x99: {  	s0 =	simm.s32 $0x2040;
	[sflag:s26] =	ssyncadd.s32 $0xFFFFF000  }
0x9a: {  	v4 =	vld [tilespmem:s0+$0xFFFFFFF0]  }
0x9b: {  	v5 =	vld [tilespmem:s0+$0x30]  }
0x9c: {  	v6 =	vld [tilespmem:s0+$0x20]  }
0x9d: {  	v7 =	vld [tilespmem:s0+$0xFFFFFFC0]  }
0x9e: {  	v8 =	vld [tilespmem:s0+$0xFFFFFFD0]  }
0x9f: {  	v9 =	vld [tilespmem:s0+$0xFFFFFFE0]  }
0xa0: {  	v11 =	vld [tilespmem:s0+$0x10];
	_ =	sdelay $0x1  }
0xa1: {  	v10 =	vld [tilespmem:s0+$0x0];
	v4 =	vmul.f32 $1.250000000e-01, v4;
	v5 =	vmul.f32 $1.250000000e-01, v5  }
0xa2: {  	v6 =	vmul.f32 $1.250000000e-01, v6;
	v7 =	vmul.f32 $1.250000000e-01, v7  }
0xa3: {  	v8 =	vmul.f32 $1.250000000e-01, v8;
	v9 =	vmul.f32 $1.250000000e-01, v9  }
0xa4: {  	s1 =	simm.s32 $0x20C0;
	v11 =	vmul.f32 $1.250000000e-01, v11;
	v6 =	vmul.f32 $1.442695020e+00, v6  }
0xa5: {  	v13 =	vld [tilespmem:s1+$0x20];
	v5 =	vmul.f32 $1.442695020e+00, v5;
	v12 =	vmul.f32 $1.442695020e+00, v4  }
0xa6: {  	v4 =	vmul.f32 $1.250000000e-01, v10;
	(erf) = vpow2.f32 v6;
	v6 =	vld [tilespmem:s1+$0x30]  }
0xa7: {  	v8 =	vmul.f32 $1.442695020e+00, v8;
	(erf) = vpow2.f32 v5;
	v5 =	vld [tilespmem:s1+$0xFFFFFFC0]  }
0xa8: {  	v14 =	vld [tilespmem:s1+$0xFFFFFFE0];
	v9 =	vmul.f32 $1.442695020e+00, v9;
	v4 =	vmul.f32 $1.442695020e+00, v4  }
0xa9: {  	v10 =	vld [tilespmem:s1+$0xFFFFFFF0];
	v7 =	vmul.f32 $1.442695020e+00, v7;
	(erf) = vpow2.f32 v8  }
0xaa: {  	v11 =	vmul.f32 $1.442695020e+00, v11;
	v8 =	vld [tilespmem:s1+$0xFFFFFFD0];
	(erf) = vpow2.f32 v4  }
0xab: {  	(erf) = vpow2.f32 v7;
	v7 =	vmul.f32 $1.250000000e-01, v6  }
0xac: {  	(erf) = vpow2.f32 v9;
	v6 =	vmul.f32 $1.250000000e-01, v5;
	v5 =	vld [tilespmem:s1+$0x0]  }
0xad: {  	v13 =	vmul.f32 $1.250000000e-01, v13;
	(erf) = vpow2.f32 v11  }
0xae: {  	v4 =	vmul.f32 $1.250000000e-01, v10;
	(erf) = vpow2.f32 v12  }
0xaf: {  	v9 =	vmul.f32 $1.250000000e-01, v14;
	v10 =	vmul.f32 $1.250000000e-01, v8;
	v8 =	vld [tilespmem:s1+$0x10];
	v63 =	vpop (erf)  }
0xb0: {  	s2 =	simm.s32 $0x0;
	s4 =	simm.s32 $0x8;
	s5 =	simm.s32 $0x2140;
	v11 =	vmul.f32 $1.442695020e+00, v13;
	v7 =	vmul.f32 $1.442695020e+00, v7;
	[tilespmem:s0+$0x20] =	vst v63  }
.LBB2_2:
0xb1: {  	v12 =	vld [tilespmem:s5+$0xFFFFFFF0];
	s4 =	sadd.s32 $0x8, s4;
	v13 =	vmul.f32 $1.442695020e+00, v4;
	v4 =	vmul.f32 $1.250000000e-01, v5;
	s3 =	simm.s32 $0x40C0;
	v5 =	vpop (erf)  }
0xb2: {  	v10 =	vmul.f32 $1.442695020e+00, v10;
	v14 =	vld [tilespmem:s5+$0x30];
	p0 =	slt.u32 s4, $0xF8;
	(erf) = vpow2.f32 v11;
	[tilespmem:s0+$0x30] =	vst v5;
	v5 =	vpop (erf)  }
0xb3: {  	v9 =	vmul.f32 $1.442695020e+00, v9;
	v11 =	vld [tilespmem:s5+$0x20];
	v4 =	vmul.f32 $1.442695020e+00, v4;
	[tilespmem:s0+$0xFFFFFFD0] =	vst v5;
	v15 =	vpop (erf)  }
0xb4: {  	v5 =	vld [tilespmem:s5+$0x0];
	v8 =	vmul.f32 $1.250000000e-01, v8;
	(erf) = vpow2.f32 v7;
	[tilespmem:s0+$0x0] =	vst v15;
	v7 =	vpop (erf)  }
0xb5: {  	v17 =	vmul.f32 $1.442695020e+00, v6;
	v15 =	vld [tilespmem:s5+$0xFFFFFFC0];
	(erf) = vpow2.f32 v10;
	[tilespmem:s0+$0xFFFFFFC0] =	vst v7;
	v7 =	vpop (erf)  }
0xb6: {  	v10 =	vld [tilespmem:s5+$0xFFFFFFD0];
	v8 =	vmul.f32 $1.442695020e+00, v8;
	(erf) = vpow2.f32 v4;
	[tilespmem:s0+$0xFFFFFFE0] =	vst v7;
	v7 =	vpop (erf)  }
0xb7: {  	v4 =	vmul.f32 $1.250000000e-01, v12;
	v16 =	vld [tilespmem:s5+$0xFFFFFFE0];
	(erf) = vpow2.f32 v17;
	[tilespmem:s0+$0x10] =	vst v7;
	v6 =	vpop (erf)  }
.Ltmp0:
0xb8: {  	v7 =	vmul.f32 $1.250000000e-01, v14;
	(erf) = vpow2.f32 v9;
	[tilespmem:s0+$0xFFFFFFF0] =	vst v6;
	s0 =	smov.u32 s1;
	s1 =	smov.u32 s5;
	(pc) =	sbr.rel @p0 .LBB2_2-.Ltmp0, $4  }
0xb9: {  	v11 =	vmul.f32 $1.250000000e-01, v11;
	(erf) = vpow2.f32 v8  }
0xba: {  	v6 =	vmul.f32 $1.250000000e-01, v15;
	(erf) = vpow2.f32 v13  }
0xbb: {  	v7 =	vmul.f32 $1.442695020e+00, v7;
	v10 =	vmul.f32 $1.250000000e-01, v10;
	v8 =	vld [tilespmem:s5+$0x10];
	v12 =	vpop (erf)  }
0xbc: {  	v11 =	vmul.f32 $1.442695020e+00, v11;
	s5 =	sadd.s32 $0x80, s5;
	v9 =	vmul.f32 $1.250000000e-01, v16;
	[tilespmem:s0+$0x20] =	vst v12  }
0xbd: {  	v5 =	vmul.f32 $1.250000000e-01, v5  }
0xbe: {  	v10 =	vmul.f32 $1.442695020e+00, v10;
	v6 =	vmul.f32 $1.442695020e+00, v6  }
0xbf: {  	(erf) = vpow2.f32 v11;
	v5 =	vmul.f32 $1.442695020e+00, v5  }
0xc0: {  	v4 =	vmul.f32 $1.442695020e+00, v4;
	(erf) = vpow2.f32 v7  }
0xc1: {  	v61 =	vpop (erf);
	v8 =	vmul.f32 $1.250000000e-01, v8;
	(erf) = vpow2.f32 v10  }
0xc2: {  	[tilespmem:s0+$0x30] =	vst v61;
	v62 =	vpop (erf);
	v9 =	vmul.f32 $1.442695020e+00, v9;
	(erf) = vpow2.f32 v5  }
0xc3: {  	[tilespmem:s0+$0xFFFFFFD0] =	vst v62;
	v63 =	vmul.f32 $1.442695020e+00, v8;
	v5 =	vpop (erf);
	(erf) = vpow2.f32 v6  }
0xc4: {  	[tilespmem:s0+$0x0] =	vst v5;
	v5 =	vpop (erf);
	(erf) = vpow2.f32 v9  }
0xc5: {  	[tilespmem:s0+$0xFFFFFFC0] =	vst v5;
	v5 =	vpop (erf);
	(erf) = vpow2.f32 v63  }
0xc6: {  	[tilespmem:s0+$0xFFFFFFE0] =	vst v5;
	v5 =	vpop (erf);
	(erf) = vpow2.f32 v4  }
0xc7: {  	v4 =	vpop (erf);
	[tilespmem:s0+$0x10] =	vst v5  }
0xc8: {  	[tilespmem:s0+$0xFFFFFFF0] =	vst v4;
	v4 =	vpop (erf)  }
0xc9: {  	[tilespmem:s1+$0x20] =	vst v4;
	v4 =	vpop (erf)  }
0xca: {  	[tilespmem:s1+$0x30] =	vst v4;
	v4 =	vpop (erf)  }
0xcb: {  	[tilespmem:s1+$0xFFFFFFD0] =	vst v4;
	v4 =	vpop (erf)  }
0xcc: {  	[tilespmem:s1+$0x0] =	vst v4;
	v4 =	vpop (erf)  }
0xcd: {  	[tilespmem:s1+$0xFFFFFFC0] =	vst v4;
	v4 =	vpop (erf)  }
0xce: {  	[tilespmem:s1+$0xFFFFFFE0] =	vst v4;
	v4 =	vpop (erf)  }
0xcf: {  	[tilespmem:s1+$0x10] =	vst v4;
	v4 =	vpop (erf)  }
0xd0: {  	[tilespmem:s1+$0xFFFFFFF0] =	vst v4  }
0xd1: {  	[tilespmem:s3+$0xFFFFFFC0] =	vst v2  }
0xd2: {  	[tilespmem:s3+$0x30] =	vst v2  }
0xd3: {  	[tilespmem:s3+$0x20] =	vst v2  }
0xd4: {  	[tilespmem:s3+$0x10] =	vst v2  }
0xd5: {  	[tilespmem:s3+$0x0] =	vst v2  }
0xd6: {  	[tilespmem:s3+$0xFFFFFFF0] =	vst v2  }
0xd7: {  	[tilespmem:s3+$0xFFFFFFE0] =	vst v2  }
.LBB2_4:
0xd8: {  	s2 =	sadd.s32 $0x8, s2;
	[tilespmem:s3+$0xFFFFFFD0] =	vst v2;
	s3 =	sadd.s32 $0x80, s3  }
0xd9: {  	[tilespmem:s3+$0xFFFFFFC0] =	vst v2;
	p0 =	slt.u32 s2, $0x1F8  }
0xda: {  	[tilespmem:s3+$0x30] =	vst v2  }
.Ltmp1:
0xdb: {  	[tilespmem:s3+$0x20] =	vst v2;
	(pc) =	sbr.rel @p0 .LBB2_4-.Ltmp1, $4  }
0xdc: {  	[tilespmem:s3+$0x10] =	vst v2  }
0xdd: {  	[tilespmem:s3+$0x0] =	vst v2  }
0xde: {  	[tilespmem:s3+$0xFFFFFFF0] =	vst v2  }
0xdf: {  	[tilespmem:s3+$0xFFFFFFE0] =	vst v2  }
0xe0: {  	[tilespmem:s3+$0xFFFFFFD0] =	vst v2  }
0xe1: {  	[tilespmem:$0x4000] =	vst v3  }
0xe2: {  	[tilespmem:$0x4010] =	vst v3  }
0xe3: {  	[tilespmem:$0x4020] =	vst v3  }
0xe4: {  	[tilespmem:$0x4030] =	vst v3  }
0xe5: {  	[tilespmem:$0x4040] =	vst v3  }
0xe6: {  	[tilespmem:$0x4050] =	vst v3  }
0xe7: {  	[tilespmem:$0x4060] =	vst v3  }
0xe8: {  	[tilespmem:$0x4070] =	vst v3  }
0xe9: {  	[spmem:s21] =	stream.linear.scatter [tilespmem:s28], [sflag:$0x1], $0x2000, $0x38;
	[tilespmem:$0x16108] =	vst v63  }
0xea: {  	s0 =	sld [smem:$0x7DB]  }
0xeb: {  	[spmem:s23] =	stream.linear.scatter [tilespmem:s28], [sflag:$0x1], $0x2000, $0x38;
	[tilespmem:$0x16108] =	vst v63  }
0xec: {  	s16 =	sld [smem:$0x7DC]  }
0xed: {  	[spmem:s0] =	stream.linear.scatter [tilespmem:s28], [sflag:$0x1], $0x2000, $0x38;
	[tilespmem:$0x16108] =	vst v63  }
0xee: {  	s17 =	sld [smem:$0x7DD]  }
0xef: {  	[spmem:s16] =	stream.linear.scatter [tilespmem:s28], [sflag:$0x1], $0x2000, $0x38;
	[tilespmem:$0x16108] =	vst v63  }
0xf0: {  	s18 =	sld [smem:$0x7DE]  }
0xf1: {  	[spmem:s17] =	stream.linear.scatter [tilespmem:s28], [sflag:$0x1], $0x2000, $0x38;
	[tilespmem:$0x16108] =	vst v63  }
0xf2: {  	s19 =	sld [smem:$0x7DF]  }
0xf3: {  	[spmem:s18] =	stream.linear.scatter [tilespmem:s28], [sflag:$0x1], $0x2000, $0x38;
	[tilespmem:$0x16108] =	vst v63  }
0xf4: {  	s20 =	sld [smem:$0x7E0]  }
0xf5: {  	[spmem:s19] =	stream.linear.scatter [tilespmem:s28], [sflag:$0x1], $0x2000, $0x38;
	[tilespmem:$0x16108] =	vst v63  }
0xf6: {  	s1 =	simm.s32 $0x40  }
0xf7: {  	[spmem:s20] =	stream.linear.scatter [tilespmem:s28], [sflag:$0x1], $0x2000, $0x38;
	[tilespmem:$0x16108] =	vst v63  }
0xf8: {  	v4 =	vld [tilespmem:s1+$0x30]  }
0xf9: {  	s0 =	simm.s32 $0x1040;
	v5 =	vld [tilespmem:s1+$0xFFFFFFD0]  }
0xfa: {  	v6 =	vld [tilespmem:s0+$0x30]  }
0xfb: {  	v7 =	vld [tilespmem:s1+$0xFFFFFFE0]  }
0xfc: {  	v8 =	vld [tilespmem:s1+$0xFFFFFFF0]  }
0xfd: {  	v10 =	vld [tilespmem:s1+$0x10];
	_ =	sdelay $0x1  }
0xfe: {  	v9 =	vld [tilespmem:s1+$0x0];
	v4 =	vsub.s32 v4, v0;
	v5 =	vsub.s32 v5, v0  }
0xff: {  	v12 =	vld [tilespmem:s1+$0x20];
	v11 =	vshll.u32 v4, $0xB;
	v13 =	vshll.u32 v5, $0xB  }
0x100: {  	vm1 =	vlt.u32 v4, $0x200;
	vm0 =	vlt.u32 v5, $0x200;
	v4 =	vadd.s32 v6, v11;
	v11 =	vld [tilespmem:s1+$0xFFFFFFC0]  }
0x101: {  	v15 =	vld [tilespmem:s0+$0xFFFFFFC0];
	v5 =	vsub.s32 v7, v0;
	v7 =	vsub.s32 v10, v0;
	v6 =	vsub.s32 v8, v0  }
0x102: {  	v16 =	vld [tilespmem:s0+$0xFFFFFFD0];
	v14 =	vnsel vm1, $0x100000, v4;
	vm1 =	vlt.u32 v5, $0x200;
	v4 =	vshll.u32 v5, $0xB  }
0x103: {  	vm2 =	vlt.u32 v6, $0x200;
	v5 =	vshll.u32 v6, $0xB;
	v6 =	vsub.s32 v9, v0;
	v9 =	vld [tilespmem:s0+$0xFFFFFFE0]  }
0x104: {  	v10 =	vld [tilespmem:s0+$0xFFFFFFF0];
	vm4 =	vlt.u32 v7, $0x200;
	v7 =	vshll.u32 v7, $0xB;
	v8 =	vsub.s32 v12, v0  }
0x105: {  	vm5 =	vlt.u32 v8, $0x200;
	v8 =	vshll.u32 v8, $0xB;
	v12 =	vsub.s32 v11, v0;
	v11 =	vld [tilespmem:s0+$0x0]  }
0x106: {  	s1 =	simm.s32 $0x3040;
	vm3 =	vlt.u32 v6, $0x200;
	vm6 =	vlt.u32 v12, $0x200;
	v17 =	vshll.u32 v12, $0xB;
	v12 =	vld [tilespmem:s0+$0x10]  }
0x107: {  	s2 =	simm.s32 $0x0;
	s3 =	simm.s32 $0xC0;
	v6 =	vshll.u32 v6, $0xB;
	[tilespmem:s1+$0x30] =	vst v14;
	v14 =	vadd.s32 v15, v17;
	v15 =	vadd.s32 v16, v13;
	v13 =	vld [tilespmem:s0+$0x20]  }
.LBB2_6:
0x108: {  	v16 =	vld [tilespmem:s3+$0x30];
	s2 =	sadd.s32 $0x8, s2;
	v14 =	vnsel vm6, $0x100000, v14;
	v15 =	vnsel vm0, $0x100000, v15;
	v4 =	vadd.s32 v9, v4  }
0x109: {  	s0 =	sadd.s32 $0x80, s0;
	v9 =	vld [tilespmem:s3+$0xFFFFFFD0];
	p0 =	slt.u32 s2, $0xF8;
	[tilespmem:s1+$0xFFFFFFC0] =	vst v14;
	v4 =	vnsel vm1, $0x100000, v4;
	v5 =	vadd.s32 v10, v5  }
0x10a: {  	v10 =	vld [tilespmem:s0+$0x30];
	[tilespmem:s1+$0xFFFFFFD0] =	vst v15;
	v5 =	vnsel vm2, $0x100000, v5;
	v6 =	vadd.s32 v11, v6  }
0x10b: {  	v11 =	vld [tilespmem:s3+$0xFFFFFFE0];
	[tilespmem:s1+$0xFFFFFFE0] =	vst v4;
	v4 =	vnsel vm3, $0x100000, v6;
	v6 =	vadd.s32 v12, v7  }
0x10c: {  	v7 =	vld [tilespmem:s3+$0xFFFFFFF0];
	[tilespmem:s1+$0xFFFFFFF0] =	vst v5;
	v5 =	vnsel vm4, $0x100000, v6;
	v6 =	vadd.s32 v13, v8  }
0x10d: {  	v8 =	vld [tilespmem:s3+$0x0];
	v12 =	vsub.s32 v16, v0;
	[tilespmem:s1+$0x0] =	vst v4;
	v4 =	vnsel vm5, $0x100000, v6  }
0x10e: {  	v6 =	vsub.s32 v9, v0;
	v13 =	vld [tilespmem:s3+$0x10];
	v9 =	vshll.u32 v12, $0xB;
	[tilespmem:s1+$0x10] =	vst v5  }
0x10f: {  	vm1 =	vlt.u32 v12, $0x200;
	v15 =	vshll.u32 v6, $0xB;
	v14 =	vld [tilespmem:s3+$0x20];
	v5 =	vadd.s32 v10, v9;
	[tilespmem:s1+$0x20] =	vst v4  }
0x110: {  	vm0 =	vlt.u32 v6, $0x200;
	s1 =	sadd.s32 $0x80, s1;
	v12 =	vld [tilespmem:s3+$0xFFFFFFC0];
	v4 =	vsub.s32 v11, v0;
	v5 =	vnsel vm1, $0x100000, v5  }
0x111: {  	v16 =	vld [tilespmem:s0+$0xFFFFFFC0];
	vm1 =	vlt.u32 v4, $0x200;
	v4 =	vshll.u32 v4, $0xB;
	v6 =	vsub.s32 v7, v0;
	[tilespmem:s1+$0x30] =	vst v5  }
0x112: {  	v17 =	vld [tilespmem:s0+$0xFFFFFFD0];
	vm2 =	vlt.u32 v6, $0x200;
	v5 =	vshll.u32 v6, $0xB;
	v6 =	vsub.s32 v8, v0  }
.Ltmp2:
0x113: {  	v9 =	vld [tilespmem:s0+$0xFFFFFFE0];
	vm3 =	vlt.u32 v6, $0x200;
	v6 =	vshll.u32 v6, $0xB;
	v7 =	vsub.s32 v13, v0;
	(pc) =	sbr.rel @p0 .LBB2_6-.Ltmp2, $4  }
0x114: {  	v10 =	vld [tilespmem:s0+$0xFFFFFFF0];
	vm4 =	vlt.u32 v7, $0x200;
	v7 =	vshll.u32 v7, $0xB;
	v8 =	vsub.s32 v14, v0  }
0x115: {  	v12 =	vsub.s32 v12, v0;
	v11 =	vld [tilespmem:s0+$0x0];
	vm5 =	vlt.u32 v8, $0x200;
	v8 =	vshll.u32 v8, $0xB  }
0x116: {  	vm6 =	vlt.u32 v12, $0x200;
	v13 =	vshll.u32 v12, $0xB;
	v12 =	vld [tilespmem:s0+$0x10]  }
0x117: {  	s3 =	sadd.s32 $0x80, s3;
	v14 =	vadd.s32 v16, v13;
	v15 =	vadd.s32 v17, v15;
	v13 =	vld [tilespmem:s0+$0x20]  }
0x118: {  	v14 =	vnsel vm6, $0x100000, v14  }
0x119: {  	v15 =	vnsel vm0, $0x100000, v15;
	v4 =	vadd.s32 v9, v4;
	[tilespmem:s1+$0xFFFFFFC0] =	vst v14  }
0x11a: {  	v4 =	vnsel vm1, $0x100000, v4;
	v5 =	vadd.s32 v10, v5;
	[tilespmem:s1+$0xFFFFFFD0] =	vst v15  }
0x11b: {  	v5 =	vnsel vm2, $0x100000, v5;
	v6 =	vadd.s32 v11, v6;
	[tilespmem:s1+$0xFFFFFFE0] =	vst v4  }
0x11c: {  	v4 =	vnsel vm3, $0x100000, v6;
	v6 =	vadd.s32 v12, v7;
	[tilespmem:s1+$0xFFFFFFF0] =	vst v5  }
0x11d: {  	v5 =	vnsel vm4, $0x100000, v6;
	v6 =	vadd.s32 v13, v8;
	[tilespmem:s1+$0x0] =	vst v4  }
0x11e: {  	v4 =	vnsel vm5, $0x100000, v6;
	[tilespmem:s1+$0x10] =	vst v5  }
0x11f: {  	[tilespmem:s1+$0x20] =	vst v4  }
0x120: {  	_ =	swait.ge [sflag:s26], $0x2000  }
0x121: {  	[sflag:s26] =	ssyncset.done $0x0  }
0x122: {  	[sflag:s26] =	ssyncadd.s32 $0xFFFFE000  }
0x123: {  	_ =	swait.ge [sflag:s26], $0x2000  }
0x124: {  	[sflag:s26] =	ssyncset.done $0x0  }
0x125: {  	[sflag:s26] =	ssyncadd.s32 $0xFFFFE000  }
0x126: {  	_ =	swait.ge [sflag:s26], $0x2000  }
0x127: {  	[sflag:s26] =	ssyncset.done $0x0  }
0x128: {  	[sflag:s26] =	ssyncadd.s32 $0xFFFFE000  }
0x129: {  	_ =	swait.ge [sflag:s26], $0x2000  }
0x12a: {  	[sflag:s26] =	ssyncset.done $0x0  }
0x12b: {  	[sflag:s26] =	ssyncadd.s32 $0xFFFFE000  }
0x12c: {  	_ =	swait.ge [sflag:s26], $0x2000  }
0x12d: {  	[sflag:s26] =	ssyncset.done $0x0  }
0x12e: {  	[sflag:s26] =	ssyncadd.s32 $0xFFFFE000  }
0x12f: {  	_ =	swait.ge [sflag:s26], $0x2000  }
0x130: {  	[sflag:s26] =	ssyncset.done $0x0  }
0x131: {  	[sflag:s26] =	ssyncadd.s32 $0xFFFFE000  }
0x132: {  	_ =	swait.ge [sflag:s26], $0x2000  }
0x133: {  	[sflag:s26] =	ssyncset.done $0x0  }
0x134: {  	[sflag:s26] =	ssyncadd.s32 $0xFFFFE000  }
0x135: {  	_ =	swait.ge [sflag:s26], $0x2000  }
0x136: {  	[sflag:s26] =	ssyncset.done $0x0  }
0x137: {  	[sflag:s26] =	ssyncadd.s32 $0xFFFFE000  }
0x138: {  	[bflag:$0x0] =	sbarrier.arrive $0xFFFF  }
0x139: {  	[spmem:s22] =	stream.indirect.scatter.add.f32 [tilespmem:s25], [sflag:$0x1], $0x1, s31, s24, $0xb8;
	[tilespmem:$0x16108] =	vst v63  }
0x13a: {  	s0 =	simm.s32 $0x4000  }
0x13b: {  	[spmem:s22] =	stream.indirect.scatter.add.f32 [tilespmem:s28], [sflag:$0x1], $0x1, s0, s30, $0xb8;
	[tilespmem:$0x16108] =	vst v63  }
0x13c: {  	_ = 	snop  }
0x13d: {  	[spmem:s22] =	stream.indirect.scatter.add.f32 [tilespmem:s28], [sflag:$0x1], $0x1, s0, s30, $0xb8;
	[tilespmem:$0x16108] =	vst v63  }
0x13e: {  	_ =	swait.ge [sflag:s26], $0x1000  }
0x13f: {  	[sflag:s26] =	ssyncset.done $0x0  }
0x140: {  	[sflag:s26] =	ssyncadd.s32 $0xFFFFF000  }
0x141: {  	_ =	swait.ge [sflag:s26], $0x80  }
0x142: {  	[sflag:s26] =	ssyncset.done $0x0  }
0x143: {  	[sflag:s26] =	ssyncadd.s32 $0xFFFFFF80  }
0x144: {  	_ =	swait.ge [sflag:s26], $0x80  }
0x145: {  	[sflag:s26] =	ssyncset.done $0x0  }
0x146: {  	s13 =	simm.s32 $0x2;
	[sflag:s26] =	ssyncadd.s32 $0xFFFFFF80  }
0x147: {  	[spmem:s6] =	stream.linear.scatter [tilespmem:s28], [sflag:$0x2], $0x10, $0x38;
	[tilespmem:$0x16108] =	vst v63  }
0x148: {  	_ =	swait.ge [sflag:s13], $0x10  }
0x149: {  	[sflag:s13] =	ssyncset.done $0x0  }
0x14a: {  	s14 =	simm.s32 $0x6080;
	[sflag:s13] =	ssyncadd.s32 $0xFFFFFFF0  }
0x14b: {  	[tilespmem:s14], [sflag:$0x2] =	stream.linear.gather [spmem:s6], $0x10, $0x38;
	[tilespmem:$0x16108] =	vst v63  }
0x14c: {  	_ =	swait.ge [sflag:s13], $0x10  }
0x14d: {  	[sflag:s13] =	ssyncset.done $0x0  }
0x14e: {  	[sflag:s13] =	ssyncadd.s32 $0xFFFFFFF0  }
0x14f: {  	s15 =	stileid.u32;
	[bflag:$0x0] =	sbarrier.arrive $0xFFFF  }
0x150: {  	s16 =	sshrl.u32 s21, $0x3;
	s0 =	sshll.u32 s15, $0x6;
	s17 =	rddreg [dreg:$0x5]  }
0x151: {  	s4 =	sor.u32 $0x1C01, s0;
	[smem:$0x798] =	sst s16  }
0x152: {  	[hbm:s17@s30], [sflag:s4] =	dma.strided [spmem:s16@s29], $0x100, s26, $0x10   }
0x153: {  	s0 =	sld [smem:$0x7E1];
	_ =	sdelay $0x2  }
0x154: {  	s19 =	rddreg [dreg:$0x6];
	s18 =	sshrl.u32 s0, $0x3  }
0x155: {  	[smem:$0x799] =	sst s18  }
0x156: {  	[hbm:s19@s30], [sflag:s4] =	dma.strided [spmem:s18@s29], $0x100, s26, $0x10   }
0x157: {  	s0 =	sld [smem:$0x7E2];
	_ =	sdelay $0x2  }
0x158: {  	s22 =	rddreg [dreg:$0x7];
	s20 =	sshrl.u32 s0, $0x3  }
0x159: {  	[smem:$0x79A] =	sst s20  }
0x15a: {  	[hbm:s22@s30], [sflag:s4] =	dma.strided [spmem:s20@s29], $0x100, s26, $0x10   }
0x15b: {  	s0 =	sld [smem:$0x7E3];
	_ =	sdelay $0x2  }
0x15c: {  	s25 =	rddreg [dreg:$0x8];
	s24 =	sshrl.u32 s0, $0x3  }
0x15d: {  	s31 =	sshrl.u32 s23, $0x3;
	[smem:$0x79B] =	sst s24  }
0x15e: {  	[hbm:s25@s30], [sflag:s4] =	dma.strided [spmem:s24@s29], $0x100, s26, $0x10   }
0x15f: {  	[smem:$0x79C] =	sst s31  }
0x160: {  	s0 =	rddreg [dreg:$0x9]  }
0x161: {  	[hbm:s0@s30], [sflag:s4] =	dma.strided [spmem:s31@s29], $0x100, s26, $0x10   }
0x162: {  	s0 =	sld [smem:$0x7E4];
	_ =	sdelay $0x2  }
0x163: {  	s2 =	rddreg [dreg:$0xa];
	s0 =	sshrl.u32 s0, $0x3  }
0x164: {  	[smem:$0x79D] =	sst s0  }
0x165: {  	[hbm:s2@s30], [sflag:s4] =	dma.strided [spmem:s0@s29], $0x100, s26, $0x10   }
0x166: {  	s0 =	sld [smem:$0x7E5];
	_ =	sdelay $0x2  }
0x167: {  	s5 =	rddreg [dreg:$0xb];
	s3 =	sshrl.u32 s0, $0x3  }
0x168: {  	[smem:$0x79E] =	sst s3  }
0x169: {  	[hbm:s5@s30], [sflag:s4] =	dma.strided [spmem:s3@s29], $0x100, s26, $0x10   }
0x16a: {  	s0 =	sld [smem:$0x7E6];
	_ =	sdelay $0x2  }
0x16b: {  	s7 =	rddreg [dreg:$0xc];
	s6 =	sshrl.u32 s0, $0x3  }
0x16c: {  	[smem:$0x79F] =	sst s6  }
0x16d: {  	[hbm:s7@s30], [sflag:s4] =	dma.strided [spmem:s6@s29], $0x100, s26, $0x10   }
0x16e: {  	s22 =	sld [smem:$0x7DB];
	_ =	sdelay $0x2  }
0x16f: {  	s0 =	rddreg [dreg:$0xd];
	s8 =	sshrl.u32 s22, $0x3  }
0x170: {  	[smem:$0x7A0] =	sst s8  }
0x171: {  	[hbm:s0@s30], [sflag:s4] =	dma.strided [spmem:s8@s29], $0x100, s26, $0x10   }
0x172: {  	s0 =	sld [smem:$0x7E7];
	_ =	sdelay $0x2  }
0x173: {  	s10 =	rddreg [dreg:$0xe];
	s9 =	sshrl.u32 s0, $0x3  }
0x174: {  	[smem:$0x7A1] =	sst s9  }
0x175: {  	[hbm:s10@s30], [sflag:s4] =	dma.strided [spmem:s9@s29], $0x100, s26, $0x10   }
0x176: {  	s0 =	sld [smem:$0x7E8];
	_ =	sdelay $0x2  }
0x177: {  	s12 =	rddreg [dreg:$0xf];
	s11 =	sshrl.u32 s0, $0x3  }
0x178: {  	[smem:$0x7A2] =	sst s11  }
0x179: {  	[hbm:s12@s30], [sflag:s4] =	dma.strided [spmem:s11@s29], $0x100, s26, $0x10   }
0x17a: {  	s0 =	sld [smem:$0x7E9];
	_ =	sdelay $0x2  }
0x17b: {  	s14 =	rddreg [dreg:$0x10];
	s13 =	sshrl.u32 s0, $0x3  }
0x17c: {  	[smem:$0x7A3] =	sst s13  }
0x17d: {  	[hbm:s14@s30], [sflag:s4] =	dma.strided [spmem:s13@s29], $0x100, s26, $0x10   }
0x17e: {  	s1 =	sld [smem:$0x7DC];
	_ =	sdelay $0x2  }
0x17f: {  	s0 =	rddreg [dreg:$0x11];
	s2 =	sshrl.u32 s1, $0x3  }
0x180: {  	[smem:$0x7A4] =	sst s2  }
0x181: {  	[hbm:s0@s30], [sflag:s4] =	dma.strided [spmem:s2@s29], $0x100, s26, $0x10   }
0x182: {  	s0 =	sld [smem:$0x7EA];
	_ =	sdelay $0x2  }
0x183: {  	s16 =	rddreg [dreg:$0x12];
	s15 =	sshrl.u32 s0, $0x3  }
0x184: {  	[smem:$0x7A5] =	sst s15  }
0x185: {  	[hbm:s16@s30], [sflag:s4] =	dma.strided [spmem:s15@s29], $0x100, s26, $0x10   }
0x186: {  	s0 =	sld [smem:$0x7EB];
	_ =	sdelay $0x2  }
0x187: {  	s18 =	rddreg [dreg:$0x13];
	s17 =	sshrl.u32 s0, $0x3  }
0x188: {  	[smem:$0x7A6] =	sst s17  }
0x189: {  	[hbm:s18@s30], [sflag:s4] =	dma.strided [spmem:s17@s29], $0x100, s26, $0x10   }
0x18a: {  	s0 =	sld [smem:$0x7EC];
	_ =	sdelay $0x2  }
0x18b: {  	s19 =	rddreg [dreg:$0x14];
	s12 =	sshrl.u32 s0, $0x3  }
0x18c: {  	[hbm:s19@s30], [sflag:s4] =	dma.strided [spmem:s12@s29], $0x100, s26, $0x10   }
0x18d: {  	s24 =	sld [smem:$0x7DD];
	_ =	sdelay $0x2  }
0x18e: {  	s0 =	rddreg [dreg:$0x15];
	s13 =	sshrl.u32 s24, $0x3  }
0x18f: {  	[hbm:s0@s30], [sflag:s4] =	dma.strided [spmem:s13@s29], $0x100, s26, $0x10   }
0x190: {  	s0 =	sld [smem:$0x7ED];
	_ =	sdelay $0x2  }
0x191: {  	s20 =	rddreg [dreg:$0x16];
	s14 =	sshrl.u32 s0, $0x3  }
0x192: {  	[hbm:s20@s30], [sflag:s4] =	dma.strided [spmem:s14@s29], $0x100, s26, $0x10   }
0x193: {  	s0 =	sld [smem:$0x7EE];
	_ =	sdelay $0x2  }
0x194: {  	s25 =	rddreg [dreg:$0x17];
	s15 =	sshrl.u32 s0, $0x3  }
0x195: {  	[hbm:s25@s30], [sflag:s4] =	dma.strided [spmem:s15@s29], $0x100, s26, $0x10   }
0x196: {  	s0 =	sld [smem:$0x7EF];
	_ =	sdelay $0x2  }
0x197: {  	s31 =	rddreg [dreg:$0x18];
	s16 =	sshrl.u32 s0, $0x3  }
0x198: {  	[hbm:s31@s30], [sflag:s4] =	dma.strided [spmem:s16@s29], $0x100, s26, $0x10   }
0x199: {  	s25 =	sld [smem:$0x7DE];
	_ =	sdelay $0x2  }
0x19a: {  	s0 =	rddreg [dreg:$0x19];
	s17 =	sshrl.u32 s25, $0x3  }
0x19b: {  	[hbm:s0@s30], [sflag:s4] =	dma.strided [spmem:s17@s29], $0x100, s26, $0x10   }
0x19c: {  	s0 =	sld [smem:$0x7F0];
	_ =	sdelay $0x2  }
0x19d: {  	s2 =	rddreg [dreg:$0x1a];
	s18 =	sshrl.u32 s0, $0x3  }
0x19e: {  	[hbm:s2@s30], [sflag:s4] =	dma.strided [spmem:s18@s29], $0x100, s26, $0x10   }
0x19f: {  	s0 =	sld [smem:$0x7F1];
	_ =	sdelay $0x2  }
0x1a0: {  	s3 =	rddreg [dreg:$0x1b];
	s8 =	sshrl.u32 s0, $0x3  }
0x1a1: {  	[hbm:s3@s30], [sflag:s4] =	dma.strided [spmem:s8@s29], $0x100, s26, $0x10   }
0x1a2: {  	s0 =	sld [smem:$0x7F2];
	_ =	sdelay $0x2  }
0x1a3: {  	s5 =	rddreg [dreg:$0x1c];
	s19 =	sshrl.u32 s0, $0x3  }
0x1a4: {  	[hbm:s5@s30], [sflag:s4] =	dma.strided [spmem:s19@s29], $0x100, s26, $0x10   }
0x1a5: {  	s31 =	sld [smem:$0x7DF];
	_ =	sdelay $0x2  }
0x1a6: {  	s6 =	rddreg [dreg:$0x1d];
	s0 =	sshrl.u32 s31, $0x3  }
0x1a7: {  	[hbm:s6@s30], [sflag:s4] =	dma.strided [spmem:s0@s29], $0x100, s26, $0x10   }
0x1a8: {  	s2 =	sld [smem:$0x7F3];
	_ =	sdelay $0x2  }
0x1a9: {  	s7 =	rddreg [dreg:$0x1e];
	s3 =	sshrl.u32 s2, $0x3  }
0x1aa: {  	[hbm:s7@s30], [sflag:s4] =	dma.strided [spmem:s3@s29], $0x100, s26, $0x10   }
0x1ab: {  	s2 =	sld [smem:$0x7F4];
	_ =	sdelay $0x2  }
0x1ac: {  	s9 =	rddreg [dreg:$0x1f];
	s5 =	sshrl.u32 s2, $0x3  }
0x1ad: {  	[hbm:s9@s30], [sflag:s4] =	dma.strided [spmem:s5@s29], $0x100, s26, $0x10   }
0x1ae: {  	s2 =	sld [smem:$0x7F5]  }
0x1af: {  	s10 =	sld [smem:$0x7AA];
	_ =	sdelay $0x1  }
0x1b0: {  	s7 =	sshrl.u32 s2, $0x3  }
0x1b1: {  	[hbm:s10@s30], [sflag:s4] =	dma.strided [spmem:s7@s29], $0x100, s26, $0x10   }
0x1b2: {  	s6 =	sld [smem:$0x7E0]  }
0x1b3: {  	s2 =	sld [smem:$0x7AC];
	_ =	sdelay $0x1  }
0x1b4: {  	s9 =	sshrl.u32 s6, $0x3  }
0x1b5: {  	[hbm:s2@s30], [sflag:s4] =	dma.strided [spmem:s9@s29], $0x100, s26, $0x10   }
0x1b6: {  	s2 =	sld [smem:$0x7F6]  }
0x1b7: {  	s11 =	sld [smem:$0x7AE];
	_ =	sdelay $0x1  }
0x1b8: {  	s10 =	sshrl.u32 s2, $0x3  }
0x1b9: {  	[hbm:s11@s30], [sflag:s4] =	dma.strided [spmem:s10@s29], $0x100, s26, $0x10   }
0x1ba: {  	s2 =	sld [smem:$0x7F7]  }
0x1bb: {  	s20 =	sld [smem:$0x7B0];
	_ =	sdelay $0x1  }
0x1bc: {  	s11 =	sshrl.u32 s2, $0x3  }
0x1bd: {  	[hbm:s20@s30], [sflag:s4] =	dma.strided [spmem:s11@s29], $0x100, s26, $0x10   }
0x1be: {  	s2 =	sld [smem:$0x7F8];
	_ =	sdelay $0x2  }
0x1bf: {  	s20 =	sshrl.u32 s2, $0x3;
	s2 =	sld [smem:$0x7B1];
	_ =	sdelay $0x2  }
0x1c0: {  	[hbm:s2@s30], [sflag:s4] =	dma.strided [spmem:s20@s29], $0x100, s26, $0x10   }
0x1c1: {  	_ =	swait.ge [sflag:s26], $0x100  }
0x1c2: {  	[sflag:s26] =	ssyncset.done $0x0  }
0x1c3: {  	[sflag:s26] =	ssyncadd.s32 $0xFFFFFF00  }
0x1c4: {  	_ =	swait.ge [sflag:s26], $0x100  }
0x1c5: {  	[sflag:s26] =	ssyncset.done $0x0  }
0x1c6: {  	[sflag:s26] =	ssyncadd.s32 $0xFFFFFF00  }
0x1c7: {  	_ =	swait.ge [sflag:s26], $0x100  }
0x1c8: {  	[sflag:s26] =	ssyncset.done $0x0  }
0x1c9: {  	[sflag:s26] =	ssyncadd.s32 $0xFFFFFF00  }
0x1ca: {  	_ =	swait.ge [sflag:s26], $0x100  }
0x1cb: {  	[sflag:s26] =	ssyncset.done $0x0  }
0x1cc: {  	[sflag:s26] =	ssyncadd.s32 $0xFFFFFF00  }
0x1cd: {  	_ =	swait.ge [sflag:s26], $0x100  }
0x1ce: {  	[sflag:s26] =	ssyncset.done $0x0  }
0x1cf: {  	[sflag:s26] =	ssyncadd.s32 $0xFFFFFF00  }
0x1d0: {  	_ =	swait.ge [sflag:s26], $0x100  }
0x1d1: {  	[sflag:s26] =	ssyncset.done $0x0  }
0x1d2: {  	[sflag:s26] =	ssyncadd.s32 $0xFFFFFF00  }
0x1d3: {  	_ =	swait.ge [sflag:s26], $0x100  }
0x1d4: {  	[sflag:s26] =	ssyncset.done $0x0  }
0x1d5: {  	[sflag:s26] =	ssyncadd.s32 $0xFFFFFF00  }
0x1d6: {  	_ =	swait.ge [sflag:s26], $0x100  }
0x1d7: {  	[sflag:s26] =	ssyncset.done $0x0  }
0x1d8: {  	[sflag:s26] =	ssyncadd.s32 $0xFFFFFF00  }
0x1d9: {  	_ =	swait.ge [sflag:s26], $0x100  }
0x1da: {  	[sflag:s26] =	ssyncset.done $0x0  }
0x1db: {  	[sflag:s26] =	ssyncadd.s32 $0xFFFFFF00  }
0x1dc: {  	_ =	swait.ge [sflag:s26], $0x100  }
0x1dd: {  	[sflag:s26] =	ssyncset.done $0x0  }
0x1de: {  	[sflag:s26] =	ssyncadd.s32 $0xFFFFFF00  }
0x1df: {  	_ =	swait.ge [sflag:s26], $0x100  }
0x1e0: {  	[sflag:s26] =	ssyncset.done $0x0  }
0x1e1: {  	[sflag:s26] =	ssyncadd.s32 $0xFFFFFF00  }
0x1e2: {  	_ =	swait.ge [sflag:s26], $0x100  }
0x1e3: {  	[sflag:s26] =	ssyncset.done $0x0  }
0x1e4: {  	[sflag:s26] =	ssyncadd.s32 $0xFFFFFF00  }
0x1e5: {  	_ =	swait.ge [sflag:s26], $0x100  }
0x1e6: {  	[sflag:s26] =	ssyncset.done $0x0  }
0x1e7: {  	[sflag:s26] =	ssyncadd.s32 $0xFFFFFF00  }
0x1e8: {  	_ =	swait.ge [sflag:s26], $0x100  }
0x1e9: {  	[sflag:s26] =	ssyncset.done $0x0  }
0x1ea: {  	[sflag:s26] =	ssyncadd.s32 $0xFFFFFF00  }
0x1eb: {  	_ =	swait.ge [sflag:s26], $0x100  }
0x1ec: {  	[sflag:s26] =	ssyncset.done $0x0  }
0x1ed: {  	[sflag:s26] =	ssyncadd.s32 $0xFFFFFF00  }
0x1ee: {  	_ =	swait.ge [sflag:s26], $0x100  }
0x1ef: {  	[sflag:s26] =	ssyncset.done $0x0  }
0x1f0: {  	[sflag:s26] =	ssyncadd.s32 $0xFFFFFF00  }
0x1f1: {  	_ =	swait.ge [sflag:s26], $0x100  }
0x1f2: {  	[sflag:s26] =	ssyncset.done $0x0  }
0x1f3: {  	[sflag:s26] =	ssyncadd.s32 $0xFFFFFF00  }
0x1f4: {  	_ =	swait.ge [sflag:s26], $0x100  }
0x1f5: {  	[sflag:s26] =	ssyncset.done $0x0  }
0x1f6: {  	[sflag:s26] =	ssyncadd.s32 $0xFFFFFF00  }
0x1f7: {  	_ =	swait.ge [sflag:s26], $0x100  }
0x1f8: {  	[sflag:s26] =	ssyncset.done $0x0  }
0x1f9: {  	[sflag:s26] =	ssyncadd.s32 $0xFFFFFF00  }
0x1fa: {  	_ =	swait.ge [sflag:s26], $0x100  }
0x1fb: {  	[sflag:s26] =	ssyncset.done $0x0  }
0x1fc: {  	[sflag:s26] =	ssyncadd.s32 $0xFFFFFF00  }
0x1fd: {  	_ =	swait.ge [sflag:s26], $0x100  }
0x1fe: {  	[sflag:s26] =	ssyncset.done $0x0  }
0x1ff: {  	[sflag:s26] =	ssyncadd.s32 $0xFFFFFF00  }
0x200: {  	_ =	swait.ge [sflag:s26], $0x100  }
0x201: {  	[sflag:s26] =	ssyncset.done $0x0  }
0x202: {  	[sflag:s26] =	ssyncadd.s32 $0xFFFFFF00  }
0x203: {  	_ =	swait.ge [sflag:s26], $0x100  }
0x204: {  	[sflag:s26] =	ssyncset.done $0x0  }
0x205: {  	[sflag:s26] =	ssyncadd.s32 $0xFFFFFF00  }
0x206: {  	_ =	swait.ge [sflag:s26], $0x100  }
0x207: {  	[sflag:s26] =	ssyncset.done $0x0  }
0x208: {  	[sflag:s26] =	ssyncadd.s32 $0xFFFFFF00  }
0x209: {  	_ =	swait.ge [sflag:s26], $0x100  }
0x20a: {  	[sflag:s26] =	ssyncset.done $0x0  }
0x20b: {  	[sflag:s26] =	ssyncadd.s32 $0xFFFFFF00  }
0x20c: {  	_ =	swait.ge [sflag:s26], $0x100  }
0x20d: {  	[sflag:s26] =	ssyncset.done $0x0  }
0x20e: {  	[sflag:s26] =	ssyncadd.s32 $0xFFFFFF00  }
0x20f: {  	_ =	swait.ge [sflag:s26], $0x100  }
0x210: {  	[sflag:s26] =	ssyncset.done $0x0  }
0x211: {  	[sflag:s26] =	ssyncadd.s32 $0xFFFFFF00  }
0x212: {  	_ =	swait.ge [sflag:s26], $0x100  }
0x213: {  	[sflag:s26] =	ssyncset.done $0x0  }
0x214: {  	[sflag:s26] =	ssyncadd.s32 $0xFFFFFF00  }
0x215: {  	_ =	swait.ge [sflag:s26], $0x100  }
0x216: {  	[sflag:s26] =	ssyncset.done $0x0  }
0x217: {  	[sflag:s26] =	ssyncadd.s32 $0xFFFFFF00  }
0x218: {  	_ =	swait.ge [sflag:s26], $0x100  }
0x219: {  	[sflag:s26] =	ssyncset.done $0x0  }
0x21a: {  	[sflag:s26] =	ssyncadd.s32 $0xFFFFFF00  }
0x21b: {  	_ =	swait.ge [sflag:s26], $0x100  }
0x21c: {  	[sflag:s26] =	ssyncset.done $0x0  }
0x21d: {  	[sflag:s26] =	ssyncadd.s32 $0xFFFFFF00  }
0x21e: {  	_ =	swait.ge [sflag:s26], $0x100  }
0x21f: {  	[sflag:s26] =	ssyncset.done $0x0  }
0x220: {  	[sflag:s26] =	ssyncadd.s32 $0xFFFFFF00  }
0x221: {  	[bflag:$0x0] =	sbarrier.arrive $0xFFFF  }
0x222: {  	[spmem:s21] =	stream.linear.scatter [tilespmem:s28], [sflag:$0x1], $0x2000, $0x38;
	[tilespmem:$0x16108] =	vst v63  }
0x223: {  	_ = 	snop  }
0x224: {  	[spmem:s23] =	stream.linear.scatter [tilespmem:s28], [sflag:$0x1], $0x2000, $0x38;
	[tilespmem:$0x16108] =	vst v63  }
0x225: {  	_ = 	snop  }
0x226: {  	[spmem:s22] =	stream.linear.scatter [tilespmem:s28], [sflag:$0x1], $0x2000, $0x38;
	[tilespmem:$0x16108] =	vst v63  }
0x227: {  	_ = 	snop  }
0x228: {  	[spmem:s1] =	stream.linear.scatter [tilespmem:s28], [sflag:$0x1], $0x2000, $0x38;
	[tilespmem:$0x16108] =	vst v63  }
0x229: {  	_ = 	snop  }
0x22a: {  	[spmem:s24] =	stream.linear.scatter [tilespmem:s28], [sflag:$0x1], $0x2000, $0x38;
	[tilespmem:$0x16108] =	vst v63  }
0x22b: {  	_ = 	snop  }
0x22c: {  	[spmem:s25] =	stream.linear.scatter [tilespmem:s28], [sflag:$0x1], $0x2000, $0x38;
	[tilespmem:$0x16108] =	vst v63  }
0x22d: {  	_ = 	snop  }
0x22e: {  	[spmem:s31] =	stream.linear.scatter [tilespmem:s28], [sflag:$0x1], $0x2000, $0x38;
	[tilespmem:$0x16108] =	vst v63  }
0x22f: {  	s31 =	simm.s32 $0x40  }
0x230: {  	[spmem:s6] =	stream.linear.scatter [tilespmem:s28], [sflag:$0x1], $0x2000, $0x38;
	[tilespmem:$0x16108] =	vst v63  }
0x231: {  	v4 =	vld [tilespmem:s31+$0x30]  }
0x232: {  	s21 =	simm.s32 $0x1040;
	v5 =	vld [tilespmem:s31+$0xFFFFFFD0]  }
0x233: {  	v6 =	vld [tilespmem:s21+$0x30]  }
0x234: {  	v7 =	vld [tilespmem:s31+$0xFFFFFFE0]  }
0x235: {  	v8 =	vld [tilespmem:s31+$0xFFFFFFF0]  }
0x236: {  	v10 =	vld [tilespmem:s31+$0x10]  }
0x237: {  	v9 =	vld [tilespmem:s31+$0x0]  }
0x238: {  	v12 =	vld [tilespmem:s31+$0x20];
	v4 =	vsub.s32 v4, v1;
	v5 =	vsub.s32 v5, v1  }
0x239: {  	v14 =	vld [tilespmem:s31+$0xFFFFFFC0];
	v11 =	vshll.u32 v4, $0xB;
	v13 =	vshll.u32 v5, $0xB  }
0x23a: {  	vm1 =	vlt.u32 v4, $0x200;
	vm0 =	vlt.u32 v5, $0x200;
	v5 =	vsub.s32 v7, v1  }
0x23b: {  	v16 =	vld [tilespmem:s21+$0xFFFFFFC0];
	v7 =	vsub.s32 v10, v1;
	v4 =	vadd.s32 v6, v11;
	v6 =	vsub.s32 v8, v1  }
0x23c: {  	v17 =	vld [tilespmem:s21+$0xFFFFFFD0];
	v15 =	vnsel vm1, $0x100000, v4;
	vm1 =	vlt.u32 v5, $0x200;
	v4 =	vshll.u32 v5, $0xB  }
0x23d: {  	vm2 =	vlt.u32 v6, $0x200;
	v5 =	vshll.u32 v6, $0xB;
	v6 =	vsub.s32 v9, v1;
	v9 =	vld [tilespmem:s21+$0xFFFFFFE0]  }
0x23e: {  	v10 =	vld [tilespmem:s21+$0xFFFFFFF0];
	vm4 =	vlt.u32 v7, $0x200;
	v8 =	vsub.s32 v12, v1;
	v12 =	vsub.s32 v14, v1  }
0x23f: {  	v7 =	vshll.u32 v7, $0xB;
	v11 =	vld [tilespmem:s21+$0x0];
	vm5 =	vlt.u32 v8, $0x200;
	vm6 =	vlt.u32 v12, $0x200  }
0x240: {  	s2 =	simm.s32 $0x3040;
	v14 =	vshll.u32 v12, $0xB;
	v12 =	vld [tilespmem:s21+$0x10];
	v8 =	vshll.u32 v8, $0xB;
	vm3 =	vlt.u32 v6, $0x200  }
0x241: {  	s23 =	simm.s32 $0xC0;
	s22 =	simm.s32 $0x0;
	v6 =	vshll.u32 v6, $0xB;
	[tilespmem:s2+$0x30] =	vst v15;
	v14 =	vadd.s32 v16, v14;
	v15 =	vadd.s32 v17, v13;
	v13 =	vld [tilespmem:s21+$0x20]  }
.LBB2_8:
0x242: {  	v16 =	vld [tilespmem:s23+$0x30];
	s22 =	sadd.s32 $0x8, s22;
	v14 =	vnsel vm6, $0x100000, v14;
	v15 =	vnsel vm0, $0x100000, v15;
	v4 =	vadd.s32 v9, v4  }
0x243: {  	s21 =	sadd.s32 $0x80, s21;
	v9 =	vld [tilespmem:s23+$0xFFFFFFD0];
	p0 =	slt.u32 s22, $0xF8;
	[tilespmem:s2+$0xFFFFFFC0] =	vst v14;
	v4 =	vnsel vm1, $0x100000, v4;
	v5 =	vadd.s32 v10, v5  }
0x244: {  	v10 =	vld [tilespmem:s21+$0x30];
	[tilespmem:s2+$0xFFFFFFD0] =	vst v15;
	v5 =	vnsel vm2, $0x100000, v5;
	v6 =	vadd.s32 v11, v6  }
0x245: {  	v11 =	vld [tilespmem:s23+$0xFFFFFFE0];
	[tilespmem:s2+$0xFFFFFFE0] =	vst v4;
	v4 =	vnsel vm3, $0x100000, v6;
	v6 =	vadd.s32 v12, v7  }
0x246: {  	v7 =	vld [tilespmem:s23+$0xFFFFFFF0];
	[tilespmem:s2+$0xFFFFFFF0] =	vst v5;
	v5 =	vnsel vm4, $0x100000, v6;
	v6 =	vadd.s32 v13, v8  }
0x247: {  	v8 =	vld [tilespmem:s23+$0x0];
	v12 =	vsub.s32 v16, v1;
	[tilespmem:s2+$0x0] =	vst v4;
	v4 =	vnsel vm5, $0x100000, v6  }
0x248: {  	v6 =	vsub.s32 v9, v1;
	v13 =	vld [tilespmem:s23+$0x10];
	v9 =	vshll.u32 v12, $0xB;
	[tilespmem:s2+$0x10] =	vst v5  }
0x249: {  	vm1 =	vlt.u32 v12, $0x200;
	v15 =	vshll.u32 v6, $0xB;
	v14 =	vld [tilespmem:s23+$0x20];
	v5 =	vadd.s32 v10, v9;
	[tilespmem:s2+$0x20] =	vst v4  }
0x24a: {  	vm0 =	vlt.u32 v6, $0x200;
	s2 =	sadd.s32 $0x80, s2;
	v12 =	vld [tilespmem:s23+$0xFFFFFFC0];
	v4 =	vsub.s32 v11, v1;
	v5 =	vnsel vm1, $0x100000, v5  }
0x24b: {  	v16 =	vld [tilespmem:s21+$0xFFFFFFC0];
	vm1 =	vlt.u32 v4, $0x200;
	v4 =	vshll.u32 v4, $0xB;
	v6 =	vsub.s32 v7, v1;
	[tilespmem:s2+$0x30] =	vst v5  }
0x24c: {  	v17 =	vld [tilespmem:s21+$0xFFFFFFD0];
	vm2 =	vlt.u32 v6, $0x200;
	v5 =	vshll.u32 v6, $0xB;
	v6 =	vsub.s32 v8, v1  }
.Ltmp3:
0x24d: {  	v9 =	vld [tilespmem:s21+$0xFFFFFFE0];
	vm3 =	vlt.u32 v6, $0x200;
	v6 =	vshll.u32 v6, $0xB;
	v7 =	vsub.s32 v13, v1;
	(pc) =	sbr.rel @p0 .LBB2_8-.Ltmp3, $4  }
0x24e: {  	v10 =	vld [tilespmem:s21+$0xFFFFFFF0];
	vm4 =	vlt.u32 v7, $0x200;
	v7 =	vshll.u32 v7, $0xB;
	v8 =	vsub.s32 v14, v1  }
0x24f: {  	v12 =	vsub.s32 v12, v1;
	v11 =	vld [tilespmem:s21+$0x0];
	vm5 =	vlt.u32 v8, $0x200;
	v8 =	vshll.u32 v8, $0xB  }
0x250: {  	vm6 =	vlt.u32 v12, $0x200;
	v13 =	vshll.u32 v12, $0xB;
	v12 =	vld [tilespmem:s21+$0x10]  }
0x251: {  	s23 =	sadd.s32 $0x80, s23;
	v14 =	vadd.s32 v16, v13;
	v15 =	vadd.s32 v17, v15;
	v13 =	vld [tilespmem:s21+$0x20]  }
0x252: {  	v14 =	vnsel vm6, $0x100000, v14  }
0x253: {  	v15 =	vnsel vm0, $0x100000, v15;
	v4 =	vadd.s32 v9, v4;
	[tilespmem:s2+$0xFFFFFFC0] =	vst v14  }
0x254: {  	v4 =	vnsel vm1, $0x100000, v4;
	v5 =	vadd.s32 v10, v5;
	[tilespmem:s2+$0xFFFFFFD0] =	vst v15  }
0x255: {  	v5 =	vnsel vm2, $0x100000, v5;
	v6 =	vadd.s32 v11, v6;
	[tilespmem:s2+$0xFFFFFFE0] =	vst v4  }
0x256: {  	v4 =	vnsel vm3, $0x100000, v6;
	v62 =	vadd.s32 v12, v7;
	[tilespmem:s2+$0xFFFFFFF0] =	vst v5  }
0x257: {  	v5 =	vnsel vm4, $0x100000, v62;
	v63 =	vadd.s32 v13, v8;
	[tilespmem:s2+$0x0] =	vst v4  }
0x258: {  	v4 =	vnsel vm5, $0x100000, v63;
	[tilespmem:s2+$0x10] =	vst v5  }
0x259: {  	[tilespmem:s2+$0x20] =	vst v4  }
0x25a: {  	_ =	swait.ge [sflag:s26], $0x2000  }
0x25b: {  	[sflag:s26] =	ssyncset.done $0x0  }
0x25c: {  	[sflag:s26] =	ssyncadd.s32 $0xFFFFE000  }
0x25d: {  	_ =	swait.ge [sflag:s26], $0x2000  }
0x25e: {  	[sflag:s26] =	ssyncset.done $0x0  }
0x25f: {  	[sflag:s26] =	ssyncadd.s32 $0xFFFFE000  }
0x260: {  	_ =	swait.ge [sflag:s26], $0x2000  }
0x261: {  	[sflag:s26] =	ssyncset.done $0x0  }
0x262: {  	[sflag:s26] =	ssyncadd.s32 $0xFFFFE000  }
0x263: {  	_ =	swait.ge [sflag:s26], $0x2000  }
0x264: {  	[sflag:s26] =	ssyncset.done $0x0  }
0x265: {  	[sflag:s26] =	ssyncadd.s32 $0xFFFFE000  }
0x266: {  	_ =	swait.ge [sflag:s26], $0x2000  }
0x267: {  	[sflag:s26] =	ssyncset.done $0x0  }
0x268: {  	[sflag:s26] =	ssyncadd.s32 $0xFFFFE000  }
0x269: {  	_ =	swait.ge [sflag:s26], $0x2000  }
0x26a: {  	[sflag:s26] =	ssyncset.done $0x0  }
0x26b: {  	[sflag:s26] =	ssyncadd.s32 $0xFFFFE000  }
0x26c: {  	_ =	swait.ge [sflag:s26], $0x2000  }
0x26d: {  	[sflag:s26] =	ssyncset.done $0x0  }
0x26e: {  	[sflag:s26] =	ssyncadd.s32 $0xFFFFE000  }
0x26f: {  	_ =	swait.ge [sflag:s26], $0x2000  }
0x270: {  	[sflag:s26] =	ssyncset.done $0x0  }
0x271: {  	[sflag:s26] =	ssyncadd.s32 $0xFFFFE000  }
0x272: {  	s24 =	simm.s32 $0x1000;
	[bflag:$0x0] =	sbarrier.arrive $0xFFFF  }
0x273: {  	s25 =	simm.s32 $0x2000;
	s31 =	simm.s32 $0x3000;
	s22 =	rddreg [dreg:$0x2]  }
0x274: {  	[spmem:s22] =	stream.indirect.scatter.add.f32 [tilespmem:s25], [sflag:$0x1], $0x1, s31, s24, $0xb8;
	[tilespmem:$0x16108] =	vst v63  }
0x275: {  	s1 =	simm.s32 $0x4000  }
0x276: {  	[spmem:s22] =	stream.indirect.scatter.add.f32 [tilespmem:s28], [sflag:$0x1], $0x1, s1, s30, $0xb8;
	[tilespmem:$0x16108] =	vst v63  }
0x277: {  	_ = 	snop  }
0x278: {  	[spmem:s22] =	stream.indirect.scatter.add.f32 [tilespmem:s28], [sflag:$0x1], $0x1, s1, s30, $0xb8;
	[tilespmem:$0x16108] =	vst v63  }
0x279: {  	_ =	swait.ge [sflag:s26], $0x1000  }
0x27a: {  	[sflag:s26] =	ssyncset.done $0x0  }
0x27b: {  	[sflag:s26] =	ssyncadd.s32 $0xFFFFF000  }
0x27c: {  	_ =	swait.ge [sflag:s26], $0x80  }
0x27d: {  	[sflag:s26] =	ssyncset.done $0x0  }
0x27e: {  	[sflag:s26] =	ssyncadd.s32 $0xFFFFFF80  }
0x27f: {  	_ =	swait.ge [sflag:s26], $0x80  }
0x280: {  	s6 =	sld [smem:$0x7FD]  }
0x281: {  	[sflag:s26] =	ssyncset.done $0x0  }
0x282: {  	s21 =	simm.s32 $0x2;
	[sflag:s26] =	ssyncadd.s32 $0xFFFFFF80  }
0x283: {  	[spmem:s6] =	stream.linear.scatter [tilespmem:s28], [sflag:$0x2], $0x10, $0x38;
	[tilespmem:$0x16108] =	vst v63  }
0x284: {  	_ =	swait.ge [sflag:s21], $0x10  }
0x285: {  	[sflag:s21] =	ssyncset.done $0x0  }
0x286: {  	s23 =	simm.s32 $0x6080;
	[sflag:s21] =	ssyncadd.s32 $0xFFFFFFF0  }
0x287: {  	[tilespmem:s23], [sflag:$0x2] =	stream.linear.gather [spmem:s6], $0x10, $0x38;
	[tilespmem:$0x16108] =	vst v63  }
0x288: {  	_ =	swait.ge [sflag:s21], $0x10  }
0x289: {  	[sflag:s21] =	ssyncset.done $0x0  }
0x28a: {  	[sflag:s21] =	ssyncadd.s32 $0xFFFFFFF0  }
0x28b: {  	[bflag:$0x0] =	sbarrier.arrive $0xFFFF  }
0x28c: {  	s21 =	sld [smem:$0x7B2]  }
0x28d: {  	s23 =	sld [smem:$0x798];
	_ =	sdelay $0x2  }
0x28e: {  	[hbm:s21@s30], [sflag:s4] =	dma.strided [spmem:s23@s29], $0x100, s26, $0x10   }
0x28f: {  	s2 =	sld [smem:$0x7B3]  }
0x290: {  	s1 =	sld [smem:$0x799];
	_ =	sdelay $0x2  }
0x291: {  	[hbm:s2@s30], [sflag:s4] =	dma.strided [spmem:s1@s29], $0x100, s26, $0x10   }
0x292: {  	s2 =	sld [smem:$0x7B4]  }
0x293: {  	s1 =	sld [smem:$0x79A];
	_ =	sdelay $0x2  }
0x294: {  	[hbm:s2@s30], [sflag:s4] =	dma.strided [spmem:s1@s29], $0x100, s26, $0x10   }
0x295: {  	s2 =	sld [smem:$0x7B5]  }
0x296: {  	s1 =	sld [smem:$0x79B];
	_ =	sdelay $0x2  }
0x297: {  	[hbm:s2@s30], [sflag:s4] =	dma.strided [spmem:s1@s29], $0x100, s26, $0x10   }
0x298: {  	s2 =	sld [smem:$0x7B6]  }
0x299: {  	s1 =	sld [smem:$0x79C];
	_ =	sdelay $0x2  }
0x29a: {  	[hbm:s2@s30], [sflag:s4] =	dma.strided [spmem:s1@s29], $0x100, s26, $0x10   }
0x29b: {  	s2 =	sld [smem:$0x7B7]  }
0x29c: {  	s1 =	sld [smem:$0x79D];
	_ =	sdelay $0x2  }
0x29d: {  	[hbm:s2@s30], [sflag:s4] =	dma.strided [spmem:s1@s29], $0x100, s26, $0x10   }
0x29e: {  	s2 =	sld [smem:$0x7B8]  }
0x29f: {  	s1 =	sld [smem:$0x79E];
	_ =	sdelay $0x2  }
0x2a0: {  	[hbm:s2@s30], [sflag:s4] =	dma.strided [spmem:s1@s29], $0x100, s26, $0x10   }
0x2a1: {  	s2 =	sld [smem:$0x7B9]  }
0x2a2: {  	s1 =	sld [smem:$0x79F];
	_ =	sdelay $0x2  }
0x2a3: {  	[hbm:s2@s30], [sflag:s4] =	dma.strided [spmem:s1@s29], $0x100, s26, $0x10   }
0x2a4: {  	s2 =	sld [smem:$0x7BA]  }
0x2a5: {  	s1 =	sld [smem:$0x7A0];
	_ =	sdelay $0x2  }
0x2a6: {  	[hbm:s2@s30], [sflag:s4] =	dma.strided [spmem:s1@s29], $0x100, s26, $0x10   }
0x2a7: {  	s2 =	sld [smem:$0x7BB]  }
0x2a8: {  	s1 =	sld [smem:$0x7A1];
	_ =	sdelay $0x2  }
0x2a9: {  	[hbm:s2@s30], [sflag:s4] =	dma.strided [spmem:s1@s29], $0x100, s26, $0x10   }
0x2aa: {  	s2 =	sld [smem:$0x7BC]  }
0x2ab: {  	s1 =	sld [smem:$0x7A2];
	_ =	sdelay $0x2  }
0x2ac: {  	[hbm:s2@s30], [sflag:s4] =	dma.strided [spmem:s1@s29], $0x100, s26, $0x10   }
0x2ad: {  	s1 =	sld [smem:$0x7BD]  }
0x2ae: {  	s2 =	sld [smem:$0x7A3];
	_ =	sdelay $0x2  }
0x2af: {  	[hbm:s1@s30], [sflag:s4] =	dma.strided [spmem:s2@s29], $0x100, s26, $0x10   }
0x2b0: {  	s1 =	sld [smem:$0x7BE]  }
0x2b1: {  	s2 =	sld [smem:$0x7A4];
	_ =	sdelay $0x2  }
0x2b2: {  	[hbm:s1@s30], [sflag:s4] =	dma.strided [spmem:s2@s29], $0x100, s26, $0x10   }
0x2b3: {  	s1 =	sld [smem:$0x7BF]  }
0x2b4: {  	s2 =	sld [smem:$0x7A5];
	_ =	sdelay $0x2  }
0x2b5: {  	[hbm:s1@s30], [sflag:s4] =	dma.strided [spmem:s2@s29], $0x100, s26, $0x10   }
0x2b6: {  	s1 =	sld [smem:$0x7C1]  }
0x2b7: {  	s2 =	sld [smem:$0x7A6];
	_ =	sdelay $0x2  }
0x2b8: {  	[hbm:s1@s30], [sflag:s4] =	dma.strided [spmem:s2@s29], $0x100, s26, $0x10   }
0x2b9: {  	s1 =	sld [smem:$0x7C2];
	_ =	sdelay $0x2  }
0x2ba: {  	[hbm:s1@s30], [sflag:s4] =	dma.strided [spmem:s12@s29], $0x100, s26, $0x10   }
0x2bb: {  	s1 =	sld [smem:$0x7C4];
	_ =	sdelay $0x2  }
0x2bc: {  	[hbm:s1@s30], [sflag:s4] =	dma.strided [spmem:s13@s29], $0x100, s26, $0x10   }
0x2bd: {  	s1 =	sld [smem:$0x7C5];
	_ =	sdelay $0x2  }
0x2be: {  	[hbm:s1@s30], [sflag:s4] =	dma.strided [spmem:s14@s29], $0x100, s26, $0x10   }
0x2bf: {  	s1 =	sld [smem:$0x7C6];
	_ =	sdelay $0x2  }
0x2c0: {  	[hbm:s1@s30], [sflag:s4] =	dma.strided [spmem:s15@s29], $0x100, s26, $0x10   }
0x2c1: {  	s1 =	sld [smem:$0x7C7];
	_ =	sdelay $0x2  }
0x2c2: {  	[hbm:s1@s30], [sflag:s4] =	dma.strided [spmem:s16@s29], $0x100, s26, $0x10   }
0x2c3: {  	s1 =	sld [smem:$0x7C8];
	_ =	sdelay $0x2  }
0x2c4: {  	[hbm:s1@s30], [sflag:s4] =	dma.strided [spmem:s17@s29], $0x100, s26, $0x10   }
0x2c5: {  	s1 =	sld [smem:$0x7C9];
	_ =	sdelay $0x2  }
0x2c6: {  	[hbm:s1@s30], [sflag:s4] =	dma.strided [spmem:s18@s29], $0x100, s26, $0x10   }
0x2c7: {  	s1 =	sld [smem:$0x7CA];
	_ =	sdelay $0x2  }
0x2c8: {  	[hbm:s1@s30], [sflag:s4] =	dma.strided [spmem:s8@s29], $0x100, s26, $0x10   }
0x2c9: {  	s1 =	sld [smem:$0x7CB];
	_ =	sdelay $0x2  }
0x2ca: {  	[hbm:s1@s30], [sflag:s4] =	dma.strided [spmem:s19@s29], $0x100, s26, $0x10   }
0x2cb: {  	s1 =	sld [smem:$0x7CC];
	_ =	sdelay $0x2  }
0x2cc: {  	[hbm:s1@s30], [sflag:s4] =	dma.strided [spmem:s0@s29], $0x100, s26, $0x10   }
0x2cd: {  	s0 =	sld [smem:$0x7CE];
	_ =	sdelay $0x2  }
0x2ce: {  	[hbm:s0@s30], [sflag:s4] =	dma.strided [spmem:s3@s29], $0x100, s26, $0x10   }
0x2cf: {  	s0 =	sld [smem:$0x7D0];
	_ =	sdelay $0x2  }
0x2d0: {  	[hbm:s0@s30], [sflag:s4] =	dma.strided [spmem:s5@s29], $0x100, s26, $0x10   }
0x2d1: {  	s0 =	sld [smem:$0x7D1];
	_ =	sdelay $0x2  }
0x2d2: {  	[hbm:s0@s30], [sflag:s4] =	dma.strided [spmem:s7@s29], $0x100, s26, $0x10   }
0x2d3: {  	s0 =	sld [smem:$0x7D2];
	_ =	sdelay $0x2  }
0x2d4: {  	[hbm:s0@s30], [sflag:s4] =	dma.strided [spmem:s9@s29], $0x100, s26, $0x10   }
0x2d5: {  	s0 =	sld [smem:$0x7D3];
	_ =	sdelay $0x2  }
0x2d6: {  	[hbm:s0@s30], [sflag:s4] =	dma.strided [spmem:s10@s29], $0x100, s26, $0x10   }
0x2d7: {  	s0 =	sld [smem:$0x7D4];
	_ =	sdelay $0x2  }
0x2d8: {  	[hbm:s0@s30], [sflag:s4] =	dma.strided [spmem:s11@s29], $0x100, s26, $0x10   }
0x2d9: {  	s0 =	sld [smem:$0x7D5];
	_ =	sdelay $0x2  }
0x2da: {  	[hbm:s0@s30], [sflag:s4] =	dma.strided [spmem:s20@s29], $0x100, s26, $0x10   }
0x2db: {  	_ =	swait.ge [sflag:s26], $0x100  }
0x2dc: {  	[sflag:s26] =	ssyncset.done $0x0  }
0x2dd: {  	[sflag:s26] =	ssyncadd.s32 $0xFFFFFF00  }
0x2de: {  	_ =	swait.ge [sflag:s26], $0x100  }
0x2df: {  	[sflag:s26] =	ssyncset.done $0x0  }
0x2e0: {  	[sflag:s26] =	ssyncadd.s32 $0xFFFFFF00  }
0x2e1: {  	_ =	swait.ge [sflag:s26], $0x100  }
0x2e2: {  	[sflag:s26] =	ssyncset.done $0x0  }
0x2e3: {  	[sflag:s26] =	ssyncadd.s32 $0xFFFFFF00  }
0x2e4: {  	_ =	swait.ge [sflag:s26], $0x100  }
0x2e5: {  	[sflag:s26] =	ssyncset.done $0x0  }
0x2e6: {  	[sflag:s26] =	ssyncadd.s32 $0xFFFFFF00  }
0x2e7: {  	_ =	swait.ge [sflag:s26], $0x100  }
0x2e8: {  	[sflag:s26] =	ssyncset.done $0x0  }
0x2e9: {  	[sflag:s26] =	ssyncadd.s32 $0xFFFFFF00  }
0x2ea: {  	_ =	swait.ge [sflag:s26], $0x100  }
0x2eb: {  	[sflag:s26] =	ssyncset.done $0x0  }
0x2ec: {  	[sflag:s26] =	ssyncadd.s32 $0xFFFFFF00  }
0x2ed: {  	_ =	swait.ge [sflag:s26], $0x100  }
0x2ee: {  	[sflag:s26] =	ssyncset.done $0x0  }
0x2ef: {  	[sflag:s26] =	ssyncadd.s32 $0xFFFFFF00  }
0x2f0: {  	_ =	swait.ge [sflag:s26], $0x100  }
0x2f1: {  	[sflag:s26] =	ssyncset.done $0x0  }
0x2f2: {  	[sflag:s26] =	ssyncadd.s32 $0xFFFFFF00  }
0x2f3: {  	_ =	swait.ge [sflag:s26], $0x100  }
0x2f4: {  	[sflag:s26] =	ssyncset.done $0x0  }
0x2f5: {  	[sflag:s26] =	ssyncadd.s32 $0xFFFFFF00  }
0x2f6: {  	_ =	swait.ge [sflag:s26], $0x100  }
0x2f7: {  	[sflag:s26] =	ssyncset.done $0x0  }
0x2f8: {  	[sflag:s26] =	ssyncadd.s32 $0xFFFFFF00  }
0x2f9: {  	_ =	swait.ge [sflag:s26], $0x100  }
0x2fa: {  	[sflag:s26] =	ssyncset.done $0x0  }
0x2fb: {  	[sflag:s26] =	ssyncadd.s32 $0xFFFFFF00  }
0x2fc: {  	_ =	swait.ge [sflag:s26], $0x100  }
0x2fd: {  	[sflag:s26] =	ssyncset.done $0x0  }
0x2fe: {  	[sflag:s26] =	ssyncadd.s32 $0xFFFFFF00  }
0x2ff: {  	_ =	swait.ge [sflag:s26], $0x100  }
0x300: {  	[sflag:s26] =	ssyncset.done $0x0  }
0x301: {  	[sflag:s26] =	ssyncadd.s32 $0xFFFFFF00  }
0x302: {  	_ =	swait.ge [sflag:s26], $0x100  }
0x303: {  	[sflag:s26] =	ssyncset.done $0x0  }
0x304: {  	[sflag:s26] =	ssyncadd.s32 $0xFFFFFF00  }
0x305: {  	_ =	swait.ge [sflag:s26], $0x100  }
0x306: {  	[sflag:s26] =	ssyncset.done $0x0  }
0x307: {  	[sflag:s26] =	ssyncadd.s32 $0xFFFFFF00  }
0x308: {  	_ =	swait.ge [sflag:s26], $0x100  }
0x309: {  	[sflag:s26] =	ssyncset.done $0x0  }
0x30a: {  	[sflag:s26] =	ssyncadd.s32 $0xFFFFFF00  }
0x30b: {  	_ =	swait.ge [sflag:s26], $0x100  }
0x30c: {  	[sflag:s26] =	ssyncset.done $0x0  }
0x30d: {  	[sflag:s26] =	ssyncadd.s32 $0xFFFFFF00  }
0x30e: {  	_ =	swait.ge [sflag:s26], $0x100  }
0x30f: {  	[sflag:s26] =	ssyncset.done $0x0  }
0x310: {  	[sflag:s26] =	ssyncadd.s32 $0xFFFFFF00  }
0x311: {  	_ =	swait.ge [sflag:s26], $0x100  }
0x312: {  	[sflag:s26] =	ssyncset.done $0x0  }
0x313: {  	[sflag:s26] =	ssyncadd.s32 $0xFFFFFF00  }
0x314: {  	_ =	swait.ge [sflag:s26], $0x100  }
0x315: {  	[sflag:s26] =	ssyncset.done $0x0  }
0x316: {  	[sflag:s26] =	ssyncadd.s32 $0xFFFFFF00  }
0x317: {  	_ =	swait.ge [sflag:s26], $0x100  }
0x318: {  	[sflag:s26] =	ssyncset.done $0x0  }
0x319: {  	[sflag:s26] =	ssyncadd.s32 $0xFFFFFF00  }
0x31a: {  	_ =	swait.ge [sflag:s26], $0x100  }
0x31b: {  	[sflag:s26] =	ssyncset.done $0x0  }
0x31c: {  	[sflag:s26] =	ssyncadd.s32 $0xFFFFFF00  }
0x31d: {  	_ =	swait.ge [sflag:s26], $0x100  }
0x31e: {  	[sflag:s26] =	ssyncset.done $0x0  }
0x31f: {  	[sflag:s26] =	ssyncadd.s32 $0xFFFFFF00  }
0x320: {  	_ =	swait.ge [sflag:s26], $0x100  }
0x321: {  	[sflag:s26] =	ssyncset.done $0x0  }
0x322: {  	[sflag:s26] =	ssyncadd.s32 $0xFFFFFF00  }
0x323: {  	_ =	swait.ge [sflag:s26], $0x100  }
0x324: {  	[sflag:s26] =	ssyncset.done $0x0  }
0x325: {  	[sflag:s26] =	ssyncadd.s32 $0xFFFFFF00  }
0x326: {  	_ =	swait.ge [sflag:s26], $0x100  }
0x327: {  	[sflag:s26] =	ssyncset.done $0x0  }
0x328: {  	[sflag:s26] =	ssyncadd.s32 $0xFFFFFF00  }
0x329: {  	_ =	swait.ge [sflag:s26], $0x100  }
0x32a: {  	[sflag:s26] =	ssyncset.done $0x0  }
0x32b: {  	[sflag:s26] =	ssyncadd.s32 $0xFFFFFF00  }
0x32c: {  	_ =	swait.ge [sflag:s26], $0x100  }
0x32d: {  	[sflag:s26] =	ssyncset.done $0x0  }
0x32e: {  	[sflag:s26] =	ssyncadd.s32 $0xFFFFFF00  }
0x32f: {  	_ =	swait.ge [sflag:s26], $0x100  }
0x330: {  	[sflag:s26] =	ssyncset.done $0x0  }
0x331: {  	[sflag:s26] =	ssyncadd.s32 $0xFFFFFF00  }
0x332: {  	_ =	swait.ge [sflag:s26], $0x100  }
0x333: {  	[sflag:s26] =	ssyncset.done $0x0  }
0x334: {  	[sflag:s26] =	ssyncadd.s32 $0xFFFFFF00  }
0x335: {  	_ =	swait.ge [sflag:s26], $0x100  }
0x336: {  	[sflag:s26] =	ssyncset.done $0x0  }
0x337: {  	[sflag:s26] =	ssyncadd.s32 $0xFFFFFF00  }
0x338: {  	_ =	swait.ge [sflag:s26], $0x100  }
0x339: {  	s21 =	sld [smem:$0x7A7]  }
0x33a: {  	s23 =	sld [smem:$0x7DA];
	_ =	sdelay $0x1  }
0x33b: {  	s1 =	sadd.s32 $0x1, s21  }
0x33c: {  	p0 =	sne.s32 s1, s23  }
.Ltmp4:
0x33d: {  	[sflag:s26] =	ssyncset.done $0x0;
	(pc) =	sbr.rel @p0 .LBB2_1-.Ltmp4, $4  }
0x33e: {  	[sflag:s26] =	ssyncadd.s32 $0xFFFFFF00  }
0x33f: {  	[bflag:$0x0] =	sbarrier.arrive $0xFFFF  }
0x340: {  	s21 =	sld [smem:$0x7FB]  }
0x341: {  	s23 =	sld [smem:$0x7FC]  }
0x342: {  	_ =	sfence.sel $0x180000  }
0x343: {  	[bflag:$0x0] =	sbarrier.arrive $0xFFFF  }
0x344: {  	_ =	strace $0x90000047  }
0x345: {  	s0 =	stileid.u32;
	[bflag:$0x2] =	sbarrier.arrive $0xFFFF  }
0x346: {  	p0 =	sne.s32 s0, $0x0;
	s0 =	rddreg [dreg:$0x3]  }
0x347: {  	s0 =	sadd.s32 @!p0 $0x100000, s0  }
0x348: {  	[sflag:s0] =	ssyncadd.tile.s32 @!p0 $0x1;
	_ =	shalt  }
.Lfunc_end2:
_tile_overlayer_lowered:
.L_overlay_start_2:
0x349: {  	(tag) =	ssettag $0x2  }
0x34a: {  	s0 =	rddreg [dreg:$0x0];
	s2 =	stileid.u32  }
0x34b: {  	s1 =	rddreg [dreg:$0x1];
	p0 =	sne.s32 s2, $0x0  }
0x34c: {  	s3 =	rddreg [dreg:$0x2];
	[bflag:$0x3] =	sbarrier.arrive $0xFFFF;
	s2 =	simm.s32 @!p0 $0x1C02  }
0x34d: {  	[timem:s3], [sflag:s2] =	dma.local @!p0 [hbm:s0], s1  }
0x34e: {  	s0 =	simm.s32 @!p0 $0x2  }
0x34f: {  	_ =	swait.ge @!p0 [sflag:s0], s1  }
0x350: {  	s1 =	ssub.s32 @!p0 $0x0, s1;
	[sflag:s0] =	ssyncset.done @!p0 $0x0  }
0x351: {  	[sflag:s0] =	ssyncadd.s32 @!p0 s1  }
0x352: {  	[bflag:$0x3] =	sbarrier.arrive $0xFFFF  }
0x353: {  	_ =	shalt  }

</sc_bundles>
